<compile_context>
chip_gen: v7x
topology: tpu7x:2x2x1
jax: 0.10.2.dev20260603
libtpu: 0.0.44.dev20260713+nightly
codegen_flags: <defaults>
</compile_context>

<pallas_src>
import functools

import jax
import jax.numpy as jnp
from jax import lax
from jax.experimental import pallas as pl
from jax.experimental.pallas import tpu as pltpu
from jax.experimental.pallas import tpu_sc as plsc

DIM = 64
CTX = 200
BLK = 128
NBUF = 4
GROUPS_PER_W = 200
LANES = 16


def _embed_body(idx_hbm, table_hbm, pos_hbm, out5_hbm,
                idx_v, pos_v, bufs, outbufs, drain_v, semi, semg, semw):
    wid = lax.axis_index("s") * 2 + lax.axis_index("c")
    gbase = wid * GROUPS_PER_W
    pltpu.sync_copy(pos_hbm, pos_v)
    iota = lax.iota(jnp.int32, LANES)

    def issue_idx(g, b):
        pltpu.async_copy(idx_hbm.at[gbase + g], idx_v.at[b], semi[b])

    for b in range(NBUF):
        issue_idx(b, b)

    def outer(g0, carry):
        for b in range(NBUF):
            g = g0 * NBUF + b
            bprev = (b - 1) % NBUF

            @pl.when(g < GROUPS_PER_W)
            def _():
                pltpu.make_async_copy(idx_hbm.at[gbase + g], idx_v.at[b],
                                      semi[b]).wait()

                pltpu.async_copy(table_hbm.at[idx_v.at[b]], bufs.at[b],
                                 semg[b])

                @pl.when(g + NBUF < GROUPS_PER_W)
                def _():
                    issue_idx(g + NBUF, b)

            @pl.when(jnp.logical_and(g >= 1, g <= GROUPS_PER_W))
            def _():
                gc = gbase + g - 1
                l = lax.shift_right_logical(gc, 5)
                bt = lax.bitwise_and(gc, 31)
                pltpu.make_async_copy(idx_hbm.at[pl.ds(0, DIM)], drain_v,
                                      semg[bprev]).wait()

                @pl.when(g >= NBUF + 1)
                def _():
                    pltpu.make_async_copy(outbufs.at[bprev],
                                          out5_hbm.at[0, :, 0],
                                          semw[bprev]).wait()

                rows_l = jnp.full((LANES,), l, dtype=jnp.int32)

                @plsc.parallel_loop(0, DIM, unroll=8)
                def _(d):
                    cols = jnp.full((LANES,), d, dtype=jnp.int32)
                    p = plsc.load_gather(pos_v, [rows_l, cols])
                    for bi0 in range(0, BLK, LANES):
                        v = plsc.load_gather(bufs.at[bprev], [iota + bi0, cols])
                        outbufs[bprev, lax.shift_right_logical(d, 3),
                                lax.bitwise_and(d, 7), pl.ds(bi0, LANES)] = v + p

                pltpu.async_copy(outbufs.at[bprev], out5_hbm.at[l, :, bt],
                                 semw[bprev])

        return carry

    lax.fori_loop(0, (GROUPS_PER_W + NBUF) // NBUF, outer, 0)

    for b in range(NBUF):
        pltpu.make_async_copy(outbufs.at[b], out5_hbm.at[0, :, 0],
                              semw[b]).wait()


def kernel(input_text, embed_table, pos_table):
    batch, seq = input_text.shape
    assert seq == CTX and batch == 32 * BLK

    idx_t = (jnp.transpose(input_text, (1, 0))
             .reshape(CTX * 32, BLK).astype(jnp.int32))
    table_lin = lax.optimization_barrier(embed_table.reshape(-1))
    table_lin = table_lin.reshape(embed_table.shape)
    mesh = plsc.VectorSubcoreMesh(core_axis_name="c", subcore_axis_name="s")
    run = functools.partial(
        pl.kernel,
        out_type=jax.ShapeDtypeStruct((CTX, 8, 32, 8, BLK), jnp.float32),
        mesh=mesh,
        scratch_types=[
            pltpu.VMEM((NBUF, BLK), jnp.int32),
            pltpu.VMEM((CTX, DIM), jnp.float32),
            pltpu.VMEM((NBUF, BLK, DIM), jnp.float32),
            pltpu.VMEM((NBUF, 8, 8, BLK), jnp.float32),
            pltpu.VMEM((DIM, BLK), jnp.int32),
            [pltpu.SemaphoreType.DMA] * NBUF,
            [pltpu.SemaphoreType.DMA] * NBUF,
            [pltpu.SemaphoreType.DMA] * NBUF,
        ],
        compiler_params=pltpu.CompilerParams(use_tc_tiling_on_sc=False,
                                             needs_layout_passes=False),
    )(_embed_body)
    out5 = run(idx_t, table_lin, pos_table)
    return out5.transpose((2, 4, 0, 1, 3)).reshape(batch, seq, DIM)

# --- scband reference (transcript-rebuilt; emitter-appended) ---
"""Pipeline reference for scband-embed-text-31026843746620 (READ-ONLY COPY).

The authoritative reference and input builder live on the scoring server;
editing this copy changes nothing except your own understanding.
"""

import jax, jax.numpy as jnp
import numpy as np

VOCAB = 1000000
DIM = 64
CTX = 200
BATCH = 4096
SEQ = 200

def setup_inputs(seed: int = 0) -> dict:
    key = jax.random.key(seed)
    k1, k2, k3 = jax.random.split(key, 3)
    input_text = jax.random.randint(k1, (BATCH, SEQ), 0, VOCAB, dtype=jnp.int64 if jax.config.jax_enable_x64 else jnp.int32)
    embed_table = jax.random.normal(k2, (VOCAB, DIM), dtype=jnp.float32)
    pos_table = jax.random.normal(k3, (CTX, DIM), dtype=jnp.float32)
    return {"input_text": input_text, "embed_table": embed_table, "pos_table": pos_table}

def reference(input_text, embed_table, pos_table):
    # token embeddings: gather rows of the big table
    token_embeddings = jnp.take(embed_table, input_text, axis=0)  # [B, L, D]
    # positional embeddings: gather rows 0..L-1 of positional table
    positions = jnp.arange(input_text.shape[-1])
    position_embeddings = jnp.take(pos_table, positions, axis=0)  # [L, D]
    embeddings = token_embeddings + position_embeddings[None, :, :]
    return embeddings

if __name__ == "__main__":
    import jax
    _d = setup_inputs()
    print(jax.jit(kernel)(*tuple(_d.values())))

</pallas_src>

<mosaic_0001>
#map = affine_map<(d0, d1) -> (0, 0)>
#map1 = affine_map<(d0, d1) -> (0, 0, 0, 0, 0)>
module attributes {stable_mosaic.version = 14 : i64} {
  func.func @_embed_body(%arg0: i32, %arg1: i32, %arg2: memref<6400x128xi32, #tpu.memory_space<hbm>>, %arg3: memref<1000000x64xf32, #tpu.memory_space<hbm>>, %arg4: memref<200x64xf32, #tpu.memory_space<hbm>>, %arg5: memref<200x8x32x8x128xf32, #tpu.memory_space<hbm>>, %arg6: memref<4x128xi32, #tpu.memory_space<vmem>>, %arg7: memref<200x64xf32, #tpu.memory_space<vmem>>, %arg8: memref<4x128x64xf32, #tpu.memory_space<vmem>>, %arg9: memref<4x8x8x128xf32, #tpu.memory_space<vmem>>, %arg10: memref<64x128xi32, #tpu.memory_space<vmem>>, %arg11: memref<!tpu.dma_semaphore, #tpu.memory_space<semaphore_mem>>, %arg12: memref<!tpu.dma_semaphore, #tpu.memory_space<semaphore_mem>>, %arg13: memref<!tpu.dma_semaphore, #tpu.memory_space<semaphore_mem>>, %arg14: memref<!tpu.dma_semaphore, #tpu.memory_space<semaphore_mem>>, %arg15: memref<!tpu.dma_semaphore, #tpu.memory_space<semaphore_mem>>, %arg16: memref<!tpu.dma_semaphore, #tpu.memory_space<semaphore_mem>>, %arg17: memref<!tpu.dma_semaphore, #tpu.memory_space<semaphore_mem>>, %arg18: memref<!tpu.dma_semaphore, #tpu.memory_space<semaphore_mem>>, %arg19: memref<!tpu.dma_semaphore, #tpu.memory_space<semaphore_mem>>, %arg20: memref<!tpu.dma_semaphore, #tpu.memory_space<semaphore_mem>>, %arg21: memref<!tpu.dma_semaphore, #tpu.memory_space<semaphore_mem>>, %arg22: memref<!tpu.dma_semaphore, #tpu.memory_space<semaphore_mem>>) attributes {dimension_semantics = [#tpu.dimension_semantics<core_parallel>, #tpu.dimension_semantics<subcore_parallel>], iteration_bounds = array<i64: 2, 16>, scalar_prefetch = 0 : i64, scratch_operands = 17 : i64, tpu.core_type = #tpu.core_type<sc_vector_subcore>, window_params = [{transform_indices = #map}, {transform_indices = #map}, {transform_indices = #map}, {transform_indices = #map1}]} {
    %mul3A = arith.constant 2 : i32
    %mul3A_0 = arith.muli %arg1, %mul3A : i32
    %add3A = arith.addi %mul3A_0, %arg0 : i32
    %mul3A_1 = arith.constant 200 : i32
    %mul3A_2 = arith.muli %add3A, %mul3A_1 : i32
    "tpu.region"() ({
      %run_scoped3A = tpu.sem_alloc : memref<!tpu.dma_semaphore, #tpu.memory_space<semaphore_mem>>
      tpu.enqueue_dma source(%arg4 : memref<200x64xf32, #tpu.memory_space<hbm>>) target(%arg7 : memref<200x64xf32, #tpu.memory_space<vmem>>) target_semaphore(%run_scoped3A : memref<!tpu.dma_semaphore, #tpu.memory_space<semaphore_mem>>)
      tpu.wait_dma2 semaphore(%run_scoped3A : memref<!tpu.dma_semaphore, #tpu.memory_space<semaphore_mem>>) src(%arg4 : memref<200x64xf32, #tpu.memory_space<hbm>>) dst(%arg7 : memref<200x64xf32, #tpu.memory_space<vmem>>)
      tpu.yield
    }) : () -> ()
    %iota3A = tpu.iota {dimensions = array<i32: 0>} : vector<16xi32>
    %add3A_3 = arith.constant 0 : i32
    %add3A_4 = arith.addi %mul3A_2, %add3A_3 : i32
    %dma_start3A = arith.constant 0 : i32
    %dma_start3A_5 = arith.constant 0 : i32
    %dma_start3A_6 = tpu.memref_slice %arg6[%dma_start3A, %dma_start3A_5] : memref<4x128xi32, #tpu.memory_space<vmem>> -> memref<1x128xi32, #tpu.memory_space<vmem>>
    %dma_start3A_7 = tpu.memref_squeeze %dma_start3A_6 : memref<1x128xi32, #tpu.memory_space<vmem>> -> memref<128xi32, #tpu.memory_space<vmem>>
    %dma_start3A_8 = arith.constant 0 : i32
    %dma_start3A_9 = tpu.memref_slice %arg2[%add3A_4, %dma_start3A_8] : memref<6400x128xi32, #tpu.memory_space<hbm>> -> memref<1x128xi32, #tpu.memory_space<hbm>>
    %dma_start3A_10 = tpu.memref_squeeze %dma_start3A_9 : memref<1x128xi32, #tpu.memory_space<hbm>> -> memref<128xi32, #tpu.memory_space<hbm>>
    %dma_start3A_11 = arith.constant 0 : i32
    %dma_start3A_12 = tpu.memref_slice %arg6[%dma_start3A, %dma_start3A_11] : memref<4x128xi32, #tpu.memory_space<vmem>> -> memref<1x128xi32, #tpu.memory_space<vmem>>
    %dma_start3A_13 = tpu.memref_squeeze %dma_start3A_12 : memref<1x128xi32, #tpu.memory_space<vmem>> -> memref<128xi32, #tpu.memory_space<vmem>>
    %dma_start3A_14 = arith.constant 0 : i32
    %dma_start3A_15 = tpu.memref_slice %arg2[%add3A_4, %dma_start3A_14] : memref<6400x128xi32, #tpu.memory_space<hbm>> -> memref<1x128xi32, #tpu.memory_space<hbm>>
    %dma_start3A_16 = tpu.memref_squeeze %dma_start3A_15 : memref<1x128xi32, #tpu.memory_space<hbm>> -> memref<128xi32, #tpu.memory_space<hbm>>
    tpu.enqueue_dma source(%dma_start3A_16 : memref<128xi32, #tpu.memory_space<hbm>>) target(%dma_start3A_13 : memref<128xi32, #tpu.memory_space<vmem>>) target_semaphore(%arg11 : memref<!tpu.dma_semaphore, #tpu.memory_space<semaphore_mem>>)
    %add3A_17 = arith.constant 1 : i32
    %add3A_18 = arith.addi %mul3A_2, %add3A_17 : i32
    %dma_start3A_19 = arith.constant 1 : i32
    %dma_start3A_20 = arith.constant 0 : i32
    %dma_start3A_21 = tpu.memref_slice %arg6[%dma_start3A_19, %dma_start3A_20] : memref<4x128xi32, #tpu.memory_space<vmem>> -> memref<1x128xi32, #tpu.memory_space<vmem>>
    %dma_start3A_22 = tpu.memref_squeeze %dma_start3A_21 : memref<1x128xi32, #tpu.memory_space<vmem>> -> memref<128xi32, #tpu.memory_space<vmem>>
    %dma_start3A_23 = arith.constant 0 : i32
    %dma_start3A_24 = tpu.memref_slice %arg2[%add3A_18, %dma_start3A_23] : memref<6400x128xi32, #tpu.memory_space<hbm>> -> memref<1x128xi32, #tpu.memory_space<hbm>>
    %dma_start3A_25 = tpu.memref_squeeze %dma_start3A_24 : memref<1x128xi32, #tpu.memory_space<hbm>> -> memref<128xi32, #tpu.memory_space<hbm>>
    %dma_start3A_26 = arith.constant 0 : i32
    %dma_start3A_27 = tpu.memref_slice %arg6[%dma_start3A_19, %dma_start3A_26] : memref<4x128xi32, #tpu.memory_space<vmem>> -> memref<1x128xi32, #tpu.memory_space<vmem>>
    %dma_start3A_28 = tpu.memref_squeeze %dma_start3A_27 : memref<1x128xi32, #tpu.memory_space<vmem>> -> memref<128xi32, #tpu.memory_space<vmem>>
    %dma_start3A_29 = arith.constant 0 : i32
    %dma_start3A_30 = tpu.memref_slice %arg2[%add3A_18, %dma_start3A_29] : memref<6400x128xi32, #tpu.memory_space<hbm>> -> memref<1x128xi32, #tpu.memory_space<hbm>>
    %dma_start3A_31 = tpu.memref_squeeze %dma_start3A_30 : memref<1x128xi32, #tpu.memory_space<hbm>> -> memref<128xi32, #tpu.memory_space<hbm>>
    tpu.enqueue_dma source(%dma_start3A_31 : memref<128xi32, #tpu.memory_space<hbm>>) target(%dma_start3A_28 : memref<128xi32, #tpu.memory_space<vmem>>) target_semaphore(%arg12 : memref<!tpu.dma_semaphore, #tpu.memory_space<semaphore_mem>>)
    %add3A_32 = arith.constant 2 : i32
    %add3A_33 = arith.addi %mul3A_2, %add3A_32 : i32
    %dma_start3A_34 = arith.constant 2 : i32
    %dma_start3A_35 = arith.constant 0 : i32
    %dma_start3A_36 = tpu.memref_slice %arg6[%dma_start3A_34, %dma_start3A_35] : memref<4x128xi32, #tpu.memory_space<vmem>> -> memref<1x128xi32, #tpu.memory_space<vmem>>
    %dma_start3A_37 = tpu.memref_squeeze %dma_start3A_36 : memref<1x128xi32, #tpu.memory_space<vmem>> -> memref<128xi32, #tpu.memory_space<vmem>>
    %dma_start3A_38 = arith.constant 0 : i32
    %dma_start3A_39 = tpu.memref_slice %arg2[%add3A_33, %dma_start3A_38] : memref<6400x128xi32, #tpu.memory_space<hbm>> -> memref<1x128xi32, #tpu.memory_space<hbm>>
    %dma_start3A_40 = tpu.memref_squeeze %dma_start3A_39 : memref<1x128xi32, #tpu.memory_space<hbm>> -> memref<128xi32, #tpu.memory_space<hbm>>
    %dma_start3A_41 = arith.constant 0 : i32
    %dma_start3A_42 = tpu.memref_slice %arg6[%dma_start3A_34, %dma_start3A_41] : memref<4x128xi32, #tpu.memory_space<vmem>> -> memref<1x128xi32, #tpu.memory_space<vmem>>
    %dma_start3A_43 = tpu.memref_squeeze %dma_start3A_42 : memref<1x128xi32, #tpu.memory_space<vmem>> -> memref<128xi32, #tpu.memory_space<vmem>>
    %dma_start3A_44 = arith.constant 0 : i32
    %dma_start3A_45 = tpu.memref_slice %arg2[%add3A_33, %dma_start3A_44] : memref<6400x128xi32, #tpu.memory_space<hbm>> -> memref<1x128xi32, #tpu.memory_space<hbm>>
    %dma_start3A_46 = tpu.memref_squeeze %dma_start3A_45 : memref<1x128xi32, #tpu.memory_space<hbm>> -> memref<128xi32, #tpu.memory_space<hbm>>
    tpu.enqueue_dma source(%dma_start3A_46 : memref<128xi32, #tpu.memory_space<hbm>>) target(%dma_start3A_43 : memref<128xi32, #tpu.memory_space<vmem>>) target_semaphore(%arg13 : memref<!tpu.dma_semaphore, #tpu.memory_space<semaphore_mem>>)
    %add3A_47 = arith.constant 3 : i32
    %add3A_48 = arith.addi %mul3A_2, %add3A_47 : i32
    %dma_start3A_49 = arith.constant 3 : i32
    %dma_start3A_50 = arith.constant 0 : i32
    %dma_start3A_51 = tpu.memref_slice %arg6[%dma_start3A_49, %dma_start3A_50] : memref<4x128xi32, #tpu.memory_space<vmem>> -> memref<1x128xi32, #tpu.memory_space<vmem>>
    %dma_start3A_52 = tpu.memref_squeeze %dma_start3A_51 : memref<1x128xi32, #tpu.memory_space<vmem>> -> memref<128xi32, #tpu.memory_space<vmem>>
    %dma_start3A_53 = arith.constant 0 : i32
    %dma_start3A_54 = tpu.memref_slice %arg2[%add3A_48, %dma_start3A_53] : memref<6400x128xi32, #tpu.memory_space<hbm>> -> memref<1x128xi32, #tpu.memory_space<hbm>>
    %dma_start3A_55 = tpu.memref_squeeze %dma_start3A_54 : memref<1x128xi32, #tpu.memory_space<hbm>> -> memref<128xi32, #tpu.memory_space<hbm>>
    %dma_start3A_56 = arith.constant 0 : i32
    %dma_start3A_57 = tpu.memref_slice %arg6[%dma_start3A_49, %dma_start3A_56] : memref<4x128xi32, #tpu.memory_space<vmem>> -> memref<1x128xi32, #tpu.memory_space<vmem>>
    %dma_start3A_58 = tpu.memref_squeeze %dma_start3A_57 : memref<1x128xi32, #tpu.memory_space<vmem>> -> memref<128xi32, #tpu.memory_space<vmem>>
    %dma_start3A_59 = arith.constant 0 : i32
    %dma_start3A_60 = tpu.memref_slice %arg2[%add3A_48, %dma_start3A_59] : memref<6400x128xi32, #tpu.memory_space<hbm>> -> memref<1x128xi32, #tpu.memory_space<hbm>>
    %dma_start3A_61 = tpu.memref_squeeze %dma_start3A_60 : memref<1x128xi32, #tpu.memory_space<hbm>> -> memref<128xi32, #tpu.memory_space<hbm>>
    tpu.enqueue_dma source(%dma_start3A_61 : memref<128xi32, #tpu.memory_space<hbm>>) target(%dma_start3A_58 : memref<128xi32, #tpu.memory_space<vmem>>) target_semaphore(%arg14 : memref<!tpu.dma_semaphore, #tpu.memory_space<semaphore_mem>>)
    %scan3A = arith.constant 0 : i32
    %scan3A_62 = arith.constant 0 : i32
    %scan3A_63 = arith.constant 51 : i32
    %scan3A_64 = arith.addi %scan3A_62, %scan3A_63 : i32
    %scan3A_65 = arith.constant 1 : i32
    scf.for %scan3A_158 = %scan3A_62 to %scan3A_64 step %scan3A_65  : i32 {
      %mul3A_159 = arith.constant 4 : i32
      %mul3A_160 = arith.muli %scan3A_158, %mul3A_159 : i32
      %add3A_161 = arith.constant 0 : i32
      %add3A_162 = arith.addi %mul3A_160, %add3A_161 : i32
      %lt3A = arith.constant 200 : i32
      %lt3A_163 = arith.cmpi slt, %add3A_162, %lt3A : i32
      %convert_element_type3A = arith.extui %lt3A_163 : i1 to i32
      %cond3A = arith.constant 0 : i32
      %cond3A_164 = arith.cmpi ne, %convert_element_type3A, %cond3A : i32
      scf.if %cond3A_164 {
        %add3A_221 = arith.addi %mul3A_2, %add3A_162 : i32
        %dma_wait3A_222 = arith.constant 0 : i32
        %dma_wait3A_223 = arith.constant 0 : i32
        %dma_wait3A_224 = tpu.memref_slice %arg6[%dma_wait3A_222, %dma_wait3A_223] : memref<4x128xi32, #tpu.memory_space<vmem>> -> memref<1x128xi32, #tpu.memory_space<vmem>>
        %dma_wait3A_225 = tpu.memref_squeeze %dma_wait3A_224 : memref<1x128xi32, #tpu.memory_space<vmem>> -> memref<128xi32, #tpu.memory_space<vmem>>
        %dma_wait3A_226 = arith.constant 0 : i32
        %dma_wait3A_227 = tpu.memref_slice %arg2[%add3A_221, %dma_wait3A_226] : memref<6400x128xi32, #tpu.memory_space<hbm>> -> memref<1x128xi32, #tpu.memory_space<hbm>>
        %dma_wait3A_228 = tpu.memref_squeeze %dma_wait3A_227 : memref<1x128xi32, #tpu.memory_space<hbm>> -> memref<128xi32, #tpu.memory_space<hbm>>
        %dma_wait3A_229 = arith.constant 0 : i32
        %dma_wait3A_230 = tpu.memref_slice %arg6[%dma_wait3A_222, %dma_wait3A_229] : memref<4x128xi32, #tpu.memory_space<vmem>> -> memref<1x128xi32, #tpu.memory_space<vmem>>
        %dma_wait3A_231 = tpu.memref_squeeze %dma_wait3A_230 : memref<1x128xi32, #tpu.memory_space<vmem>> -> memref<128xi32, #tpu.memory_space<vmem>>
        %dma_wait3A_232 = arith.constant 0 : i32
        %dma_wait3A_233 = tpu.memref_slice %arg2[%add3A_221, %dma_wait3A_232] : memref<6400x128xi32, #tpu.memory_space<hbm>> -> memref<1x128xi32, #tpu.memory_space<hbm>>
        %dma_wait3A_234 = tpu.memref_squeeze %dma_wait3A_233 : memref<1x128xi32, #tpu.memory_space<hbm>> -> memref<128xi32, #tpu.memory_space<hbm>>
        tpu.wait_dma2 semaphore(%arg11 : memref<!tpu.dma_semaphore, #tpu.memory_space<semaphore_mem>>) src(%dma_wait3A_234 : memref<128xi32, #tpu.memory_space<hbm>>) dst(%dma_wait3A_231 : memref<128xi32, #tpu.memory_space<vmem>>)
        %dma_start3A_235 = arith.constant 0 : i32
        %dma_start3A_236 = arith.constant 0 : i32
        %dma_start3A_237 = arith.constant 0 : i32
        %dma_start3A_238 = arith.constant 0 : i32
        %dma_start3A_239 = tpu.memref_slice %arg8[%dma_start3A_236, %dma_start3A_237, %dma_start3A_238] : memref<4x128x64xf32, #tpu.memory_space<vmem>> -> memref<1x128x64xf32, #tpu.memory_space<vmem>>
        %dma_start3A_240 = tpu.memref_squeeze %dma_start3A_239 : memref<1x128x64xf32, #tpu.memory_space<vmem>> -> memref<128x64xf32, #tpu.memory_space<vmem>>
        %dma_start3A_241 = arith.constant 0 : i32
        %dma_start3A_242 = tpu.memref_slice %arg6[%dma_start3A_235, %dma_start3A_241] : memref<4x128xi32, #tpu.memory_space<vmem>> -> memref<1x128xi32, #tpu.memory_space<vmem>>
        %dma_start3A_243 = tpu.memref_squeeze %dma_start3A_242 : memref<1x128xi32, #tpu.memory_space<vmem>> -> memref<128xi32, #tpu.memory_space<vmem>>
        %dma_start3A_244 = arith.constant 0 : i32
        %dma_start3A_245 = arith.constant 0 : i32
        %dma_start3A_246 = tpu.memref_slice %arg3[%dma_start3A_244, %dma_start3A_245] : memref<1000000x64xf32, #tpu.memory_space<hbm>> -> memref<1000000x64xf32, #tpu.memory_space<hbm>>
        tpu.enqueue_indirect_dma source(%dma_start3A_246 : memref<1000000x64xf32, #tpu.memory_space<hbm>>) target(%dma_start3A_240 : memref<128x64xf32, #tpu.memory_space<vmem>>) offsets(%dma_start3A_243 : memref<128xi32, #tpu.memory_space<vmem>>) semaphore(%arg15 : memref<!tpu.dma_semaphore, #tpu.memory_space<semaphore_mem>>)
        %add3A_247 = arith.constant 4 : i32
        %add3A_248 = arith.addi %add3A_162, %add3A_247 : i32
        %lt3A_249 = arith.constant 200 : i32
        %lt3A_250 = arith.cmpi slt, %add3A_248, %lt3A_249 : i32
        %convert_element_type3A_251 = arith.extui %lt3A_250 : i1 to i32
        %cond3A_252 = arith.constant 0 : i32
        %cond3A_253 = arith.cmpi ne, %convert_element_type3A_251, %cond3A_252 : i32
        scf.if %cond3A_253 {
          %add3A_254 = arith.constant 4 : i32
          %add3A_255 = arith.addi %add3A_162, %add3A_254 : i32
          %add3A_256 = arith.addi %mul3A_2, %add3A_255 : i32
          %dma_start3A_257 = arith.constant 0 : i32
          %dma_start3A_258 = arith.constant 0 : i32
          %dma_start3A_259 = tpu.memref_slice %arg6[%dma_start3A_257, %dma_start3A_258] : memref<4x128xi32, #tpu.memory_space<vmem>> -> memref<1x128xi32, #tpu.memory_space<vmem>>
          %dma_start3A_260 = tpu.memref_squeeze %dma_start3A_259 : memref<1x128xi32, #tpu.memory_space<vmem>> -> memref<128xi32, #tpu.memory_space<vmem>>
          %dma_start3A_261 = arith.constant 0 : i32
          %dma_start3A_262 = tpu.memref_slice %arg2[%add3A_256, %dma_start3A_261] : memref<6400x128xi32, #tpu.memory_space<hbm>> -> memref<1x128xi32, #tpu.memory_space<hbm>>
          %dma_start3A_263 = tpu.memref_squeeze %dma_start3A_262 : memref<1x128xi32, #tpu.memory_space<hbm>> -> memref<128xi32, #tpu.memory_space<hbm>>
          %dma_start3A_264 = arith.constant 0 : i32
          %dma_start3A_265 = tpu.memref_slice %arg6[%dma_start3A_257, %dma_start3A_264] : memref<4x128xi32, #tpu.memory_space<vmem>> -> memref<1x128xi32, #tpu.memory_space<vmem>>
          %dma_start3A_266 = tpu.memref_squeeze %dma_start3A_265 : memref<1x128xi32, #tpu.memory_space<vmem>> -> memref<128xi32, #tpu.memory_space<vmem>>
          %dma_start3A_267 = arith.constant 0 : i32
          %dma_start3A_268 = tpu.memref_slice %arg2[%add3A_256, %dma_start3A_267] : memref<6400x128xi32, #tpu.memory_space<hbm>> -> memref<1x128xi32, #tpu.memory_space<hbm>>
          %dma_start3A_269 = tpu.memref_squeeze %dma_start3A_268 : memref<1x128xi32, #tpu.memory_space<hbm>> -> memref<128xi32, #tpu.memory_space<hbm>>
          tpu.enqueue_dma source(%dma_start3A_269 : memref<128xi32, #tpu.memory_space<hbm>>) target(%dma_start3A_266 : memref<128xi32, #tpu.memory_space<vmem>>) target_semaphore(%arg11 : memref<!tpu.dma_semaphore, #tpu.memory_space<semaphore_mem>>)
        } else {
        }
      } else {
      }
      %ge3A = arith.constant 1 : i32
      %ge3A_165 = arith.cmpi sge, %add3A_162, %ge3A : i32
      %le3A = arith.constant 200 : i32
      %le3A_166 = arith.cmpi sle, %add3A_162, %le3A : i32
      %and3A = arith.andi %ge3A_165, %le3A_166 : i1
      %convert_element_type3A_167 = arith.extui %and3A : i1 to i32
      %cond3A_168 = arith.constant 0 : i32
      %cond3A_169 = arith.cmpi ne, %convert_element_type3A_167, %cond3A_168 : i32
      scf.if %cond3A_169 {
        %add3A_221 = arith.addi %mul3A_2, %add3A_162 : i32
        %sub3A = arith.constant 1 : i32
        %sub3A_222 = arith.subi %add3A_221, %sub3A : i32
        %shift_right_logical3A = arith.constant 5 : i32
        %shift_right_logical3A_223 = arith.shrui %sub3A_222, %shift_right_logical3A : i32
        %and3A_224 = arith.constant 31 : i32
        %and3A_225 = arith.andi %sub3A_222, %and3A_224 : i32
        %dma_wait3A_226 = arith.constant 0 : i32
        %dma_wait3A_227 = arith.constant 0 : i32
        %dma_wait3A_228 = tpu.memref_slice %arg2[%dma_wait3A_226, %dma_wait3A_227] : memref<6400x128xi32, #tpu.memory_space<hbm>> -> memref<64x128xi32, #tpu.memory_space<hbm>>
        %dma_wait3A_229 = arith.constant 0 : i32
        %dma_wait3A_230 = arith.constant 0 : i32
        %dma_wait3A_231 = tpu.memref_slice %arg2[%dma_wait3A_229, %dma_wait3A_230] : memref<6400x128xi32, #tpu.memory_space<hbm>> -> memref<64x128xi32, #tpu.memory_space<hbm>>
        tpu.wait_dma2 semaphore(%arg18 : memref<!tpu.dma_semaphore, #tpu.memory_space<semaphore_mem>>) src(%dma_wait3A_231 : memref<64x128xi32, #tpu.memory_space<hbm>>) dst(%arg10 : memref<64x128xi32, #tpu.memory_space<vmem>>)
        %ge3A_232 = arith.constant 5 : i32
        %ge3A_233 = arith.cmpi sge, %add3A_162, %ge3A_232 : i32
        %convert_element_type3A_234 = arith.extui %ge3A_233 : i1 to i32
        %cond3A_235 = arith.constant 0 : i32
        %cond3A_236 = arith.cmpi ne, %convert_element_type3A_234, %cond3A_235 : i32
        scf.if %cond3A_236 {
          %dma_wait3A_260 = arith.constant 3 : i32
          %dma_wait3A_261 = arith.constant 0 : i32
          %dma_wait3A_262 = arith.constant 0 : i32
          %dma_wait3A_263 = arith.constant 0 : i32
          %dma_wait3A_264 = arith.constant 0 : i32
          %dma_wait3A_265 = arith.constant 0 : i32
          %dma_wait3A_266 = tpu.memref_slice %arg9[%dma_wait3A_260, %dma_wait3A_263, %dma_wait3A_264, %dma_wait3A_265] : memref<4x8x8x128xf32, #tpu.memory_space<vmem>> -> memref<1x8x8x128xf32, #tpu.memory_space<vmem>>
          %dma_wait3A_267 = tpu.memref_squeeze %dma_wait3A_266 : memref<1x8x8x128xf32, #tpu.memory_space<vmem>> -> memref<8x8x128xf32, #tpu.memory_space<vmem>>
          %dma_wait3A_268 = arith.constant 0 : i32
          %dma_wait3A_269 = arith.constant 0 : i32
          %dma_wait3A_270 = arith.constant 0 : i32
          %dma_wait3A_271 = tpu.memref_slice %arg5[%dma_wait3A_261, %dma_wait3A_268, %dma_wait3A_262, %dma_wait3A_269, %dma_wait3A_270] : memref<200x8x32x8x128xf32, #tpu.memory_space<hbm>> -> memref<1x8x1x8x128xf32, #tpu.memory_space<hbm>>
          %dma_wait3A_272 = tpu.memref_squeeze %dma_wait3A_271 : memref<1x8x1x8x128xf32, #tpu.memory_space<hbm>> -> memref<8x8x128xf32, #tpu.memory_space<hbm>>
          %dma_wait3A_273 = arith.constant 0 : i32
          %dma_wait3A_274 = arith.constant 0 : i32
          %dma_wait3A_275 = arith.constant 0 : i32
          %dma_wait3A_276 = tpu.memref_slice %arg5[%dma_wait3A_261, %dma_wait3A_273, %dma_wait3A_262, %dma_wait3A_274, %dma_wait3A_275] : memref<200x8x32x8x128xf32, #tpu.memory_space<hbm>> -> memref<1x8x1x8x128xf32, #tpu.memory_space<hbm>>
          %dma_wait3A_277 = tpu.memref_squeeze %dma_wait3A_276 : memref<1x8x1x8x128xf32, #tpu.memory_space<hbm>> -> memref<8x8x128xf32, #tpu.memory_space<hbm>>
          %dma_wait3A_278 = arith.constant 0 : i32
          %dma_wait3A_279 = arith.constant 0 : i32
          %dma_wait3A_280 = arith.constant 0 : i32
          %dma_wait3A_281 = tpu.memref_slice %arg9[%dma_wait3A_260, %dma_wait3A_278, %dma_wait3A_279, %dma_wait3A_280] : memref<4x8x8x128xf32, #tpu.memory_space<vmem>> -> memref<1x8x8x128xf32, #tpu.memory_space<vmem>>
          %dma_wait3A_282 = tpu.memref_squeeze %dma_wait3A_281 : memref<1x8x8x128xf32, #tpu.memory_space<vmem>> -> memref<8x8x128xf32, #tpu.memory_space<vmem>>
          tpu.wait_dma2 semaphore(%arg22 : memref<!tpu.dma_semaphore, #tpu.memory_space<semaphore_mem>>) src(%dma_wait3A_282 : memref<8x8x128xf32, #tpu.memory_space<vmem>>) dst(%dma_wait3A_277 : memref<8x8x128xf32, #tpu.memory_space<hbm>>)
        } else {
        }
        %broadcast_in_dim3A = vector.broadcast %shift_right_logical3A_223 : i32 to vector<16xi32>
        %parallel_loop3A = arith.constant 0 : i32
        %parallel_loop3A_237 = arith.constant 64 : i32
        %parallel_loop3A_238 = arith.constant 1 : i32
        scf.for %parallel_loop3A_260 = %parallel_loop3A to %parallel_loop3A_237 step %parallel_loop3A_238  : i32 {
          %parallel_loop3A_261 = vector.broadcast %parallel_loop3A_260 : i32 to vector<16xi32>
          %parallel_loop3A_262 = tpu.vector_load_idx %arg7[%broadcast_in_dim3A, %parallel_loop3A_261] : memref<200x64xf32, #tpu.memory_space<vmem>>[vector<16xi32>, vector<16xi32>], vector<16xf32>,
          %parallel_loop3A_263 = arith.constant 0 : i32
          %parallel_loop3A_264 = vector.broadcast %parallel_loop3A_263 : i32 to vector<16xi32>
          %parallel_loop3A_265 = arith.addi %iota3A, %parallel_loop3A_264 : vector<16xi32>
          %parallel_loop3A_266 = arith.constant 3 : i32
          %parallel_loop3A_267 = arith.constant 0 : i32
          %parallel_loop3A_268 = arith.constant 0 : i32
          %parallel_loop3A_269 = tpu.memref_slice %arg8[%parallel_loop3A_266, %parallel_loop3A_267, %parallel_loop3A_268] : memref<4x128x64xf32, #tpu.memory_space<vmem>> -> memref<1x128x64xf32, #tpu.memory_space<vmem>>
          %parallel_loop3A_270 = tpu.memref_squeeze %parallel_loop3A_269 : memref<1x128x64xf32, #tpu.memory_space<vmem>> -> memref<128x64xf32, #tpu.memory_space<vmem>>
          %parallel_loop3A_271 = tpu.vector_load_idx %parallel_loop3A_270[%parallel_loop3A_265, %parallel_loop3A_261] : memref<128x64xf32, #tpu.memory_space<vmem>>[vector<16xi32>, vector<16xi32>], vector<16xf32>,
          %parallel_loop3A_272 = arith.addf %parallel_loop3A_271, %parallel_loop3A_262 : vector<16xf32>
          %parallel_loop3A_273 = arith.constant 3 : i32
          %parallel_loop3A_274 = arith.shrui %parallel_loop3A_260, %parallel_loop3A_273 : i32
          %parallel_loop3A_275 = arith.constant 7 : i32
          %parallel_loop3A_276 = arith.andi %parallel_loop3A_260, %parallel_loop3A_275 : i32
          %parallel_loop3A_277 = arith.constant 3 : i32
          %parallel_loop3A_278 = arith.index_cast %parallel_loop3A_277 : i32 to index
          %parallel_loop3A_279 = arith.index_cast %parallel_loop3A_274 : i32 to index
          %parallel_loop3A_280 = arith.index_cast %parallel_loop3A_276 : i32 to index
          %parallel_loop3A_281 = arith.constant 0 : index
          %parallel_loop3A_282 = tpu.vector_load %arg9[%parallel_loop3A_278, %parallel_loop3A_279, %parallel_loop3A_280, %parallel_loop3A_281] {strides = array<i32>} : memref<4x8x8x128xf32, #tpu.memory_space<vmem>>, vector<16xf32>,
          tpu.vector_store %arg9[%parallel_loop3A_278, %parallel_loop3A_279, %parallel_loop3A_280, %parallel_loop3A_281], %parallel_loop3A_272 {strides = array<i32>} : memref<4x8x8x128xf32, #tpu.memory_space<vmem>>, vector<16xf32>,
          %parallel_loop3A_283 = arith.constant 16 : i32
          %parallel_loop3A_284 = vector.broadcast %parallel_loop3A_283 : i32 to vector<16xi32>
          %parallel_loop3A_285 = arith.addi %iota3A, %parallel_loop3A_284 : vector<16xi32>
          %parallel_loop3A_286 = arith.constant 3 : i32
          %parallel_loop3A_287 = arith.constant 0 : i32
          %parallel_loop3A_288 = arith.constant 0 : i32
          %parallel_loop3A_289 = tpu.memref_slice %arg8[%parallel_loop3A_286, %parallel_loop3A_287, %parallel_loop3A_288] : memref<4x128x64xf32, #tpu.memory_space<vmem>> -> memref<1x128x64xf32, #tpu.memory_space<vmem>>
          %parallel_loop3A_290 = tpu.memref_squeeze %parallel_loop3A_289 : memref<1x128x64xf32, #tpu.memory_space<vmem>> -> memref<128x64xf32, #tpu.memory_space<vmem>>
          %parallel_loop3A_291 = tpu.vector_load_idx %parallel_loop3A_290[%parallel_loop3A_285, %parallel_loop3A_261] : memref<128x64xf32, #tpu.memory_space<vmem>>[vector<16xi32>, vector<16xi32>], vector<16xf32>,
          %parallel_loop3A_292 = arith.addf %parallel_loop3A_291, %parallel_loop3A_262 : vector<16xf32>
          %parallel_loop3A_293 = arith.constant 3 : i32
          %parallel_loop3A_294 = arith.shrui %parallel_loop3A_260, %parallel_loop3A_293 : i32
          %parallel_loop3A_295 = arith.constant 7 : i32
          %parallel_loop3A_296 = arith.andi %parallel_loop3A_260, %parallel_loop3A_295 : i32
          %parallel_loop3A_297 = arith.constant 3 : i32
          %parallel_loop3A_298 = arith.index_cast %parallel_loop3A_297 : i32 to index
          %parallel_loop3A_299 = arith.index_cast %parallel_loop3A_294 : i32 to index
          %parallel_loop3A_300 = arith.index_cast %parallel_loop3A_296 : i32 to index
          %parallel_loop3A_301 = arith.constant 16 : index
          %parallel_loop3A_302 = tpu.vector_load %arg9[%parallel_loop3A_298, %parallel_loop3A_299, %parallel_loop3A_300, %parallel_loop3A_301] {strides = array<i32>} : memref<4x8x8x128xf32, #tpu.memory_space<vmem>>, vector<16xf32>,
          tpu.vector_store %arg9[%parallel_loop3A_298, %parallel_loop3A_299, %parallel_loop3A_300, %parallel_loop3A_301], %parallel_loop3A_292 {strides = array<i32>} : memref<4x8x8x128xf32, #tpu.memory_space<vmem>>, vector<16xf32>,
          %parallel_loop3A_303 = arith.constant 32 : i32
          %parallel_loop3A_304 = vector.broadcast %parallel_loop3A_303 : i32 to vector<16xi32>
          %parallel_loop3A_305 = arith.addi %iota3A, %parallel_loop3A_304 : vector<16xi32>
          %parallel_loop3A_306 = arith.constant 3 : i32
          %parallel_loop3A_307 = arith.constant 0 : i32
          %parallel_loop3A_308 = arith.constant 0 : i32
          %parallel_loop3A_309 = tpu.memref_slice %arg8[%parallel_loop3A_306, %parallel_loop3A_307, %parallel_loop3A_308] : memref<4x128x64xf32, #tpu.memory_space<vmem>> -> memref<1x128x64xf32, #tpu.memory_space<vmem>>
          %parallel_loop3A_310 = tpu.memref_squeeze %parallel_loop3A_309 : memref<1x128x64xf32, #tpu.memory_space<vmem>> -> memref<128x64xf32, #tpu.memory_space<vmem>>
          %parallel_loop3A_311 = tpu.vector_load_idx %parallel_loop3A_310[%parallel_loop3A_305, %parallel_loop3A_261] : memref<128x64xf32, #tpu.memory_space<vmem>>[vector<16xi32>, vector<16xi32>], vector<16xf32>,
          %parallel_loop3A_312 = arith.addf %parallel_loop3A_311, %parallel_loop3A_262 : vector<16xf32>
          %parallel_loop3A_313 = arith.constant 3 : i32
          %parallel_loop3A_314 = arith.shrui %parallel_loop3A_260, %parallel_loop3A_313 : i32
          %parallel_loop3A_315 = arith.constant 7 : i32
          %parallel_loop3A_316 = arith.andi %parallel_loop3A_260, %parallel_loop3A_315 : i32
          %parallel_loop3A_317 = arith.constant 3 : i32
          %parallel_loop3A_318 = arith.index_cast %parallel_loop3A_317 : i32 to index
          %parallel_loop3A_319 = arith.index_cast %parallel_loop3A_314 : i32 to index
          %parallel_loop3A_320 = arith.index_cast %parallel_loop3A_316 : i32 to index
          %parallel_loop3A_321 = arith.constant 32 : index
          %parallel_loop3A_322 = tpu.vector_load %arg9[%parallel_loop3A_318, %parallel_loop3A_319, %parallel_loop3A_320, %parallel_loop3A_321] {strides = array<i32>} : memref<4x8x8x128xf32, #tpu.memory_space<vmem>>, vector<16xf32>,
          tpu.vector_store %arg9[%parallel_loop3A_318, %parallel_loop3A_319, %parallel_loop3A_320, %parallel_loop3A_321], %parallel_loop3A_312 {strides = array<i32>} : memref<4x8x8x128xf32, #tpu.memory_space<vmem>>, vector<16xf32>,
          %parallel_loop3A_323 = arith.constant 48 : i32
          %parallel_loop3A_324 = vector.broadcast %parallel_loop3A_323 : i32 to vector<16xi32>
          %parallel_loop3A_325 = arith.addi %iota3A, %parallel_loop3A_324 : vector<16xi32>
          %parallel_loop3A_326 = arith.constant 3 : i32
          %parallel_loop3A_327 = arith.constant 0 : i32
          %parallel_loop3A_328 = arith.constant 0 : i32
          %parallel_loop3A_329 = tpu.memref_slice %arg8[%parallel_loop3A_326, %parallel_loop3A_327, %parallel_loop3A_328] : memref<4x128x64xf32, #tpu.memory_space<vmem>> -> memref<1x128x64xf32, #tpu.memory_space<vmem>>
          %parallel_loop3A_330 = tpu.memref_squeeze %parallel_loop3A_329 : memref<1x128x64xf32, #tpu.memory_space<vmem>> -> memref<128x64xf32, #tpu.memory_space<vmem>>
          %parallel_loop3A_331 = tpu.vector_load_idx %parallel_loop3A_330[%parallel_loop3A_325, %parallel_loop3A_261] : memref<128x64xf32, #tpu.memory_space<vmem>>[vector<16xi32>, vector<16xi32>], vector<16xf32>,
          %parallel_loop3A_332 = arith.addf %parallel_loop3A_331, %parallel_loop3A_262 : vector<16xf32>
          %parallel_loop3A_333 = arith.constant 3 : i32
          %parallel_loop3A_334 = arith.shrui %parallel_loop3A_260, %parallel_loop3A_333 : i32
          %parallel_loop3A_335 = arith.constant 7 : i32
          %parallel_loop3A_336 = arith.andi %parallel_loop3A_260, %parallel_loop3A_335 : i32
          %parallel_loop3A_337 = arith.constant 3 : i32
          %parallel_loop3A_338 = arith.index_cast %parallel_loop3A_337 : i32 to index
          %parallel_loop3A_339 = arith.index_cast %parallel_loop3A_334 : i32 to index
          %parallel_loop3A_340 = arith.index_cast %parallel_loop3A_336 : i32 to index
          %parallel_loop3A_341 = arith.constant 48 : index
          %parallel_loop3A_342 = tpu.vector_load %arg9[%parallel_loop3A_338, %parallel_loop3A_339, %parallel_loop3A_340, %parallel_loop3A_341] {strides = array<i32>} : memref<4x8x8x128xf32, #tpu.memory_space<vmem>>, vector<16xf32>,
          tpu.vector_store %arg9[%parallel_loop3A_338, %parallel_loop3A_339, %parallel_loop3A_340, %parallel_loop3A_341], %parallel_loop3A_332 {strides = array<i32>} : memref<4x8x8x128xf32, #tpu.memory_space<vmem>>, vector<16xf32>,
          %parallel_loop3A_343 = arith.constant 64 : i32
          %parallel_loop3A_344 = vector.broadcast %parallel_loop3A_343 : i32 to vector<16xi32>
          %parallel_loop3A_345 = arith.addi %iota3A, %parallel_loop3A_344 : vector<16xi32>
          %parallel_loop3A_346 = arith.constant 3 : i32
          %parallel_loop3A_347 = arith.constant 0 : i32
          %parallel_loop3A_348 = arith.constant 0 : i32
          %parallel_loop3A_349 = tpu.memref_slice %arg8[%parallel_loop3A_346, %parallel_loop3A_347, %parallel_loop3A_348] : memref<4x128x64xf32, #tpu.memory_space<vmem>> -> memref<1x128x64xf32, #tpu.memory_space<vmem>>
          %parallel_loop3A_350 = tpu.memref_squeeze %parallel_loop3A_349 : memref<1x128x64xf32, #tpu.memory_space<vmem>> -> memref<128x64xf32, #tpu.memory_space<vmem>>
          %parallel_loop3A_351 = tpu.vector_load_idx %parallel_loop3A_350[%parallel_loop3A_345, %parallel_loop3A_261] : memref<128x64xf32, #tpu.memory_space<vmem>>[vector<16xi32>, vector<16xi32>], vector<16xf32>,
          %parallel_loop3A_352 = arith.addf %parallel_loop3A_351, %parallel_loop3A_262 : vector<16xf32>
          %parallel_loop3A_353 = arith.constant 3 : i32
          %parallel_loop3A_354 = arith.shrui %parallel_loop3A_260, %parallel_loop3A_353 : i32
          %parallel_loop3A_355 = arith.constant 7 : i32
          %parallel_loop3A_356 = arith.andi %parallel_loop3A_260, %parallel_loop3A_355 : i32
          %parallel_loop3A_357 = arith.constant 3 : i32
          %parallel_loop3A_358 = arith.index_cast %parallel_loop3A_357 : i32 to index
          %parallel_loop3A_359 = arith.index_cast %parallel_loop3A_354 : i32 to index
          %parallel_loop3A_360 = arith.index_cast %parallel_loop3A_356 : i32 to index
          %parallel_loop3A_361 = arith.constant 64 : index
          %parallel_loop3A_362 = tpu.vector_load %arg9[%parallel_loop3A_358, %parallel_loop3A_359, %parallel_loop3A_360, %parallel_loop3A_361] {strides = array<i32>} : memref<4x8x8x128xf32, #tpu.memory_space<vmem>>, vector<16xf32>,
          tpu.vector_store %arg9[%parallel_loop3A_358, %parallel_loop3A_359, %parallel_loop3A_360, %parallel_loop3A_361], %parallel_loop3A_352 {strides = array<i32>} : memref<4x8x8x128xf32, #tpu.memory_space<vmem>>, vector<16xf32>,
          %parallel_loop3A_363 = arith.constant 80 : i32
          %parallel_loop3A_364 = vector.broadcast %parallel_loop3A_363 : i32 to vector<16xi32>
          %parallel_loop3A_365 = arith.addi %iota3A, %parallel_loop3A_364 : vector<16xi32>
          %parallel_loop3A_366 = arith.constant 3 : i32
          %parallel_loop3A_367 = arith.constant 0 : i32
          %parallel_loop3A_368 = arith.constant 0 : i32
          %parallel_loop3A_369 = tpu.memref_slice %arg8[%parallel_loop3A_366, %parallel_loop3A_367, %parallel_loop3A_368] : memref<4x128x64xf32, #tpu.memory_space<vmem>> -> memref<1x128x64xf32, #tpu.memory_space<vmem>>
          %parallel_loop3A_370 = tpu.memref_squeeze %parallel_loop3A_369 : memref<1x128x64xf32, #tpu.memory_space<vmem>> -> memref<128x64xf32, #tpu.memory_space<vmem>>
          %parallel_loop3A_371 = tpu.vector_load_idx %parallel_loop3A_370[%parallel_loop3A_365, %parallel_loop3A_261] : memref<128x64xf32, #tpu.memory_space<vmem>>[vector<16xi32>, vector<16xi32>], vector<16xf32>,
          %parallel_loop3A_372 = arith.addf %parallel_loop3A_371, %parallel_loop3A_262 : vector<16xf32>
          %parallel_loop3A_373 = arith.constant 3 : i32
          %parallel_loop3A_374 = arith.shrui %parallel_loop3A_260, %parallel_loop3A_373 : i32
          %parallel_loop3A_375 = arith.constant 7 : i32
          %parallel_loop3A_376 = arith.andi %parallel_loop3A_260, %parallel_loop3A_375 : i32
          %parallel_loop3A_377 = arith.constant 3 : i32
          %parallel_loop3A_378 = arith.index_cast %parallel_loop3A_377 : i32 to index
          %parallel_loop3A_379 = arith.index_cast %parallel_loop3A_374 : i32 to index
          %parallel_loop3A_380 = arith.index_cast %parallel_loop3A_376 : i32 to index
          %parallel_loop3A_381 = arith.constant 80 : index
          %parallel_loop3A_382 = tpu.vector_load %arg9[%parallel_loop3A_378, %parallel_loop3A_379, %parallel_loop3A_380, %parallel_loop3A_381] {strides = array<i32>} : memref<4x8x8x128xf32, #tpu.memory_space<vmem>>, vector<16xf32>,
          tpu.vector_store %arg9[%parallel_loop3A_378, %parallel_loop3A_379, %parallel_loop3A_380, %parallel_loop3A_381], %parallel_loop3A_372 {strides = array<i32>} : memref<4x8x8x128xf32, #tpu.memory_space<vmem>>, vector<16xf32>,
          %parallel_loop3A_383 = arith.constant 96 : i32
          %parallel_loop3A_384 = vector.broadcast %parallel_loop3A_383 : i32 to vector<16xi32>
          %parallel_loop3A_385 = arith.addi %iota3A, %parallel_loop3A_384 : vector<16xi32>
          %parallel_loop3A_386 = arith.constant 3 : i32
          %parallel_loop3A_387 = arith.constant 0 : i32
          %parallel_loop3A_388 = arith.constant 0 : i32
          %parallel_loop3A_389 = tpu.memref_slice %arg8[%parallel_loop3A_386, %parallel_loop3A_387, %parallel_loop3A_388] : memref<4x128x64xf32, #tpu.memory_space<vmem>> -> memref<1x128x64xf32, #tpu.memory_space<vmem>>
          %parallel_loop3A_390 = tpu.memref_squeeze %parallel_loop3A_389 : memref<1x128x64xf32, #tpu.memory_space<vmem>> -> memref<128x64xf32, #tpu.memory_space<vmem>>
          %parallel_loop3A_391 = tpu.vector_load_idx %parallel_loop3A_390[%parallel_loop3A_385, %parallel_loop3A_261] : memref<128x64xf32, #tpu.memory_space<vmem>>[vector<16xi32>, vector<16xi32>], vector<16xf32>,
          %parallel_loop3A_392 = arith.addf %parallel_loop3A_391, %parallel_loop3A_262 : vector<16xf32>
          %parallel_loop3A_393 = arith.constant 3 : i32
          %parallel_loop3A_394 = arith.shrui %parallel_loop3A_260, %parallel_loop3A_393 : i32
          %parallel_loop3A_395 = arith.constant 7 : i32
          %parallel_loop3A_396 = arith.andi %parallel_loop3A_260, %parallel_loop3A_395 : i32
          %parallel_loop3A_397 = arith.constant 3 : i32
          %parallel_loop3A_398 = arith.index_cast %parallel_loop3A_397 : i32 to index
          %parallel_loop3A_399 = arith.index_cast %parallel_loop3A_394 : i32 to index
          %parallel_loop3A_400 = arith.index_cast %parallel_loop3A_396 : i32 to index
          %parallel_loop3A_401 = arith.constant 96 : index
          %parallel_loop3A_402 = tpu.vector_load %arg9[%parallel_loop3A_398, %parallel_loop3A_399, %parallel_loop3A_400, %parallel_loop3A_401] {strides = array<i32>} : memref<4x8x8x128xf32, #tpu.memory_space<vmem>>, vector<16xf32>,
          tpu.vector_store %arg9[%parallel_loop3A_398, %parallel_loop3A_399, %parallel_loop3A_400, %parallel_loop3A_401], %parallel_loop3A_392 {strides = array<i32>} : memref<4x8x8x128xf32, #tpu.memory_space<vmem>>, vector<16xf32>,
          %parallel_loop3A_403 = arith.constant 112 : i32
          %parallel_loop3A_404 = vector.broadcast %parallel_loop3A_403 : i32 to vector<16xi32>
          %parallel_loop3A_405 = arith.addi %iota3A, %parallel_loop3A_404 : vector<16xi32>
          %parallel_loop3A_406 = arith.constant 3 : i32
          %parallel_loop3A_407 = arith.constant 0 : i32
          %parallel_loop3A_408 = arith.constant 0 : i32
          %parallel_loop3A_409 = tpu.memref_slice %arg8[%parallel_loop3A_406, %parallel_loop3A_407, %parallel_loop3A_408] : memref<4x128x64xf32, #tpu.memory_space<vmem>> -> memref<1x128x64xf32, #tpu.memory_space<vmem>>
          %parallel_loop3A_410 = tpu.memref_squeeze %parallel_loop3A_409 : memref<1x128x64xf32, #tpu.memory_space<vmem>> -> memref<128x64xf32, #tpu.memory_space<vmem>>
          %parallel_loop3A_411 = tpu.vector_load_idx %parallel_loop3A_410[%parallel_loop3A_405, %parallel_loop3A_261] : memref<128x64xf32, #tpu.memory_space<vmem>>[vector<16xi32>, vector<16xi32>], vector<16xf32>,
          %parallel_loop3A_412 = arith.addf %parallel_loop3A_411, %parallel_loop3A_262 : vector<16xf32>
          %parallel_loop3A_413 = arith.constant 3 : i32
          %parallel_loop3A_414 = arith.shrui %parallel_loop3A_260, %parallel_loop3A_413 : i32
          %parallel_loop3A_415 = arith.constant 7 : i32
          %parallel_loop3A_416 = arith.andi %parallel_loop3A_260, %parallel_loop3A_415 : i32
          %parallel_loop3A_417 = arith.constant 3 : i32
          %parallel_loop3A_418 = arith.index_cast %parallel_loop3A_417 : i32 to index
          %parallel_loop3A_419 = arith.index_cast %parallel_loop3A_414 : i32 to index
          %parallel_loop3A_420 = arith.index_cast %parallel_loop3A_416 : i32 to index
          %parallel_loop3A_421 = arith.constant 112 : index
          %parallel_loop3A_422 = tpu.vector_load %arg9[%parallel_loop3A_418, %parallel_loop3A_419, %parallel_loop3A_420, %parallel_loop3A_421] {strides = array<i32>} : memref<4x8x8x128xf32, #tpu.memory_space<vmem>>, vector<16xf32>,
          tpu.vector_store %arg9[%parallel_loop3A_418, %parallel_loop3A_419, %parallel_loop3A_420, %parallel_loop3A_421], %parallel_loop3A_412 {strides = array<i32>} : memref<4x8x8x128xf32, #tpu.memory_space<vmem>>, vector<16xf32>,
        } {sc.loop_unroll_factor = 8 : i64, sc.parallel_access}
        %dma_start3A_239 = arith.constant 3 : i32
        %dma_start3A_240 = arith.constant 0 : i32
        %dma_start3A_241 = arith.constant 0 : i32
        %dma_start3A_242 = arith.constant 0 : i32
        %dma_start3A_243 = tpu.memref_slice %arg9[%dma_start3A_239, %dma_start3A_240, %dma_start3A_241, %dma_start3A_242] : memref<4x8x8x128xf32, #tpu.memory_space<vmem>> -> memref<1x8x8x128xf32, #tpu.memory_space<vmem>>
        %dma_start3A_244 = tpu.memref_squeeze %dma_start3A_243 : memref<1x8x8x128xf32, #tpu.memory_space<vmem>> -> memref<8x8x128xf32, #tpu.memory_space<vmem>>
        %dma_start3A_245 = arith.constant 0 : i32
        %dma_start3A_246 = arith.constant 0 : i32
        %dma_start3A_247 = arith.constant 0 : i32
        %dma_start3A_248 = tpu.memref_slice %arg5[%shift_right_logical3A_223, %dma_start3A_245, %and3A_225, %dma_start3A_246, %dma_start3A_247] : memref<200x8x32x8x128xf32, #tpu.memory_space<hbm>> -> memref<1x8x1x8x128xf32, #tpu.memory_space<hbm>>
        %dma_start3A_249 = tpu.memref_squeeze %dma_start3A_248 : memref<1x8x1x8x128xf32, #tpu.memory_space<hbm>> -> memref<8x8x128xf32, #tpu.memory_space<hbm>>
        %dma_start3A_250 = arith.constant 0 : i32
        %dma_start3A_251 = arith.constant 0 : i32
        %dma_start3A_252 = arith.constant 0 : i32
        %dma_start3A_253 = tpu.memref_slice %arg5[%shift_right_logical3A_223, %dma_start3A_250, %and3A_225, %dma_start3A_251, %dma_start3A_252] : memref<200x8x32x8x128xf32, #tpu.memory_space<hbm>> -> memref<1x8x1x8x128xf32, #tpu.memory_space<hbm>>
        %dma_start3A_254 = tpu.memref_squeeze %dma_start3A_253 : memref<1x8x1x8x128xf32, #tpu.memory_space<hbm>> -> memref<8x8x128xf32, #tpu.memory_space<hbm>>
        %dma_start3A_255 = arith.constant 0 : i32
        %dma_start3A_256 = arith.constant 0 : i32
        %dma_start3A_257 = arith.constant 0 : i32
        %dma_start3A_258 = tpu.memref_slice %arg9[%dma_start3A_239, %dma_start3A_255, %dma_start3A_256, %dma_start3A_257] : memref<4x8x8x128xf32, #tpu.memory_space<vmem>> -> memref<1x8x8x128xf32, #tpu.memory_space<vmem>>
        %dma_start3A_259 = tpu.memref_squeeze %dma_start3A_258 : memref<1x8x8x128xf32, #tpu.memory_space<vmem>> -> memref<8x8x128xf32, #tpu.memory_space<vmem>>
        tpu.enqueue_dma source(%dma_start3A_259 : memref<8x8x128xf32, #tpu.memory_space<vmem>>) target(%dma_start3A_254 : memref<8x8x128xf32, #tpu.memory_space<hbm>>) target_semaphore(%arg22 : memref<!tpu.dma_semaphore, #tpu.memory_space<semaphore_mem>>)
      } else {
      }
      %mul3A_170 = arith.constant 4 : i32
      %mul3A_171 = arith.muli %scan3A_158, %mul3A_170 : i32
      %add3A_172 = arith.constant 1 : i32
      %add3A_173 = arith.addi %mul3A_171, %add3A_172 : i32
      %lt3A_174 = arith.constant 200 : i32
      %lt3A_175 = arith.cmpi slt, %add3A_173, %lt3A_174 : i32
      %convert_element_type3A_176 = arith.extui %lt3A_175 : i1 to i32
      %cond3A_177 = arith.constant 0 : i32
      %cond3A_178 = arith.cmpi ne, %convert_element_type3A_176, %cond3A_177 : i32
      scf.if %cond3A_178 {
        %add3A_221 = arith.addi %mul3A_2, %add3A_173 : i32
        %dma_wait3A_222 = arith.constant 1 : i32
        %dma_wait3A_223 = arith.constant 0 : i32
        %dma_wait3A_224 = tpu.memref_slice %arg6[%dma_wait3A_222, %dma_wait3A_223] : memref<4x128xi32, #tpu.memory_space<vmem>> -> memref<1x128xi32, #tpu.memory_space<vmem>>
        %dma_wait3A_225 = tpu.memref_squeeze %dma_wait3A_224 : memref<1x128xi32, #tpu.memory_space<vmem>> -> memref<128xi32, #tpu.memory_space<vmem>>
        %dma_wait3A_226 = arith.constant 0 : i32
        %dma_wait3A_227 = tpu.memref_slice %arg2[%add3A_221, %dma_wait3A_226] : memref<6400x128xi32, #tpu.memory_space<hbm>> -> memref<1x128xi32, #tpu.memory_space<hbm>>
        %dma_wait3A_228 = tpu.memref_squeeze %dma_wait3A_227 : memref<1x128xi32, #tpu.memory_space<hbm>> -> memref<128xi32, #tpu.memory_space<hbm>>
        %dma_wait3A_229 = arith.constant 0 : i32
        %dma_wait3A_230 = tpu.memref_slice %arg6[%dma_wait3A_222, %dma_wait3A_229] : memref<4x128xi32, #tpu.memory_space<vmem>> -> memref<1x128xi32, #tpu.memory_space<vmem>>
        %dma_wait3A_231 = tpu.memref_squeeze %dma_wait3A_230 : memref<1x128xi32, #tpu.memory_space<vmem>> -> memref<128xi32, #tpu.memory_space<vmem>>
        %dma_wait3A_232 = arith.constant 0 : i32
        %dma_wait3A_233 = tpu.memref_slice %arg2[%add3A_221, %dma_wait3A_232] : memref<6400x128xi32, #tpu.memory_space<hbm>> -> memref<1x128xi32, #tpu.memory_space<hbm>>
        %dma_wait3A_234 = tpu.memref_squeeze %dma_wait3A_233 : memref<1x128xi32, #tpu.memory_space<hbm>> -> memref<128xi32, #tpu.memory_space<hbm>>
        tpu.wait_dma2 semaphore(%arg12 : memref<!tpu.dma_semaphore, #tpu.memory_space<semaphore_mem>>) src(%dma_wait3A_234 : memref<128xi32, #tpu.memory_space<hbm>>) dst(%dma_wait3A_231 : memref<128xi32, #tpu.memory_space<vmem>>)
        %dma_start3A_235 = arith.constant 1 : i32
        %dma_start3A_236 = arith.constant 1 : i32
        %dma_start3A_237 = arith.constant 0 : i32
        %dma_start3A_238 = arith.constant 0 : i32
        %dma_start3A_239 = tpu.memref_slice %arg8[%dma_start3A_236, %dma_start3A_237, %dma_start3A_238] : memref<4x128x64xf32, #tpu.memory_space<vmem>> -> memref<1x128x64xf32, #tpu.memory_space<vmem>>
        %dma_start3A_240 = tpu.memref_squeeze %dma_start3A_239 : memref<1x128x64xf32, #tpu.memory_space<vmem>> -> memref<128x64xf32, #tpu.memory_space<vmem>>
        %dma_start3A_241 = arith.constant 0 : i32
        %dma_start3A_242 = tpu.memref_slice %arg6[%dma_start3A_235, %dma_start3A_241] : memref<4x128xi32, #tpu.memory_space<vmem>> -> memref<1x128xi32, #tpu.memory_space<vmem>>
        %dma_start3A_243 = tpu.memref_squeeze %dma_start3A_242 : memref<1x128xi32, #tpu.memory_space<vmem>> -> memref<128xi32, #tpu.memory_space<vmem>>
        %dma_start3A_244 = arith.constant 0 : i32
        %dma_start3A_245 = arith.constant 0 : i32
        %dma_start3A_246 = tpu.memref_slice %arg3[%dma_start3A_244, %dma_start3A_245] : memref<1000000x64xf32, #tpu.memory_space<hbm>> -> memref<1000000x64xf32, #tpu.memory_space<hbm>>
        tpu.enqueue_indirect_dma source(%dma_start3A_246 : memref<1000000x64xf32, #tpu.memory_space<hbm>>) target(%dma_start3A_240 : memref<128x64xf32, #tpu.memory_space<vmem>>) offsets(%dma_start3A_243 : memref<128xi32, #tpu.memory_space<vmem>>) semaphore(%arg16 : memref<!tpu.dma_semaphore, #tpu.memory_space<semaphore_mem>>)
        %add3A_247 = arith.constant 4 : i32
        %add3A_248 = arith.addi %add3A_173, %add3A_247 : i32
        %lt3A_249 = arith.constant 200 : i32
        %lt3A_250 = arith.cmpi slt, %add3A_248, %lt3A_249 : i32
        %convert_element_type3A_251 = arith.extui %lt3A_250 : i1 to i32
        %cond3A_252 = arith.constant 0 : i32
        %cond3A_253 = arith.cmpi ne, %convert_element_type3A_251, %cond3A_252 : i32
        scf.if %cond3A_253 {
          %add3A_254 = arith.constant 4 : i32
          %add3A_255 = arith.addi %add3A_173, %add3A_254 : i32
          %add3A_256 = arith.addi %mul3A_2, %add3A_255 : i32
          %dma_start3A_257 = arith.constant 1 : i32
          %dma_start3A_258 = arith.constant 0 : i32
          %dma_start3A_259 = tpu.memref_slice %arg6[%dma_start3A_257, %dma_start3A_258] : memref<4x128xi32, #tpu.memory_space<vmem>> -> memref<1x128xi32, #tpu.memory_space<vmem>>
          %dma_start3A_260 = tpu.memref_squeeze %dma_start3A_259 : memref<1x128xi32, #tpu.memory_space<vmem>> -> memref<128xi32, #tpu.memory_space<vmem>>
          %dma_start3A_261 = arith.constant 0 : i32
          %dma_start3A_262 = tpu.memref_slice %arg2[%add3A_256, %dma_start3A_261] : memref<6400x128xi32, #tpu.memory_space<hbm>> -> memref<1x128xi32, #tpu.memory_space<hbm>>
          %dma_start3A_263 = tpu.memref_squeeze %dma_start3A_262 : memref<1x128xi32, #tpu.memory_space<hbm>> -> memref<128xi32, #tpu.memory_space<hbm>>
          %dma_start3A_264 = arith.constant 0 : i32
          %dma_start3A_265 = tpu.memref_slice %arg6[%dma_start3A_257, %dma_start3A_264] : memref<4x128xi32, #tpu.memory_space<vmem>> -> memref<1x128xi32, #tpu.memory_space<vmem>>
          %dma_start3A_266 = tpu.memref_squeeze %dma_start3A_265 : memref<1x128xi32, #tpu.memory_space<vmem>> -> memref<128xi32, #tpu.memory_space<vmem>>
          %dma_start3A_267 = arith.constant 0 : i32
          %dma_start3A_268 = tpu.memref_slice %arg2[%add3A_256, %dma_start3A_267] : memref<6400x128xi32, #tpu.memory_space<hbm>> -> memref<1x128xi32, #tpu.memory_space<hbm>>
          %dma_start3A_269 = tpu.memref_squeeze %dma_start3A_268 : memref<1x128xi32, #tpu.memory_space<hbm>> -> memref<128xi32, #tpu.memory_space<hbm>>
          tpu.enqueue_dma source(%dma_start3A_269 : memref<128xi32, #tpu.memory_space<hbm>>) target(%dma_start3A_266 : memref<128xi32, #tpu.memory_space<vmem>>) target_semaphore(%arg12 : memref<!tpu.dma_semaphore, #tpu.memory_space<semaphore_mem>>)
        } else {
        }
      } else {
      }
      %ge3A_179 = arith.constant 1 : i32
      %ge3A_180 = arith.cmpi sge, %add3A_173, %ge3A_179 : i32
      %le3A_181 = arith.constant 200 : i32
      %le3A_182 = arith.cmpi sle, %add3A_173, %le3A_181 : i32
      %and3A_183 = arith.andi %ge3A_180, %le3A_182 : i1
      %convert_element_type3A_184 = arith.extui %and3A_183 : i1 to i32
      %cond3A_185 = arith.constant 0 : i32
      %cond3A_186 = arith.cmpi ne, %convert_element_type3A_184, %cond3A_185 : i32
      scf.if %cond3A_186 {
        %add3A_221 = arith.addi %mul3A_2, %add3A_173 : i32
        %sub3A = arith.constant 1 : i32
        %sub3A_222 = arith.subi %add3A_221, %sub3A : i32
        %shift_right_logical3A = arith.constant 5 : i32
        %shift_right_logical3A_223 = arith.shrui %sub3A_222, %shift_right_logical3A : i32
        %and3A_224 = arith.constant 31 : i32
        %and3A_225 = arith.andi %sub3A_222, %and3A_224 : i32
        %dma_wait3A_226 = arith.constant 0 : i32
        %dma_wait3A_227 = arith.constant 0 : i32
        %dma_wait3A_228 = tpu.memref_slice %arg2[%dma_wait3A_226, %dma_wait3A_227] : memref<6400x128xi32, #tpu.memory_space<hbm>> -> memref<64x128xi32, #tpu.memory_space<hbm>>
        %dma_wait3A_229 = arith.constant 0 : i32
        %dma_wait3A_230 = arith.constant 0 : i32
        %dma_wait3A_231 = tpu.memref_slice %arg2[%dma_wait3A_229, %dma_wait3A_230] : memref<6400x128xi32, #tpu.memory_space<hbm>> -> memref<64x128xi32, #tpu.memory_space<hbm>>
        tpu.wait_dma2 semaphore(%arg15 : memref<!tpu.dma_semaphore, #tpu.memory_space<semaphore_mem>>) src(%dma_wait3A_231 : memref<64x128xi32, #tpu.memory_space<hbm>>) dst(%arg10 : memref<64x128xi32, #tpu.memory_space<vmem>>)
        %ge3A_232 = arith.constant 5 : i32
        %ge3A_233 = arith.cmpi sge, %add3A_173, %ge3A_232 : i32
        %convert_element_type3A_234 = arith.extui %ge3A_233 : i1 to i32
        %cond3A_235 = arith.constant 0 : i32
        %cond3A_236 = arith.cmpi ne, %convert_element_type3A_234, %cond3A_235 : i32
        scf.if %cond3A_236 {
          %dma_wait3A_260 = arith.constant 0 : i32
          %dma_wait3A_261 = arith.constant 0 : i32
          %dma_wait3A_262 = arith.constant 0 : i32
          %dma_wait3A_263 = arith.constant 0 : i32
          %dma_wait3A_264 = arith.constant 0 : i32
          %dma_wait3A_265 = arith.constant 0 : i32
          %dma_wait3A_266 = tpu.memref_slice %arg9[%dma_wait3A_260, %dma_wait3A_263, %dma_wait3A_264, %dma_wait3A_265] : memref<4x8x8x128xf32, #tpu.memory_space<vmem>> -> memref<1x8x8x128xf32, #tpu.memory_space<vmem>>
          %dma_wait3A_267 = tpu.memref_squeeze %dma_wait3A_266 : memref<1x8x8x128xf32, #tpu.memory_space<vmem>> -> memref<8x8x128xf32, #tpu.memory_space<vmem>>
          %dma_wait3A_268 = arith.constant 0 : i32
          %dma_wait3A_269 = arith.constant 0 : i32
          %dma_wait3A_270 = arith.constant 0 : i32
          %dma_wait3A_271 = tpu.memref_slice %arg5[%dma_wait3A_261, %dma_wait3A_268, %dma_wait3A_262, %dma_wait3A_269, %dma_wait3A_270] : memref<200x8x32x8x128xf32, #tpu.memory_space<hbm>> -> memref<1x8x1x8x128xf32, #tpu.memory_space<hbm>>
          %dma_wait3A_272 = tpu.memref_squeeze %dma_wait3A_271 : memref<1x8x1x8x128xf32, #tpu.memory_space<hbm>> -> memref<8x8x128xf32, #tpu.memory_space<hbm>>
          %dma_wait3A_273 = arith.constant 0 : i32
          %dma_wait3A_274 = arith.constant 0 : i32
          %dma_wait3A_275 = arith.constant 0 : i32
          %dma_wait3A_276 = tpu.memref_slice %arg5[%dma_wait3A_261, %dma_wait3A_273, %dma_wait3A_262, %dma_wait3A_274, %dma_wait3A_275] : memref<200x8x32x8x128xf32, #tpu.memory_space<hbm>> -> memref<1x8x1x8x128xf32, #tpu.memory_space<hbm>>
          %dma_wait3A_277 = tpu.memref_squeeze %dma_wait3A_276 : memref<1x8x1x8x128xf32, #tpu.memory_space<hbm>> -> memref<8x8x128xf32, #tpu.memory_space<hbm>>
          %dma_wait3A_278 = arith.constant 0 : i32
          %dma_wait3A_279 = arith.constant 0 : i32
          %dma_wait3A_280 = arith.constant 0 : i32
          %dma_wait3A_281 = tpu.memref_slice %arg9[%dma_wait3A_260, %dma_wait3A_278, %dma_wait3A_279, %dma_wait3A_280] : memref<4x8x8x128xf32, #tpu.memory_space<vmem>> -> memref<1x8x8x128xf32, #tpu.memory_space<vmem>>
          %dma_wait3A_282 = tpu.memref_squeeze %dma_wait3A_281 : memref<1x8x8x128xf32, #tpu.memory_space<vmem>> -> memref<8x8x128xf32, #tpu.memory_space<vmem>>
          tpu.wait_dma2 semaphore(%arg19 : memref<!tpu.dma_semaphore, #tpu.memory_space<semaphore_mem>>) src(%dma_wait3A_282 : memref<8x8x128xf32, #tpu.memory_space<vmem>>) dst(%dma_wait3A_277 : memref<8x8x128xf32, #tpu.memory_space<hbm>>)
        } else {
        }
        %broadcast_in_dim3A = vector.broadcast %shift_right_logical3A_223 : i32 to vector<16xi32>
        %parallel_loop3A = arith.constant 0 : i32
        %parallel_loop3A_237 = arith.constant 64 : i32
        %parallel_loop3A_238 = arith.constant 1 : i32
        scf.for %parallel_loop3A_260 = %parallel_loop3A to %parallel_loop3A_237 step %parallel_loop3A_238  : i32 {
          %parallel_loop3A_261 = vector.broadcast %parallel_loop3A_260 : i32 to vector<16xi32>
          %parallel_loop3A_262 = tpu.vector_load_idx %arg7[%broadcast_in_dim3A, %parallel_loop3A_261] : memref<200x64xf32, #tpu.memory_space<vmem>>[vector<16xi32>, vector<16xi32>], vector<16xf32>,
          %parallel_loop3A_263 = arith.constant 0 : i32
          %parallel_loop3A_264 = vector.broadcast %parallel_loop3A_263 : i32 to vector<16xi32>
          %parallel_loop3A_265 = arith.addi %iota3A, %parallel_loop3A_264 : vector<16xi32>
          %parallel_loop3A_266 = arith.constant 0 : i32
          %parallel_loop3A_267 = arith.constant 0 : i32
          %parallel_loop3A_268 = arith.constant 0 : i32
          %parallel_loop3A_269 = tpu.memref_slice %arg8[%parallel_loop3A_266, %parallel_loop3A_267, %parallel_loop3A_268] : memref<4x128x64xf32, #tpu.memory_space<vmem>> -> memref<1x128x64xf32, #tpu.memory_space<vmem>>
          %parallel_loop3A_270 = tpu.memref_squeeze %parallel_loop3A_269 : memref<1x128x64xf32, #tpu.memory_space<vmem>> -> memref<128x64xf32, #tpu.memory_space<vmem>>
          %parallel_loop3A_271 = tpu.vector_load_idx %parallel_loop3A_270[%parallel_loop3A_265, %parallel_loop3A_261] : memref<128x64xf32, #tpu.memory_space<vmem>>[vector<16xi32>, vector<16xi32>], vector<16xf32>,
          %parallel_loop3A_272 = arith.addf %parallel_loop3A_271, %parallel_loop3A_262 : vector<16xf32>
          %parallel_loop3A_273 = arith.constant 3 : i32
          %parallel_loop3A_274 = arith.shrui %parallel_loop3A_260, %parallel_loop3A_273 : i32
          %parallel_loop3A_275 = arith.constant 7 : i32
          %parallel_loop3A_276 = arith.andi %parallel_loop3A_260, %parallel_loop3A_275 : i32
          %parallel_loop3A_277 = arith.constant 0 : i32
          %parallel_loop3A_278 = arith.index_cast %parallel_loop3A_277 : i32 to index
          %parallel_loop3A_279 = arith.index_cast %parallel_loop3A_274 : i32 to index
          %parallel_loop3A_280 = arith.index_cast %parallel_loop3A_276 : i32 to index
          %parallel_loop3A_281 = arith.constant 0 : index
          %parallel_loop3A_282 = tpu.vector_load %arg9[%parallel_loop3A_278, %parallel_loop3A_279, %parallel_loop3A_280, %parallel_loop3A_281] {strides = array<i32>} : memref<4x8x8x128xf32, #tpu.memory_space<vmem>>, vector<16xf32>,
          tpu.vector_store %arg9[%parallel_loop3A_278, %parallel_loop3A_279, %parallel_loop3A_280, %parallel_loop3A_281], %parallel_loop3A_272 {strides = array<i32>} : memref<4x8x8x128xf32, #tpu.memory_space<vmem>>, vector<16xf32>,
          %parallel_loop3A_283 = arith.constant 16 : i32
          %parallel_loop3A_284 = vector.broadcast %parallel_loop3A_283 : i32 to vector<16xi32>
          %parallel_loop3A_285 = arith.addi %iota3A, %parallel_loop3A_284 : vector<16xi32>
          %parallel_loop3A_286 = arith.constant 0 : i32
          %parallel_loop3A_287 = arith.constant 0 : i32
          %parallel_loop3A_288 = arith.constant 0 : i32
          %parallel_loop3A_289 = tpu.memref_slice %arg8[%parallel_loop3A_286, %parallel_loop3A_287, %parallel_loop3A_288] : memref<4x128x64xf32, #tpu.memory_space<vmem>> -> memref<1x128x64xf32, #tpu.memory_space<vmem>>
          %parallel_loop3A_290 = tpu.memref_squeeze %parallel_loop3A_289 : memref<1x128x64xf32, #tpu.memory_space<vmem>> -> memref<128x64xf32, #tpu.memory_space<vmem>>
          %parallel_loop3A_291 = tpu.vector_load_idx %parallel_loop3A_290[%parallel_loop3A_285, %parallel_loop3A_261] : memref<128x64xf32, #tpu.memory_space<vmem>>[vector<16xi32>, vector<16xi32>], vector<16xf32>,
          %parallel_loop3A_292 = arith.addf %parallel_loop3A_291, %parallel_loop3A_262 : vector<16xf32>
          %parallel_loop3A_293 = arith.constant 3 : i32
          %parallel_loop3A_294 = arith.shrui %parallel_loop3A_260, %parallel_loop3A_293 : i32
          %parallel_loop3A_295 = arith.constant 7 : i32
          %parallel_loop3A_296 = arith.andi %parallel_loop3A_260, %parallel_loop3A_295 : i32
          %parallel_loop3A_297 = arith.constant 0 : i32
          %parallel_loop3A_298 = arith.index_cast %parallel_loop3A_297 : i32 to index
          %parallel_loop3A_299 = arith.index_cast %parallel_loop3A_294 : i32 to index
          %parallel_loop3A_300 = arith.index_cast %parallel_loop3A_296 : i32 to index
          %parallel_loop3A_301 = arith.constant 16 : index
          %parallel_loop3A_302 = tpu.vector_load %arg9[%parallel_loop3A_298, %parallel_loop3A_299, %parallel_loop3A_300, %parallel_loop3A_301] {strides = array<i32>} : memref<4x8x8x128xf32, #tpu.memory_space<vmem>>, vector<16xf32>,
          tpu.vector_store %arg9[%parallel_loop3A_298, %parallel_loop3A_299, %parallel_loop3A_300, %parallel_loop3A_301], %parallel_loop3A_292 {strides = array<i32>} : memref<4x8x8x128xf32, #tpu.memory_space<vmem>>, vector<16xf32>,
          %parallel_loop3A_303 = arith.constant 32 : i32
          %parallel_loop3A_304 = vector.broadcast %parallel_loop3A_303 : i32 to vector<16xi32>
          %parallel_loop3A_305 = arith.addi %iota3A, %parallel_loop3A_304 : vector<16xi32>
          %parallel_loop3A_306 = arith.constant 0 : i32
          %parallel_loop3A_307 = arith.constant 0 : i32
          %parallel_loop3A_308 = arith.constant 0 : i32
          %parallel_loop3A_309 = tpu.memref_slice %arg8[%parallel_loop3A_306, %parallel_loop3A_307, %parallel_loop3A_308] : memref<4x128x64xf32, #tpu.memory_space<vmem>> -> memref<1x128x64xf32, #tpu.memory_space<vmem>>
          %parallel_loop3A_310 = tpu.memref_squeeze %parallel_loop3A_309 : memref<1x128x64xf32, #tpu.memory_space<vmem>> -> memref<128x64xf32, #tpu.memory_space<vmem>>
          %parallel_loop3A_311 = tpu.vector_load_idx %parallel_loop3A_310[%parallel_loop3A_305, %parallel_loop3A_261] : memref<128x64xf32, #tpu.memory_space<vmem>>[vector<16xi32>, vector<16xi32>], vector<16xf32>,
          %parallel_loop3A_312 = arith.addf %parallel_loop3A_311, %parallel_loop3A_262 : vector<16xf32>
          %parallel_loop3A_313 = arith.constant 3 : i32
          %parallel_loop3A_314 = arith.shrui %parallel_loop3A_260, %parallel_loop3A_313 : i32
          %parallel_loop3A_315 = arith.constant 7 : i32
          %parallel_loop3A_316 = arith.andi %parallel_loop3A_260, %parallel_loop3A_315 : i32
          %parallel_loop3A_317 = arith.constant 0 : i32
          %parallel_loop3A_318 = arith.index_cast %parallel_loop3A_317 : i32 to index
          %parallel_loop3A_319 = arith.index_cast %parallel_loop3A_314 : i32 to index
          %parallel_loop3A_320 = arith.index_cast %parallel_loop3A_316 : i32 to index
          %parallel_loop3A_321 = arith.constant 32 : index
          %parallel_loop3A_322 = tpu.vector_load %arg9[%parallel_loop3A_318, %parallel_loop3A_319, %parallel_loop3A_320, %parallel_loop3A_321] {strides = array<i32>} : memref<4x8x8x128xf32, #tpu.memory_space<vmem>>, vector<16xf32>,
          tpu.vector_store %arg9[%parallel_loop3A_318, %parallel_loop3A_319, %parallel_loop3A_320, %parallel_loop3A_321], %parallel_loop3A_312 {strides = array<i32>} : memref<4x8x8x128xf32, #tpu.memory_space<vmem>>, vector<16xf32>,
          %parallel_loop3A_323 = arith.constant 48 : i32
          %parallel_loop3A_324 = vector.broadcast %parallel_loop3A_323 : i32 to vector<16xi32>
          %parallel_loop3A_325 = arith.addi %iota3A, %parallel_loop3A_324 : vector<16xi32>
          %parallel_loop3A_326 = arith.constant 0 : i32
          %parallel_loop3A_327 = arith.constant 0 : i32
          %parallel_loop3A_328 = arith.constant 0 : i32
          %parallel_loop3A_329 = tpu.memref_slice %arg8[%parallel_loop3A_326, %parallel_loop3A_327, %parallel_loop3A_328] : memref<4x128x64xf32, #tpu.memory_space<vmem>> -> memref<1x128x64xf32, #tpu.memory_space<vmem>>
          %parallel_loop3A_330 = tpu.memref_squeeze %parallel_loop3A_329 : memref<1x128x64xf32, #tpu.memory_space<vmem>> -> memref<128x64xf32, #tpu.memory_space<vmem>>
          %parallel_loop3A_331 = tpu.vector_load_idx %parallel_loop3A_330[%parallel_loop3A_325, %parallel_loop3A_261] : memref<128x64xf32, #tpu.memory_space<vmem>>[vector<16xi32>, vector<16xi32>], vector<16xf32>,
          %parallel_loop3A_332 = arith.addf %parallel_loop3A_331, %parallel_loop3A_262 : vector<16xf32>
          %parallel_loop3A_333 = arith.constant 3 : i32
          %parallel_loop3A_334 = arith.shrui %parallel_loop3A_260, %parallel_loop3A_333 : i32
          %parallel_loop3A_335 = arith.constant 7 : i32
          %parallel_loop3A_336 = arith.andi %parallel_loop3A_260, %parallel_loop3A_335 : i32
          %parallel_loop3A_337 = arith.constant 0 : i32
          %parallel_loop3A_338 = arith.index_cast %parallel_loop3A_337 : i32 to index
          %parallel_loop3A_339 = arith.index_cast %parallel_loop3A_334 : i32 to index
          %parallel_loop3A_340 = arith.index_cast %parallel_loop3A_336 : i32 to index
          %parallel_loop3A_341 = arith.constant 48 : index
          %parallel_loop3A_342 = tpu.vector_load %arg9[%parallel_loop3A_338, %parallel_loop3A_339, %parallel_loop3A_340, %parallel_loop3A_341] {strides = array<i32>} : memref<4x8x8x128xf32, #tpu.memory_space<vmem>>, vector<16xf32>,
          tpu.vector_store %arg9[%parallel_loop3A_338, %parallel_loop3A_339, %parallel_loop3A_340, %parallel_loop3A_341], %parallel_loop3A_332 {strides = array<i32>} : memref<4x8x8x128xf32, #tpu.memory_space<vmem>>, vector<16xf32>,
          %parallel_loop3A_343 = arith.constant 64 : i32
          %parallel_loop3A_344 = vector.broadcast %parallel_loop3A_343 : i32 to vector<16xi32>
          %parallel_loop3A_345 = arith.addi %iota3A, %parallel_loop3A_344 : vector<16xi32>
          %parallel_loop3A_346 = arith.constant 0 : i32
          %parallel_loop3A_347 = arith.constant 0 : i32
          %parallel_loop3A_348 = arith.constant 0 : i32
          %parallel_loop3A_349 = tpu.memref_slice %arg8[%parallel_loop3A_346, %parallel_loop3A_347, %parallel_loop3A_348] : memref<4x128x64xf32, #tpu.memory_space<vmem>> -> memref<1x128x64xf32, #tpu.memory_space<vmem>>
          %parallel_loop3A_350 = tpu.memref_squeeze %parallel_loop3A_349 : memref<1x128x64xf32, #tpu.memory_space<vmem>> -> memref<128x64xf32, #tpu.memory_space<vmem>>
          %parallel_loop3A_351 = tpu.vector_load_idx %parallel_loop3A_350[%parallel_loop3A_345, %parallel_loop3A_261] : memref<128x64xf32, #tpu.memory_space<vmem>>[vector<16xi32>, vector<16xi32>], vector<16xf32>,
          %parallel_loop3A_352 = arith.addf %parallel_loop3A_351, %parallel_loop3A_262 : vector<16xf32>
          %parallel_loop3A_353 = arith.constant 3 : i32
          %parallel_loop3A_354 = arith.shrui %parallel_loop3A_260, %parallel_loop3A_353 : i32
          %parallel_loop3A_355 = arith.constant 7 : i32
          %parallel_loop3A_356 = arith.andi %parallel_loop3A_260, %parallel_loop3A_355 : i32
          %parallel_loop3A_357 = arith.constant 0 : i32
          %parallel_loop3A_358 = arith.index_cast %parallel_loop3A_357 : i32 to index
          %parallel_loop3A_359 = arith.index_cast %parallel_loop3A_354 : i32 to index
          %parallel_loop3A_360 = arith.index_cast %parallel_loop3A_356 : i32 to index
          %parallel_loop3A_361 = arith.constant 64 : index
          %parallel_loop3A_362 = tpu.vector_load %arg9[%parallel_loop3A_358, %parallel_loop3A_359, %parallel_loop3A_360, %parallel_loop3A_361] {strides = array<i32>} : memref<4x8x8x128xf32, #tpu.memory_space<vmem>>, vector<16xf32>,
          tpu.vector_store %arg9[%parallel_loop3A_358, %parallel_loop3A_359, %parallel_loop3A_360, %parallel_loop3A_361], %parallel_loop3A_352 {strides = array<i32>} : memref<4x8x8x128xf32, #tpu.memory_space<vmem>>, vector<16xf32>,
          %parallel_loop3A_363 = arith.constant 80 : i32
          %parallel_loop3A_364 = vector.broadcast %parallel_loop3A_363 : i32 to vector<16xi32>
          %parallel_loop3A_365 = arith.addi %iota3A, %parallel_loop3A_364 : vector<16xi32>
          %parallel_loop3A_366 = arith.constant 0 : i32
          %parallel_loop3A_367 = arith.constant 0 : i32
          %parallel_loop3A_368 = arith.constant 0 : i32
          %parallel_loop3A_369 = tpu.memref_slice %arg8[%parallel_loop3A_366, %parallel_loop3A_367, %parallel_loop3A_368] : memref<4x128x64xf32, #tpu.memory_space<vmem>> -> memref<1x128x64xf32, #tpu.memory_space<vmem>>
          %parallel_loop3A_370 = tpu.memref_squeeze %parallel_loop3A_369 : memref<1x128x64xf32, #tpu.memory_space<vmem>> -> memref<128x64xf32, #tpu.memory_space<vmem>>
          %parallel_loop3A_371 = tpu.vector_load_idx %parallel_loop3A_370[%parallel_loop3A_365, %parallel_loop3A_261] : memref<128x64xf32, #tpu.memory_space<vmem>>[vector<16xi32>, vector<16xi32>], vector<16xf32>,
          %parallel_loop3A_372 = arith.addf %parallel_loop3A_371, %parallel_loop3A_262 : vector<16xf32>
          %parallel_loop3A_373 = arith.constant 3 : i32
          %parallel_loop3A_374 = arith.shrui %parallel_loop3A_260, %parallel_loop3A_373 : i32
          %parallel_loop3A_375 = arith.constant 7 : i32
          %parallel_loop3A_376 = arith.andi %parallel_loop3A_260, %parallel_loop3A_375 : i32
          %parallel_loop3A_377 = arith.constant 0 : i32
          %parallel_loop3A_378 = arith.index_cast %parallel_loop3A_377 : i32 to index
          %parallel_loop3A_379 = arith.index_cast %parallel_loop3A_374 : i32 to index
          %parallel_loop3A_380 = arith.index_cast %parallel_loop3A_376 : i32 to index
          %parallel_loop3A_381 = arith.constant 80 : index
          %parallel_loop3A_382 = tpu.vector_load %arg9[%parallel_loop3A_378, %parallel_loop3A_379, %parallel_loop3A_380, %parallel_loop3A_381] {strides = array<i32>} : memref<4x8x8x128xf32, #tpu.memory_space<vmem>>, vector<16xf32>,
          tpu.vector_store %arg9[%parallel_loop3A_378, %parallel_loop3A_379, %parallel_loop3A_380, %parallel_loop3A_381], %parallel_loop3A_372 {strides = array<i32>} : memref<4x8x8x128xf32, #tpu.memory_space<vmem>>, vector<16xf32>,
          %parallel_loop3A_383 = arith.constant 96 : i32
          %parallel_loop3A_384 = vector.broadcast %parallel_loop3A_383 : i32 to vector<16xi32>
          %parallel_loop3A_385 = arith.addi %iota3A, %parallel_loop3A_384 : vector<16xi32>
          %parallel_loop3A_386 = arith.constant 0 : i32
          %parallel_loop3A_387 = arith.constant 0 : i32
          %parallel_loop3A_388 = arith.constant 0 : i32
          %parallel_loop3A_389 = tpu.memref_slice %arg8[%parallel_loop3A_386, %parallel_loop3A_387, %parallel_loop3A_388] : memref<4x128x64xf32, #tpu.memory_space<vmem>> -> memref<1x128x64xf32, #tpu.memory_space<vmem>>
          %parallel_loop3A_390 = tpu.memref_squeeze %parallel_loop3A_389 : memref<1x128x64xf32, #tpu.memory_space<vmem>> -> memref<128x64xf32, #tpu.memory_space<vmem>>
          %parallel_loop3A_391 = tpu.vector_load_idx %parallel_loop3A_390[%parallel_loop3A_385, %parallel_loop3A_261] : memref<128x64xf32, #tpu.memory_space<vmem>>[vector<16xi32>, vector<16xi32>], vector<16xf32>,
          %parallel_loop3A_392 = arith.addf %parallel_loop3A_391, %parallel_loop3A_262 : vector<16xf32>
          %parallel_loop3A_393 = arith.constant 3 : i32
          %parallel_loop3A_394 = arith.shrui %parallel_loop3A_260, %parallel_loop3A_393 : i32
          %parallel_loop3A_395 = arith.constant 7 : i32
          %parallel_loop3A_396 = arith.andi %parallel_loop3A_260, %parallel_loop3A_395 : i32
          %parallel_loop3A_397 = arith.constant 0 : i32
          %parallel_loop3A_398 = arith.index_cast %parallel_loop3A_397 : i32 to index
          %parallel_loop3A_399 = arith.index_cast %parallel_loop3A_394 : i32 to index
          %parallel_loop3A_400 = arith.index_cast %parallel_loop3A_396 : i32 to index
          %parallel_loop3A_401 = arith.constant 96 : index
          %parallel_loop3A_402 = tpu.vector_load %arg9[%parallel_loop3A_398, %parallel_loop3A_399, %parallel_loop3A_400, %parallel_loop3A_401] {strides = array<i32>} : memref<4x8x8x128xf32, #tpu.memory_space<vmem>>, vector<16xf32>,
          tpu.vector_store %arg9[%parallel_loop3A_398, %parallel_loop3A_399, %parallel_loop3A_400, %parallel_loop3A_401], %parallel_loop3A_392 {strides = array<i32>} : memref<4x8x8x128xf32, #tpu.memory_space<vmem>>, vector<16xf32>,
          %parallel_loop3A_403 = arith.constant 112 : i32
          %parallel_loop3A_404 = vector.broadcast %parallel_loop3A_403 : i32 to vector<16xi32>
          %parallel_loop3A_405 = arith.addi %iota3A, %parallel_loop3A_404 : vector<16xi32>
          %parallel_loop3A_406 = arith.constant 0 : i32
          %parallel_loop3A_407 = arith.constant 0 : i32
          %parallel_loop3A_408 = arith.constant 0 : i32
          %parallel_loop3A_409 = tpu.memref_slice %arg8[%parallel_loop3A_406, %parallel_loop3A_407, %parallel_loop3A_408] : memref<4x128x64xf32, #tpu.memory_space<vmem>> -> memref<1x128x64xf32, #tpu.memory_space<vmem>>
          %parallel_loop3A_410 = tpu.memref_squeeze %parallel_loop3A_409 : memref<1x128x64xf32, #tpu.memory_space<vmem>> -> memref<128x64xf32, #tpu.memory_space<vmem>>
          %parallel_loop3A_411 = tpu.vector_load_idx %parallel_loop3A_410[%parallel_loop3A_405, %parallel_loop3A_261] : memref<128x64xf32, #tpu.memory_space<vmem>>[vector<16xi32>, vector<16xi32>], vector<16xf32>,
          %parallel_loop3A_412 = arith.addf %parallel_loop3A_411, %parallel_loop3A_262 : vector<16xf32>
          %parallel_loop3A_413 = arith.constant 3 : i32
          %parallel_loop3A_414 = arith.shrui %parallel_loop3A_260, %parallel_loop3A_413 : i32
          %parallel_loop3A_415 = arith.constant 7 : i32
          %parallel_loop3A_416 = arith.andi %parallel_loop3A_260, %parallel_loop3A_415 : i32
          %parallel_loop3A_417 = arith.constant 0 : i32
          %parallel_loop3A_418 = arith.index_cast %parallel_loop3A_417 : i32 to index
          %parallel_loop3A_419 = arith.index_cast %parallel_loop3A_414 : i32 to index
          %parallel_loop3A_420 = arith.index_cast %parallel_loop3A_416 : i32 to index
          %parallel_loop3A_421 = arith.constant 112 : index
          %parallel_loop3A_422 = tpu.vector_load %arg9[%parallel_loop3A_418, %parallel_loop3A_419, %parallel_loop3A_420, %parallel_loop3A_421] {strides = array<i32>} : memref<4x8x8x128xf32, #tpu.memory_space<vmem>>, vector<16xf32>,
          tpu.vector_store %arg9[%parallel_loop3A_418, %parallel_loop3A_419, %parallel_loop3A_420, %parallel_loop3A_421], %parallel_loop3A_412 {strides = array<i32>} : memref<4x8x8x128xf32, #tpu.memory_space<vmem>>, vector<16xf32>,
        } {sc.loop_unroll_factor = 8 : i64, sc.parallel_access}
        %dma_start3A_239 = arith.constant 0 : i32
        %dma_start3A_240 = arith.constant 0 : i32
        %dma_start3A_241 = arith.constant 0 : i32
        %dma_start3A_242 = arith.constant 0 : i32
        %dma_start3A_243 = tpu.memref_slice %arg9[%dma_start3A_239, %dma_start3A_240, %dma_start3A_241, %dma_start3A_242] : memref<4x8x8x128xf32, #tpu.memory_space<vmem>> -> memref<1x8x8x128xf32, #tpu.memory_space<vmem>>
        %dma_start3A_244 = tpu.memref_squeeze %dma_start3A_243 : memref<1x8x8x128xf32, #tpu.memory_space<vmem>> -> memref<8x8x128xf32, #tpu.memory_space<vmem>>
        %dma_start3A_245 = arith.constant 0 : i32
        %dma_start3A_246 = arith.constant 0 : i32
        %dma_start3A_247 = arith.constant 0 : i32
        %dma_start3A_248 = tpu.memref_slice %arg5[%shift_right_logical3A_223, %dma_start3A_245, %and3A_225, %dma_start3A_246, %dma_start3A_247] : memref<200x8x32x8x128xf32, #tpu.memory_space<hbm>> -> memref<1x8x1x8x128xf32, #tpu.memory_space<hbm>>
        %dma_start3A_249 = tpu.memref_squeeze %dma_start3A_248 : memref<1x8x1x8x128xf32, #tpu.memory_space<hbm>> -> memref<8x8x128xf32, #tpu.memory_space<hbm>>
        %dma_start3A_250 = arith.constant 0 : i32
        %dma_start3A_251 = arith.constant 0 : i32
        %dma_start3A_252 = arith.constant 0 : i32
        %dma_start3A_253 = tpu.memref_slice %arg5[%shift_right_logical3A_223, %dma_start3A_250, %and3A_225, %dma_start3A_251, %dma_start3A_252] : memref<200x8x32x8x128xf32, #tpu.memory_space<hbm>> -> memref<1x8x1x8x128xf32, #tpu.memory_space<hbm>>
        %dma_start3A_254 = tpu.memref_squeeze %dma_start3A_253 : memref<1x8x1x8x128xf32, #tpu.memory_space<hbm>> -> memref<8x8x128xf32, #tpu.memory_space<hbm>>
        %dma_start3A_255 = arith.constant 0 : i32
        %dma_start3A_256 = arith.constant 0 : i32
        %dma_start3A_257 = arith.constant 0 : i32
        %dma_start3A_258 = tpu.memref_slice %arg9[%dma_start3A_239, %dma_start3A_255, %dma_start3A_256, %dma_start3A_257] : memref<4x8x8x128xf32, #tpu.memory_space<vmem>> -> memref<1x8x8x128xf32, #tpu.memory_space<vmem>>
        %dma_start3A_259 = tpu.memref_squeeze %dma_start3A_258 : memref<1x8x8x128xf32, #tpu.memory_space<vmem>> -> memref<8x8x128xf32, #tpu.memory_space<vmem>>
        tpu.enqueue_dma source(%dma_start3A_259 : memref<8x8x128xf32, #tpu.memory_space<vmem>>) target(%dma_start3A_254 : memref<8x8x128xf32, #tpu.memory_space<hbm>>) target_semaphore(%arg19 : memref<!tpu.dma_semaphore, #tpu.memory_space<semaphore_mem>>)
      } else {
      }
      %mul3A_187 = arith.constant 4 : i32
      %mul3A_188 = arith.muli %scan3A_158, %mul3A_187 : i32
      %add3A_189 = arith.constant 2 : i32
      %add3A_190 = arith.addi %mul3A_188, %add3A_189 : i32
      %lt3A_191 = arith.constant 200 : i32
      %lt3A_192 = arith.cmpi slt, %add3A_190, %lt3A_191 : i32
      %convert_element_type3A_193 = arith.extui %lt3A_192 : i1 to i32
      %cond3A_194 = arith.constant 0 : i32
      %cond3A_195 = arith.cmpi ne, %convert_element_type3A_193, %cond3A_194 : i32
      scf.if %cond3A_195 {
        %add3A_221 = arith.addi %mul3A_2, %add3A_190 : i32
        %dma_wait3A_222 = arith.constant 2 : i32
        %dma_wait3A_223 = arith.constant 0 : i32
        %dma_wait3A_224 = tpu.memref_slice %arg6[%dma_wait3A_222, %dma_wait3A_223] : memref<4x128xi32, #tpu.memory_space<vmem>> -> memref<1x128xi32, #tpu.memory_space<vmem>>
        %dma_wait3A_225 = tpu.memref_squeeze %dma_wait3A_224 : memref<1x128xi32, #tpu.memory_space<vmem>> -> memref<128xi32, #tpu.memory_space<vmem>>
        %dma_wait3A_226 = arith.constant 0 : i32
        %dma_wait3A_227 = tpu.memref_slice %arg2[%add3A_221, %dma_wait3A_226] : memref<6400x128xi32, #tpu.memory_space<hbm>> -> memref<1x128xi32, #tpu.memory_space<hbm>>
        %dma_wait3A_228 = tpu.memref_squeeze %dma_wait3A_227 : memref<1x128xi32, #tpu.memory_space<hbm>> -> memref<128xi32, #tpu.memory_space<hbm>>
        %dma_wait3A_229 = arith.constant 0 : i32
        %dma_wait3A_230 = tpu.memref_slice %arg6[%dma_wait3A_222, %dma_wait3A_229] : memref<4x128xi32, #tpu.memory_space<vmem>> -> memref<1x128xi32, #tpu.memory_space<vmem>>
        %dma_wait3A_231 = tpu.memref_squeeze %dma_wait3A_230 : memref<1x128xi32, #tpu.memory_space<vmem>> -> memref<128xi32, #tpu.memory_space<vmem>>
        %dma_wait3A_232 = arith.constant 0 : i32
        %dma_wait3A_233 = tpu.memref_slice %arg2[%add3A_221, %dma_wait3A_232] : memref<6400x128xi32, #tpu.memory_space<hbm>> -> memref<1x128xi32, #tpu.memory_space<hbm>>
        %dma_wait3A_234 = tpu.memref_squeeze %dma_wait3A_233 : memref<1x128xi32, #tpu.memory_space<hbm>> -> memref<128xi32, #tpu.memory_space<hbm>>
        tpu.wait_dma2 semaphore(%arg13 : memref<!tpu.dma_semaphore, #tpu.memory_space<semaphore_mem>>) src(%dma_wait3A_234 : memref<128xi32, #tpu.memory_space<hbm>>) dst(%dma_wait3A_231 : memref<128xi32, #tpu.memory_space<vmem>>)
        %dma_start3A_235 = arith.constant 2 : i32
        %dma_start3A_236 = arith.constant 2 : i32
        %dma_start3A_237 = arith.constant 0 : i32
        %dma_start3A_238 = arith.constant 0 : i32
        %dma_start3A_239 = tpu.memref_slice %arg8[%dma_start3A_236, %dma_start3A_237, %dma_start3A_238] : memref<4x128x64xf32, #tpu.memory_space<vmem>> -> memref<1x128x64xf32, #tpu.memory_space<vmem>>
        %dma_start3A_240 = tpu.memref_squeeze %dma_start3A_239 : memref<1x128x64xf32, #tpu.memory_space<vmem>> -> memref<128x64xf32, #tpu.memory_space<vmem>>
        %dma_start3A_241 = arith.constant 0 : i32
        %dma_start3A_242 = tpu.memref_slice %arg6[%dma_start3A_235, %dma_start3A_241] : memref<4x128xi32, #tpu.memory_space<vmem>> -> memref<1x128xi32, #tpu.memory_space<vmem>>
        %dma_start3A_243 = tpu.memref_squeeze %dma_start3A_242 : memref<1x128xi32, #tpu.memory_space<vmem>> -> memref<128xi32, #tpu.memory_space<vmem>>
        %dma_start3A_244 = arith.constant 0 : i32
        %dma_start3A_245 = arith.constant 0 : i32
        %dma_start3A_246 = tpu.memref_slice %arg3[%dma_start3A_244, %dma_start3A_245] : memref<1000000x64xf32, #tpu.memory_space<hbm>> -> memref<1000000x64xf32, #tpu.memory_space<hbm>>
        tpu.enqueue_indirect_dma source(%dma_start3A_246 : memref<1000000x64xf32, #tpu.memory_space<hbm>>) target(%dma_start3A_240 : memref<128x64xf32, #tpu.memory_space<vmem>>) offsets(%dma_start3A_243 : memref<128xi32, #tpu.memory_space<vmem>>) semaphore(%arg17 : memref<!tpu.dma_semaphore, #tpu.memory_space<semaphore_mem>>)
        %add3A_247 = arith.constant 4 : i32
        %add3A_248 = arith.addi %add3A_190, %add3A_247 : i32
        %lt3A_249 = arith.constant 200 : i32
        %lt3A_250 = arith.cmpi slt, %add3A_248, %lt3A_249 : i32
        %convert_element_type3A_251 = arith.extui %lt3A_250 : i1 to i32
        %cond3A_252 = arith.constant 0 : i32
        %cond3A_253 = arith.cmpi ne, %convert_element_type3A_251, %cond3A_252 : i32
        scf.if %cond3A_253 {
          %add3A_254 = arith.constant 4 : i32
          %add3A_255 = arith.addi %add3A_190, %add3A_254 : i32
          %add3A_256 = arith.addi %mul3A_2, %add3A_255 : i32
          %dma_start3A_257 = arith.constant 2 : i32
          %dma_start3A_258 = arith.constant 0 : i32
          %dma_start3A_259 = tpu.memref_slice %arg6[%dma_start3A_257, %dma_start3A_258] : memref<4x128xi32, #tpu.memory_space<vmem>> -> memref<1x128xi32, #tpu.memory_space<vmem>>
          %dma_start3A_260 = tpu.memref_squeeze %dma_start3A_259 : memref<1x128xi32, #tpu.memory_space<vmem>> -> memref<128xi32, #tpu.memory_space<vmem>>
          %dma_start3A_261 = arith.constant 0 : i32
          %dma_start3A_262 = tpu.memref_slice %arg2[%add3A_256, %dma_start3A_261] : memref<6400x128xi32, #tpu.memory_space<hbm>> -> memref<1x128xi32, #tpu.memory_space<hbm>>
          %dma_start3A_263 = tpu.memref_squeeze %dma_start3A_262 : memref<1x128xi32, #tpu.memory_space<hbm>> -> memref<128xi32, #tpu.memory_space<hbm>>
          %dma_start3A_264 = arith.constant 0 : i32
          %dma_start3A_265 = tpu.memref_slice %arg6[%dma_start3A_257, %dma_start3A_264] : memref<4x128xi32, #tpu.memory_space<vmem>> -> memref<1x128xi32, #tpu.memory_space<vmem>>
          %dma_start3A_266 = tpu.memref_squeeze %dma_start3A_265 : memref<1x128xi32, #tpu.memory_space<vmem>> -> memref<128xi32, #tpu.memory_space<vmem>>
          %dma_start3A_267 = arith.constant 0 : i32
          %dma_start3A_268 = tpu.memref_slice %arg2[%add3A_256, %dma_start3A_267] : memref<6400x128xi32, #tpu.memory_space<hbm>> -> memref<1x128xi32, #tpu.memory_space<hbm>>
          %dma_start3A_269 = tpu.memref_squeeze %dma_start3A_268 : memref<1x128xi32, #tpu.memory_space<hbm>> -> memref<128xi32, #tpu.memory_space<hbm>>
          tpu.enqueue_dma source(%dma_start3A_269 : memref<128xi32, #tpu.memory_space<hbm>>) target(%dma_start3A_266 : memref<128xi32, #tpu.memory_space<vmem>>) target_semaphore(%arg13 : memref<!tpu.dma_semaphore, #tpu.memory_space<semaphore_mem>>)
        } else {
        }
      } else {
      }
      %ge3A_196 = arith.constant 1 : i32
      %ge3A_197 = arith.cmpi sge, %add3A_190, %ge3A_196 : i32
      %le3A_198 = arith.constant 200 : i32
      %le3A_199 = arith.cmpi sle, %add3A_190, %le3A_198 : i32
      %and3A_200 = arith.andi %ge3A_197, %le3A_199 : i1
      %convert_element_type3A_201 = arith.extui %and3A_200 : i1 to i32
      %cond3A_202 = arith.constant 0 : i32
      %cond3A_203 = arith.cmpi ne, %convert_element_type3A_201, %cond3A_202 : i32
      scf.if %cond3A_203 {
        %add3A_221 = arith.addi %mul3A_2, %add3A_190 : i32
        %sub3A = arith.constant 1 : i32
        %sub3A_222 = arith.subi %add3A_221, %sub3A : i32
        %shift_right_logical3A = arith.constant 5 : i32
        %shift_right_logical3A_223 = arith.shrui %sub3A_222, %shift_right_logical3A : i32
        %and3A_224 = arith.constant 31 : i32
        %and3A_225 = arith.andi %sub3A_222, %and3A_224 : i32
        %dma_wait3A_226 = arith.constant 0 : i32
        %dma_wait3A_227 = arith.constant 0 : i32
        %dma_wait3A_228 = tpu.memref_slice %arg2[%dma_wait3A_226, %dma_wait3A_227] : memref<6400x128xi32, #tpu.memory_space<hbm>> -> memref<64x128xi32, #tpu.memory_space<hbm>>
        %dma_wait3A_229 = arith.constant 0 : i32
        %dma_wait3A_230 = arith.constant 0 : i32
        %dma_wait3A_231 = tpu.memref_slice %arg2[%dma_wait3A_229, %dma_wait3A_230] : memref<6400x128xi32, #tpu.memory_space<hbm>> -> memref<64x128xi32, #tpu.memory_space<hbm>>
        tpu.wait_dma2 semaphore(%arg16 : memref<!tpu.dma_semaphore, #tpu.memory_space<semaphore_mem>>) src(%dma_wait3A_231 : memref<64x128xi32, #tpu.memory_space<hbm>>) dst(%arg10 : memref<64x128xi32, #tpu.memory_space<vmem>>)
        %ge3A_232 = arith.constant 5 : i32
        %ge3A_233 = arith.cmpi sge, %add3A_190, %ge3A_232 : i32
        %convert_element_type3A_234 = arith.extui %ge3A_233 : i1 to i32
        %cond3A_235 = arith.constant 0 : i32
        %cond3A_236 = arith.cmpi ne, %convert_element_type3A_234, %cond3A_235 : i32
        scf.if %cond3A_236 {
          %dma_wait3A_260 = arith.constant 1 : i32
          %dma_wait3A_261 = arith.constant 0 : i32
          %dma_wait3A_262 = arith.constant 0 : i32
          %dma_wait3A_263 = arith.constant 0 : i32
          %dma_wait3A_264 = arith.constant 0 : i32
          %dma_wait3A_265 = arith.constant 0 : i32
          %dma_wait3A_266 = tpu.memref_slice %arg9[%dma_wait3A_260, %dma_wait3A_263, %dma_wait3A_264, %dma_wait3A_265] : memref<4x8x8x128xf32, #tpu.memory_space<vmem>> -> memref<1x8x8x128xf32, #tpu.memory_space<vmem>>
          %dma_wait3A_267 = tpu.memref_squeeze %dma_wait3A_266 : memref<1x8x8x128xf32, #tpu.memory_space<vmem>> -> memref<8x8x128xf32, #tpu.memory_space<vmem>>
          %dma_wait3A_268 = arith.constant 0 : i32
          %dma_wait3A_269 = arith.constant 0 : i32
          %dma_wait3A_270 = arith.constant 0 : i32
          %dma_wait3A_271 = tpu.memref_slice %arg5[%dma_wait3A_261, %dma_wait3A_268, %dma_wait3A_262, %dma_wait3A_269, %dma_wait3A_270] : memref<200x8x32x8x128xf32, #tpu.memory_space<hbm>> -> memref<1x8x1x8x128xf32, #tpu.memory_space<hbm>>
          %dma_wait3A_272 = tpu.memref_squeeze %dma_wait3A_271 : memref<1x8x1x8x128xf32, #tpu.memory_space<hbm>> -> memref<8x8x128xf32, #tpu.memory_space<hbm>>
          %dma_wait3A_273 = arith.constant 0 : i32
          %dma_wait3A_274 = arith.constant 0 : i32
          %dma_wait3A_275 = arith.constant 0 : i32
          %dma_wait3A_276 = tpu.memref_slice %arg5[%dma_wait3A_261, %dma_wait3A_273, %dma_wait3A_262, %dma_wait3A_274, %dma_wait3A_275] : memref<200x8x32x8x128xf32, #tpu.memory_space<hbm>> -> memref<1x8x1x8x128xf32, #tpu.memory_space<hbm>>
          %dma_wait3A_277 = tpu.memref_squeeze %dma_wait3A_276 : memref<1x8x1x8x128xf32, #tpu.memory_space<hbm>> -> memref<8x8x128xf32, #tpu.memory_space<hbm>>
          %dma_wait3A_278 = arith.constant 0 : i32
          %dma_wait3A_279 = arith.constant 0 : i32
          %dma_wait3A_280 = arith.constant 0 : i32
          %dma_wait3A_281 = tpu.memref_slice %arg9[%dma_wait3A_260, %dma_wait3A_278, %dma_wait3A_279, %dma_wait3A_280] : memref<4x8x8x128xf32, #tpu.memory_space<vmem>> -> memref<1x8x8x128xf32, #tpu.memory_space<vmem>>
          %dma_wait3A_282 = tpu.memref_squeeze %dma_wait3A_281 : memref<1x8x8x128xf32, #tpu.memory_space<vmem>> -> memref<8x8x128xf32, #tpu.memory_space<vmem>>
          tpu.wait_dma2 semaphore(%arg20 : memref<!tpu.dma_semaphore, #tpu.memory_space<semaphore_mem>>) src(%dma_wait3A_282 : memref<8x8x128xf32, #tpu.memory_space<vmem>>) dst(%dma_wait3A_277 : memref<8x8x128xf32, #tpu.memory_space<hbm>>)
        } else {
        }
        %broadcast_in_dim3A = vector.broadcast %shift_right_logical3A_223 : i32 to vector<16xi32>
        %parallel_loop3A = arith.constant 0 : i32
        %parallel_loop3A_237 = arith.constant 64 : i32
        %parallel_loop3A_238 = arith.constant 1 : i32
        scf.for %parallel_loop3A_260 = %parallel_loop3A to %parallel_loop3A_237 step %parallel_loop3A_238  : i32 {
          %parallel_loop3A_261 = vector.broadcast %parallel_loop3A_260 : i32 to vector<16xi32>
          %parallel_loop3A_262 = tpu.vector_load_idx %arg7[%broadcast_in_dim3A, %parallel_loop3A_261] : memref<200x64xf32, #tpu.memory_space<vmem>>[vector<16xi32>, vector<16xi32>], vector<16xf32>,
          %parallel_loop3A_263 = arith.constant 0 : i32
          %parallel_loop3A_264 = vector.broadcast %parallel_loop3A_263 : i32 to vector<16xi32>
          %parallel_loop3A_265 = arith.addi %iota3A, %parallel_loop3A_264 : vector<16xi32>
          %parallel_loop3A_266 = arith.constant 1 : i32
          %parallel_loop3A_267 = arith.constant 0 : i32
          %parallel_loop3A_268 = arith.constant 0 : i32
          %parallel_loop3A_269 = tpu.memref_slice %arg8[%parallel_loop3A_266, %parallel_loop3A_267, %parallel_loop3A_268] : memref<4x128x64xf32, #tpu.memory_space<vmem>> -> memref<1x128x64xf32, #tpu.memory_space<vmem>>
          %parallel_loop3A_270 = tpu.memref_squeeze %parallel_loop3A_269 : memref<1x128x64xf32, #tpu.memory_space<vmem>> -> memref<128x64xf32, #tpu.memory_space<vmem>>
          %parallel_loop3A_271 = tpu.vector_load_idx %parallel_loop3A_270[%parallel_loop3A_265, %parallel_loop3A_261] : memref<128x64xf32, #tpu.memory_space<vmem>>[vector<16xi32>, vector<16xi32>], vector<16xf32>,
          %parallel_loop3A_272 = arith.addf %parallel_loop3A_271, %parallel_loop3A_262 : vector<16xf32>
          %parallel_loop3A_273 = arith.constant 3 : i32
          %parallel_loop3A_274 = arith.shrui %parallel_loop3A_260, %parallel_loop3A_273 : i32
          %parallel_loop3A_275 = arith.constant 7 : i32
          %parallel_loop3A_276 = arith.andi %parallel_loop3A_260, %parallel_loop3A_275 : i32
          %parallel_loop3A_277 = arith.constant 1 : i32
          %parallel_loop3A_278 = arith.index_cast %parallel_loop3A_277 : i32 to index
          %parallel_loop3A_279 = arith.index_cast %parallel_loop3A_274 : i32 to index
          %parallel_loop3A_280 = arith.index_cast %parallel_loop3A_276 : i32 to index
          %parallel_loop3A_281 = arith.constant 0 : index
          %parallel_loop3A_282 = tpu.vector_load %arg9[%parallel_loop3A_278, %parallel_loop3A_279, %parallel_loop3A_280, %parallel_loop3A_281] {strides = array<i32>} : memref<4x8x8x128xf32, #tpu.memory_space<vmem>>, vector<16xf32>,
          tpu.vector_store %arg9[%parallel_loop3A_278, %parallel_loop3A_279, %parallel_loop3A_280, %parallel_loop3A_281], %parallel_loop3A_272 {strides = array<i32>} : memref<4x8x8x128xf32, #tpu.memory_space<vmem>>, vector<16xf32>,
          %parallel_loop3A_283 = arith.constant 16 : i32
          %parallel_loop3A_284 = vector.broadcast %parallel_loop3A_283 : i32 to vector<16xi32>
          %parallel_loop3A_285 = arith.addi %iota3A, %parallel_loop3A_284 : vector<16xi32>
          %parallel_loop3A_286 = arith.constant 1 : i32
          %parallel_loop3A_287 = arith.constant 0 : i32
          %parallel_loop3A_288 = arith.constant 0 : i32
          %parallel_loop3A_289 = tpu.memref_slice %arg8[%parallel_loop3A_286, %parallel_loop3A_287, %parallel_loop3A_288] : memref<4x128x64xf32, #tpu.memory_space<vmem>> -> memref<1x128x64xf32, #tpu.memory_space<vmem>>
          %parallel_loop3A_290 = tpu.memref_squeeze %parallel_loop3A_289 : memref<1x128x64xf32, #tpu.memory_space<vmem>> -> memref<128x64xf32, #tpu.memory_space<vmem>>
          %parallel_loop3A_291 = tpu.vector_load_idx %parallel_loop3A_290[%parallel_loop3A_285, %parallel_loop3A_261] : memref<128x64xf32, #tpu.memory_space<vmem>>[vector<16xi32>, vector<16xi32>], vector<16xf32>,
          %parallel_loop3A_292 = arith.addf %parallel_loop3A_291, %parallel_loop3A_262 : vector<16xf32>
          %parallel_loop3A_293 = arith.constant 3 : i32
          %parallel_loop3A_294 = arith.shrui %parallel_loop3A_260, %parallel_loop3A_293 : i32
          %parallel_loop3A_295 = arith.constant 7 : i32
          %parallel_loop3A_296 = arith.andi %parallel_loop3A_260, %parallel_loop3A_295 : i32
          %parallel_loop3A_297 = arith.constant 1 : i32
          %parallel_loop3A_298 = arith.index_cast %parallel_loop3A_297 : i32 to index
          %parallel_loop3A_299 = arith.index_cast %parallel_loop3A_294 : i32 to index
          %parallel_loop3A_300 = arith.index_cast %parallel_loop3A_296 : i32 to index
          %parallel_loop3A_301 = arith.constant 16 : index
          %parallel_loop3A_302 = tpu.vector_load %arg9[%parallel_loop3A_298, %parallel_loop3A_299, %parallel_loop3A_300, %parallel_loop3A_301] {strides = array<i32>} : memref<4x8x8x128xf32, #tpu.memory_space<vmem>>, vector<16xf32>,
          tpu.vector_store %arg9[%parallel_loop3A_298, %parallel_loop3A_299, %parallel_loop3A_300, %parallel_loop3A_301], %parallel_loop3A_292 {strides = array<i32>} : memref<4x8x8x128xf32, #tpu.memory_space<vmem>>, vector<16xf32>,
          %parallel_loop3A_303 = arith.constant 32 : i32
          %parallel_loop3A_304 = vector.broadcast %parallel_loop3A_303 : i32 to vector<16xi32>
          %parallel_loop3A_305 = arith.addi %iota3A, %parallel_loop3A_304 : vector<16xi32>
          %parallel_loop3A_306 = arith.constant 1 : i32
          %parallel_loop3A_307 = arith.constant 0 : i32
          %parallel_loop3A_308 = arith.constant 0 : i32
          %parallel_loop3A_309 = tpu.memref_slice %arg8[%parallel_loop3A_306, %parallel_loop3A_307, %parallel_loop3A_308] : memref<4x128x64xf32, #tpu.memory_space<vmem>> -> memref<1x128x64xf32, #tpu.memory_space<vmem>>
          %parallel_loop3A_310 = tpu.memref_squeeze %parallel_loop3A_309 : memref<1x128x64xf32, #tpu.memory_space<vmem>> -> memref<128x64xf32, #tpu.memory_space<vmem>>
          %parallel_loop3A_311 = tpu.vector_load_idx %parallel_loop3A_310[%parallel_loop3A_305, %parallel_loop3A_261] : memref<128x64xf32, #tpu.memory_space<vmem>>[vector<16xi32>, vector<16xi32>], vector<16xf32>,
          %parallel_loop3A_312 = arith.addf %parallel_loop3A_311, %parallel_loop3A_262 : vector<16xf32>
          %parallel_loop3A_313 = arith.constant 3 : i32
          %parallel_loop3A_314 = arith.shrui %parallel_loop3A_260, %parallel_loop3A_313 : i32
          %parallel_loop3A_315 = arith.constant 7 : i32
          %parallel_loop3A_316 = arith.andi %parallel_loop3A_260, %parallel_loop3A_315 : i32
          %parallel_loop3A_317 = arith.constant 1 : i32
          %parallel_loop3A_318 = arith.index_cast %parallel_loop3A_317 : i32 to index
          %parallel_loop3A_319 = arith.index_cast %parallel_loop3A_314 : i32 to index
          %parallel_loop3A_320 = arith.index_cast %parallel_loop3A_316 : i32 to index
          %parallel_loop3A_321 = arith.constant 32 : index
          %parallel_loop3A_322 = tpu.vector_load %arg9[%parallel_loop3A_318, %parallel_loop3A_319, %parallel_loop3A_320, %parallel_loop3A_321] {strides = array<i32>} : memref<4x8x8x128xf32, #tpu.memory_space<vmem>>, vector<16xf32>,
          tpu.vector_store %arg9[%parallel_loop3A_318, %parallel_loop3A_319, %parallel_loop3A_320, %parallel_loop3A_321], %parallel_loop3A_312 {strides = array<i32>} : memref<4x8x8x128xf32, #tpu.memory_space<vmem>>, vector<16xf32>,
          %parallel_loop3A_323 = arith.constant 48 : i32
          %parallel_loop3A_324 = vector.broadcast %parallel_loop3A_323 : i32 to vector<16xi32>
          %parallel_loop3A_325 = arith.addi %iota3A, %parallel_loop3A_324 : vector<16xi32>
          %parallel_loop3A_326 = arith.constant 1 : i32
          %parallel_loop3A_327 = arith.constant 0 : i32
          %parallel_loop3A_328 = arith.constant 0 : i32
          %parallel_loop3A_329 = tpu.memref_slice %arg8[%parallel_loop3A_326, %parallel_loop3A_327, %parallel_loop3A_328] : memref<4x128x64xf32, #tpu.memory_space<vmem>> -> memref<1x128x64xf32, #tpu.memory_space<vmem>>
          %parallel_loop3A_330 = tpu.memref_squeeze %parallel_loop3A_329 : memref<1x128x64xf32, #tpu.memory_space<vmem>> -> memref<128x64xf32, #tpu.memory_space<vmem>>
          %parallel_loop3A_331 = tpu.vector_load_idx %parallel_loop3A_330[%parallel_loop3A_325, %parallel_loop3A_261] : memref<128x64xf32, #tpu.memory_space<vmem>>[vector<16xi32>, vector<16xi32>], vector<16xf32>,
          %parallel_loop3A_332 = arith.addf %parallel_loop3A_331, %parallel_loop3A_262 : vector<16xf32>
          %parallel_loop3A_333 = arith.constant 3 : i32
          %parallel_loop3A_334 = arith.shrui %parallel_loop3A_260, %parallel_loop3A_333 : i32
          %parallel_loop3A_335 = arith.constant 7 : i32
          %parallel_loop3A_336 = arith.andi %parallel_loop3A_260, %parallel_loop3A_335 : i32
          %parallel_loop3A_337 = arith.constant 1 : i32
          %parallel_loop3A_338 = arith.index_cast %parallel_loop3A_337 : i32 to index
          %parallel_loop3A_339 = arith.index_cast %parallel_loop3A_334 : i32 to index
          %parallel_loop3A_340 = arith.index_cast %parallel_loop3A_336 : i32 to index
          %parallel_loop3A_341 = arith.constant 48 : index
          %parallel_loop3A_342 = tpu.vector_load %arg9[%parallel_loop3A_338, %parallel_loop3A_339, %parallel_loop3A_340, %parallel_loop3A_341] {strides = array<i32>} : memref<4x8x8x128xf32, #tpu.memory_space<vmem>>, vector<16xf32>,
          tpu.vector_store %arg9[%parallel_loop3A_338, %parallel_loop3A_339, %parallel_loop3A_340, %parallel_loop3A_341], %parallel_loop3A_332 {strides = array<i32>} : memref<4x8x8x128xf32, #tpu.memory_space<vmem>>, vector<16xf32>,
          %parallel_loop3A_343 = arith.constant 64 : i32
          %parallel_loop3A_344 = vector.broadcast %parallel_loop3A_343 : i32 to vector<16xi32>
          %parallel_loop3A_345 = arith.addi %iota3A, %parallel_loop3A_344 : vector<16xi32>
          %parallel_loop3A_346 = arith.constant 1 : i32
          %parallel_loop3A_347 = arith.constant 0 : i32
          %parallel_loop3A_348 = arith.constant 0 : i32
          %parallel_loop3A_349 = tpu.memref_slice %arg8[%parallel_loop3A_346, %parallel_loop3A_347, %parallel_loop3A_348] : memref<4x128x64xf32, #tpu.memory_space<vmem>> -> memref<1x128x64xf32, #tpu.memory_space<vmem>>
          %parallel_loop3A_350 = tpu.memref_squeeze %parallel_loop3A_349 : memref<1x128x64xf32, #tpu.memory_space<vmem>> -> memref<128x64xf32, #tpu.memory_space<vmem>>
          %parallel_loop3A_351 = tpu.vector_load_idx %parallel_loop3A_350[%parallel_loop3A_345, %parallel_loop3A_261] : memref<128x64xf32, #tpu.memory_space<vmem>>[vector<16xi32>, vector<16xi32>], vector<16xf32>,
          %parallel_loop3A_352 = arith.addf %parallel_loop3A_351, %parallel_loop3A_262 : vector<16xf32>
          %parallel_loop3A_353 = arith.constant 3 : i32
          %parallel_loop3A_354 = arith.shrui %parallel_loop3A_260, %parallel_loop3A_353 : i32
          %parallel_loop3A_355 = arith.constant 7 : i32
          %parallel_loop3A_356 = arith.andi %parallel_loop3A_260, %parallel_loop3A_355 : i32
          %parallel_loop3A_357 = arith.constant 1 : i32
          %parallel_loop3A_358 = arith.index_cast %parallel_loop3A_357 : i32 to index
          %parallel_loop3A_359 = arith.index_cast %parallel_loop3A_354 : i32 to index
          %parallel_loop3A_360 = arith.index_cast %parallel_loop3A_356 : i32 to index
          %parallel_loop3A_361 = arith.constant 64 : index
          %parallel_loop3A_362 = tpu.vector_load %arg9[%parallel_loop3A_358, %parallel_loop3A_359, %parallel_loop3A_360, %parallel_loop3A_361] {strides = array<i32>} : memref<4x8x8x128xf32, #tpu.memory_space<vmem>>, vector<16xf32>,
          tpu.vector_store %arg9[%parallel_loop3A_358, %parallel_loop3A_359, %parallel_loop3A_360, %parallel_loop3A_361], %parallel_loop3A_352 {strides = array<i32>} : memref<4x8x8x128xf32, #tpu.memory_space<vmem>>, vector<16xf32>,
          %parallel_loop3A_363 = arith.constant 80 : i32
          %parallel_loop3A_364 = vector.broadcast %parallel_loop3A_363 : i32 to vector<16xi32>
          %parallel_loop3A_365 = arith.addi %iota3A, %parallel_loop3A_364 : vector<16xi32>
          %parallel_loop3A_366 = arith.constant 1 : i32
          %parallel_loop3A_367 = arith.constant 0 : i32
          %parallel_loop3A_368 = arith.constant 0 : i32
          %parallel_loop3A_369 = tpu.memref_slice %arg8[%parallel_loop3A_366, %parallel_loop3A_367, %parallel_loop3A_368] : memref<4x128x64xf32, #tpu.memory_space<vmem>> -> memref<1x128x64xf32, #tpu.memory_space<vmem>>
          %parallel_loop3A_370 = tpu.memref_squeeze %parallel_loop3A_369 : memref<1x128x64xf32, #tpu.memory_space<vmem>> -> memref<128x64xf32, #tpu.memory_space<vmem>>
          %parallel_loop3A_371 = tpu.vector_load_idx %parallel_loop3A_370[%parallel_loop3A_365, %parallel_loop3A_261] : memref<128x64xf32, #tpu.memory_space<vmem>>[vector<16xi32>, vector<16xi32>], vector<16xf32>,
          %parallel_loop3A_372 = arith.addf %parallel_loop3A_371, %parallel_loop3A_262 : vector<16xf32>
          %parallel_loop3A_373 = arith.constant 3 : i32
          %parallel_loop3A_374 = arith.shrui %parallel_loop3A_260, %parallel_loop3A_373 : i32
          %parallel_loop3A_375 = arith.constant 7 : i32
          %parallel_loop3A_376 = arith.andi %parallel_loop3A_260, %parallel_loop3A_375 : i32
          %parallel_loop3A_377 = arith.constant 1 : i32
          %parallel_loop3A_378 = arith.index_cast %parallel_loop3A_377 : i32 to index
          %parallel_loop3A_379 = arith.index_cast %parallel_loop3A_374 : i32 to index
          %parallel_loop3A_380 = arith.index_cast %parallel_loop3A_376 : i32 to index
          %parallel_loop3A_381 = arith.constant 80 : index
          %parallel_loop3A_382 = tpu.vector_load %arg9[%parallel_loop3A_378, %parallel_loop3A_379, %parallel_loop3A_380, %parallel_loop3A_381] {strides = array<i32>} : memref<4x8x8x128xf32, #tpu.memory_space<vmem>>, vector<16xf32>,
          tpu.vector_store %arg9[%parallel_loop3A_378, %parallel_loop3A_379, %parallel_loop3A_380, %parallel_loop3A_381], %parallel_loop3A_372 {strides = array<i32>} : memref<4x8x8x128xf32, #tpu.memory_space<vmem>>, vector<16xf32>,
          %parallel_loop3A_383 = arith.constant 96 : i32
          %parallel_loop3A_384 = vector.broadcast %parallel_loop3A_383 : i32 to vector<16xi32>
          %parallel_loop3A_385 = arith.addi %iota3A, %parallel_loop3A_384 : vector<16xi32>
          %parallel_loop3A_386 = arith.constant 1 : i32
          %parallel_loop3A_387 = arith.constant 0 : i32
          %parallel_loop3A_388 = arith.constant 0 : i32
          %parallel_loop3A_389 = tpu.memref_slice %arg8[%parallel_loop3A_386, %parallel_loop3A_387, %parallel_loop3A_388] : memref<4x128x64xf32, #tpu.memory_space<vmem>> -> memref<1x128x64xf32, #tpu.memory_space<vmem>>
          %parallel_loop3A_390 = tpu.memref_squeeze %parallel_loop3A_389 : memref<1x128x64xf32, #tpu.memory_space<vmem>> -> memref<128x64xf32, #tpu.memory_space<vmem>>
          %parallel_loop3A_391 = tpu.vector_load_idx %parallel_loop3A_390[%parallel_loop3A_385, %parallel_loop3A_261] : memref<128x64xf32, #tpu.memory_space<vmem>>[vector<16xi32>, vector<16xi32>], vector<16xf32>,
          %parallel_loop3A_392 = arith.addf %parallel_loop3A_391, %parallel_loop3A_262 : vector<16xf32>
          %parallel_loop3A_393 = arith.constant 3 : i32
          %parallel_loop3A_394 = arith.shrui %parallel_loop3A_260, %parallel_loop3A_393 : i32
          %parallel_loop3A_395 = arith.constant 7 : i32
          %parallel_loop3A_396 = arith.andi %parallel_loop3A_260, %parallel_loop3A_395 : i32
          %parallel_loop3A_397 = arith.constant 1 : i32
          %parallel_loop3A_398 = arith.index_cast %parallel_loop3A_397 : i32 to index
          %parallel_loop3A_399 = arith.index_cast %parallel_loop3A_394 : i32 to index
          %parallel_loop3A_400 = arith.index_cast %parallel_loop3A_396 : i32 to index
          %parallel_loop3A_401 = arith.constant 96 : index
          %parallel_loop3A_402 = tpu.vector_load %arg9[%parallel_loop3A_398, %parallel_loop3A_399, %parallel_loop3A_400, %parallel_loop3A_401] {strides = array<i32>} : memref<4x8x8x128xf32, #tpu.memory_space<vmem>>, vector<16xf32>,
          tpu.vector_store %arg9[%parallel_loop3A_398, %parallel_loop3A_399, %parallel_loop3A_400, %parallel_loop3A_401], %parallel_loop3A_392 {strides = array<i32>} : memref<4x8x8x128xf32, #tpu.memory_space<vmem>>, vector<16xf32>,
          %parallel_loop3A_403 = arith.constant 112 : i32
          %parallel_loop3A_404 = vector.broadcast %parallel_loop3A_403 : i32 to vector<16xi32>
          %parallel_loop3A_405 = arith.addi %iota3A, %parallel_loop3A_404 : vector<16xi32>
          %parallel_loop3A_406 = arith.constant 1 : i32
          %parallel_loop3A_407 = arith.constant 0 : i32
          %parallel_loop3A_408 = arith.constant 0 : i32
          %parallel_loop3A_409 = tpu.memref_slice %arg8[%parallel_loop3A_406, %parallel_loop3A_407, %parallel_loop3A_408] : memref<4x128x64xf32, #tpu.memory_space<vmem>> -> memref<1x128x64xf32, #tpu.memory_space<vmem>>
          %parallel_loop3A_410 = tpu.memref_squeeze %parallel_loop3A_409 : memref<1x128x64xf32, #tpu.memory_space<vmem>> -> memref<128x64xf32, #tpu.memory_space<vmem>>
          %parallel_loop3A_411 = tpu.vector_load_idx %parallel_loop3A_410[%parallel_loop3A_405, %parallel_loop3A_261] : memref<128x64xf32, #tpu.memory_space<vmem>>[vector<16xi32>, vector<16xi32>], vector<16xf32>,
          %parallel_loop3A_412 = arith.addf %parallel_loop3A_411, %parallel_loop3A_262 : vector<16xf32>
          %parallel_loop3A_413 = arith.constant 3 : i32
          %parallel_loop3A_414 = arith.shrui %parallel_loop3A_260, %parallel_loop3A_413 : i32
          %parallel_loop3A_415 = arith.constant 7 : i32
          %parallel_loop3A_416 = arith.andi %parallel_loop3A_260, %parallel_loop3A_415 : i32
          %parallel_loop3A_417 = arith.constant 1 : i32
          %parallel_loop3A_418 = arith.index_cast %parallel_loop3A_417 : i32 to index
          %parallel_loop3A_419 = arith.index_cast %parallel_loop3A_414 : i32 to index
          %parallel_loop3A_420 = arith.index_cast %parallel_loop3A_416 : i32 to index
          %parallel_loop3A_421 = arith.constant 112 : index
          %parallel_loop3A_422 = tpu.vector_load %arg9[%parallel_loop3A_418, %parallel_loop3A_419, %parallel_loop3A_420, %parallel_loop3A_421] {strides = array<i32>} : memref<4x8x8x128xf32, #tpu.memory_space<vmem>>, vector<16xf32>,
          tpu.vector_store %arg9[%parallel_loop3A_418, %parallel_loop3A_419, %parallel_loop3A_420, %parallel_loop3A_421], %parallel_loop3A_412 {strides = array<i32>} : memref<4x8x8x128xf32, #tpu.memory_space<vmem>>, vector<16xf32>,
        } {sc.loop_unroll_factor = 8 : i64, sc.parallel_access}
        %dma_start3A_239 = arith.constant 1 : i32
        %dma_start3A_240 = arith.constant 0 : i32
        %dma_start3A_241 = arith.constant 0 : i32
        %dma_start3A_242 = arith.constant 0 : i32
        %dma_start3A_243 = tpu.memref_slice %arg9[%dma_start3A_239, %dma_start3A_240, %dma_start3A_241, %dma_start3A_242] : memref<4x8x8x128xf32, #tpu.memory_space<vmem>> -> memref<1x8x8x128xf32, #tpu.memory_space<vmem>>
        %dma_start3A_244 = tpu.memref_squeeze %dma_start3A_243 : memref<1x8x8x128xf32, #tpu.memory_space<vmem>> -> memref<8x8x128xf32, #tpu.memory_space<vmem>>
        %dma_start3A_245 = arith.constant 0 : i32
        %dma_start3A_246 = arith.constant 0 : i32
        %dma_start3A_247 = arith.constant 0 : i32
        %dma_start3A_248 = tpu.memref_slice %arg5[%shift_right_logical3A_223, %dma_start3A_245, %and3A_225, %dma_start3A_246, %dma_start3A_247] : memref<200x8x32x8x128xf32, #tpu.memory_space<hbm>> -> memref<1x8x1x8x128xf32, #tpu.memory_space<hbm>>
        %dma_start3A_249 = tpu.memref_squeeze %dma_start3A_248 : memref<1x8x1x8x128xf32, #tpu.memory_space<hbm>> -> memref<8x8x128xf32, #tpu.memory_space<hbm>>
        %dma_start3A_250 = arith.constant 0 : i32
        %dma_start3A_251 = arith.constant 0 : i32
        %dma_start3A_252 = arith.constant 0 : i32
        %dma_start3A_253 = tpu.memref_slice %arg5[%shift_right_logical3A_223, %dma_start3A_250, %and3A_225, %dma_start3A_251, %dma_start3A_252] : memref<200x8x32x8x128xf32, #tpu.memory_space<hbm>> -> memref<1x8x1x8x128xf32, #tpu.memory_space<hbm>>
        %dma_start3A_254 = tpu.memref_squeeze %dma_start3A_253 : memref<1x8x1x8x128xf32, #tpu.memory_space<hbm>> -> memref<8x8x128xf32, #tpu.memory_space<hbm>>
        %dma_start3A_255 = arith.constant 0 : i32
        %dma_start3A_256 = arith.constant 0 : i32
        %dma_start3A_257 = arith.constant 0 : i32
        %dma_start3A_258 = tpu.memref_slice %arg9[%dma_start3A_239, %dma_start3A_255, %dma_start3A_256, %dma_start3A_257] : memref<4x8x8x128xf32, #tpu.memory_space<vmem>> -> memref<1x8x8x128xf32, #tpu.memory_space<vmem>>
        %dma_start3A_259 = tpu.memref_squeeze %dma_start3A_258 : memref<1x8x8x128xf32, #tpu.memory_space<vmem>> -> memref<8x8x128xf32, #tpu.memory_space<vmem>>
        tpu.enqueue_dma source(%dma_start3A_259 : memref<8x8x128xf32, #tpu.memory_space<vmem>>) target(%dma_start3A_254 : memref<8x8x128xf32, #tpu.memory_space<hbm>>) target_semaphore(%arg20 : memref<!tpu.dma_semaphore, #tpu.memory_space<semaphore_mem>>)
      } else {
      }
      %mul3A_204 = arith.constant 4 : i32
      %mul3A_205 = arith.muli %scan3A_158, %mul3A_204 : i32
      %add3A_206 = arith.constant 3 : i32
      %add3A_207 = arith.addi %mul3A_205, %add3A_206 : i32
      %lt3A_208 = arith.constant 200 : i32
      %lt3A_209 = arith.cmpi slt, %add3A_207, %lt3A_208 : i32
      %convert_element_type3A_210 = arith.extui %lt3A_209 : i1 to i32
      %cond3A_211 = arith.constant 0 : i32
      %cond3A_212 = arith.cmpi ne, %convert_element_type3A_210, %cond3A_211 : i32
      scf.if %cond3A_212 {
        %add3A_221 = arith.addi %mul3A_2, %add3A_207 : i32
        %dma_wait3A_222 = arith.constant 3 : i32
        %dma_wait3A_223 = arith.constant 0 : i32
        %dma_wait3A_224 = tpu.memref_slice %arg6[%dma_wait3A_222, %dma_wait3A_223] : memref<4x128xi32, #tpu.memory_space<vmem>> -> memref<1x128xi32, #tpu.memory_space<vmem>>
        %dma_wait3A_225 = tpu.memref_squeeze %dma_wait3A_224 : memref<1x128xi32, #tpu.memory_space<vmem>> -> memref<128xi32, #tpu.memory_space<vmem>>
        %dma_wait3A_226 = arith.constant 0 : i32
        %dma_wait3A_227 = tpu.memref_slice %arg2[%add3A_221, %dma_wait3A_226] : memref<6400x128xi32, #tpu.memory_space<hbm>> -> memref<1x128xi32, #tpu.memory_space<hbm>>
        %dma_wait3A_228 = tpu.memref_squeeze %dma_wait3A_227 : memref<1x128xi32, #tpu.memory_space<hbm>> -> memref<128xi32, #tpu.memory_space<hbm>>
        %dma_wait3A_229 = arith.constant 0 : i32
        %dma_wait3A_230 = tpu.memref_slice %arg6[%dma_wait3A_222, %dma_wait3A_229] : memref<4x128xi32, #tpu.memory_space<vmem>> -> memref<1x128xi32, #tpu.memory_space<vmem>>
        %dma_wait3A_231 = tpu.memref_squeeze %dma_wait3A_230 : memref<1x128xi32, #tpu.memory_space<vmem>> -> memref<128xi32, #tpu.memory_space<vmem>>
        %dma_wait3A_232 = arith.constant 0 : i32
        %dma_wait3A_233 = tpu.memref_slice %arg2[%add3A_221, %dma_wait3A_232] : memref<6400x128xi32, #tpu.memory_space<hbm>> -> memref<1x128xi32, #tpu.memory_space<hbm>>
        %dma_wait3A_234 = tpu.memref_squeeze %dma_wait3A_233 : memref<1x128xi32, #tpu.memory_space<hbm>> -> memref<128xi32, #tpu.memory_space<hbm>>
        tpu.wait_dma2 semaphore(%arg14 : memref<!tpu.dma_semaphore, #tpu.memory_space<semaphore_mem>>) src(%dma_wait3A_234 : memref<128xi32, #tpu.memory_space<hbm>>) dst(%dma_wait3A_231 : memref<128xi32, #tpu.memory_space<vmem>>)
        %dma_start3A_235 = arith.constant 3 : i32
        %dma_start3A_236 = arith.constant 3 : i32
        %dma_start3A_237 = arith.constant 0 : i32
        %dma_start3A_238 = arith.constant 0 : i32
        %dma_start3A_239 = tpu.memref_slice %arg8[%dma_start3A_236, %dma_start3A_237, %dma_start3A_238] : memref<4x128x64xf32, #tpu.memory_space<vmem>> -> memref<1x128x64xf32, #tpu.memory_space<vmem>>
        %dma_start3A_240 = tpu.memref_squeeze %dma_start3A_239 : memref<1x128x64xf32, #tpu.memory_space<vmem>> -> memref<128x64xf32, #tpu.memory_space<vmem>>
        %dma_start3A_241 = arith.constant 0 : i32
        %dma_start3A_242 = tpu.memref_slice %arg6[%dma_start3A_235, %dma_start3A_241] : memref<4x128xi32, #tpu.memory_space<vmem>> -> memref<1x128xi32, #tpu.memory_space<vmem>>
        %dma_start3A_243 = tpu.memref_squeeze %dma_start3A_242 : memref<1x128xi32, #tpu.memory_space<vmem>> -> memref<128xi32, #tpu.memory_space<vmem>>
        %dma_start3A_244 = arith.constant 0 : i32
        %dma_start3A_245 = arith.constant 0 : i32
        %dma_start3A_246 = tpu.memref_slice %arg3[%dma_start3A_244, %dma_start3A_245] : memref<1000000x64xf32, #tpu.memory_space<hbm>> -> memref<1000000x64xf32, #tpu.memory_space<hbm>>
        tpu.enqueue_indirect_dma source(%dma_start3A_246 : memref<1000000x64xf32, #tpu.memory_space<hbm>>) target(%dma_start3A_240 : memref<128x64xf32, #tpu.memory_space<vmem>>) offsets(%dma_start3A_243 : memref<128xi32, #tpu.memory_space<vmem>>) semaphore(%arg18 : memref<!tpu.dma_semaphore, #tpu.memory_space<semaphore_mem>>)
        %add3A_247 = arith.constant 4 : i32
        %add3A_248 = arith.addi %add3A_207, %add3A_247 : i32
        %lt3A_249 = arith.constant 200 : i32
        %lt3A_250 = arith.cmpi slt, %add3A_248, %lt3A_249 : i32
        %convert_element_type3A_251 = arith.extui %lt3A_250 : i1 to i32
        %cond3A_252 = arith.constant 0 : i32
        %cond3A_253 = arith.cmpi ne, %convert_element_type3A_251, %cond3A_252 : i32
        scf.if %cond3A_253 {
          %add3A_254 = arith.constant 4 : i32
          %add3A_255 = arith.addi %add3A_207, %add3A_254 : i32
          %add3A_256 = arith.addi %mul3A_2, %add3A_255 : i32
          %dma_start3A_257 = arith.constant 3 : i32
          %dma_start3A_258 = arith.constant 0 : i32
          %dma_start3A_259 = tpu.memref_slice %arg6[%dma_start3A_257, %dma_start3A_258] : memref<4x128xi32, #tpu.memory_space<vmem>> -> memref<1x128xi32, #tpu.memory_space<vmem>>
          %dma_start3A_260 = tpu.memref_squeeze %dma_start3A_259 : memref<1x128xi32, #tpu.memory_space<vmem>> -> memref<128xi32, #tpu.memory_space<vmem>>
          %dma_start3A_261 = arith.constant 0 : i32
          %dma_start3A_262 = tpu.memref_slice %arg2[%add3A_256, %dma_start3A_261] : memref<6400x128xi32, #tpu.memory_space<hbm>> -> memref<1x128xi32, #tpu.memory_space<hbm>>
          %dma_start3A_263 = tpu.memref_squeeze %dma_start3A_262 : memref<1x128xi32, #tpu.memory_space<hbm>> -> memref<128xi32, #tpu.memory_space<hbm>>
          %dma_start3A_264 = arith.constant 0 : i32
          %dma_start3A_265 = tpu.memref_slice %arg6[%dma_start3A_257, %dma_start3A_264] : memref<4x128xi32, #tpu.memory_space<vmem>> -> memref<1x128xi32, #tpu.memory_space<vmem>>
          %dma_start3A_266 = tpu.memref_squeeze %dma_start3A_265 : memref<1x128xi32, #tpu.memory_space<vmem>> -> memref<128xi32, #tpu.memory_space<vmem>>
          %dma_start3A_267 = arith.constant 0 : i32
          %dma_start3A_268 = tpu.memref_slice %arg2[%add3A_256, %dma_start3A_267] : memref<6400x128xi32, #tpu.memory_space<hbm>> -> memref<1x128xi32, #tpu.memory_space<hbm>>
          %dma_start3A_269 = tpu.memref_squeeze %dma_start3A_268 : memref<1x128xi32, #tpu.memory_space<hbm>> -> memref<128xi32, #tpu.memory_space<hbm>>
          tpu.enqueue_dma source(%dma_start3A_269 : memref<128xi32, #tpu.memory_space<hbm>>) target(%dma_start3A_266 : memref<128xi32, #tpu.memory_space<vmem>>) target_semaphore(%arg14 : memref<!tpu.dma_semaphore, #tpu.memory_space<semaphore_mem>>)
        } else {
        }
      } else {
      }
      %ge3A_213 = arith.constant 1 : i32
      %ge3A_214 = arith.cmpi sge, %add3A_207, %ge3A_213 : i32
      %le3A_215 = arith.constant 200 : i32
      %le3A_216 = arith.cmpi sle, %add3A_207, %le3A_215 : i32
      %and3A_217 = arith.andi %ge3A_214, %le3A_216 : i1
      %convert_element_type3A_218 = arith.extui %and3A_217 : i1 to i32
      %cond3A_219 = arith.constant 0 : i32
      %cond3A_220 = arith.cmpi ne, %convert_element_type3A_218, %cond3A_219 : i32
      scf.if %cond3A_220 {
        %add3A_221 = arith.addi %mul3A_2, %add3A_207 : i32
        %sub3A = arith.constant 1 : i32
        %sub3A_222 = arith.subi %add3A_221, %sub3A : i32
        %shift_right_logical3A = arith.constant 5 : i32
        %shift_right_logical3A_223 = arith.shrui %sub3A_222, %shift_right_logical3A : i32
        %and3A_224 = arith.constant 31 : i32
        %and3A_225 = arith.andi %sub3A_222, %and3A_224 : i32
        %dma_wait3A_226 = arith.constant 0 : i32
        %dma_wait3A_227 = arith.constant 0 : i32
        %dma_wait3A_228 = tpu.memref_slice %arg2[%dma_wait3A_226, %dma_wait3A_227] : memref<6400x128xi32, #tpu.memory_space<hbm>> -> memref<64x128xi32, #tpu.memory_space<hbm>>
        %dma_wait3A_229 = arith.constant 0 : i32
        %dma_wait3A_230 = arith.constant 0 : i32
        %dma_wait3A_231 = tpu.memref_slice %arg2[%dma_wait3A_229, %dma_wait3A_230] : memref<6400x128xi32, #tpu.memory_space<hbm>> -> memref<64x128xi32, #tpu.memory_space<hbm>>
        tpu.wait_dma2 semaphore(%arg17 : memref<!tpu.dma_semaphore, #tpu.memory_space<semaphore_mem>>) src(%dma_wait3A_231 : memref<64x128xi32, #tpu.memory_space<hbm>>) dst(%arg10 : memref<64x128xi32, #tpu.memory_space<vmem>>)
        %ge3A_232 = arith.constant 5 : i32
        %ge3A_233 = arith.cmpi sge, %add3A_207, %ge3A_232 : i32
        %convert_element_type3A_234 = arith.extui %ge3A_233 : i1 to i32
        %cond3A_235 = arith.constant 0 : i32
        %cond3A_236 = arith.cmpi ne, %convert_element_type3A_234, %cond3A_235 : i32
        scf.if %cond3A_236 {
          %dma_wait3A_260 = arith.constant 2 : i32
          %dma_wait3A_261 = arith.constant 0 : i32
          %dma_wait3A_262 = arith.constant 0 : i32
          %dma_wait3A_263 = arith.constant 0 : i32
          %dma_wait3A_264 = arith.constant 0 : i32
          %dma_wait3A_265 = arith.constant 0 : i32
          %dma_wait3A_266 = tpu.memref_slice %arg9[%dma_wait3A_260, %dma_wait3A_263, %dma_wait3A_264, %dma_wait3A_265] : memref<4x8x8x128xf32, #tpu.memory_space<vmem>> -> memref<1x8x8x128xf32, #tpu.memory_space<vmem>>
          %dma_wait3A_267 = tpu.memref_squeeze %dma_wait3A_266 : memref<1x8x8x128xf32, #tpu.memory_space<vmem>> -> memref<8x8x128xf32, #tpu.memory_space<vmem>>
          %dma_wait3A_268 = arith.constant 0 : i32
          %dma_wait3A_269 = arith.constant 0 : i32
          %dma_wait3A_270 = arith.constant 0 : i32
          %dma_wait3A_271 = tpu.memref_slice %arg5[%dma_wait3A_261, %dma_wait3A_268, %dma_wait3A_262, %dma_wait3A_269, %dma_wait3A_270] : memref<200x8x32x8x128xf32, #tpu.memory_space<hbm>> -> memref<1x8x1x8x128xf32, #tpu.memory_space<hbm>>
          %dma_wait3A_272 = tpu.memref_squeeze %dma_wait3A_271 : memref<1x8x1x8x128xf32, #tpu.memory_space<hbm>> -> memref<8x8x128xf32, #tpu.memory_space<hbm>>
          %dma_wait3A_273 = arith.constant 0 : i32
          %dma_wait3A_274 = arith.constant 0 : i32
          %dma_wait3A_275 = arith.constant 0 : i32
          %dma_wait3A_276 = tpu.memref_slice %arg5[%dma_wait3A_261, %dma_wait3A_273, %dma_wait3A_262, %dma_wait3A_274, %dma_wait3A_275] : memref<200x8x32x8x128xf32, #tpu.memory_space<hbm>> -> memref<1x8x1x8x128xf32, #tpu.memory_space<hbm>>
          %dma_wait3A_277 = tpu.memref_squeeze %dma_wait3A_276 : memref<1x8x1x8x128xf32, #tpu.memory_space<hbm>> -> memref<8x8x128xf32, #tpu.memory_space<hbm>>
          %dma_wait3A_278 = arith.constant 0 : i32
          %dma_wait3A_279 = arith.constant 0 : i32
          %dma_wait3A_280 = arith.constant 0 : i32
          %dma_wait3A_281 = tpu.memref_slice %arg9[%dma_wait3A_260, %dma_wait3A_278, %dma_wait3A_279, %dma_wait3A_280] : memref<4x8x8x128xf32, #tpu.memory_space<vmem>> -> memref<1x8x8x128xf32, #tpu.memory_space<vmem>>
          %dma_wait3A_282 = tpu.memref_squeeze %dma_wait3A_281 : memref<1x8x8x128xf32, #tpu.memory_space<vmem>> -> memref<8x8x128xf32, #tpu.memory_space<vmem>>
          tpu.wait_dma2 semaphore(%arg21 : memref<!tpu.dma_semaphore, #tpu.memory_space<semaphore_mem>>) src(%dma_wait3A_282 : memref<8x8x128xf32, #tpu.memory_space<vmem>>) dst(%dma_wait3A_277 : memref<8x8x128xf32, #tpu.memory_space<hbm>>)
        } else {
        }
        %broadcast_in_dim3A = vector.broadcast %shift_right_logical3A_223 : i32 to vector<16xi32>
        %parallel_loop3A = arith.constant 0 : i32
        %parallel_loop3A_237 = arith.constant 64 : i32
        %parallel_loop3A_238 = arith.constant 1 : i32
        scf.for %parallel_loop3A_260 = %parallel_loop3A to %parallel_loop3A_237 step %parallel_loop3A_238  : i32 {
          %parallel_loop3A_261 = vector.broadcast %parallel_loop3A_260 : i32 to vector<16xi32>
          %parallel_loop3A_262 = tpu.vector_load_idx %arg7[%broadcast_in_dim3A, %parallel_loop3A_261] : memref<200x64xf32, #tpu.memory_space<vmem>>[vector<16xi32>, vector<16xi32>], vector<16xf32>,
          %parallel_loop3A_263 = arith.constant 0 : i32
          %parallel_loop3A_264 = vector.broadcast %parallel_loop3A_263 : i32 to vector<16xi32>
          %parallel_loop3A_265 = arith.addi %iota3A, %parallel_loop3A_264 : vector<16xi32>
          %parallel_loop3A_266 = arith.constant 2 : i32
          %parallel_loop3A_267 = arith.constant 0 : i32
          %parallel_loop3A_268 = arith.constant 0 : i32
          %parallel_loop3A_269 = tpu.memref_slice %arg8[%parallel_loop3A_266, %parallel_loop3A_267, %parallel_loop3A_268] : memref<4x128x64xf32, #tpu.memory_space<vmem>> -> memref<1x128x64xf32, #tpu.memory_space<vmem>>
          %parallel_loop3A_270 = tpu.memref_squeeze %parallel_loop3A_269 : memref<1x128x64xf32, #tpu.memory_space<vmem>> -> memref<128x64xf32, #tpu.memory_space<vmem>>
          %parallel_loop3A_271 = tpu.vector_load_idx %parallel_loop3A_270[%parallel_loop3A_265, %parallel_loop3A_261] : memref<128x64xf32, #tpu.memory_space<vmem>>[vector<16xi32>, vector<16xi32>], vector<16xf32>,
          %parallel_loop3A_272 = arith.addf %parallel_loop3A_271, %parallel_loop3A_262 : vector<16xf32>
          %parallel_loop3A_273 = arith.constant 3 : i32
          %parallel_loop3A_274 = arith.shrui %parallel_loop3A_260, %parallel_loop3A_273 : i32
          %parallel_loop3A_275 = arith.constant 7 : i32
          %parallel_loop3A_276 = arith.andi %parallel_loop3A_260, %parallel_loop3A_275 : i32
          %parallel_loop3A_277 = arith.constant 2 : i32
          %parallel_loop3A_278 = arith.index_cast %parallel_loop3A_277 : i32 to index
          %parallel_loop3A_279 = arith.index_cast %parallel_loop3A_274 : i32 to index
          %parallel_loop3A_280 = arith.index_cast %parallel_loop3A_276 : i32 to index
          %parallel_loop3A_281 = arith.constant 0 : index
          %parallel_loop3A_282 = tpu.vector_load %arg9[%parallel_loop3A_278, %parallel_loop3A_279, %parallel_loop3A_280, %parallel_loop3A_281] {strides = array<i32>} : memref<4x8x8x128xf32, #tpu.memory_space<vmem>>, vector<16xf32>,
          tpu.vector_store %arg9[%parallel_loop3A_278, %parallel_loop3A_279, %parallel_loop3A_280, %parallel_loop3A_281], %parallel_loop3A_272 {strides = array<i32>} : memref<4x8x8x128xf32, #tpu.memory_space<vmem>>, vector<16xf32>,
          %parallel_loop3A_283 = arith.constant 16 : i32
          %parallel_loop3A_284 = vector.broadcast %parallel_loop3A_283 : i32 to vector<16xi32>
          %parallel_loop3A_285 = arith.addi %iota3A, %parallel_loop3A_284 : vector<16xi32>
          %parallel_loop3A_286 = arith.constant 2 : i32
          %parallel_loop3A_287 = arith.constant 0 : i32
          %parallel_loop3A_288 = arith.constant 0 : i32
          %parallel_loop3A_289 = tpu.memref_slice %arg8[%parallel_loop3A_286, %parallel_loop3A_287, %parallel_loop3A_288] : memref<4x128x64xf32, #tpu.memory_space<vmem>> -> memref<1x128x64xf32, #tpu.memory_space<vmem>>
          %parallel_loop3A_290 = tpu.memref_squeeze %parallel_loop3A_289 : memref<1x128x64xf32, #tpu.memory_space<vmem>> -> memref<128x64xf32, #tpu.memory_space<vmem>>
          %parallel_loop3A_291 = tpu.vector_load_idx %parallel_loop3A_290[%parallel_loop3A_285, %parallel_loop3A_261] : memref<128x64xf32, #tpu.memory_space<vmem>>[vector<16xi32>, vector<16xi32>], vector<16xf32>,
          %parallel_loop3A_292 = arith.addf %parallel_loop3A_291, %parallel_loop3A_262 : vector<16xf32>
          %parallel_loop3A_293 = arith.constant 3 : i32
          %parallel_loop3A_294 = arith.shrui %parallel_loop3A_260, %parallel_loop3A_293 : i32
          %parallel_loop3A_295 = arith.constant 7 : i32
          %parallel_loop3A_296 = arith.andi %parallel_loop3A_260, %parallel_loop3A_295 : i32
          %parallel_loop3A_297 = arith.constant 2 : i32
          %parallel_loop3A_298 = arith.index_cast %parallel_loop3A_297 : i32 to index
          %parallel_loop3A_299 = arith.index_cast %parallel_loop3A_294 : i32 to index
          %parallel_loop3A_300 = arith.index_cast %parallel_loop3A_296 : i32 to index
          %parallel_loop3A_301 = arith.constant 16 : index
          %parallel_loop3A_302 = tpu.vector_load %arg9[%parallel_loop3A_298, %parallel_loop3A_299, %parallel_loop3A_300, %parallel_loop3A_301] {strides = array<i32>} : memref<4x8x8x128xf32, #tpu.memory_space<vmem>>, vector<16xf32>,
          tpu.vector_store %arg9[%parallel_loop3A_298, %parallel_loop3A_299, %parallel_loop3A_300, %parallel_loop3A_301], %parallel_loop3A_292 {strides = array<i32>} : memref<4x8x8x128xf32, #tpu.memory_space<vmem>>, vector<16xf32>,
          %parallel_loop3A_303 = arith.constant 32 : i32
          %parallel_loop3A_304 = vector.broadcast %parallel_loop3A_303 : i32 to vector<16xi32>
          %parallel_loop3A_305 = arith.addi %iota3A, %parallel_loop3A_304 : vector<16xi32>
          %parallel_loop3A_306 = arith.constant 2 : i32
          %parallel_loop3A_307 = arith.constant 0 : i32
          %parallel_loop3A_308 = arith.constant 0 : i32
          %parallel_loop3A_309 = tpu.memref_slice %arg8[%parallel_loop3A_306, %parallel_loop3A_307, %parallel_loop3A_308] : memref<4x128x64xf32, #tpu.memory_space<vmem>> -> memref<1x128x64xf32, #tpu.memory_space<vmem>>
          %parallel_loop3A_310 = tpu.memref_squeeze %parallel_loop3A_309 : memref<1x128x64xf32, #tpu.memory_space<vmem>> -> memref<128x64xf32, #tpu.memory_space<vmem>>
          %parallel_loop3A_311 = tpu.vector_load_idx %parallel_loop3A_310[%parallel_loop3A_305, %parallel_loop3A_261] : memref<128x64xf32, #tpu.memory_space<vmem>>[vector<16xi32>, vector<16xi32>], vector<16xf32>,
          %parallel_loop3A_312 = arith.addf %parallel_loop3A_311, %parallel_loop3A_262 : vector<16xf32>
          %parallel_loop3A_313 = arith.constant 3 : i32
          %parallel_loop3A_314 = arith.shrui %parallel_loop3A_260, %parallel_loop3A_313 : i32
          %parallel_loop3A_315 = arith.constant 7 : i32
          %parallel_loop3A_316 = arith.andi %parallel_loop3A_260, %parallel_loop3A_315 : i32
          %parallel_loop3A_317 = arith.constant 2 : i32
          %parallel_loop3A_318 = arith.index_cast %parallel_loop3A_317 : i32 to index
          %parallel_loop3A_319 = arith.index_cast %parallel_loop3A_314 : i32 to index
          %parallel_loop3A_320 = arith.index_cast %parallel_loop3A_316 : i32 to index
          %parallel_loop3A_321 = arith.constant 32 : index
          %parallel_loop3A_322 = tpu.vector_load %arg9[%parallel_loop3A_318, %parallel_loop3A_319, %parallel_loop3A_320, %parallel_loop3A_321] {strides = array<i32>} : memref<4x8x8x128xf32, #tpu.memory_space<vmem>>, vector<16xf32>,
          tpu.vector_store %arg9[%parallel_loop3A_318, %parallel_loop3A_319, %parallel_loop3A_320, %parallel_loop3A_321], %parallel_loop3A_312 {strides = array<i32>} : memref<4x8x8x128xf32, #tpu.memory_space<vmem>>, vector<16xf32>,
          %parallel_loop3A_323 = arith.constant 48 : i32
          %parallel_loop3A_324 = vector.broadcast %parallel_loop3A_323 : i32 to vector<16xi32>
          %parallel_loop3A_325 = arith.addi %iota3A, %parallel_loop3A_324 : vector<16xi32>
          %parallel_loop3A_326 = arith.constant 2 : i32
          %parallel_loop3A_327 = arith.constant 0 : i32
          %parallel_loop3A_328 = arith.constant 0 : i32
          %parallel_loop3A_329 = tpu.memref_slice %arg8[%parallel_loop3A_326, %parallel_loop3A_327, %parallel_loop3A_328] : memref<4x128x64xf32, #tpu.memory_space<vmem>> -> memref<1x128x64xf32, #tpu.memory_space<vmem>>
          %parallel_loop3A_330 = tpu.memref_squeeze %parallel_loop3A_329 : memref<1x128x64xf32, #tpu.memory_space<vmem>> -> memref<128x64xf32, #tpu.memory_space<vmem>>
          %parallel_loop3A_331 = tpu.vector_load_idx %parallel_loop3A_330[%parallel_loop3A_325, %parallel_loop3A_261] : memref<128x64xf32, #tpu.memory_space<vmem>>[vector<16xi32>, vector<16xi32>], vector<16xf32>,
          %parallel_loop3A_332 = arith.addf %parallel_loop3A_331, %parallel_loop3A_262 : vector<16xf32>
          %parallel_loop3A_333 = arith.constant 3 : i32
          %parallel_loop3A_334 = arith.shrui %parallel_loop3A_260, %parallel_loop3A_333 : i32
          %parallel_loop3A_335 = arith.constant 7 : i32
          %parallel_loop3A_336 = arith.andi %parallel_loop3A_260, %parallel_loop3A_335 : i32
          %parallel_loop3A_337 = arith.constant 2 : i32
          %parallel_loop3A_338 = arith.index_cast %parallel_loop3A_337 : i32 to index
          %parallel_loop3A_339 = arith.index_cast %parallel_loop3A_334 : i32 to index
          %parallel_loop3A_340 = arith.index_cast %parallel_loop3A_336 : i32 to index
          %parallel_loop3A_341 = arith.constant 48 : index
          %parallel_loop3A_342 = tpu.vector_load %arg9[%parallel_loop3A_338, %parallel_loop3A_339, %parallel_loop3A_340, %parallel_loop3A_341] {strides = array<i32>} : memref<4x8x8x128xf32, #tpu.memory_space<vmem>>, vector<16xf32>,
          tpu.vector_store %arg9[%parallel_loop3A_338, %parallel_loop3A_339, %parallel_loop3A_340, %parallel_loop3A_341], %parallel_loop3A_332 {strides = array<i32>} : memref<4x8x8x128xf32, #tpu.memory_space<vmem>>, vector<16xf32>,
          %parallel_loop3A_343 = arith.constant 64 : i32
          %parallel_loop3A_344 = vector.broadcast %parallel_loop3A_343 : i32 to vector<16xi32>
          %parallel_loop3A_345 = arith.addi %iota3A, %parallel_loop3A_344 : vector<16xi32>
          %parallel_loop3A_346 = arith.constant 2 : i32
          %parallel_loop3A_347 = arith.constant 0 : i32
          %parallel_loop3A_348 = arith.constant 0 : i32
          %parallel_loop3A_349 = tpu.memref_slice %arg8[%parallel_loop3A_346, %parallel_loop3A_347, %parallel_loop3A_348] : memref<4x128x64xf32, #tpu.memory_space<vmem>> -> memref<1x128x64xf32, #tpu.memory_space<vmem>>
          %parallel_loop3A_350 = tpu.memref_squeeze %parallel_loop3A_349 : memref<1x128x64xf32, #tpu.memory_space<vmem>> -> memref<128x64xf32, #tpu.memory_space<vmem>>
          %parallel_loop3A_351 = tpu.vector_load_idx %parallel_loop3A_350[%parallel_loop3A_345, %parallel_loop3A_261] : memref<128x64xf32, #tpu.memory_space<vmem>>[vector<16xi32>, vector<16xi32>], vector<16xf32>,
          %parallel_loop3A_352 = arith.addf %parallel_loop3A_351, %parallel_loop3A_262 : vector<16xf32>
          %parallel_loop3A_353 = arith.constant 3 : i32
          %parallel_loop3A_354 = arith.shrui %parallel_loop3A_260, %parallel_loop3A_353 : i32
          %parallel_loop3A_355 = arith.constant 7 : i32
          %parallel_loop3A_356 = arith.andi %parallel_loop3A_260, %parallel_loop3A_355 : i32
          %parallel_loop3A_357 = arith.constant 2 : i32
          %parallel_loop3A_358 = arith.index_cast %parallel_loop3A_357 : i32 to index
          %parallel_loop3A_359 = arith.index_cast %parallel_loop3A_354 : i32 to index
          %parallel_loop3A_360 = arith.index_cast %parallel_loop3A_356 : i32 to index
          %parallel_loop3A_361 = arith.constant 64 : index
          %parallel_loop3A_362 = tpu.vector_load %arg9[%parallel_loop3A_358, %parallel_loop3A_359, %parallel_loop3A_360, %parallel_loop3A_361] {strides = array<i32>} : memref<4x8x8x128xf32, #tpu.memory_space<vmem>>, vector<16xf32>,
          tpu.vector_store %arg9[%parallel_loop3A_358, %parallel_loop3A_359, %parallel_loop3A_360, %parallel_loop3A_361], %parallel_loop3A_352 {strides = array<i32>} : memref<4x8x8x128xf32, #tpu.memory_space<vmem>>, vector<16xf32>,
          %parallel_loop3A_363 = arith.constant 80 : i32
          %parallel_loop3A_364 = vector.broadcast %parallel_loop3A_363 : i32 to vector<16xi32>
          %parallel_loop3A_365 = arith.addi %iota3A, %parallel_loop3A_364 : vector<16xi32>
          %parallel_loop3A_366 = arith.constant 2 : i32
          %parallel_loop3A_367 = arith.constant 0 : i32
          %parallel_loop3A_368 = arith.constant 0 : i32
          %parallel_loop3A_369 = tpu.memref_slice %arg8[%parallel_loop3A_366, %parallel_loop3A_367, %parallel_loop3A_368] : memref<4x128x64xf32, #tpu.memory_space<vmem>> -> memref<1x128x64xf32, #tpu.memory_space<vmem>>
          %parallel_loop3A_370 = tpu.memref_squeeze %parallel_loop3A_369 : memref<1x128x64xf32, #tpu.memory_space<vmem>> -> memref<128x64xf32, #tpu.memory_space<vmem>>
          %parallel_loop3A_371 = tpu.vector_load_idx %parallel_loop3A_370[%parallel_loop3A_365, %parallel_loop3A_261] : memref<128x64xf32, #tpu.memory_space<vmem>>[vector<16xi32>, vector<16xi32>], vector<16xf32>,
          %parallel_loop3A_372 = arith.addf %parallel_loop3A_371, %parallel_loop3A_262 : vector<16xf32>
          %parallel_loop3A_373 = arith.constant 3 : i32
          %parallel_loop3A_374 = arith.shrui %parallel_loop3A_260, %parallel_loop3A_373 : i32
          %parallel_loop3A_375 = arith.constant 7 : i32
          %parallel_loop3A_376 = arith.andi %parallel_loop3A_260, %parallel_loop3A_375 : i32
          %parallel_loop3A_377 = arith.constant 2 : i32
          %parallel_loop3A_378 = arith.index_cast %parallel_loop3A_377 : i32 to index
          %parallel_loop3A_379 = arith.index_cast %parallel_loop3A_374 : i32 to index
          %parallel_loop3A_380 = arith.index_cast %parallel_loop3A_376 : i32 to index
          %parallel_loop3A_381 = arith.constant 80 : index
          %parallel_loop3A_382 = tpu.vector_load %arg9[%parallel_loop3A_378, %parallel_loop3A_379, %parallel_loop3A_380, %parallel_loop3A_381] {strides = array<i32>} : memref<4x8x8x128xf32, #tpu.memory_space<vmem>>, vector<16xf32>,
          tpu.vector_store %arg9[%parallel_loop3A_378, %parallel_loop3A_379, %parallel_loop3A_380, %parallel_loop3A_381], %parallel_loop3A_372 {strides = array<i32>} : memref<4x8x8x128xf32, #tpu.memory_space<vmem>>, vector<16xf32>,
          %parallel_loop3A_383 = arith.constant 96 : i32
          %parallel_loop3A_384 = vector.broadcast %parallel_loop3A_383 : i32 to vector<16xi32>
          %parallel_loop3A_385 = arith.addi %iota3A, %parallel_loop3A_384 : vector<16xi32>
          %parallel_loop3A_386 = arith.constant 2 : i32
          %parallel_loop3A_387 = arith.constant 0 : i32
          %parallel_loop3A_388 = arith.constant 0 : i32
          %parallel_loop3A_389 = tpu.memref_slice %arg8[%parallel_loop3A_386, %parallel_loop3A_387, %parallel_loop3A_388] : memref<4x128x64xf32, #tpu.memory_space<vmem>> -> memref<1x128x64xf32, #tpu.memory_space<vmem>>
          %parallel_loop3A_390 = tpu.memref_squeeze %parallel_loop3A_389 : memref<1x128x64xf32, #tpu.memory_space<vmem>> -> memref<128x64xf32, #tpu.memory_space<vmem>>
          %parallel_loop3A_391 = tpu.vector_load_idx %parallel_loop3A_390[%parallel_loop3A_385, %parallel_loop3A_261] : memref<128x64xf32, #tpu.memory_space<vmem>>[vector<16xi32>, vector<16xi32>], vector<16xf32>,
          %parallel_loop3A_392 = arith.addf %parallel_loop3A_391, %parallel_loop3A_262 : vector<16xf32>
          %parallel_loop3A_393 = arith.constant 3 : i32
          %parallel_loop3A_394 = arith.shrui %parallel_loop3A_260, %parallel_loop3A_393 : i32
          %parallel_loop3A_395 = arith.constant 7 : i32
          %parallel_loop3A_396 = arith.andi %parallel_loop3A_260, %parallel_loop3A_395 : i32
          %parallel_loop3A_397 = arith.constant 2 : i32
          %parallel_loop3A_398 = arith.index_cast %parallel_loop3A_397 : i32 to index
          %parallel_loop3A_399 = arith.index_cast %parallel_loop3A_394 : i32 to index
          %parallel_loop3A_400 = arith.index_cast %parallel_loop3A_396 : i32 to index
          %parallel_loop3A_401 = arith.constant 96 : index
          %parallel_loop3A_402 = tpu.vector_load %arg9[%parallel_loop3A_398, %parallel_loop3A_399, %parallel_loop3A_400, %parallel_loop3A_401] {strides = array<i32>} : memref<4x8x8x128xf32, #tpu.memory_space<vmem>>, vector<16xf32>,
          tpu.vector_store %arg9[%parallel_loop3A_398, %parallel_loop3A_399, %parallel_loop3A_400, %parallel_loop3A_401], %parallel_loop3A_392 {strides = array<i32>} : memref<4x8x8x128xf32, #tpu.memory_space<vmem>>, vector<16xf32>,
          %parallel_loop3A_403 = arith.constant 112 : i32
          %parallel_loop3A_404 = vector.broadcast %parallel_loop3A_403 : i32 to vector<16xi32>
          %parallel_loop3A_405 = arith.addi %iota3A, %parallel_loop3A_404 : vector<16xi32>
          %parallel_loop3A_406 = arith.constant 2 : i32
          %parallel_loop3A_407 = arith.constant 0 : i32
          %parallel_loop3A_408 = arith.constant 0 : i32
          %parallel_loop3A_409 = tpu.memref_slice %arg8[%parallel_loop3A_406, %parallel_loop3A_407, %parallel_loop3A_408] : memref<4x128x64xf32, #tpu.memory_space<vmem>> -> memref<1x128x64xf32, #tpu.memory_space<vmem>>
          %parallel_loop3A_410 = tpu.memref_squeeze %parallel_loop3A_409 : memref<1x128x64xf32, #tpu.memory_space<vmem>> -> memref<128x64xf32, #tpu.memory_space<vmem>>
          %parallel_loop3A_411 = tpu.vector_load_idx %parallel_loop3A_410[%parallel_loop3A_405, %parallel_loop3A_261] : memref<128x64xf32, #tpu.memory_space<vmem>>[vector<16xi32>, vector<16xi32>], vector<16xf32>,
          %parallel_loop3A_412 = arith.addf %parallel_loop3A_411, %parallel_loop3A_262 : vector<16xf32>
          %parallel_loop3A_413 = arith.constant 3 : i32
          %parallel_loop3A_414 = arith.shrui %parallel_loop3A_260, %parallel_loop3A_413 : i32
          %parallel_loop3A_415 = arith.constant 7 : i32
          %parallel_loop3A_416 = arith.andi %parallel_loop3A_260, %parallel_loop3A_415 : i32
          %parallel_loop3A_417 = arith.constant 2 : i32
          %parallel_loop3A_418 = arith.index_cast %parallel_loop3A_417 : i32 to index
          %parallel_loop3A_419 = arith.index_cast %parallel_loop3A_414 : i32 to index
          %parallel_loop3A_420 = arith.index_cast %parallel_loop3A_416 : i32 to index
          %parallel_loop3A_421 = arith.constant 112 : index
          %parallel_loop3A_422 = tpu.vector_load %arg9[%parallel_loop3A_418, %parallel_loop3A_419, %parallel_loop3A_420, %parallel_loop3A_421] {strides = array<i32>} : memref<4x8x8x128xf32, #tpu.memory_space<vmem>>, vector<16xf32>,
          tpu.vector_store %arg9[%parallel_loop3A_418, %parallel_loop3A_419, %parallel_loop3A_420, %parallel_loop3A_421], %parallel_loop3A_412 {strides = array<i32>} : memref<4x8x8x128xf32, #tpu.memory_space<vmem>>, vector<16xf32>,
        } {sc.loop_unroll_factor = 8 : i64, sc.parallel_access}
        %dma_start3A_239 = arith.constant 2 : i32
        %dma_start3A_240 = arith.constant 0 : i32
        %dma_start3A_241 = arith.constant 0 : i32
        %dma_start3A_242 = arith.constant 0 : i32
        %dma_start3A_243 = tpu.memref_slice %arg9[%dma_start3A_239, %dma_start3A_240, %dma_start3A_241, %dma_start3A_242] : memref<4x8x8x128xf32, #tpu.memory_space<vmem>> -> memref<1x8x8x128xf32, #tpu.memory_space<vmem>>
        %dma_start3A_244 = tpu.memref_squeeze %dma_start3A_243 : memref<1x8x8x128xf32, #tpu.memory_space<vmem>> -> memref<8x8x128xf32, #tpu.memory_space<vmem>>
        %dma_start3A_245 = arith.constant 0 : i32
        %dma_start3A_246 = arith.constant 0 : i32
        %dma_start3A_247 = arith.constant 0 : i32
        %dma_start3A_248 = tpu.memref_slice %arg5[%shift_right_logical3A_223, %dma_start3A_245, %and3A_225, %dma_start3A_246, %dma_start3A_247] : memref<200x8x32x8x128xf32, #tpu.memory_space<hbm>> -> memref<1x8x1x8x128xf32, #tpu.memory_space<hbm>>
        %dma_start3A_249 = tpu.memref_squeeze %dma_start3A_248 : memref<1x8x1x8x128xf32, #tpu.memory_space<hbm>> -> memref<8x8x128xf32, #tpu.memory_space<hbm>>
        %dma_start3A_250 = arith.constant 0 : i32
        %dma_start3A_251 = arith.constant 0 : i32
        %dma_start3A_252 = arith.constant 0 : i32
        %dma_start3A_253 = tpu.memref_slice %arg5[%shift_right_logical3A_223, %dma_start3A_250, %and3A_225, %dma_start3A_251, %dma_start3A_252] : memref<200x8x32x8x128xf32, #tpu.memory_space<hbm>> -> memref<1x8x1x8x128xf32, #tpu.memory_space<hbm>>
        %dma_start3A_254 = tpu.memref_squeeze %dma_start3A_253 : memref<1x8x1x8x128xf32, #tpu.memory_space<hbm>> -> memref<8x8x128xf32, #tpu.memory_space<hbm>>
        %dma_start3A_255 = arith.constant 0 : i32
        %dma_start3A_256 = arith.constant 0 : i32
        %dma_start3A_257 = arith.constant 0 : i32
        %dma_start3A_258 = tpu.memref_slice %arg9[%dma_start3A_239, %dma_start3A_255, %dma_start3A_256, %dma_start3A_257] : memref<4x8x8x128xf32, #tpu.memory_space<vmem>> -> memref<1x8x8x128xf32, #tpu.memory_space<vmem>>
        %dma_start3A_259 = tpu.memref_squeeze %dma_start3A_258 : memref<1x8x8x128xf32, #tpu.memory_space<vmem>> -> memref<8x8x128xf32, #tpu.memory_space<vmem>>
        tpu.enqueue_dma source(%dma_start3A_259 : memref<8x8x128xf32, #tpu.memory_space<vmem>>) target(%dma_start3A_254 : memref<8x8x128xf32, #tpu.memory_space<hbm>>) target_semaphore(%arg21 : memref<!tpu.dma_semaphore, #tpu.memory_space<semaphore_mem>>)
      } else {
      }
    }
    %scan3A_66 = arith.constant 51 : i32
    %dma_wait3A = arith.constant 0 : i32
    %dma_wait3A_67 = arith.constant 0 : i32
    %dma_wait3A_68 = arith.constant 0 : i32
    %dma_wait3A_69 = arith.constant 0 : i32
    %dma_wait3A_70 = arith.constant 0 : i32
    %dma_wait3A_71 = arith.constant 0 : i32
    %dma_wait3A_72 = tpu.memref_slice %arg9[%dma_wait3A, %dma_wait3A_69, %dma_wait3A_70, %dma_wait3A_71] : memref<4x8x8x128xf32, #tpu.memory_space<vmem>> -> memref<1x8x8x128xf32, #tpu.memory_space<vmem>>
    %dma_wait3A_73 = tpu.memref_squeeze %dma_wait3A_72 : memref<1x8x8x128xf32, #tpu.memory_space<vmem>> -> memref<8x8x128xf32, #tpu.memory_space<vmem>>
    %dma_wait3A_74 = arith.constant 0 : i32
    %dma_wait3A_75 = arith.constant 0 : i32
    %dma_wait3A_76 = arith.constant 0 : i32
    %dma_wait3A_77 = tpu.memref_slice %arg5[%dma_wait3A_67, %dma_wait3A_74, %dma_wait3A_68, %dma_wait3A_75, %dma_wait3A_76] : memref<200x8x32x8x128xf32, #tpu.memory_space<hbm>> -> memref<1x8x1x8x128xf32, #tpu.memory_space<hbm>>
    %dma_wait3A_78 = tpu.memref_squeeze %dma_wait3A_77 : memref<1x8x1x8x128xf32, #tpu.memory_space<hbm>> -> memref<8x8x128xf32, #tpu.memory_space<hbm>>
    %dma_wait3A_79 = arith.constant 0 : i32
    %dma_wait3A_80 = arith.constant 0 : i32
    %dma_wait3A_81 = arith.constant 0 : i32
    %dma_wait3A_82 = tpu.memref_slice %arg5[%dma_wait3A_67, %dma_wait3A_79, %dma_wait3A_68, %dma_wait3A_80, %dma_wait3A_81] : memref<200x8x32x8x128xf32, #tpu.memory_space<hbm>> -> memref<1x8x1x8x128xf32, #tpu.memory_space<hbm>>
    %dma_wait3A_83 = tpu.memref_squeeze %dma_wait3A_82 : memref<1x8x1x8x128xf32, #tpu.memory_space<hbm>> -> memref<8x8x128xf32, #tpu.memory_space<hbm>>
    %dma_wait3A_84 = arith.constant 0 : i32
    %dma_wait3A_85 = arith.constant 0 : i32
    %dma_wait3A_86 = arith.constant 0 : i32
    %dma_wait3A_87 = tpu.memref_slice %arg9[%dma_wait3A, %dma_wait3A_84, %dma_wait3A_85, %dma_wait3A_86] : memref<4x8x8x128xf32, #tpu.memory_space<vmem>> -> memref<1x8x8x128xf32, #tpu.memory_space<vmem>>
    %dma_wait3A_88 = tpu.memref_squeeze %dma_wait3A_87 : memref<1x8x8x128xf32, #tpu.memory_space<vmem>> -> memref<8x8x128xf32, #tpu.memory_space<vmem>>
    tpu.wait_dma2 semaphore(%arg19 : memref<!tpu.dma_semaphore, #tpu.memory_space<semaphore_mem>>) src(%dma_wait3A_88 : memref<8x8x128xf32, #tpu.memory_space<vmem>>) dst(%dma_wait3A_83 : memref<8x8x128xf32, #tpu.memory_space<hbm>>)
    %dma_wait3A_89 = arith.constant 1 : i32
    %dma_wait3A_90 = arith.constant 0 : i32
    %dma_wait3A_91 = arith.constant 0 : i32
    %dma_wait3A_92 = arith.constant 0 : i32
    %dma_wait3A_93 = arith.constant 0 : i32
    %dma_wait3A_94 = arith.constant 0 : i32
    %dma_wait3A_95 = tpu.memref_slice %arg9[%dma_wait3A_89, %dma_wait3A_92, %dma_wait3A_93, %dma_wait3A_94] : memref<4x8x8x128xf32, #tpu.memory_space<vmem>> -> memref<1x8x8x128xf32, #tpu.memory_space<vmem>>
    %dma_wait3A_96 = tpu.memref_squeeze %dma_wait3A_95 : memref<1x8x8x128xf32, #tpu.memory_space<vmem>> -> memref<8x8x128xf32, #tpu.memory_space<vmem>>
    %dma_wait3A_97 = arith.constant 0 : i32
    %dma_wait3A_98 = arith.constant 0 : i32
    %dma_wait3A_99 = arith.constant 0 : i32
    %dma_wait3A_100 = tpu.memref_slice %arg5[%dma_wait3A_90, %dma_wait3A_97, %dma_wait3A_91, %dma_wait3A_98, %dma_wait3A_99] : memref<200x8x32x8x128xf32, #tpu.memory_space<hbm>> -> memref<1x8x1x8x128xf32, #tpu.memory_space<hbm>>
    %dma_wait3A_101 = tpu.memref_squeeze %dma_wait3A_100 : memref<1x8x1x8x128xf32, #tpu.memory_space<hbm>> -> memref<8x8x128xf32, #tpu.memory_space<hbm>>
    %dma_wait3A_102 = arith.constant 0 : i32
    %dma_wait3A_103 = arith.constant 0 : i32
    %dma_wait3A_104 = arith.constant 0 : i32
    %dma_wait3A_105 = tpu.memref_slice %arg5[%dma_wait3A_90, %dma_wait3A_102, %dma_wait3A_91, %dma_wait3A_103, %dma_wait3A_104] : memref<200x8x32x8x128xf32, #tpu.memory_space<hbm>> -> memref<1x8x1x8x128xf32, #tpu.memory_space<hbm>>
    %dma_wait3A_106 = tpu.memref_squeeze %dma_wait3A_105 : memref<1x8x1x8x128xf32, #tpu.memory_space<hbm>> -> memref<8x8x128xf32, #tpu.memory_space<hbm>>
    %dma_wait3A_107 = arith.constant 0 : i32
    %dma_wait3A_108 = arith.constant 0 : i32
    %dma_wait3A_109 = arith.constant 0 : i32
    %dma_wait3A_110 = tpu.memref_slice %arg9[%dma_wait3A_89, %dma_wait3A_107, %dma_wait3A_108, %dma_wait3A_109] : memref<4x8x8x128xf32, #tpu.memory_space<vmem>> -> memref<1x8x8x128xf32, #tpu.memory_space<vmem>>
    %dma_wait3A_111 = tpu.memref_squeeze %dma_wait3A_110 : memref<1x8x8x128xf32, #tpu.memory_space<vmem>> -> memref<8x8x128xf32, #tpu.memory_space<vmem>>
    tpu.wait_dma2 semaphore(%arg20 : memref<!tpu.dma_semaphore, #tpu.memory_space<semaphore_mem>>) src(%dma_wait3A_111 : memref<8x8x128xf32, #tpu.memory_space<vmem>>) dst(%dma_wait3A_106 : memref<8x8x128xf32, #tpu.memory_space<hbm>>)
    %dma_wait3A_112 = arith.constant 2 : i32
    %dma_wait3A_113 = arith.constant 0 : i32
    %dma_wait3A_114 = arith.constant 0 : i32
    %dma_wait3A_115 = arith.constant 0 : i32
    %dma_wait3A_116 = arith.constant 0 : i32
    %dma_wait3A_117 = arith.constant 0 : i32
    %dma_wait3A_118 = tpu.memref_slice %arg9[%dma_wait3A_112, %dma_wait3A_115, %dma_wait3A_116, %dma_wait3A_117] : memref<4x8x8x128xf32, #tpu.memory_space<vmem>> -> memref<1x8x8x128xf32, #tpu.memory_space<vmem>>
    %dma_wait3A_119 = tpu.memref_squeeze %dma_wait3A_118 : memref<1x8x8x128xf32, #tpu.memory_space<vmem>> -> memref<8x8x128xf32, #tpu.memory_space<vmem>>
    %dma_wait3A_120 = arith.constant 0 : i32
    %dma_wait3A_121 = arith.constant 0 : i32
    %dma_wait3A_122 = arith.constant 0 : i32
    %dma_wait3A_123 = tpu.memref_slice %arg5[%dma_wait3A_113, %dma_wait3A_120, %dma_wait3A_114, %dma_wait3A_121, %dma_wait3A_122] : memref<200x8x32x8x128xf32, #tpu.memory_space<hbm>> -> memref<1x8x1x8x128xf32, #tpu.memory_space<hbm>>
    %dma_wait3A_124 = tpu.memref_squeeze %dma_wait3A_123 : memref<1x8x1x8x128xf32, #tpu.memory_space<hbm>> -> memref<8x8x128xf32, #tpu.memory_space<hbm>>
    %dma_wait3A_125 = arith.constant 0 : i32
    %dma_wait3A_126 = arith.constant 0 : i32
    %dma_wait3A_127 = arith.constant 0 : i32
    %dma_wait3A_128 = tpu.memref_slice %arg5[%dma_wait3A_113, %dma_wait3A_125, %dma_wait3A_114, %dma_wait3A_126, %dma_wait3A_127] : memref<200x8x32x8x128xf32, #tpu.memory_space<hbm>> -> memref<1x8x1x8x128xf32, #tpu.memory_space<hbm>>
    %dma_wait3A_129 = tpu.memref_squeeze %dma_wait3A_128 : memref<1x8x1x8x128xf32, #tpu.memory_space<hbm>> -> memref<8x8x128xf32, #tpu.memory_space<hbm>>
    %dma_wait3A_130 = arith.constant 0 : i32
    %dma_wait3A_131 = arith.constant 0 : i32
    %dma_wait3A_132 = arith.constant 0 : i32
    %dma_wait3A_133 = tpu.memref_slice %arg9[%dma_wait3A_112, %dma_wait3A_130, %dma_wait3A_131, %dma_wait3A_132] : memref<4x8x8x128xf32, #tpu.memory_space<vmem>> -> memref<1x8x8x128xf32, #tpu.memory_space<vmem>>
    %dma_wait3A_134 = tpu.memref_squeeze %dma_wait3A_133 : memref<1x8x8x128xf32, #tpu.memory_space<vmem>> -> memref<8x8x128xf32, #tpu.memory_space<vmem>>
    tpu.wait_dma2 semaphore(%arg21 : memref<!tpu.dma_semaphore, #tpu.memory_space<semaphore_mem>>) src(%dma_wait3A_134 : memref<8x8x128xf32, #tpu.memory_space<vmem>>) dst(%dma_wait3A_129 : memref<8x8x128xf32, #tpu.memory_space<hbm>>)
    %dma_wait3A_135 = arith.constant 3 : i32
    %dma_wait3A_136 = arith.constant 0 : i32
    %dma_wait3A_137 = arith.constant 0 : i32
    %dma_wait3A_138 = arith.constant 0 : i32
    %dma_wait3A_139 = arith.constant 0 : i32
    %dma_wait3A_140 = arith.constant 0 : i32
    %dma_wait3A_141 = tpu.memref_slice %arg9[%dma_wait3A_135, %dma_wait3A_138, %dma_wait3A_139, %dma_wait3A_140] : memref<4x8x8x128xf32, #tpu.memory_space<vmem>> -> memref<1x8x8x128xf32, #tpu.memory_space<vmem>>
    %dma_wait3A_142 = tpu.memref_squeeze %dma_wait3A_141 : memref<1x8x8x128xf32, #tpu.memory_space<vmem>> -> memref<8x8x128xf32, #tpu.memory_space<vmem>>
    %dma_wait3A_143 = arith.constant 0 : i32
    %dma_wait3A_144 = arith.constant 0 : i32
    %dma_wait3A_145 = arith.constant 0 : i32
    %dma_wait3A_146 = tpu.memref_slice %arg5[%dma_wait3A_136, %dma_wait3A_143, %dma_wait3A_137, %dma_wait3A_144, %dma_wait3A_145] : memref<200x8x32x8x128xf32, #tpu.memory_space<hbm>> -> memref<1x8x1x8x128xf32, #tpu.memory_space<hbm>>
    %dma_wait3A_147 = tpu.memref_squeeze %dma_wait3A_146 : memref<1x8x1x8x128xf32, #tpu.memory_space<hbm>> -> memref<8x8x128xf32, #tpu.memory_space<hbm>>
    %dma_wait3A_148 = arith.constant 0 : i32
    %dma_wait3A_149 = arith.constant 0 : i32
    %dma_wait3A_150 = arith.constant 0 : i32
    %dma_wait3A_151 = tpu.memref_slice %arg5[%dma_wait3A_136, %dma_wait3A_148, %dma_wait3A_137, %dma_wait3A_149, %dma_wait3A_150] : memref<200x8x32x8x128xf32, #tpu.memory_space<hbm>> -> memref<1x8x1x8x128xf32, #tpu.memory_space<hbm>>
    %dma_wait3A_152 = tpu.memref_squeeze %dma_wait3A_151 : memref<1x8x1x8x128xf32, #tpu.memory_space<hbm>> -> memref<8x8x128xf32, #tpu.memory_space<hbm>>
    %dma_wait3A_153 = arith.constant 0 : i32
    %dma_wait3A_154 = arith.constant 0 : i32
    %dma_wait3A_155 = arith.constant 0 : i32
    %dma_wait3A_156 = tpu.memref_slice %arg9[%dma_wait3A_135, %dma_wait3A_153, %dma_wait3A_154, %dma_wait3A_155] : memref<4x8x8x128xf32, #tpu.memory_space<vmem>> -> memref<1x8x8x128xf32, #tpu.memory_space<vmem>>
    %dma_wait3A_157 = tpu.memref_squeeze %dma_wait3A_156 : memref<1x8x8x128xf32, #tpu.memory_space<vmem>> -> memref<8x8x128xf32, #tpu.memory_space<vmem>>
    tpu.wait_dma2 semaphore(%arg22 : memref<!tpu.dma_semaphore, #tpu.memory_space<semaphore_mem>>) src(%dma_wait3A_157 : memref<8x8x128xf32, #tpu.memory_space<vmem>>) dst(%dma_wait3A_152 : memref<8x8x128xf32, #tpu.memory_space<hbm>>)
    return
  }
}

</mosaic_0001>

<sc_bundles>
// kernel: kernel.3.cloned.1.call-start
scs
__scs_entry_jumppad:
0x0: {  	(pc) =	sbr.rel $0x88, $3  }
0x1: {  	(tag) =	ssettag $0x0;
	lr =	simm.s32 $0x1  }
0x2: {  	[smem:$0x3F9E] =	sst lr;
	_ =	strace $0xD0000000  }
0x3: {  	_ = 	snop  }
0x4: {  	_ = 	snop  }
0x5: {  	_ = 	snop  }
0x6: {  	_ = 	snop  }
0x7: {  	_ = 	snop  }
__scs_overlays_trampoline_lowered:
0x8: {  	[smem:$0x3FAD] =	sst s0  }
0x9: {  	[smem:$0x3FAE] =	sst s1  }
0xa: {  	[smem:$0x3FAF] =	sst s2  }
0xb: {  	[smem:$0x3FB0] =	sst s3  }
0xc: {  	[smem:$0x3FB1] =	sst s4  }
0xd: {  	[smem:$0x3FB2] =	sst s5  }
0xe: {  	[smem:$0x3FB3] =	sst s6  }
0xf: {  	[smem:$0x3FB4] =	sst s7  }
0x10: {  	[smem:$0x3FB5] =	sst s8  }
0x11: {  	[smem:$0x3FB6] =	sst s9;
	s0 =	simm.s32 @!p0 $0x0  }
0x12: {  	s1 =	sld [smem:$0x3F9C];
	s0 =	simm.s32 @p0 $0x1  }
0x13: {  	[smem:$0x3FB7] =	sst s0;
	s0 =	simm.s32 @!p1 $0x0  }
0x14: {  	s2 =	sld [smem:$0x3F9B];
	s0 =	simm.s32 @p1 $0x1  }
0x15: {  	[smem:$0x3FB8] =	sst s0;
	s0 =	simm.s32 @!p2 $0x0  }
0x16: {  	s3 =	sld [smem:$0x3FDB];
	s0 =	simm.s32 @p2 $0x1  }
0x17: {  	s4 =	simm.s32 $0x1BF5;
	[smem:$0x3FBA] =	sst s0  }
0x18: {  	s0 =	sld [smem:$0x3F9D];
	_ =	swait.ge [sflag:s4], $0x0  }
0x19: {  	s7 =	sld [smem:$0x3F9E]  }
0x1a: {  	s8 =	sadd.s32 $0xFFFFE003, lr  }
0x1b: {  	s9 =	sadd.s32 $0xFFFFFEF7, lr;
	s5 =	simm.s32 $0xFFFFFFFF;
	p2 =	slt.u32 s8, $0xFFFFF086  }
0x1c: {  	p1 =	slt.u32 s9, $0xF7A;
	s5 =	simm.s32 @!p2 $0x0  }
0x1d: {  	s5 =	simm.s32 @p1 $0x1;
	p0 =	seq.s32 s7, s2  }
0x1e: {  	s7 =	smul.u32 @!p0 $0xF7A, s2;
	p2 =	seq.s32 @!p0 s5, $0x0  }
0x1f: {  	s9 =	smul.u32 $0xF7A, s1;
	s8 =	simm.s32 @!p0 $0x1BF5;
	p2 =	por !p2, p0  }
0x20: {  	[sflag:s8] =	ssyncset.s32 @!p0 $0xFFFFF086;
	s6 =	sadd.s32 @!p0 s3, s7;
	s7 =	simm.s32 @!p0 $0x108  }
0x21: {  	s3 =	sadd.s32 s3, s9;
	s6 =	sadd.s32 @!p0 $0x88, s6;
	s7 =	simm.s32 @p2 $0x1082  }
0x22: {  	[simem:s7], [sflag:s8] =	dma.local @!p0 [hbm:s6], $0xF7A  }
0x23: {  	s9 =	sor.u32 $0xD0000000, s2;
	s6 =	simm.s32 $0x108;
	_ =	swait.ge @!p0 [sflag:s8], $0x0  }
0x24: {  	s3 =	sadd.s32 $0x88, s3;
	s6 =	simm.s32 @!p1 $0x1082;
	[sflag:s4] =	ssyncset.s32 $0xFFFFF086  }
0x25: {  	[simem:s6], [sflag:s4] =	dma.local [hbm:s3], $0xF7A  }
0x26: {  	[smem:$0x3F9E] =	sst s1;
	(tag) =	ssettag s2;
	_ =	strace s9  }
0x27: {  	s1 =	sld [smem:$0x3FAE]  }
0x28: {  	s2 =	sld [smem:$0x3FAF]  }
0x29: {  	s4 =	sld [smem:$0x3FB1]  }
0x2a: {  	p0 =	seq.s32 s5, $0x0;
	s5 =	sld [smem:$0x3FB2]  }
0x2b: {  	s6 =	sld [smem:$0x3FB3]  }
0x2c: {  	s7 =	sld [smem:$0x3FB4]  }
0x2d: {  	s3 =	simm.s32 $0x108;
	s8 =	sld [smem:$0x3FB5]  }
0x2e: {  	s3 =	simm.s32 @!p0 $0x1082;
	s9 =	sld [smem:$0x3FB6]  }
0x2f: {  	lr =	sadd.s32 s0, s3;
	s0 =	sld [smem:$0x3FAD]  }
0x30: {  	s3 =	sld [smem:$0x3FB0]  }
0x31: {  	[smem:$0x3FB9] =	sst s10  }
0x32: {  	s10 =	sld [smem:$0x3FB7];
	_ =	sdelay $0x3  }
0x33: {  	p0 =	seq.s32 s10, $0x1;
	s10 =	sld [smem:$0x3FB9];
	_ =	sdelay $0x3  }
0x34: {  	[smem:$0x3FB9] =	sst s10  }
0x35: {  	s10 =	sld [smem:$0x3FB8];
	_ =	sdelay $0x3  }
0x36: {  	p1 =	seq.s32 s10, $0x1;
	s10 =	sld [smem:$0x3FB9];
	_ =	sdelay $0x3  }
0x37: {  	[smem:$0x3FB9] =	sst s10  }
0x38: {  	s10 =	sld [smem:$0x3FBA]  }
0x39: {  	_ = 	snop;
	(pc) =	sbr.ind lr, $3  }
0x3a: {  	_ = 	snop  }
0x3b: {  	_ = 	snop  }
0x3c: {  	p2 =	seq.s32 s10, $0x1;
	s10 =	sld [smem:$0x3FB9]  }
0x3d: {  	_ =	shalt  }
0x3e: {  	_ =	shalt  }
0x3f: {  	_ =	shalt  }
0x40: {  	_ =	shalt  }
0x41: {  	_ =	shalt  }
0x42: {  	_ =	shalt  }
0x43: {  	_ =	shalt  }
0x44: {  	_ =	shalt  }
0x45: {  	_ =	shalt  }
0x46: {  	_ =	shalt  }
0x47: {  	_ =	shalt  }
0x48: {  	_ =	shalt  }
0x49: {  	_ =	shalt  }
0x4a: {  	_ =	shalt  }
0x4b: {  	_ =	shalt  }
0x4c: {  	_ =	shalt  }
0x4d: {  	_ =	shalt  }
0x4e: {  	_ =	shalt  }
0x4f: {  	_ =	shalt  }
0x50: {  	_ =	shalt  }
0x51: {  	_ =	shalt  }
0x52: {  	_ =	shalt  }
0x53: {  	_ =	shalt  }
0x54: {  	_ =	shalt  }
0x55: {  	_ =	shalt  }
0x56: {  	_ =	shalt  }
0x57: {  	_ =	shalt  }
0x58: {  	_ =	shalt  }
0x59: {  	_ =	shalt  }
0x5a: {  	_ =	shalt  }
0x5b: {  	_ =	shalt  }
0x5c: {  	_ =	shalt  }
0x5d: {  	_ =	shalt  }
0x5e: {  	_ =	shalt  }
0x5f: {  	_ =	shalt  }
0x60: {  	_ =	shalt  }
0x61: {  	_ =	shalt  }
0x62: {  	_ =	shalt  }
0x63: {  	_ =	shalt  }
0x64: {  	_ =	shalt  }
0x65: {  	_ =	shalt  }
0x66: {  	_ =	shalt  }
0x67: {  	_ =	shalt  }
0x68: {  	_ =	shalt  }
0x69: {  	_ =	shalt  }
0x6a: {  	_ =	shalt  }
0x6b: {  	_ =	shalt  }
0x6c: {  	_ =	shalt  }
0x6d: {  	_ =	shalt  }
0x6e: {  	_ =	shalt  }
0x6f: {  	_ =	shalt  }
0x70: {  	_ =	shalt  }
0x71: {  	_ =	shalt  }
0x72: {  	_ =	shalt  }
0x73: {  	_ =	shalt  }
0x74: {  	_ =	shalt  }
0x75: {  	_ =	shalt  }
0x76: {  	_ =	shalt  }
0x77: {  	_ =	shalt  }
0x78: {  	_ =	shalt  }
0x79: {  	_ =	shalt  }
0x7a: {  	_ =	shalt  }
0x7b: {  	_ =	shalt  }
0x7c: {  	_ =	shalt  }
0x7d: {  	_ =	shalt  }
0x7e: {  	_ =	shalt  }
0x7f: {  	_ =	shalt  }
0x80: {  	_ =	shalt  }
0x81: {  	_ =	shalt  }
0x82: {  	_ =	shalt  }
0x83: {  	_ =	shalt  }
0x84: {  	_ =	shalt  }
0x85: {  	_ =	shalt  }
0x86: {  	_ =	shalt  }
0x87: {  	_ =	shalt  }
.Lfunc_end0:
.L_simem_size_0:
called_computation_lowered:
.L_overlay_start_0:
0x88: {  	s2 =	sld [smem:$0x3FD9]  }
0x89: {  	s3 =	sld [smem:$0x3FFE];
	_ =	sdelay $0x1  }
0x8a: {  	s1 =	srdreg.scid  }
0x8b: {  	s0 =	sand.u32 $0x1, s1  }
0x8c: {  	s17 =	sshll.u32 s0, $0xA;
	s2 =	sadd.s32 s3, s2  }
0x8d: {  	s2 =	sadd.s32 s2, s17  }
0x8e: {  	[smem:$0x3FC5] =	sst s2  }
0x8f: {  	_ = 	snop  }
0x90: {  	s2 =	sld [smem:$0x3FD0];
	(tm) =	ssettm $0x1  }
0x91: {  	s18 =	sld [smem:$0x3FFB];
	_ =	sdelay $0x3  }
0x92: {  	_ =	strace s18  }
0x93: {  	s3 =	sld [smem:$0x3FFC];
	_ =	sdelay $0x3  }
0x94: {  	_ =	strace s3  }
0x95: {  	s3 =	sld [smem:$0x3FFD];
	_ =	sdelay $0x3  }
0x96: {  	_ =	strace s3  }
0x97: {  	_ =	strace $0x8FFFFFFF  }
0x98: {  	s19 =	sld [smem:$0x3FDB];
	_ =	sdelay $0x1  }
0x99: {  	s4 =	simm.s32 $_scs_section_size  }
0x9a: {  	s5 =	simm.s32 $_size__tile_overlayer_lowered;
	s6 =	simm.s32 $_tile_overlayer_lowered  }
0x9b: {  	s22 =	simm.s32 $0x1BFF;
	s21 =	sshll.u32 s6, $0x1;
	s3 =	sadd.s32 s4, s19  }
0x9c: {  	s7 =	simm.s32 $0x0;
	s20 =	sshll.u32 s5, $0x1;
	s5 =	sadd.s32 s21, s3  }
0x9d: {  	[timem:s7], [sflag:s22] =	dma.local [hbm:s5], s20  }
0x9e: {  	_ =	swait.ge [sflag:s22], s20  }
0x9f: {  	s4 =	ssub.s32 $0x0, s20;
	[sflag:s22] =	ssyncset.done $0x0  }
0xa0: {  	[sflag:s22] =	ssyncadd.s32 s4;
	_ =	sdelay $0x1  }
0xa1: {  	s23 =	simm.s32 $0x1B8B  }
0xa2: {  	_ =	swait.ge [sflag:s23], $0x1  }
0xa3: {  	[sflag:s23] =	ssyncset.done $0x0  }
0xa4: {  	s25 =	simm.s32 $0x1B8E;
	s24 =	sld [smem:$0x3FFE];
	[sflag:s23] =	ssyncadd.s32 $0xFFFFFFFF  }
0xa5: {  	s26 =	simm.s32 $execute0_lowered;
	[smem:$0x3FD2] =	sst s25  }
0xa6: {  	s5 =	sshll.u32 s26, $0x1;
	_ =	strace $0x80000046;
	[dreg:$0x1] =	wrdreg $0xFFFFFFFF  }
0xa7: {  	s28 =	simm.s32 $_size_execute0_lowered;
	s3 =	sadd.s32 s3, s5;
	[dreg:$0x0] =	wrdreg $0x0  }
0xa8: {  	s5 =	sshll.u32 s28, $0x1;
	[dreg:$0x2] =	wrdreg s3  }
0xa9: {  	[dreg:$0x3] =	wrdreg s5  }
0xaa: {  	[dreg:$0x4] =	wrdreg $0xC0  }
0xab: {  	_ =	task [dreg:s7], $0x5FFFF  }
0xac: {  	[dreg:$0x1] =	wrdreg $0xFFFFFFFF  }
0xad: {  	[dreg:$0x0] =	wrdreg $0x60  }
0xae: {  	[dreg:$0x2] =	wrdreg s24  }
0xaf: {  	[dreg:$0x3] =	wrdreg s2  }
0xb0: {  	[dreg:$0x4] =	wrdreg $0x9  }
0xb1: {  	_ =	task.clear_ibuf [dreg:s7], $0x5FFFF;
	_ =	strace $0x90000046  }
0xb2: {  	s29 =	simm.s32 $0x9;
	_ =	strace $0x80000048  }
0xb3: {  	_ =	swait.ge [sflag:s29], $0x1  }
0xb4: {  	[sflag:s29] =	ssyncadd.s32 $0xFFFFFFFF  }
0xb5: {  	_ =	strace $0x90000048  }
0xb6: {  	_ =	sfence  }
0xb7: {  	s30 =	sld [smem:$0x0];
	_ =	sdelay $0x2  }
0xb8: {  	s31 =	sshll.u32 s1, $0xD;
	s1 =	sshrl.u32 s1, $0x2  }
0xb9: {  	s3 =	sand.u32 $0x4000, s31;
	s1 =	sadd.s32 s1, s30  }
0xba: {  	s0 =	sor.u32 s3, s0;
	s1 =	sshll.u32 s1, $0x11  }
0xbb: {  	s0 =	sor.u32 s1, s0  }
0xbc: {  	s0 =	sadd.s32 $0x8F2B, s0  }
0xbd: {  	[sflag:s0] =	ssyncadd.remote.s32 $0x1  }
0xbe: {  	_ =	sfence.sel $0xFFFF  }
0xbf: {  	[dreg:$0x0] =	wrdreg $0xFFFFFFFF;
	(pc) =	sbr.abs _section_cstart, $3  }
0xc0: {  	[dreg:$0x1] =	wrdreg $0xFFFFFFFF  }
0xc1: {  	_ =	task.clear_ibuf [dreg:s7], $0x2FFFF;
	_ =	strace $0x9FFFFFFF  }
0xc2: {  	(tm) =	ssettm $0x7FFFFFFF  }
0xc3: {  	_ =	shalt  }
tec
execute0_lowered:
.L_overlay_start_1:
0x0: {  	(tag) =	ssettag $0x1  }
0x1: {  	v0 =	vlaneseq.u32  }
0x2: {  	v57 =	vmul.u32 $0x40, v0;
	_ =	sdelay $0x1  }
0x3: {  	v0 =	vor.u32 $0x1800, v57  }
0x4: {  	[tilespmem:$0x1FC00] =	vst v0;
	v0 =	vor.u32 $0x1C00, v57  }
0x5: {  	[tilespmem:$0x1FC10] =	vst v0;
	v0 =	vor.u32 $0x401, v57  }
0x6: {  	s0 =	rddreg [dreg:$0x0];
	s4 =	simm.s32 $0x0;
	[tilespmem:$0x1FC20] =	vst v0;
	v0 =	vor.u32 $0x1C01, v57  }
0x7: {  	[smem:$0x7FF] =	sst s4;
	[tilespmem:$0x1FC30] =	vst v0;
	v0 =	vor.u32 $0x1C02, v57  }
0x8: {  	s1 =	rddreg [dreg:$0x1];
	_ =	strace $0x80000047;
	[tilespmem:$0x1FC40] =	vst v0  }
0x9: {  	v58 =	vor.u32 $0x400, v57;
	[tilespmem:$0x1FCA0] =	vst v57  }
0xa: {  	v59 =	vor.u32 $0x800, v57;
	[tilespmem:$0x1FCB0] =	vst v58  }
0xb: {  	v60 =	vor.u32 $0xC00, v57;
	[tilespmem:$0x1FCC0] =	vst v59  }
0xc: {  	v1 =	vor.u32 $0xC06, v57;
	[tilespmem:$0x1FCD0] =	vst v60  }
0xd: {  	v2 =	vor.u32 $0x1006, v57;
	[tilespmem:$0x1FCE0] =	vst v1  }
0xe: {  	v3 =	vor.u32 $0x1406, v57;
	[tilespmem:$0x1FCF0] =	vst v2  }
0xf: {  	v4 =	vor.u32 $0x1806, v57;
	[tilespmem:$0x1FD00] =	vst v3  }
0x10: {  	v5 =	vor.u32 $0x1C06, v57;
	[tilespmem:$0x1FD10] =	vst v4  }
0x11: {  	v6 =	vor.u32 $0xC07, v57;
	[tilespmem:$0x1FD20] =	vst v5  }
0x12: {  	v7 =	vor.u32 $0x1007, v57;
	[tilespmem:$0x1FD30] =	vst v6  }
0x13: {  	v8 =	vor.u32 $0x1407, v57;
	[tilespmem:$0x1FD40] =	vst v7  }
0x14: {  	v11 =	vor.u32 $0x1807, v57;
	[tilespmem:$0x1FD50] =	vst v8  }
0x15: {  	v9 =	vor.u32 $0x1C07, v57;
	[tilespmem:$0x1FD60] =	vst v11  }
0x16: {  	v49 =	vor.u32 $0x806, v57;
	[tilespmem:$0x1FD70] =	vst v9  }
0x17: {  	v20 =	vor.u32 $0x407, v57;
	[tilespmem:$0x1FD80] =	vst v49  }
0x18: {  	v14 =	vor.u32 $0x6, v57;
	[tilespmem:$0x1FD90] =	vst v20  }
0x19: {  	v12 =	vor.u32 $0x807, v57;
	[tilespmem:$0x1FDA0] =	vst v14  }
0x1a: {  	v21 =	vor.u32 $0x1403, v57;
	[tilespmem:$0x1FDB0] =	vst v12  }
0x1b: {  	v40 =	vor.u32 $0x7, v57;
	[tilespmem:$0x1FDC0] =	vst v21  }
0x1c: {  	v22 =	vor.u32 $0x1C03, v57;
	[tilespmem:$0x1FDD0] =	vst v40  }
0x1d: {  	v26 =	vor.u32 $0x406, v57;
	[tilespmem:$0x1FDE0] =	vst v22  }
0x1e: {  	v25 =	vor.u32 $0x1803, v57;
	[tilespmem:$0x1FDF0] =	vst v26  }
0x1f: {  	v33 =	vor.u32 $0x804, v57;
	[tilespmem:$0x1FE00] =	vst v25  }
0x20: {  	v28 =	vor.u32 $0x1404, v57;
	[tilespmem:$0x1FE10] =	vst v33  }
0x21: {  	v29 =	vor.u32 $0xC04, v57;
	[tilespmem:$0x1FE20] =	vst v28  }
0x22: {  	v23 =	vor.u32 $0x1001, v57;
	[tilespmem:$0x1FE30] =	vst v29  }
0x23: {  	v51 =	vor.u32 $0x805, v57;
	[tilespmem:$0x1FE40] =	vst v23  }
0x24: {  	v35 =	vor.u32 $0x1004, v57;
	[tilespmem:$0x1FE50] =	vst v51  }
0x25: {  	v30 =	vor.u32 $0x1, v57;
	[tilespmem:$0x1FE60] =	vst v35  }
0x26: {  	v41 =	vor.u32 $0xC01, v57;
	[tilespmem:$0x1FE70] =	vst v30  }
0x27: {  	v36 =	vor.u32 $0x3, v57;
	[tilespmem:$0x1FE80] =	vst v41  }
0x28: {  	v37 =	vor.u32 $0x4, v57;
	[tilespmem:$0x1FE90] =	vst v36  }
0x29: {  	v32 =	vor.u32 $0xC05, v57;
	[tilespmem:$0x1FEA0] =	vst v37  }
0x2a: {  	v50 =	vor.u32 $0x5, v57;
	[tilespmem:$0x1FEB0] =	vst v32  }
0x2b: {  	v10 =	vor.u32 $0x1401, v57;
	[tilespmem:$0x1FEC0] =	vst v50  }
0x2c: {  	v46 =	vor.u32 $0x1005, v57;
	[tilespmem:$0x1FED0] =	vst v10  }
0x2d: {  	v44 =	vor.u32 $0x2, v57;
	[tilespmem:$0x1FEE0] =	vst v46  }
0x2e: {  	v24 =	vor.u32 $0x404, v57;
	[tilespmem:$0x1FEF0] =	vst v44  }
0x2f: {  	v48 =	vor.u32 $0x402, v57;
	[tilespmem:$0x1FF00] =	vst v24  }
0x30: {  	v31 =	vor.u32 $0x405, v57;
	[tilespmem:$0x1FF10] =	vst v48  }
0x31: {  	v61 =	vor.u32 $0x403, v57;
	[tilespmem:$0x1FF20] =	vst v31  }
0x32: {  	v34 =	vor.u32 $0xC02, v57;
	[tilespmem:$0x1FF30] =	vst v61  }
0x33: {  	v53 =	vor.u32 $0x801, v57;
	[tilespmem:$0x1FF40] =	vst v34  }
0x34: {  	v16 =	vor.u32 $0x1000, v57;
	[tilespmem:$0x1FF50] =	vst v53  }
0x35: {  	s2 =	srdreg.scid;
	s3 =	stileid.u32;
	v15 =	vor.u32 $0x1002, v57;
	[tilespmem:$0x1FF60] =	vst v16  }
0x36: {  	s17 =	simm.s32 $0x200;
	s19 =	simm.s32 $0x80;
	s22 =	simm.s32 $0x8;
	v62 =	vor.u32 $0xC03, v57;
	[tilespmem:$0x1FF70] =	vst v15  }
0x37: {  	s23 =	simm.s32 $0x9400;
	s28 =	simm.s32 $0x5;
	s29 =	simm.s32 $0x3400;
	v54 =	vor.u32 $0x803, v57;
	[tilespmem:$0x1FF80] =	vst v62  }
0x38: {  	s31 =	simm.s32 $0x6;
	s2 =	sand.u32 $0x1, s2;
	s3 =	sshll.u32 s3, $0x1;
	v56 =	vor.u32 $0x802, v57;
	[tilespmem:$0x1FF90] =	vst v54  }
0x39: {  	s20 =	simm.s32 $0x7;
	s21 =	simm.s32 $0x7400;
	s3 =	sor.u32 s2, s3;
	v27 =	vor.u32 $0x1802, v57;
	[tilespmem:$0x1FFA0] =	vst v56  }
0x3a: {  	s4 =	sadd.s32 $0x800, s0;
	s2 =	ssub.s32 $0x2, s2;
	v17 =	vor.u32 $0x1801, v57;
	s6 =	smul.u32 $0xC80, s3;
	[tilespmem:$0x1FFB0] =	vst v27  }
0x3b: {  	s5 =	sadd.s32 $0xF42C00, s0;
	s0 =	sadd.s32 $0x19800, s0;
	v18 =	vor.u32 $0x1400, v57;
	s7 =	sshrl.u32 s2, $0x1;
	[tilespmem:$0x1FFC0] =	vst v17  }
0x3c: {  	v43 =	vor.u32 $0x1402, v57;
	s3 =	smul.u32 $0xC8, s3;
	s24 =	ssub.s32 s2, s7;
	s6 =	sadd.s32 s4, s6;
	[tilespmem:$0x1FFD0] =	vst v18  }
0x3d: {  	v39 =	vor.u32 $0x1405, v57;
	s7 =	simm.s32 $0x0;
	s25 =	sadd.s32 $0x10, s6;
	[dreg:$0x4] =	wrdreg s0;
	[tilespmem:$0x1FFE0] =	vst v43  }
0x3e: {  	s11 =	sor.u32 $0x4, s3;
	s26 =	sadd.s32 $0x20, s6;
	[dreg:$0x5] =	wrdreg s25;
	v0 =	vor.u32 $0x1003, v57;
	[tilespmem:$0x1FFF0] =	vst v39  }
.Ltmp0:
0x3f: {  	s12 =	sadd.s32 $0xFFFFFFFF, s3;
	[dreg:$0x6] =	wrdreg s26;
	[tilespmem:$0x1FC50] =	vst v0;
	v0 =	vor.u32 $0x1804, v57;
	(pc) =	sbr.rel .LBB2_1-.Ltmp0, $4  }
0x40: {  	s13 =	sor.u32 $0x5, s3;
	s30 =	sadd.s32 $0x30, s6;
	[dreg:$0x3] =	wrdreg s6;
	[tilespmem:$0x1FC60] =	vst v0;
	v0 =	vor.u32 $0x1C04, v57  }
0x41: {  	s14 =	sor.u32 $0x6, s3;
	s15 =	sor.u32 $0x7, s3;
	[dreg:$0x7] =	wrdreg s30;
	[tilespmem:$0x1FC70] =	vst v0;
	v0 =	vor.u32 $0x1805, v57  }
0x42: {  	s0 =	smax.u32 s24, $0x1;
	s24 =	simm.s32 $0x400;
	s25 =	simm.s32 $0x8000;
	[tilespmem:$0x1FC80] =	vst v0;
	v0 =	vor.u32 $0x1C05, v57  }
0x43: {  	s6 =	simm.s32 $0x2;
	[dreg:$0x8] =	wrdreg s0;
	s0 =	simm.s32 $0x5400;
	[tilespmem:$0x1FC90] =	vst v0  }
.LBB2_21:
0x44: {  	s2 =	simm.s32 $0x9  }
0x45: {  	_ =	swait.ge [sflag:s2], $0x2000  }
0x46: {  	[sflag:s2] =	ssyncset.done $0x0  }
0x47: {  	s18 =	simm.s32 $0xA;
	[sflag:s2] =	ssyncadd.s32 $0xFFFFE000  }
0x48: {  	_ =	swait.ge [sflag:s18], $0x2000  }
0x49: {  	[sflag:s18] =	ssyncset.done $0x0  }
0x4a: {  	s26 =	simm.s32 $0xB;
	[sflag:s18] =	ssyncadd.s32 $0xFFFFE000  }
0x4b: {  	_ =	swait.ge [sflag:s26], $0x2000  }
0x4c: {  	[sflag:s26] =	ssyncset.done $0x0  }
0x4d: {  	s3 =	simm.s32 $0xC;
	[sflag:s26] =	ssyncadd.s32 $0xFFFFE000  }
0x4e: {  	_ =	swait.ge [sflag:s3], $0x2000  }
0x4f: {  	s7 =	rddreg [dreg:$0x9]  }
0x50: {  	s30 =	rddreg [dreg:$0x8];
	s7 =	sadd.s32 $0x1, s7  }
0x51: {  	p0 =	sne.s32 s7, s30  }
.Ltmp1:
0x52: {  	_ = 	snop;
	(pc) =	sbr.rel @!p0 .LBB2_22-.Ltmp1, $3  }
0x53: {  	_ =	sdelay $0x1  }
0x54: {  	[sflag:s3] =	ssyncset.done $0x0  }
0x55: {  	[sflag:s3] =	ssyncadd.s32 $0xFFFFE000  }
.LBB2_1:
0x56: {  	[dreg:$0x9] =	wrdreg s7  }
0x57: {  	s2 =	simm.s32 $0x0;
	s3 =	rddreg [dreg:$0x4];
	s8 =	simm.s32 $0xD  }
0x58: {  	[tilespmem:s17], [sflag:$0xD] =	stream.linear.gather [hbm4b:s3+s2], $0x3200, $0x38;
	[tilespmem:$0x13400] =	vst v63  }
0x59: {  	_ =	swait.ge [sflag:s8], $0x3200  }
0x5a: {  	[sflag:s8] =	ssyncset.done $0x0  }
0x5b: {  	s9 =	rddreg [dreg:$0x3];
	[sflag:s8] =	ssyncadd.s32 $0xFFFFCE00  }
0x5c: {  	[tilespmem:s2], [sflag:$0x1] =	stream.linear.gather [hbm4b:s9+s2], $0x80, $0x38;
	[tilespmem:$0x13400] =	vst v63  }
0x5d: {  	s10 =	rddreg [dreg:$0x5]  }
0x5e: {  	[tilespmem:s19], [sflag:$0x2] =	stream.linear.gather [hbm4b:s10+s2], $0x80, $0x38;
	[tilespmem:$0x13400] =	vst v63  }
.Ltmp2:
0x5f: {  	_ = 	snop;
	(pc) =	sbr.rel .LBB2_2-.Ltmp2, $4  }
0x60: {  	s18 =	simm.s32 $0x100;
	s16 =	rddreg [dreg:$0x6]  }
0x61: {  	[tilespmem:s18], [sflag:$0x3] =	stream.linear.gather [hbm4b:s16+s2], $0x80, $0x38;
	[tilespmem:$0x13400] =	vst v63  }
0x62: {  	s30 =	simm.s32 $0x180;
	s26 =	rddreg [dreg:$0x7];
	s8 =	simm.s32 $0x0  }
0x63: {  	[tilespmem:s30], [sflag:$0x4] =	stream.linear.gather [hbm4b:s26+s2], $0x80, $0x38;
	[tilespmem:$0x13400] =	vst v63  }
.LBB2_19:
0x64: {  	_ =	sdelay $0x1  }
0x65: {  	[tilespmem:s10+$0x350] =	vst v53  }
0x66: {  	[tilespmem:s7+$0x1A0] =	vst v52  }
0x67: {  	v41 =	vadd.f32 v41, v21;
	v51 =	vld.idx.msk [tilespmem:v51+s21+$0x0], $0xffff;
	[tilespmem:s10+$0x260] =	vst v44  }
0x68: {  	v30 =	vld.idx.msk [tilespmem:v30+s17+$0x0], $0xffff;
	[tilespmem:s7+$0x90] =	vst v46  }
0x69: {  	v50 =	vld.idx.msk [tilespmem:v50+s21+$0x0], $0xffff;
	v49 =	vadd.f32 v49, v14;
	[tilespmem:s10+$0x50] =	vst v41  }
0x6a: {  	v47 =	vadd.f32 v47, v4;
	v52 =	vld [tilespmem:$0x1FC30];
	[tilespmem:s7+$0x110] =	vst v43  }
0x6b: {  	v46 =	vld.idx.msk [tilespmem:v48+s21+$0x0], $0xffff;
	[tilespmem:s10+$0xE0] =	vst v49  }
0x6c: {  	v49 =	vld [tilespmem:$0x1FC80];
	[tilespmem:s10+$0x2D0] =	vst v47  }
0x6d: {  	v48 =	vld [tilespmem:$0x1FC40];
	_ =	sdelay $0x1  }
0x6e: {  	v53 =	vld.idx.msk [tilespmem:v42+s21+$0x0], $0xffff;
	v44 =	vor.u32 v52, v6  }
0x6f: {  	v55 =	vadd.f32 v51, v5  }
0x70: {  	v63 =	vld.idx.msk [tilespmem:v28+s21+$0x0], $0xffff;
	v25 =	vadd.f32 v25, v30;
	v54 =	vor.u32 v49, v6  }
0x71: {  	v28 =	vadd.f32 v50, v13;
	[tilespmem:s10+$0x160] =	vst v55;
	v56 =	vor.u32 v48, v6  }
0x72: {  	v8 =	vadd.f32 v46, v8;
	[tilespmem:s2+$0x0] =	vst v25  }
0x73: {  	v46 =	vadd.f32 v53, v7;
	[tilespmem:s10+$0x3E0] =	vst v28;
	v25 =	vld.idx.msk [tilespmem:v44+s21+$0x0], $0xffff  }
0x74: {  	v28 =	vld.idx.msk [tilespmem:v29+s21+$0x0], $0xffff;
	[tilespmem:s10+$0x270] =	vst v8;
	v8 =	vadd.f32 v45, v24  }
0x75: {  	[tilespmem:s10+$0x360] =	vst v46;
	v47 =	vadd.f32 v63, v21;
	v29 =	vld.idx.msk [tilespmem:v54+s21+$0x0], $0xffff  }
0x76: {  	[tilespmem:s7+$0x320] =	vst v8;
	v6 =	vld.idx.msk [tilespmem:v56+s21+$0x0], $0xffff  }
0x77: {  	v40 =	vadd.f32 v40, v2;
	v31 =	vld.idx.msk [tilespmem:v31+s21+$0x0], $0xffff;
	v8 =	vor.u32 v59, v0;
	[tilespmem:s10+$0x60] =	vst v47  }
0x78: {  	v47 =	vld [tilespmem:$0x1FDB0];
	v50 =	vadd.f32 v25, v14  }
0x79: {  	v32 =	vld.idx.msk [tilespmem:v32+s21+$0x0], $0xffff;
	[tilespmem:s7+$0x2A0] =	vst v40;
	v25 =	vadd.f32 v28, v30  }
0x7a: {  	v54 =	vld.idx.msk [tilespmem:v35+s21+$0x0], $0xffff;
	v28 =	vadd.f32 v29, v4;
	[tilespmem:s10+$0xF0] =	vst v50  }
0x7b: {  	v14 =	vld.idx.msk [tilespmem:v36+s21+$0x0], $0xffff;
	v53 =	vadd.f32 v6, v5;
	[tilespmem:s2+$0x10] =	vst v25  }
0x7c: {  	[tilespmem:s10+$0x2E0] =	vst v28;
	v8 =	vld.idx.msk [tilespmem:v8+s21+$0x0], $0xffff  }
0x7d: {  	v51 =	vor.u32 v47, v0;
	v35 =	vld [tilespmem:$0x1FE80];
	[tilespmem:s10+$0x170] =	vst v53  }
0x7e: {  	v36 =	vld [tilespmem:$0x1FF40];
	[tilespmem:s2+$0x230] =	vst v38  }
0x7f: {  	v11 =	vld [tilespmem:$0x1FCE0]  }
0x80: {  	v28 =	vadd.f32 v31, v23  }
0x81: {  	v34 =	vld.idx.msk [tilespmem:v34+s21+$0x0], $0xffff;
	v56 =	vadd.f32 v14, v7  }
0x82: {  	v63 =	vadd.f32 v32, v1;
	v55 =	vld.idx.msk [tilespmem:v51+s21+$0x0], $0xffff;
	[tilespmem:s2+$0xA0] =	vst v28;
	v25 =	vor.u32 v35, v0  }
0x83: {  	v31 =	vld.idx.msk [tilespmem:v33+s21+$0x0], $0xffff;
	[tilespmem:s10+$0x370] =	vst v56;
	v8 =	vadd.f32 v8, v30  }
0x84: {  	v29 =	vor.u32 v36, v0;
	v14 =	vor.u32 v11, v0;
	v11 =	vld [tilespmem:$0x1FD30];
	[tilespmem:s2+$0x120] =	vst v63  }
0x85: {  	v6 =	vadd.f32 v54, v21;
	v40 =	vld [tilespmem:$0x1FEB0];
	[tilespmem:s2+$0x20] =	vst v8  }
0x86: {  	v27 =	vld.idx.msk [tilespmem:v27+s21+$0x0], $0xffff  }
0x87: {  	[tilespmem:s10+$0x70] =	vst v6;
	v21 =	vld.idx.msk [tilespmem:v25+s21+$0x0], $0xffff  }
0x88: {  	v5 =	vadd.f32 v55, v26;
	v25 =	vadd.f32 v34, v13;
	v34 =	vld [tilespmem:$0x1FE60]  }
0x89: {  	v41 =	vld.idx.msk [tilespmem:v29+s21+$0x0], $0xffff;
	v28 =	vor.u32 v11, v0  }
0x8a: {  	[tilespmem:s2+$0x3A0] =	vst v5;
	v13 =	vld.idx.msk [tilespmem:v14+s21+$0x0], $0xffff;
	v38 =	vor.u32 v40, v0  }
0x8b: {  	v42 =	vadd.f32 v31, v4;
	v29 =	vld [tilespmem:$0x1FE40];
	[tilespmem:s10+$0x3F0] =	vst v25  }
0x8c: {  	v3 =	vadd.f32 v37, v3;
	v63 =	vld [tilespmem:$0x1FF70]  }
0x8d: {  	[tilespmem:s10+$0x2F0] =	vst v42;
	v46 =	vadd.f32 v21, v23;
	v21 =	vld.idx.msk [tilespmem:v39+s21+$0x0], $0xffff  }
0x8e: {  	[tilespmem:s10+$0x1F0] =	vst v3;
	v8 =	vor.u32 v34, v0;
	v3 =	vadd.f32 v41, v1;
	v25 =	vld.idx.msk [tilespmem:v28+s21+$0x0], $0xffff  }
0x8f: {  	v15 =	vor.u32 v15, v0;
	v13 =	vadd.f32 v13, v24;
	[tilespmem:s2+$0xB0] =	vst v46;
	v7 =	vld.idx.msk [tilespmem:v38+s21+$0x0], $0xffff  }
0x90: {  	v43 =	vor.u32 v29, v0;
	v4 =	vld [tilespmem:$0x1FD40];
	[tilespmem:s2+$0x130] =	vst v3  }
0x91: {  	v46 =	vld [tilespmem:$0x1FEE0];
	[tilespmem:s2+$0x330] =	vst v13  }
0x92: {  	v14 =	vor.u32 v63, v0;
	v11 =	vld [tilespmem:$0x1FC50]  }
0x93: {  	v50 =	vor.u32 v12, v0;
	v27 =	vadd.f32 v27, v30;
	v8 =	vld.idx.msk [tilespmem:v8+s21+$0x0], $0xffff  }
0x94: {  	v15 =	vld.idx.msk [tilespmem:v15+s21+$0x0], $0xffff  }
0x95: {  	[tilespmem:s2+$0x30] =	vst v27;
	v5 =	vld.idx.msk [tilespmem:v43+s21+$0x0], $0xffff;
	v4 =	vor.u32 v4, v0  }
0x96: {  	v28 =	vld [tilespmem:$0x1FE20];
	v25 =	vadd.f32 v25, v26;
	v3 =	vor.u32 v46, v0  }
0x97: {  	v14 =	vld.idx.msk [tilespmem:v14+s21+$0x0], $0xffff;
	v7 =	vadd.f32 v7, v2;
	v13 =	vor.u32 v11, v0  }
0x98: {  	v21 =	vadd.f32 v21, v10;
	v6 =	vld.idx.msk [tilespmem:v50+s21+$0x0], $0xffff;
	[tilespmem:s2+$0x3B0] =	vst v25  }
0x99: {  	v25 =	vld [tilespmem:$0x1FED0];
	v8 =	vadd.f32 v8, v18;
	[tilespmem:s2+$0x2B0] =	vst v7  }
0x9a: {  	[tilespmem:s2+$0x1B0] =	vst v21;
	v5 =	vadd.f32 v5, v23;
	v4 =	vld.idx.msk [tilespmem:v4+s21+$0x0], $0xffff  }
0x9b: {  	v53 =	vor.u32 v19, v0;
	v15 =	vadd.f32 v15, v24;
	[tilespmem:s2+$0x240] =	vst v8;
	v3 =	vld.idx.msk [tilespmem:v3+s21+$0x0], $0xffff  }
0x9c: {  	v8 =	vadd.f32 v14, v1;
	[tilespmem:s2+$0xC0] =	vst v5;
	v13 =	vld.idx.msk [tilespmem:v13+s21+$0x0], $0xffff  }
0x9d: {  	v27 =	vor.u32 v28, v0;
	v5 =	vld [tilespmem:$0x1FD50];
	[tilespmem:s2+$0x340] =	vst v15  }
0x9e: {  	v6 =	vadd.f32 v6, v30;
	v51 =	vor.u32 v25, v0;
	[tilespmem:s2+$0x140] =	vst v8  }
0x9f: {  	v21 =	vld [tilespmem:$0x1FDC0];
	v4 =	vadd.f32 v4, v26  }
0xa0: {  	v16 =	vor.u32 v16, v0;
	v7 =	vld.idx.msk [tilespmem:v53+s21+$0x0], $0xffff;
	[tilespmem:s2+$0x40] =	vst v6;
	v3 =	vadd.f32 v3, v2  }
0xa1: {  	v14 =	vor.u32 v20, v0;
	v6 =	vld [tilespmem:$0x1FC60];
	v13 =	vadd.f32 v13, v10;
	[tilespmem:s2+$0x3C0] =	vst v4  }
0xa2: {  	v8 =	vor.u32 v9, v0;
	v11 =	vld.idx.msk [tilespmem:v27+s21+$0x0], $0xffff;
	[tilespmem:s2+$0x2C0] =	vst v3  }
0xa3: {  	v5 =	vor.u32 v5, v0;
	v19 =	vld.idx.msk [tilespmem:v51+s21+$0x0], $0xffff;
	[tilespmem:s2+$0x1C0] =	vst v13  }
0xa4: {  	v55 =	vor.u32 v62, v0;
	v39 =	vmov v9;
	v9 =	vld [tilespmem:$0x1FD10]  }
0xa5: {  	v16 =	vld.idx.msk [tilespmem:v16+s21+$0x0], $0xffff;
	v15 =	vor.u32 v21, v0  }
0xa6: {  	v14 =	vld.idx.msk [tilespmem:v14+s21+$0x0], $0xffff;
	v7 =	vadd.f32 v7, v1;
	v6 =	vor.u32 v6, v0  }
0xa7: {  	v54 =	vor.u32 v17, v0;
	v8 =	vld.idx.msk [tilespmem:v8+s21+$0x0], $0xffff  }
0xa8: {  	v11 =	vadd.f32 v11, v18;
	[tilespmem:s2+$0x150] =	vst v7;
	v3 =	vld.idx.msk [tilespmem:v5+s21+$0x0], $0xffff  }
0xa9: {  	v5 =	vld.idx.msk [tilespmem:v55+s21+$0x0], $0xffff;
	v12 =	vadd.f32 v19, v23;
	v13 =	vor.u32 v9, v0  }
0xaa: {  	[tilespmem:s2+$0x250] =	vst v11;
	v11 =	vld.idx.msk [tilespmem:v15+s21+$0x0], $0xffff;
	v15 =	vadd.f32 v16, v24  }
0xab: {  	v6 =	vld.idx.msk [tilespmem:v6+s21+$0x0], $0xffff;
	[tilespmem:s2+$0xD0] =	vst v12  }
0xac: {  	v14 =	vadd.f32 v14, v30;
	v12 =	vor.u32 v61, v0;
	v4 =	vld.idx.msk [tilespmem:v54+s21+$0x0], $0xffff;
	[tilespmem:s2+$0x350] =	vst v15  }
0xad: {  	v8 =	vadd.f32 v8, v2;
	v9 =	vld [tilespmem:$0x1FE00]  }
0xae: {  	v3 =	vadd.f32 v3, v26;
	[tilespmem:s2+$0x50] =	vst v14;
	v13 =	vld.idx.msk [tilespmem:v13+s21+$0x0], $0xffff  }
0xaf: {  	v20 =	vld [tilespmem:$0x1FC70];
	[tilespmem:s2+$0x2D0] =	vst v8;
	v11 =	vadd.f32 v11, v10  }
0xb0: {  	v61 =	vld.idx.msk [tilespmem:v22+s21+$0x0], $0xffff;
	[tilespmem:s2+$0x3D0] =	vst v3;
	v6 =	vadd.f32 v6, v18  }
0xb1: {  	v12 =	vld.idx.msk [tilespmem:v12+s21+$0x0], $0xffff;
	[tilespmem:s2+$0x1D0] =	vst v11;
	v4 =	vadd.f32 v4, v23  }
0xb2: {  	v56 =	vor.u32 v49, v0;
	v5 =	vadd.f32 v5, v1;
	v11 =	vld [tilespmem:$0x1FD20];
	[tilespmem:s2+$0x260] =	vst v6  }
0xb3: {  	v15 =	vor.u32 v9, v0;
	v62 =	vld [tilespmem:$0x1FC10];
	[tilespmem:s2+$0xE0] =	vst v4;
	v13 =	vadd.f32 v13, v24  }
0xb4: {  	v3 =	vor.u32 v52, v0;
	v4 =	vld [tilespmem:$0x1FD70];
	[tilespmem:s2+$0x160] =	vst v5  }
0xb5: {  	v8 =	vor.u32 v48, v0;
	v5 =	vld [tilespmem:$0x1FC90];
	[tilespmem:s2+$0x360] =	vst v13  }
0xb6: {  	v14 =	vor.u32 v20, v0;
	v22 =	vld [tilespmem:$0x1FDE0]  }
0xb7: {  	v7 =	vld.idx.msk [tilespmem:v56+s21+$0x0], $0xffff;
	v11 =	vor.u32 v11, v0  }
0xb8: {  	v15 =	vld.idx.msk [tilespmem:v15+s21+$0x0], $0xffff;
	v63 =	vor.u32 v62, v0  }
0xb9: {  	v3 =	vld.idx.msk [tilespmem:v3+s21+$0x0], $0xffff;
	v4 =	vor.u32 v4, v0  }
0xba: {  	v16 =	vadd.f32 v61, v30;
	v8 =	vld.idx.msk [tilespmem:v8+s21+$0x0], $0xffff;
	v5 =	vor.u32 v5, v0  }
0xbb: {  	v12 =	vadd.f32 v12, v26;
	v14 =	vld.idx.msk [tilespmem:v14+s21+$0x0], $0xffff;
	v0 =	vor.u32 v22, v0  }
0xbc: {  	v7 =	vadd.f32 v7, v2;
	[tilespmem:s2+$0x60] =	vst v16;
	v11 =	vld.idx.msk [tilespmem:v11+s21+$0x0], $0xffff  }
0xbd: {  	[tilespmem:s2+$0x3E0] =	vst v12;
	v12 =	vadd.f32 v15, v10;
	v6 =	vld.idx.msk [tilespmem:v63+s21+$0x0], $0xffff  }
0xbe: {  	[tilespmem:s2+$0x2E0] =	vst v7;
	v3 =	vadd.f32 v3, v23;
	v4 =	vld.idx.msk [tilespmem:v4+s21+$0x0], $0xffff  }
0xbf: {  	v1 =	vadd.f32 v8, v1;
	[tilespmem:s2+$0x1E0] =	vst v12;
	v5 =	vld.idx.msk [tilespmem:v5+s21+$0x0], $0xffff  }
0xc0: {  	[tilespmem:s2+$0xF0] =	vst v3;
	v13 =	vadd.f32 v14, v18;
	v0 =	vld.idx.msk [tilespmem:v0+s21+$0x0], $0xffff  }
0xc1: {  	[tilespmem:s2+$0x170] =	vst v1;
	v3 =	vadd.f32 v11, v24  }
0xc2: {  	[tilespmem:s2+$0x270] =	vst v13;
	v1 =	vadd.f32 v6, v30  }
0xc3: {  	[tilespmem:s2+$0x370] =	vst v3;
	v3 =	vadd.f32 v4, v26  }
0xc4: {  	[tilespmem:s2+$0x70] =	vst v1;
	v1 =	vadd.f32 v5, v2  }
0xc5: {  	[tilespmem:s2+$0x3F0] =	vst v3;
	v0 =	vadd.f32 v0, v10  }
0xc6: {  	[tilespmem:s2+$0x2F0] =	vst v1  }
0xc7: {  	[tilespmem:s2+$0x1F0] =	vst v0  }
0xc8: {  	v30 =	vld [tilespmem:$0x1FE70]  }
0xc9: {  	v38 =	vld [tilespmem:$0x1FF50]  }
0xca: {  	v44 =	vld [tilespmem:$0x1FEF0]  }
0xcb: {  	v48 =	vld [tilespmem:$0x1FF10]  }
0xcc: {  	v56 =	vld [tilespmem:$0x1FFA0]  }
0xcd: {  	v2 =	vmov v36;
	v36 =	vld [tilespmem:$0x1FE90]  }
0xce: {  	v61 =	vld [tilespmem:$0x1FF30]  }
0xcf: {  	v54 =	vld [tilespmem:$0x1FF90]  }
0xd0: {  	v62 =	vld [tilespmem:$0x1FF80]  }
0xd1: {  	v37 =	vld [tilespmem:$0x1FEA0]  }
0xd2: {  	v24 =	vld [tilespmem:$0x1FF00]  }
0xd3: {  	v33 =	vld [tilespmem:$0x1FE10]  }
0xd4: {  	v29 =	vld [tilespmem:$0x1FE30]  }
0xd5: {  	v50 =	vld [tilespmem:$0x1FEC0]  }
0xd6: {  	v31 =	vld [tilespmem:$0x1FF20]  }
0xd7: {  	s18 =	sshll.u32 s9, $0xA;
	v51 =	vld [tilespmem:$0x1FE50]  }
0xd8: {  	s3 =	sshll.u32 s3, $0x12;
	s7 =	sand.u32 $0x7800, s18;
	v14 =	vld [tilespmem:$0x1FDA0]  }
0xd9: {  	s3 =	sor.u32 s7, s3;
	v26 =	vld [tilespmem:$0x1FDF0]  }
0xda: {  	s3 =	sshrl.u32 s3, $0x3;
	v49 =	vld [tilespmem:$0x1FD80]  }
0xdb: {  	s30 =	simm.s32 $0xF400;
	s26 =	sadd.s32 s1, s3;
	v32 =	vmov v40;
	v40 =	vld [tilespmem:$0x1FDD0]  }
0xdc: {  	v12 =	vmov v47;
	v11 =	vmov v34;
	[hbm4b:s26+s24] =	stream.strided.scatter [tilespmem:s30], [sflag:$0xB], $0x2000, s25, s24, $0x38;
	v20 =	vld [tilespmem:$0x1FD90]  }
.LBB2_20:
0xdd: {  	s8 =	sadd.s32 $0x1, s8  }
0xde: {  	p0 =	sne.s32 s8, $0x33  }
.Ltmp3:
0xdf: {  	_ = 	snop;
	(pc) =	sbr.rel @!p0 .LBB2_21-.Ltmp3, $3  }
0xe0: {  	_ =	sdelay $0x1  }
0xe1: {  	v16 =	vld [tilespmem:$0x1FF60]  }
0xe2: {  	v41 =	vmovc v35;
	v35 =	vmov v11;
	v34 =	vmov v2;
	v53 =	vmov v38;
	v1 =	vld [tilespmem:$0x1FCE0]  }
.LBB2_2:
0xe3: {  	p0 =	seq.s32 s8, $0x32  }
0xe4: {  	s2 =	simm.s32 @!p0 $0x1  }
0xe5: {  	s9 =	sshll.u32 s8, $0x2;
	s3 =	simm.s32 @!p0 $0x0;
	_ =	swait.ge @!p0 [sflag:s2], $0x80  }
0xe6: {  	s7 =	simm.s32 @!p0 $0x3400;
	p1 =	sgt.u32 @!p0 s8, $0x30;
	[sflag:s2] =	ssyncset.done @!p0 $0x0  }
0xe7: {  	p1 =	por p1, p0;
	[sflag:s2] =	ssyncadd.s32 @!p0 $0xFFFFFF80;
	s2 =	simm.s32 @!p0 $0x80  }
0xe8: {  	[tilespmem:s7], [sflag:$0x5] =	stream.indirect.gather @!p0 [hbm4b:s5+s2], $0x40, s3, s2, $0xb8;
	[tilespmem:$0x13400] =	vst v63  }
0xe9: {  	s2 =	sadd.s32 @!p1 s9, s11  }
0xea: {  	s2 =	sshll.u32 @!p1 s2, $0x4  }
0xeb: {  	s2 =	sand.u32 @!p1 $0x1FFFFFC0, s2  }
0xec: {  	s3 =	simm.s32 @!p1 $0x0;
	s2 =	sadd.s32 @!p1 s4, s2  }
0xed: {  	[tilespmem:s3], [sflag:$0x1] =	stream.linear.gather @!p1 [hbm4b:s2+s3], $0x80, $0x38;
	[tilespmem:$0x13400] =	vst v63  }
0xee: {  	s2 =	sadd.s32 @!p0 $0xFFFFFFFC, s9  }
0xef: {  	p2 =	slt.u32 @!p0 s2, $0xC8  }
0xf0: {  	p2 =	por p0, p2  }
.Ltmp4:
0xf1: {  	_ = 	snop;
	(pc) =	sbr.rel @!p2 .LBB2_3-.Ltmp4, $1  }
0xf2: {  	_ =	sdelay $0x3  }
0xf3: {  	s2 =	simm.s32 $0x0  }
0xf4: {  	s3 =	sadd.s32 s9, s12;
	v0 =	vmov s2  }
0xf5: {  	s10 =	sshrl.u32 s3, $0x5;
	v0 =	vshrl.u32 v0, $0x3  }
0xf6: {  	s30 =	sshll.u32 s10, $0x6;
	v0 =	vshll.u32 v0, $0x3  }
0xf7: {  	v46 =	vmov s30;
	v6 =	vbroadcast v0, $0x0  }
0xf8: {  	_ =	swait.ge [sflag:s22], $0x2000;
	v38 =	vor.u32 $0x3, v46  }
0xf9: {  	p2 =	slt.u32 s8, $0x2;
	[sflag:s22] =	ssyncset.done $0x0;
	v45 =	vor.u32 $0x4, v46;
	v0 =	vor.u32 v6, v38  }
0xfa: {  	v63 =	vmov v32;
	v32 =	vmov v1;
	s2 =	simm.s32 @!p2 $0xC;
	[sflag:s22] =	ssyncadd.s32 $0xFFFFE000;
	v1 =	vor.u32 v6, v45  }
0xfb: {  	v55 =	vmov v51;
	v51 =	vld [tilespmem:$0x1FC00];
	_ =	swait.ge @!p2 [sflag:s2], $0x2000;
	v2 =	vor.u32 v37, v6  }
0xfc: {  	[sflag:s2] =	ssyncset.done @!p2 $0x0;
	v4 =	vor.u32 v36, v6  }
0xfd: {  	v52 =	vor.u32 $0x2, v46;
	[sflag:s2] =	ssyncadd.s32 @!p2 $0xFFFFE000;
	v5 =	vor.u32 v30, v6;
	v22 =	vor.u32 v61, v6;
	v61 =	vld [tilespmem:$0x1FC20]  }
0xfe: {  	v17 =	vor.u32 $0x6, v46;
	v7 =	vor.u32 v6, v52;
	v3 =	vld.idx.msk [tilespmem:v0+s17+$0x0], $0xffff  }
0xff: {  	v42 =	vor.u32 $0x5, v46;
	v10 =	vor.u32 v6, v17;
	v8 =	vld.idx.msk [tilespmem:v1+s17+$0x0], $0xffff  }
0x100: {  	v0 =	vor.u32 v6, v42;
	v2 =	vld.idx.msk [tilespmem:v2+s23+$0x0], $0xffff  }
0x101: {  	v1 =	vor.u32 v14, v6;
	v13 =	vld.idx.msk [tilespmem:v4+s23+$0x0], $0xffff  }
0x102: {  	v14 =	vor.u32 v50, v6;
	v18 =	vld.idx.msk [tilespmem:v5+s23+$0x0], $0xffff  }
0x103: {  	v21 =	vor.u32 v24, v6;
	v5 =	vld.idx.msk [tilespmem:v7+s17+$0x0], $0xffff  }
0x104: {  	v47 =	vmov v44;
	v7 =	vld.idx.msk [tilespmem:v10+s17+$0x0], $0xffff  }
0x105: {  	v4 =	vld.idx.msk [tilespmem:v0+s17+$0x0], $0xffff;
	v0 =	vor.u32 v47, v6;
	v2 =	vadd.f32 v2, v8  }
0x106: {  	s16 =	simm.s32 $0x11400;
	v44 =	vor.u32 $0x1, v46;
	v24 =	vor.u32 v40, v6;
	v1 =	vld.idx.msk [tilespmem:v1+s23+$0x0], $0xffff;
	v13 =	vadd.f32 v13, v3  }
0x107: {  	v43 =	vmov v12;
	v12 =	vor.u32 $0x7, v46;
	v23 =	vor.u32 v6, v44;
	v10 =	vld.idx.msk [tilespmem:v14+s23+$0x0], $0xffff;
	[tilespmem:s16+$0x200] =	vst v2  }
0x108: {  	v2 =	vor.u32 v6, v12;
	[tilespmem:s16+$0x180] =	vst v13;
	v21 =	vld.idx.msk [tilespmem:v21+s23+$0x0], $0xffff  }
0x109: {  	v25 =	vor.u32 v26, v6;
	v22 =	vld.idx.msk [tilespmem:v22+s23+$0x0], $0xffff  }
0x10a: {  	v26 =	vor.u32 v31, v6;
	v0 =	vld.idx.msk [tilespmem:v0+s23+$0x0], $0xffff  }
0x10b: {  	v27 =	vor.u32 v33, v6;
	v24 =	vld.idx.msk [tilespmem:v24+s23+$0x0], $0xffff;
	v1 =	vadd.f32 v1, v7  }
0x10c: {  	v14 =	vld.idx.msk [tilespmem:v23+s17+$0x0], $0xffff;
	v23 =	vor.u32 v54, v6;
	v10 =	vadd.f32 v10, v4  }
0x10d: {  	v15 =	vmov v40;
	[tilespmem:s16+$0x300] =	vst v1;
	v13 =	vld.idx.msk [tilespmem:v2+s17+$0x0], $0xffff;
	v1 =	vor.u32 v57, v6;
	v21 =	vadd.f32 v21, v8  }
0x10e: {  	v40 =	vmov v28;
	v28 =	vor.u32 v48, v6;
	[tilespmem:s16+$0x280] =	vst v10;
	v2 =	vld.idx.msk [tilespmem:v25+s23+$0x0], $0xffff;
	v10 =	vadd.f32 v22, v3  }
0x10f: {  	v22 =	vor.u32 v61, v6;
	v25 =	vld.idx.msk [tilespmem:v26+s23+$0x0], $0xffff;
	[tilespmem:s16+$0x210] =	vst v21;
	v0 =	vadd.f32 v0, v5  }
0x110: {  	v26 =	vor.u32 v20, v6;
	[tilespmem:s16+$0x190] =	vst v10;
	v21 =	vld.idx.msk [tilespmem:v27+s23+$0x0], $0xffff  }
0x111: {  	v10 =	vadd.f32 v18, v14;
	v18 =	vld.idx.msk [tilespmem:v23+s23+$0x0], $0xffff;
	[tilespmem:s16+$0x100] =	vst v0;
	v0 =	vor.u32 v49, v6  }
0x112: {  	v23 =	vor.u32 v55, v6;
	v24 =	vadd.f32 v24, v13;
	v1 =	vld.idx.msk [tilespmem:v1+s23+$0x0], $0xffff  }
0x113: {  	[tilespmem:s16+$0x80] =	vst v10;
	v10 =	vor.u32 v29, v6;
	v27 =	vld.idx.msk [tilespmem:v28+s23+$0x0], $0xffff;
	v2 =	vadd.f32 v2, v7  }
0x114: {  	v25 =	vadd.f32 v25, v4;
	v22 =	vld.idx.msk [tilespmem:v22+s23+$0x0], $0xffff;
	[tilespmem:s16+$0x380] =	vst v24;
	v24 =	vor.u32 v62, v6  }
0x115: {  	v26 =	vld.idx.msk [tilespmem:v26+s23+$0x0], $0xffff;
	[tilespmem:s16+$0x310] =	vst v2;
	v2 =	vor.u32 v46, v6;
	v21 =	vadd.f32 v21, v8  }
0x116: {  	[tilespmem:s16+$0x290] =	vst v25;
	v25 =	vld.idx.msk [tilespmem:v0+s23+$0x0], $0xffff;
	v0 =	vadd.f32 v18, v3  }
0x117: {  	s18 =	simm.s32 $0x8;
	v28 =	vor.u32 v56, v6;
	v23 =	vld.idx.msk [tilespmem:v23+s23+$0x0], $0xffff;
	[tilespmem:s16+$0x220] =	vst v21  }
0x118: {  	v29 =	vor.u32 v53, v6;
	v18 =	vmov s18;
	v21 =	vadd.f32 v27, v5;
	v10 =	vld.idx.msk [tilespmem:v10+s23+$0x0], $0xffff;
	[tilespmem:s16+$0x1A0] =	vst v0  }
0x119: {  	v18 =	vshrl.u32 v18, $0x3;
	v22 =	vadd.f32 v22, v14;
	v24 =	vld.idx.msk [tilespmem:v24+s23+$0x0], $0xffff  }
0x11a: {  	v0 =	vshll.u32 v18, $0x3;
	v18 =	vor.u32 v43, v6;
	[tilespmem:s16+$0x110] =	vst v21;
	v26 =	vadd.f32 v26, v13;
	v21 =	vld.idx.msk [tilespmem:v2+s17+$0x0], $0xffff  }
0x11b: {  	v27 =	vor.u32 v32, v6;
	v0 =	vbroadcast v0, $0x0;
	v20 =	vld [tilespmem:$0x1FC60];
	[tilespmem:s16+$0x90] =	vst v22  }
0x11c: {  	v19 =	vmov v31;
	v31 =	vld.idx.msk [tilespmem:v28+s23+$0x0], $0xffff;
	v28 =	vor.u32 v63, v6;
	v25 =	vadd.f32 v25, v7;
	[tilespmem:s16+$0x390] =	vst v26  }
0x11d: {  	v22 =	vor.u32 v57, v0;
	v26 =	vld.idx.msk [tilespmem:v29+s23+$0x0], $0xffff;
	[tilespmem:$0x1FB50] =	vst v52  }
0x11e: {  	v2 =	vadd.f32 v23, v4;
	v23 =	vor.u32 v30, v0;
	[tilespmem:s16+$0x320] =	vst v25  }
0x11f: {  	v32 =	vld.idx.msk [tilespmem:v18+s23+$0x0], $0xffff;
	[tilespmem:$0x1FB60] =	vst v38  }
0x120: {  	v27 =	vld.idx.msk [tilespmem:v27+s23+$0x0], $0xffff;
	[tilespmem:s16+$0x2A0] =	vst v2  }
0x121: {  	v47 =	vmov v33;
	v33 =	vld.idx.msk [tilespmem:v28+s23+$0x0], $0xffff  }
0x122: {  	v25 =	vld.idx.msk [tilespmem:v22+s23+$0x0], $0xffff;
	[tilespmem:$0x1FB70] =	vst v45  }
0x123: {  	v30 =	vadd.f32 v1, v21;
	v1 =	vld.idx.msk [tilespmem:v23+s23+$0x0], $0xffff  }
0x124: {  	v29 =	vor.u32 v0, v52  }
0x125: {  	v18 =	vor.u32 v0, v38  }
0x126: {  	v2 =	vor.u32 v58, v6  }
0x127: {  	v22 =	vor.u32 v0, v45  }
0x128: {  	v28 =	vor.u32 v35, v6;
	[tilespmem:$0x1FBA0] =	vst v1  }
0x129: {  	v23 =	vadd.f32 v10, v8;
	v1 =	vld.idx.msk [tilespmem:v29+s17+$0x0], $0xffff;
	[tilespmem:s16+$0x0] =	vst v30  }
0x12a: {  	v10 =	vld.idx.msk [tilespmem:v18+s17+$0x0], $0xffff;
	v18 =	vadd.f32 v26, v14;
	[tilespmem:$0x1FB80] =	vst v42  }
0x12b: {  	[tilespmem:s16+$0x230] =	vst v23;
	v23 =	vld.idx.msk [tilespmem:v2+s23+$0x0], $0xffff  }
0x12c: {  	[tilespmem:s16+$0xA0] =	vst v18;
	v18 =	vld.idx.msk [tilespmem:v22+s17+$0x0], $0xffff  }
0x12d: {  	v45 =	vor.u32 v41, v6;
	v26 =	vor.u32 v37, v0;
	v37 =	vld.idx.msk [tilespmem:v28+s23+$0x0], $0xffff  }
0x12e: {  	v2 =	vld [tilespmem:$0x1FD30]  }
0x12f: {  	v30 =	vor.u32 v46, v0;
	[tilespmem:$0x1FB90] =	vst v46;
	v46 =	vld [tilespmem:$0x1FC50]  }
0x130: {  	v32 =	vadd.f32 v32, v13;
	v11 =	vld [tilespmem:$0x1FC90]  }
0x131: {  	v62 =	vmov v53;
	v24 =	vadd.f32 v24, v3;
	v53 =	vld [tilespmem:$0x1FEF0]  }
0x132: {  	v29 =	vor.u32 v36, v0;
	v35 =	vld.idx.msk [tilespmem:v45+s23+$0x0], $0xffff;
	[tilespmem:s16+$0x3A0] =	vst v32  }
0x133: {  	v32 =	vld [tilespmem:$0x1FEE0];
	[tilespmem:s16+$0x1B0] =	vst v24;
	v22 =	vor.u32 v2, v6  }
0x134: {  	v54 =	vmovc v39;
	v39 =	vor.u32 v0, v17;
	v45 =	vor.u32 v61, v0;
	v61 =	vmov v17;
	v17 =	vld [tilespmem:$0x1FDA0];
	_ =	sdelay $0x1  }
0x135: {  	v63 =	vor.u32 v0, v42  }
0x136: {  	v42 =	vld.idx.msk [tilespmem:v29+s23+$0x0], $0xffff  }
0x137: {  	v49 =	vor.u32 v46, v6;
	v46 =	vld.idx.msk [tilespmem:v22+s23+$0x0], $0xffff  }
0x138: {  	v22 =	vor.u32 v48, v0;
	v48 =	vor.u32 v17, v0;
	v17 =	vld [tilespmem:$0x1FF00]  }
0x139: {  	v26 =	vld.idx.msk [tilespmem:v26+s23+$0x0], $0xffff  }
0x13a: {  	v2 =	vld.idx.msk [tilespmem:v63+s17+$0x0], $0xffff;
	[tilespmem:$0x1FBB0] =	vst v22;
	v22 =	vadd.f32 v33, v4  }
0x13b: {  	v36 =	vadd.f32 v31, v5;
	v31 =	vor.u32 v32, v6;
	v32 =	vadd.f32 v23, v21  }
0x13c: {  	v27 =	vadd.f32 v27, v7;
	v33 =	vld.idx.msk [tilespmem:v49+s23+$0x0], $0xffff;
	[tilespmem:s16+$0x2B0] =	vst v22  }
0x13d: {  	v49 =	vor.u32 v17, v0;
	v17 =	vld [tilespmem:$0x1FF30];
	[tilespmem:s16+$0x10] =	vst v32  }
0x13e: {  	[tilespmem:s16+$0x330] =	vst v27  }
0x13f: {  	v27 =	vor.u32 v15, v0;
	v15 =	vld [tilespmem:$0x1FFA0]  }
0x140: {  	v26 =	vadd.f32 v26, v18  }
0x141: {  	s2 =	simm.s32 $0x11800;
	v37 =	vadd.f32 v37, v8  }
0x142: {  	[tilespmem:s2+$0x200] =	vst v26  }
0x143: {  	[tilespmem:s16+$0x240] =	vst v37  }
0x144: {  	v32 =	vor.u32 v15, v0;
	v15 =	vld [tilespmem:$0x1FDC0]  }
0x145: {  	v52 =	vor.u32 v50, v0  }
0x146: {  	v43 =	vor.u32 v0, v44  }
0x147: {  	v24 =	vor.u32 v59, v6  }
0x148: {  	v63 =	vor.u32 v34, v6;
	v34 =	vld.idx.msk [tilespmem:v48+s23+$0x0], $0xffff  }
0x149: {  	v48 =	vor.u32 v15, v6;
	v15 =	vld [tilespmem:$0x1FE40]  }
0x14a: {  	v41 =	vld.idx.msk [tilespmem:v52+s23+$0x0], $0xffff  }
0x14b: {  	v35 =	vadd.f32 v35, v14;
	v23 =	vld.idx.msk [tilespmem:v43+s17+$0x0], $0xffff  }
0x14c: {  	v43 =	vld.idx.msk [tilespmem:v24+s23+$0x0], $0xffff;
	[tilespmem:s16+$0x120] =	vst v36  }
0x14d: {  	v24 =	vld.idx.msk [tilespmem:v39+s17+$0x0], $0xffff;
	[tilespmem:s16+$0xB0] =	vst v35  }
0x14e: {  	v39 =	vor.u32 v15, v6;
	v15 =	vld [tilespmem:$0x1FDF0]  }
0x14f: {  	v9 =	vmov v12;
	v41 =	vadd.f32 v41, v2  }
0x150: {  	v56 =	vor.u32 v0, v12;
	v12 =	vmovc v44;
	v44 =	vor.u32 v53, v0;
	v33 =	vadd.f32 v33, v3  }
0x151: {  	v28 =	vor.u32 v51, v6;
	v52 =	vld.idx.msk [tilespmem:v31+s23+$0x0], $0xffff;
	[tilespmem:s2+$0x280] =	vst v41  }
0x152: {  	v22 =	vor.u32 v51, v0;
	v51 =	vor.u32 v19, v0;
	v37 =	vld.idx.msk [tilespmem:v49+s23+$0x0], $0xffff;
	[tilespmem:s16+$0x1C0] =	vst v33  }
0x153: {  	v49 =	vor.u32 v15, v0;
	v15 =	vld [tilespmem:$0x1FD40]  }
0x154: {  	v31 =	vor.u32 v62, v0;
	v62 =	vld.idx.msk [tilespmem:v63+s23+$0x0], $0xffff;
	v63 =	vor.u32 v40, v6  }
0x155: {  	v44 =	vld.idx.msk [tilespmem:v44+s23+$0x0], $0xffff  }
0x156: {  	v41 =	vld.idx.msk [tilespmem:v27+s23+$0x0], $0xffff  }
0x157: {  	v38 =	vor.u32 v60, v6;
	v51 =	vld.idx.msk [tilespmem:v51+s23+$0x0], $0xffff  }
0x158: {  	v46 =	vadd.f32 v46, v13;
	v48 =	vld.idx.msk [tilespmem:v48+s23+$0x0], $0xffff;
	v53 =	vor.u32 v15, v6  }
0x159: {  	v26 =	vor.u32 v47, v0;
	v47 =	vadd.f32 v43, v21;
	v36 =	vld.idx.msk [tilespmem:v63+s23+$0x0], $0xffff  }
0x15a: {  	v42 =	vadd.f32 v42, v10;
	[tilespmem:s16+$0x3B0] =	vst v46;
	v39 =	vld.idx.msk [tilespmem:v39+s23+$0x0], $0xffff  }
0x15b: {  	v37 =	vadd.f32 v37, v18;
	v15 =	vld [tilespmem:$0x1FF90];
	[tilespmem:s16+$0x20] =	vst v47  }
0x15c: {  	v33 =	vor.u32 v11, v6;
	v11 =	vadd.f32 v51, v2;
	[tilespmem:s2+$0x180] =	vst v42;
	v38 =	vld.idx.msk [tilespmem:v38+s23+$0x0], $0xffff  }
0x15d: {  	v35 =	vadd.f32 v62, v5;
	v42 =	vadd.f32 v52, v4;
	[tilespmem:s2+$0x210] =	vst v37;
	v52 =	vld.idx.msk [tilespmem:v53+s23+$0x0], $0xffff  }
0x15e: {  	v53 =	vld.idx.msk [tilespmem:v26+s23+$0x0], $0xffff;
	[tilespmem:$0x1FBC0] =	vst v11  }
0x15f: {  	v63 =	vld [tilespmem:$0x1FF70];
	[tilespmem:s16+$0x130] =	vst v35  }
0x160: {  	v11 =	vld [tilespmem:$0x1FBA0];
	_ =	sdelay $0x4  }
0x161: {  	v26 =	vadd.f32 v11, v23;
	v11 =	vld [tilespmem:$0x1FE00];
	_ =	sdelay $0x1  }
0x162: {  	v34 =	vadd.f32 v34, v24;
	_ =	sdelay $0x1  }
0x163: {  	[tilespmem:s2+$0x300] =	vst v34  }
0x164: {  	v35 =	vor.u32 v11, v6;
	v11 =	vld [tilespmem:$0x1FCF0];
	_ =	sdelay $0x3  }
0x165: {  	v46 =	vld.idx.msk [tilespmem:v49+s23+$0x0], $0xffff;
	[tilespmem:s2+$0x80] =	vst v26  }
0x166: {  	v49 =	vor.u32 v11, v6;
	v11 =	vld [tilespmem:$0x1FED0];
	_ =	sdelay $0x2  }
0x167: {  	v50 =	vor.u32 v17, v0  }
0x168: {  	v37 =	vor.u32 v63, v6  }
0x169: {  	v40 =	vor.u32 v11, v6;
	v11 =	vld.idx.msk [tilespmem:v45+s23+$0x0], $0xffff  }
0x16a: {  	v34 =	vadd.f32 v39, v14  }
0x16b: {  	v62 =	vadd.f32 v48, v3  }
0x16c: {  	v47 =	vld.idx.msk [tilespmem:v50+s23+$0x0], $0xffff;
	[tilespmem:s16+$0xC0] =	vst v34  }
0x16d: {  	v38 =	vadd.f32 v38, v21;
	v37 =	vld.idx.msk [tilespmem:v37+s23+$0x0], $0xffff;
	[tilespmem:s16+$0x1D0] =	vst v62  }
0x16e: {  	v26 =	vld.idx.msk [tilespmem:v56+s17+$0x0], $0xffff;
	[tilespmem:$0x1FBD0] =	vst v11  }
0x16f: {  	[tilespmem:s16+$0x30] =	vst v38  }
0x170: {  	v11 =	vld [tilespmem:$0x1FD50];
	_ =	sdelay $0x1  }
0x171: {  	v34 =	vadd.f32 v36, v8;
	_ =	sdelay $0x1  }
0x172: {  	[tilespmem:s16+$0x250] =	vst v34  }
0x173: {  	v39 =	vor.u32 v11, v6;
	v11 =	vld [tilespmem:$0x1FD90]  }
0x174: {  	v44 =	vadd.f32 v44, v1;
	_ =	sdelay $0x1  }
0x175: {  	[tilespmem:s2+$0x100] =	vst v44  }
0x176: {  	[tilespmem:s16+$0x2C0] =	vst v42  }
0x177: {  	v38 =	vor.u32 v11, v0;
	v11 =	vld [tilespmem:$0x1FE30];
	_ =	sdelay $0x1  }
0x178: {  	v62 =	vadd.f32 v52, v13;
	_ =	sdelay $0x1  }
0x179: {  	[tilespmem:s16+$0x3C0] =	vst v62  }
0x17a: {  	v34 =	vadd.f32 v41, v26;
	v41 =	vor.u32 v11, v0;
	v11 =	vld [tilespmem:$0x1FC10];
	_ =	sdelay $0x2  }
0x17b: {  	v52 =	vld.idx.msk [tilespmem:v35+s23+$0x0], $0xffff  }
0x17c: {  	v62 =	vld [tilespmem:$0x1FFE0];
	[tilespmem:s2+$0x380] =	vst v34  }
0x17d: {  	v35 =	vor.u32 v11, v6;
	v11 =	vld [tilespmem:$0x1FD70];
	_ =	sdelay $0x1  }
0x17e: {  	v51 =	vadd.f32 v37, v5;
	_ =	sdelay $0x1  }
0x17f: {  	[tilespmem:s16+$0x140] =	vst v51  }
0x180: {  	v34 =	vor.u32 v11, v6;
	v11 =	vld [tilespmem:$0x1FD00];
	_ =	sdelay $0x1  }
0x181: {  	v53 =	vadd.f32 v53, v18;
	_ =	sdelay $0x1  }
0x182: {  	v36 =	vor.u32 v16, v6;
	[tilespmem:s2+$0x220] =	vst v53  }
0x183: {  	v17 =	vor.u32 v15, v0;
	v15 =	vmov v11;
	v50 =	vor.u32 v11, v6;
	v11 =	vld [tilespmem:$0x1FD20];
	_ =	sdelay $0x1  }
0x184: {  	v44 =	vadd.f32 v47, v10;
	_ =	sdelay $0x1  }
0x185: {  	v47 =	vld.idx.msk [tilespmem:v36+s23+$0x0], $0xffff;
	[tilespmem:s2+$0x190] =	vst v44  }
0x186: {  	v36 =	vor.u32 v11, v6;
	v11 =	vld [tilespmem:$0x1FD10];
	_ =	sdelay $0x4  }
0x187: {  	v42 =	vor.u32 v11, v6;
	v11 =	vld [tilespmem:$0x1FBB0]  }
0x188: {  	v49 =	vld.idx.msk [tilespmem:v49+s23+$0x0], $0xffff;
	_ =	sdelay $0x4  }
0x189: {  	v49 =	vadd.f32 v49, v7;
	_ =	sdelay $0x1  }
0x18a: {  	[tilespmem:s16+$0x340] =	vst v49;
	v53 =	vld.idx.msk [tilespmem:v11+s23+$0x0], $0xffff  }
0x18b: {  	v11 =	vld [tilespmem:$0x1FBC0];
	_ =	sdelay $0x4  }
0x18c: {  	v37 =	vor.u32 v62, v6;
	v19 =	vld [tilespmem:$0x1FFD0];
	[tilespmem:s2+$0x290] =	vst v11  }
0x18d: {  	v11 =	vld [tilespmem:$0x1FDE0];
	_ =	sdelay $0x1  }
0x18e: {  	v44 =	vadd.f32 v47, v21;
	_ =	sdelay $0x1  }
0x18f: {  	v45 =	vor.u32 v20, v6;
	v47 =	vld.idx.msk [tilespmem:v37+s23+$0x0], $0xffff;
	[tilespmem:s16+$0x40] =	vst v44  }
0x190: {  	v37 =	vor.u32 v11, v6;
	v11 =	vld [tilespmem:$0x1FD80];
	_ =	sdelay $0x2  }
0x191: {  	v48 =	vld.idx.msk [tilespmem:v40+s23+$0x0], $0xffff  }
0x192: {  	v40 =	vld.idx.msk [tilespmem:v45+s23+$0x0], $0xffff  }
0x193: {  	v45 =	vor.u32 v11, v0;
	v11 =	vld.idx.msk [tilespmem:v50+s23+$0x0], $0xffff;
	_ =	sdelay $0x2  }
0x194: {  	v43 =	vld.idx.msk [tilespmem:v39+s23+$0x0], $0xffff  }
0x195: {  	v38 =	vld.idx.msk [tilespmem:v38+s23+$0x0], $0xffff  }
0x196: {  	v51 =	vld.idx.msk [tilespmem:v41+s23+$0x0], $0xffff;
	[tilespmem:$0x1FBE0] =	vst v11  }
0x197: {  	v11 =	vld.idx.msk [tilespmem:v17+s23+$0x0], $0xffff;
	_ =	sdelay $0x3  }
0x198: {  	v52 =	vadd.f32 v52, v3  }
0x199: {  	v46 =	vadd.f32 v46, v24;
	[tilespmem:$0x1FBF0] =	vst v11  }
0x19a: {  	[tilespmem:s16+$0x1E0] =	vst v52  }
0x19b: {  	[tilespmem:s2+$0x310] =	vst v46  }
0x19c: {  	v11 =	vld [tilespmem:$0x1FFC0];
	_ =	sdelay $0x1  }
0x19d: {  	v49 =	vadd.f32 v48, v14;
	_ =	sdelay $0x1  }
0x19e: {  	[tilespmem:s16+$0xD0] =	vst v49  }
0x19f: {  	v56 =	vmovc v16;
	v17 =	vmovc v54;
	v52 =	vor.u32 v54, v6;
	v16 =	vmov v11;
	v54 =	vor.u32 v11, v6;
	v11 =	vld [tilespmem:$0x1FD60];
	_ =	sdelay $0x1  }
0x1a0: {  	v48 =	vadd.f32 v38, v26;
	_ =	sdelay $0x1  }
0x1a1: {  	[tilespmem:s2+$0x390] =	vst v48  }
0x1a2: {  	v50 =	vor.u32 v11, v6;
	v11 =	vld [tilespmem:$0x1FBD0];
	_ =	sdelay $0x1  }
0x1a3: {  	v39 =	vadd.f32 v43, v13;
	_ =	sdelay $0x1  }
0x1a4: {  	v20 =	vld [tilespmem:$0x1FFB0];
	[tilespmem:s16+$0x3D0] =	vst v39  }
0x1a5: {  	v46 =	vadd.f32 v11, v23;
	v11 =	vld [tilespmem:$0x1FC70];
	_ =	sdelay $0x4  }
0x1a6: {  	v48 =	vor.u32 v11, v6;
	v11 =	vld [tilespmem:$0x1FBE0];
	_ =	sdelay $0x4  }
0x1a7: {  	v43 =	vadd.f32 v53, v1;
	v53 =	vadd.f32 v11, v7;
	v11 =	vld [tilespmem:$0x1FBF0]  }
0x1a8: {  	v55 =	vor.u32 v55, v0  }
0x1a9: {  	v41 =	vor.u32 v19, v6;
	v49 =	vadd.f32 v47, v5;
	_ =	sdelay $0x1  }
0x1aa: {  	v47 =	vld.idx.msk [tilespmem:v52+s23+$0x0], $0xffff;
	[tilespmem:s16+$0x150] =	vst v49  }
0x1ab: {  	v52 =	vadd.f32 v11, v10;
	v11 =	vld [tilespmem:$0x1FF80]  }
0x1ac: {  	v44 =	vadd.f32 v40, v8;
	v40 =	vld.idx.msk [tilespmem:v55+s23+$0x0], $0xffff  }
0x1ad: {  	v41 =	vld.idx.msk [tilespmem:v41+s23+$0x0], $0xffff  }
0x1ae: {  	v37 =	vld.idx.msk [tilespmem:v37+s23+$0x0], $0xffff  }
0x1af: {  	v29 =	vor.u32 v58, v0;
	v27 =	vor.u32 v60, v0;
	v38 =	vadd.f32 v51, v18;
	v45 =	vld.idx.msk [tilespmem:v45+s23+$0x0], $0xffff  }
0x1b0: {  	s26 =	simm.s32 $0x11800;
	v51 =	vor.u32 v20, v6;
	v49 =	vld.idx.msk [tilespmem:v54+s23+$0x0], $0xffff;
	v39 =	vor.u32 v11, v0;
	v11 =	vmov v56  }
.LBB2_5:
0x1b1: {  	v54 =	vld [tilespmem:$0x1FC40]  }
0x1b2: {  	v55 =	vld [tilespmem:$0x1FC80]  }
0x1b3: {  	v56 =	vld [tilespmem:$0x1FC30]  }
0x1b4: {  	[tilespmem:s2+$0x1A0] =	vst v52;
	v52 =	vadd.f32 v41, v21;
	v41 =	vadd.f32 v37, v3;
	v3 =	vld [tilespmem:$0x1FE80];
	_ =	sdelay $0x3  }
0x1b5: {  	v54 =	vor.u32 v54, v6;
	v55 =	vor.u32 v55, v6;
	v56 =	vor.u32 v56, v6;
	v6 =	vmovc v0  }
0x1b6: {  	[tilespmem:s16+$0x260] =	vst v44;
	v44 =	vor.u32 v3, v6;
	v3 =	vld [tilespmem:$0x1FCE0];
	_ =	sdelay $0x3  }
0x1b7: {  	v50 =	vld.idx.msk [tilespmem:v50+s23+$0x0], $0xffff  }
0x1b8: {  	[tilespmem:s2+$0x90] =	vst v46;
	v46 =	vor.u32 v3, v6;
	v3 =	vld [tilespmem:$0x1FDB0]  }
0x1b9: {  	v51 =	vld.idx.msk [tilespmem:v51+s23+$0x0], $0xffff;
	[tilespmem:s16+$0x350] =	vst v53  }
0x1ba: {  	v42 =	vld.idx.msk [tilespmem:v42+s23+$0x0], $0xffff  }
0x1bb: {  	v48 =	vld.idx.msk [tilespmem:v48+s23+$0x0], $0xffff  }
0x1bc: {  	s18 =	sadd.s32 $0x8, s18;
	v45 =	vadd.f32 v45, v24;
	v39 =	vld.idx.msk [tilespmem:v39+s23+$0x0], $0xffff  }
0x1bd: {  	v53 =	vmov s18;
	[tilespmem:s2+$0x110] =	vst v43;
	v43 =	vor.u32 v3, v6;
	v3 =	vmov v10;
	v10 =	vld [tilespmem:$0x1FB90]  }
0x1be: {  	v32 =	vld.idx.msk [tilespmem:v32+s23+$0x0], $0xffff;
	[tilespmem:s2+$0x320] =	vst v45;
	v0 =	vshrl.u32 v53, $0x3  }
0x1bf: {  	v45 =	vld [tilespmem:$0x1FB70];
	v47 =	vadd.f32 v47, v4;
	v0 =	vshll.u32 v0, $0x3;
	[tilespmem:s16+$0x50] =	vst v52  }
0x1c0: {  	v0 =	vbroadcast v0, $0x0;
	v52 =	vld.idx.msk [tilespmem:v28+s23+$0x0], $0xffff;
	v28 =	vadd.f32 v49, v14  }
0x1c1: {  	[tilespmem:s16+$0x2D0] =	vst v47;
	v49 =	vadd.f32 v50, v13;
	v47 =	vadd.f32 v48, v8;
	v8 =	vmov v18;
	v18 =	vld [tilespmem:$0x1FB50]  }
0x1c2: {  	v50 =	vor.u32 v57, v0;
	v57 =	vld.idx.msk [tilespmem:v30+s17+$0x0], $0xffff;
	[tilespmem:s16+$0xE0] =	vst v28;
	v10 =	vor.u32 v10, v0  }
0x1c3: {  	v42 =	vadd.f32 v42, v7;
	v30 =	vmov v10;
	v10 =	vld.idx.msk [tilespmem:v56+s23+$0x0], $0xffff  }
0x1c4: {  	v51 =	vadd.f32 v51, v5;
	v56 =	vld [tilespmem:$0x1FEB0]  }
0x1c5: {  	[tilespmem:s16+$0x360] =	vst v42;
	v42 =	vld [tilespmem:$0x1FE90]  }
0x1c6: {  	[tilespmem:s16+$0x160] =	vst v51;
	v48 =	vld.idx.msk [tilespmem:v55+s23+$0x0], $0xffff  }
0x1c7: {  	v54 =	vld.idx.msk [tilespmem:v54+s23+$0x0], $0xffff  }
0x1c8: {  	v55 =	vld [tilespmem:$0x1FEF0]  }
0x1c9: {  	v53 =	vadd.f32 v40, v2;
	v51 =	vor.u32 v56, v6;
	v56 =	vld [tilespmem:$0x1FB60]  }
0x1ca: {  	[tilespmem:s16+$0x3E0] =	vst v49;
	v31 =	vld.idx.msk [tilespmem:v31+s23+$0x0], $0xffff  }
0x1cb: {  	[tilespmem:s2+$0x2A0] =	vst v53;
	v53 =	vld [tilespmem:$0x1FB80];
	v52 =	vadd.f32 v52, v21  }
0x1cc: {  	[tilespmem:s16+$0x270] =	vst v47;
	v28 =	vmov v22;
	v22 =	vld [tilespmem:$0x1FE70];
	v10 =	vadd.f32 v10, v14  }
0x1cd: {  	[tilespmem:s16+$0x60] =	vst v52;
	v52 =	vld.idx.msk [tilespmem:v34+s23+$0x0], $0xffff  }
0x1ce: {  	v43 =	vld.idx.msk [tilespmem:v43+s23+$0x0], $0xffff;
	[tilespmem:s16+$0xF0] =	vst v10;
	v10 =	vadd.f32 v54, v5;
	v47 =	vor.u32 v0, v56  }
0x1cf: {  	v5 =	vmovc v1;
	v56 =	vor.u32 v42, v0;
	v42 =	vadd.f32 v32, v1;
	v1 =	vadd.f32 v25, v57;
	v25 =	vld [tilespmem:$0x1FEC0]  }
0x1d0: {  	v14 =	vmov v23;
	v23 =	vld [tilespmem:$0x1FEA0]  }
0x1d1: {  	[tilespmem:s16+$0x170] =	vst v10;
	v10 =	vld [tilespmem:$0x1FC20]  }
0x1d2: {  	v22 =	vor.u32 v22, v0;
	v32 =	vld.idx.msk [tilespmem:v36+s23+$0x0], $0xffff  }
0x1d3: {  	v36 =	vor.u32 v0, v45;
	v45 =	vld.idx.msk [tilespmem:v46+s23+$0x0], $0xffff  }
0x1d4: {  	v54 =	vor.u32 v25, v0;
	v25 =	vld [tilespmem:$0x1FE60]  }
0x1d5: {  	v46 =	vld.idx.msk [tilespmem:v35+s23+$0x0], $0xffff;
	v35 =	vadd.f32 v48, v4  }
0x1d6: {  	v51 =	vld.idx.msk [tilespmem:v51+s23+$0x0], $0xffff  }
0x1d7: {  	[tilespmem:s16+$0x2E0] =	vst v35;
	v35 =	vld.idx.msk [tilespmem:v22+s23+$0x0], $0xffff  }
0x1d8: {  	v22 =	vld [tilespmem:$0x1FDA0]  }
0x1d9: {  	v48 =	vor.u32 v0, v53;
	v53 =	vor.u32 v58, v0;
	v58 =	vor.u32 v25, v6;
	v25 =	vld.idx.msk [tilespmem:v50+s23+$0x0], $0xffff  }
0x1da: {  	v18 =	vor.u32 v0, v18;
	v34 =	vor.u32 v10, v0;
	v10 =	vadd.f32 v32, v7;
	[tilespmem:s26+$0x0] =	vst v1;
	v1 =	vld [tilespmem:$0x1FF10]  }
0x1db: {  	v33 =	vld.idx.msk [tilespmem:v33+s23+$0x0], $0xffff  }
0x1dc: {  	[tilespmem:s16+$0x370] =	vst v10;
	v10 =	vld.idx.msk [tilespmem:v47+s17+$0x0], $0xffff  }
0x1dd: {  	[tilespmem:s26+$0x230] =	vst v38;
	v38 =	vld.idx.msk [tilespmem:v29+s23+$0x0], $0xffff  }
0x1de: {  	v29 =	vmov v53;
	v53 =	vld [tilespmem:$0x1FDF0]  }
0x1df: {  	v49 =	vor.u32 v55, v0;
	v55 =	vadd.f32 v39, v3;
	v39 =	vor.u32 v1, v0;
	v1 =	vld.idx.msk [tilespmem:v18+s17+$0x0], $0xffff  }
0x1e0: {  	v18 =	vadd.f32 v31, v14;
	v31 =	vadd.f32 v46, v21;
	v21 =	vld [tilespmem:$0x1FC00]  }
0x1e1: {  	v58 =	vld.idx.msk [tilespmem:v58+s23+$0x0], $0xffff  }
0x1e2: {  	v46 =	vadd.f32 v51, v2;
	v51 =	vor.u32 v59, v6;
	v59 =	vld [tilespmem:$0x1FDD0]  }
0x1e3: {  	v13 =	vadd.f32 v52, v13;
	v23 =	vor.u32 v23, v0;
	[tilespmem:s26+$0xA0] =	vst v18;
	v18 =	vld [tilespmem:$0x1FF00]  }
0x1e4: {  	[tilespmem:s16+$0x70] =	vst v31;
	v31 =	vadd.f32 v33, v4;
	v4 =	vld [tilespmem:$0x1FC50]  }
0x1e5: {  	[tilespmem:s16+$0x3F0] =	vst v13;
	v44 =	vld.idx.msk [tilespmem:v44+s23+$0x0], $0xffff  }
0x1e6: {  	v47 =	vor.u32 v22, v0;
	[tilespmem:s16+$0x2F0] =	vst v31;
	v31 =	vld [tilespmem:$0x1FFA0]  }
0x1e7: {  	v13 =	vmovc v26;
	v22 =	vor.u32 v21, v0;
	v21 =	vmov v57;
	v57 =	vadd.f32 v43, v26;
	v26 =	vld.idx.msk [tilespmem:v56+s23+$0x0], $0xffff  }
0x1e8: {  	[tilespmem:s16+$0x1F0] =	vst v41;
	v41 =	vld.idx.msk [tilespmem:v23+s23+$0x0], $0xffff  }
0x1e9: {  	v33 =	vor.u32 v4, v6;
	v4 =	vld [tilespmem:$0x1FD30]  }
0x1ea: {  	v23 =	vld [tilespmem:$0x1FEE0]  }
0x1eb: {  	s16 =	smov.u32 s26;
	v56 =	vld [tilespmem:$0x1FF40]  }
0x1ec: {  	[tilespmem:s16+$0x1B0] =	vst v55;
	v55 =	vld [tilespmem:$0x1FE10]  }
0x1ed: {  	v50 =	vor.u32 v18, v0;
	v18 =	vld.idx.msk [tilespmem:v36+s17+$0x0], $0xffff  }
0x1ee: {  	v58 =	vadd.f32 v58, v8;
	v36 =	vor.u32 v4, v6;
	v4 =	vmov v2;
	v2 =	vld [tilespmem:$0x1FF30]  }
0x1ef: {  	v38 =	vadd.f32 v38, v21;
	[tilespmem:s16+$0x3A0] =	vst v57;
	v57 =	vld [tilespmem:$0x1FF90]  }
0x1f0: {  	[tilespmem:s16+$0x240] =	vst v58;
	v58 =	vld [tilespmem:$0x1FE50]  }
0x1f1: {  	v7 =	vmov v24;
	[tilespmem:s16+$0x10] =	vst v38;
	v32 =	vor.u32 v31, v0;
	v31 =	vld [tilespmem:$0x1FF50]  }
0x1f2: {  	v24 =	vadd.f32 v45, v7;
	v51 =	vld.idx.msk [tilespmem:v51+s23+$0x0], $0xffff  }
0x1f3: {  	v41 =	vadd.f32 v41, v18;
	v52 =	vor.u32 v2, v0;
	v2 =	vld [tilespmem:$0x1FF20]  }
0x1f4: {  	s2 =	sadd.s32 $0x400, s2;
	[tilespmem:s16+$0x330] =	vst v24;
	v33 =	vld.idx.msk [tilespmem:v33+s23+$0x0], $0xffff  }
0x1f5: {  	v44 =	vadd.f32 v44, v14;
	[tilespmem:s2+$0x200] =	vst v41;
	v41 =	vld.idx.msk [tilespmem:v47+s23+$0x0], $0xffff  }
0x1f6: {  	v23 =	vor.u32 v23, v6;
	v47 =	vld.idx.msk [tilespmem:v50+s23+$0x0], $0xffff  }
0x1f7: {  	[tilespmem:s16+$0xB0] =	vst v44;
	v44 =	vor.u32 v56, v6;
	v36 =	vld.idx.msk [tilespmem:v36+s23+$0x0], $0xffff  }
0x1f8: {  	v40 =	vor.u32 v0, v12;
	v43 =	vor.u32 v2, v0;
	v2 =	vld.idx.msk [tilespmem:v48+s17+$0x0], $0xffff  }
0x1f9: {  	[tilespmem:s16+$0x2B0] =	vst v46;
	v48 =	vld.idx.msk [tilespmem:v49+s23+$0x0], $0xffff  }
0x1fa: {  	v26 =	vadd.f32 v26, v10;
	v24 =	vld.idx.msk [tilespmem:v54+s23+$0x0], $0xffff  }
0x1fb: {  	[tilespmem:s16+$0x120] =	vst v42;
	v54 =	vld.idx.msk [tilespmem:v23+s23+$0x0], $0xffff  }
0x1fc: {  	[tilespmem:s2+$0x180] =	vst v26;
	v26 =	vld.idx.msk [tilespmem:v44+s23+$0x0], $0xffff  }
0x1fd: {  	v38 =	vor.u32 v58, v0;
	v58 =	vadd.f32 v51, v21;
	v23 =	vld.idx.msk [tilespmem:v40+s17+$0x0], $0xffff  }
0x1fe: {  	v40 =	vor.u32 v57, v0;
	v57 =	vld [tilespmem:$0x1FE20]  }
0x1ff: {  	[tilespmem:s16+$0x20] =	vst v58;
	v49 =	vor.u32 v55, v0;
	v55 =	vor.u32 v59, v0;
	v59 =	vld [tilespmem:$0x1FD40]  }
0x200: {  	v45 =	vor.u32 v0, v61;
	v50 =	vld.idx.msk [tilespmem:v27+s23+$0x0], $0xffff;
	v46 =	vor.u32 v53, v0  }
0x201: {  	v53 =	vor.u32 v60, v0;
	v60 =	vadd.f32 v24, v2;
	v24 =	vld [tilespmem:$0x1FDC0];
	v26 =	vadd.f32 v26, v5  }
0x202: {  	v27 =	vld [tilespmem:$0x1FC90]  }
0x203: {  	v42 =	vor.u32 v57, v6;
	[tilespmem:s16+$0x130] =	vst v26;
	v26 =	vld [tilespmem:$0x1FE00]  }
0x204: {  	[tilespmem:s2+$0x280] =	vst v60;
	v60 =	vor.u32 v59, v6;
	v59 =	vld [tilespmem:$0x1FCF0]  }
0x205: {  	v43 =	vld.idx.msk [tilespmem:v43+s23+$0x0], $0xffff  }
0x206: {  	v47 =	vadd.f32 v47, v18;
	v56 =	vor.u32 v24, v6;
	v24 =	vld.idx.msk [tilespmem:v45+s17+$0x0], $0xffff  }
0x207: {  	v36 =	vadd.f32 v36, v13;
	v45 =	vld [tilespmem:$0x1FE40]  }
0x208: {  	v42 =	vld.idx.msk [tilespmem:v42+s23+$0x0], $0xffff;
	[tilespmem:s2+$0x210] =	vst v47  }
0x209: {  	v33 =	vadd.f32 v33, v3;
	[tilespmem:s16+$0x3B0] =	vst v36;
	v49 =	vld.idx.msk [tilespmem:v49+s23+$0x0], $0xffff  }
0x20a: {  	v51 =	vld.idx.msk [tilespmem:v60+s23+$0x0], $0xffff  }
0x20b: {  	[tilespmem:s16+$0x1C0] =	vst v33;
	v33 =	vor.u32 v27, v6;
	v60 =	vld [tilespmem:$0x1FD50]  }
0x20c: {  	v27 =	vmov v53;
	v53 =	vor.u32 v26, v6;
	v26 =	vadd.f32 v35, v23;
	v35 =	vld.idx.msk [tilespmem:v52+s23+$0x0], $0xffff  }
0x20d: {  	v36 =	vor.u32 v45, v6;
	v45 =	vld.idx.msk [tilespmem:v55+s23+$0x0], $0xffff  }
0x20e: {  	v57 =	vld.idx.msk [tilespmem:v56+s23+$0x0], $0xffff;
	v41 =	vadd.f32 v41, v24  }
0x20f: {  	v42 =	vadd.f32 v42, v8;
	v56 =	vld [tilespmem:$0x1FD70]  }
0x210: {  	v44 =	vadd.f32 v54, v4;
	v52 =	vor.u32 v59, v6;
	[tilespmem:s2+$0x300] =	vst v41;
	v54 =	vor.u32 v60, v6;
	v60 =	vld [tilespmem:$0x1FD90]  }
0x211: {  	v37 =	vor.u32 v0, v9;
	[tilespmem:s16+$0x250] =	vst v42;
	v42 =	vld [tilespmem:$0x1FC10]  }
0x212: {  	v46 =	vld.idx.msk [tilespmem:v46+s23+$0x0], $0xffff  }
0x213: {  	v36 =	vld.idx.msk [tilespmem:v36+s23+$0x0], $0xffff  }
0x214: {  	v58 =	vadd.f32 v57, v3;
	v57 =	vld [tilespmem:$0x1FED0]  }
0x215: {  	v52 =	vld.idx.msk [tilespmem:v52+s23+$0x0], $0xffff  }
0x216: {  	v50 =	vadd.f32 v50, v21;
	v47 =	vor.u32 v63, v6;
	[tilespmem:s2+$0x80] =	vst v26;
	v26 =	vld.idx.msk [tilespmem:v37+s17+$0x0], $0xffff  }
0x217: {  	v55 =	vor.u32 v11, v6;
	[tilespmem:s16+$0x1D0] =	vst v58;
	v58 =	vld [tilespmem:$0x1FC60]  }
0x218: {  	[tilespmem:s16+$0x30] =	vst v50;
	v59 =	vadd.f32 v48, v1;
	v50 =	vadd.f32 v35, v10;
	v35 =	vor.u32 v42, v6;
	v42 =	vld [tilespmem:$0x1FD20]  }
0x219: {  	v48 =	vadd.f32 v49, v18;
	v49 =	vld.idx.msk [tilespmem:v53+s23+$0x0], $0xffff;
	v36 =	vadd.f32 v36, v14;
	v37 =	vor.u32 v57, v6  }
0x21a: {  	v57 =	vld [tilespmem:$0x1FE30]  }
0x21b: {  	v51 =	vadd.f32 v51, v13;
	v53 =	vor.u32 v60, v0;
	[tilespmem:s16+$0xC0] =	vst v36;
	v36 =	vld.idx.msk [tilespmem:v47+s23+$0x0], $0xffff  }
0x21c: {  	v41 =	vor.u32 v58, v6;
	v58 =	vadd.f32 v45, v26;
	v45 =	vld.idx.msk [tilespmem:v55+s23+$0x0], $0xffff  }
0x21d: {  	[tilespmem:s16+$0x3C0] =	vst v51;
	v47 =	vld.idx.msk [tilespmem:v34+s23+$0x0], $0xffff  }
0x21e: {  	[tilespmem:s2+$0x380] =	vst v58;
	v37 =	vld.idx.msk [tilespmem:v37+s23+$0x0], $0xffff  }
0x21f: {  	v54 =	vld.idx.msk [tilespmem:v54+s23+$0x0], $0xffff  }
0x220: {  	v60 =	vor.u32 v62, v6;
	[tilespmem:s2+$0x190] =	vst v50;
	v58 =	vadd.f32 v52, v7;
	v53 =	vld.idx.msk [tilespmem:v53+s23+$0x0], $0xffff  }
0x221: {  	[tilespmem:s2+$0x100] =	vst v59;
	v34 =	vor.u32 v56, v6;
	v56 =	vor.u32 v57, v0;
	v57 =	vld [tilespmem:$0x1FD10]  }
0x222: {  	[tilespmem:s16+$0x340] =	vst v58;
	v58 =	vld.idx.msk [tilespmem:v40+s23+$0x0], $0xffff;
	v59 =	vadd.f32 v36, v5  }
0x223: {  	v51 =	vor.u32 v15, v6;
	v41 =	vld.idx.msk [tilespmem:v41+s23+$0x0], $0xffff  }
0x224: {  	[tilespmem:s16+$0x140] =	vst v59;
	v59 =	vld [tilespmem:$0x1FDE0]  }
0x225: {  	[tilespmem:s16+$0x2C0] =	vst v44;
	v43 =	vadd.f32 v43, v2;
	v52 =	vld.idx.msk [tilespmem:v60+s23+$0x0], $0xffff  }
0x226: {  	[tilespmem:s2+$0x220] =	vst v48;
	v60 =	vld [tilespmem:$0x1FD80]  }
0x227: {  	[tilespmem:s2+$0x290] =	vst v43;
	v48 =	vld.idx.msk [tilespmem:v56+s23+$0x0], $0xffff;
	v53 =	vadd.f32 v53, v26  }
0x228: {  	v50 =	vor.u32 v19, v6;
	v36 =	vor.u32 v42, v6;
	v42 =	vor.u32 v57, v6;
	v57 =	vld.idx.msk [tilespmem:v51+s23+$0x0], $0xffff  }
0x229: {  	v49 =	vadd.f32 v49, v3;
	[tilespmem:s2+$0x390] =	vst v53;
	v53 =	vld [tilespmem:$0x1FC70]  }
0x22a: {  	v40 =	vld.idx.msk [tilespmem:v38+s23+$0x0], $0xffff;
	v45 =	vadd.f32 v45, v21;
	v55 =	vor.u32 v59, v6  }
0x22b: {  	[tilespmem:s16+$0x1E0] =	vst v49;
	v39 =	vld.idx.msk [tilespmem:v39+s23+$0x0], $0xffff;
	v56 =	vor.u32 v60, v0  }
0x22c: {  	v46 =	vadd.f32 v46, v24;
	[tilespmem:s16+$0x40] =	vst v45;
	v51 =	vld [tilespmem:$0x1FD60]  }
0x22d: {  	v37 =	vadd.f32 v37, v14;
	v44 =	vadd.f32 v41, v8;
	v41 =	vld.idx.msk [tilespmem:v50+s23+$0x0], $0xffff;
	v59 =	vor.u32 v17, v6  }
0x22e: {  	[tilespmem:s2+$0x310] =	vst v46;
	v38 =	vadd.f32 v48, v18;
	v48 =	vor.u32 v53, v6;
	v53 =	vadd.f32 v57, v7;
	v57 =	vld [tilespmem:$0x1FCA0]  }
0x22f: {  	[tilespmem:s16+$0xD0] =	vst v37;
	v37 =	vld.idx.msk [tilespmem:v55+s23+$0x0], $0xffff  }
0x230: {  	v60 =	vor.u32 v16, v6;
	v45 =	vld.idx.msk [tilespmem:v56+s23+$0x0], $0xffff  }
0x231: {  	p2 =	slt.u32 s18, $0x38;
	v56 =	vld [tilespmem:$0x1FF80]  }
.Ltmp5:
0x232: {  	v46 =	vadd.f32 v47, v23;
	v47 =	vld.idx.msk [tilespmem:v59+s23+$0x0], $0xffff;
	(pc) =	sbr.rel @p2 .LBB2_5-.Ltmp5, $4  }
0x233: {  	v54 =	vadd.f32 v54, v13;
	v59 =	vld [tilespmem:$0x1FCC0]  }
0x234: {  	v55 =	vadd.f32 v52, v5;
	v52 =	vadd.f32 v58, v10;
	v58 =	vld [tilespmem:$0x1FCB0]  }
0x235: {  	v31 =	vor.u32 v31, v0;
	[tilespmem:s16+$0x3D0] =	vst v54;
	v43 =	vadd.f32 v39, v1;
	v49 =	vld.idx.msk [tilespmem:v60+s23+$0x0], $0xffff  }
0x236: {  	s26 =	smov.u32 s2;
	v50 =	vor.u32 v51, v6;
	v51 =	vor.u32 v20, v6;
	v60 =	vld [tilespmem:$0x1FCD0];
	[tilespmem:s16+$0x150] =	vst v55;
	v39 =	vor.u32 v56, v0  }
0x237: {  	_ =	sdelay $0x1  }
0x238: {  	[tilespmem:s16+$0x350] =	vst v53  }
0x239: {  	[tilespmem:s2+$0x1A0] =	vst v52  }
0x23a: {  	v41 =	vadd.f32 v41, v21;
	v51 =	vld.idx.msk [tilespmem:v51+s23+$0x0], $0xffff;
	[tilespmem:s16+$0x260] =	vst v44  }
0x23b: {  	v30 =	vld.idx.msk [tilespmem:v30+s17+$0x0], $0xffff;
	[tilespmem:s2+$0x90] =	vst v46  }
0x23c: {  	v50 =	vld.idx.msk [tilespmem:v50+s23+$0x0], $0xffff;
	[tilespmem:s16+$0x50] =	vst v41;
	v54 =	vadd.f32 v49, v14  }
0x23d: {  	v55 =	vadd.f32 v47, v4;
	v53 =	vld [tilespmem:$0x1FC30];
	[tilespmem:s2+$0x110] =	vst v43  }
0x23e: {  	v44 =	vld.idx.msk [tilespmem:v48+s23+$0x0], $0xffff;
	[tilespmem:s16+$0xE0] =	vst v54  }
0x23f: {  	v48 =	vld [tilespmem:$0x1FC80];
	[tilespmem:s16+$0x2D0] =	vst v55  }
0x240: {  	v47 =	vld [tilespmem:$0x1FC40]  }
0x241: {  	v42 =	vld.idx.msk [tilespmem:v42+s23+$0x0], $0xffff  }
0x242: {  	v61 =	vadd.f32 v51, v5;
	v52 =	vor.u32 v53, v6  }
0x243: {  	v28 =	vld.idx.msk [tilespmem:v28+s23+$0x0], $0xffff;
	v25 =	vadd.f32 v25, v30  }
0x244: {  	v51 =	vadd.f32 v50, v13;
	[tilespmem:s16+$0x160] =	vst v61;
	v56 =	vor.u32 v48, v6  }
0x245: {  	v8 =	vadd.f32 v44, v8;
	[tilespmem:s26+$0x0] =	vst v25;
	v49 =	vor.u32 v47, v6  }
0x246: {  	[tilespmem:s16+$0x3E0] =	vst v51;
	v25 =	vadd.f32 v42, v7  }
0x247: {  	[tilespmem:s16+$0x270] =	vst v8;
	v8 =	vadd.f32 v45, v24;
	v52 =	vld.idx.msk [tilespmem:v52+s23+$0x0], $0xffff  }
0x248: {  	v54 =	vld.idx.msk [tilespmem:v29+s23+$0x0], $0xffff;
	v28 =	vadd.f32 v28, v21;
	[tilespmem:s16+$0x360] =	vst v25  }
0x249: {  	[tilespmem:s2+$0x320] =	vst v8;
	v29 =	vld.idx.msk [tilespmem:v56+s23+$0x0], $0xffff  }
0x24a: {  	v25 =	vadd.f32 v40, v2;
	[tilespmem:s16+$0x60] =	vst v28;
	v6 =	vld.idx.msk [tilespmem:v49+s23+$0x0], $0xffff  }
0x24b: {  	v8 =	vor.u32 v59, v0;
	v41 =	vld [tilespmem:$0x1FDB0]  }
0x24c: {  	[tilespmem:s2+$0x2A0] =	vst v25;
	v25 =	vld.idx.msk [tilespmem:v31+s23+$0x0], $0xffff;
	v28 =	vadd.f32 v52, v14  }
0x24d: {  	v31 =	vld.idx.msk [tilespmem:v32+s23+$0x0], $0xffff;
	v56 =	vadd.f32 v54, v30  }
0x24e: {  	v42 =	vld.idx.msk [tilespmem:v35+s23+$0x0], $0xffff;
	[tilespmem:s16+$0xF0] =	vst v28;
	v28 =	vadd.f32 v29, v4  }
0x24f: {  	v14 =	vld.idx.msk [tilespmem:v36+s23+$0x0], $0xffff;
	[tilespmem:s26+$0x10] =	vst v56;
	v61 =	vadd.f32 v6, v5  }
0x250: {  	v55 =	vor.u32 v41, v0;
	v8 =	vld.idx.msk [tilespmem:v8+s23+$0x0], $0xffff;
	[tilespmem:s16+$0x2E0] =	vst v28  }
0x251: {  	v35 =	vld [tilespmem:$0x1FE80];
	[tilespmem:s16+$0x170] =	vst v61  }
0x252: {  	v36 =	vld [tilespmem:$0x1FF40];
	[tilespmem:s26+$0x230] =	vst v38  }
0x253: {  	v9 =	vld [tilespmem:$0x1FCE0]  }
0x254: {  	v45 =	vadd.f32 v14, v7  }
0x255: {  	v25 =	vadd.f32 v25, v23;
	v44 =	vld.idx.msk [tilespmem:v55+s23+$0x0], $0xffff  }
0x256: {  	v46 =	vadd.f32 v31, v1;
	v28 =	vld.idx.msk [tilespmem:v34+s23+$0x0], $0xffff;
	[tilespmem:s16+$0x370] =	vst v45  }
0x257: {  	v6 =	vadd.f32 v42, v21;
	v31 =	vld.idx.msk [tilespmem:v33+s23+$0x0], $0xffff;
	[tilespmem:s26+$0xA0] =	vst v25  }
0x258: {  	v8 =	vadd.f32 v8, v30;
	v43 =	vor.u32 v35, v0;
	v14 =	vor.u32 v9, v0;
	v9 =	vld [tilespmem:$0x1FD30];
	[tilespmem:s26+$0x120] =	vst v46  }
0x259: {  	v38 =	vld [tilespmem:$0x1FEB0];
	[tilespmem:s16+$0x70] =	vst v6  }
0x25a: {  	v29 =	vor.u32 v36, v0;
	[tilespmem:s26+$0x20] =	vst v8  }
0x25b: {  	v5 =	vadd.f32 v44, v26;
	v40 =	vld [tilespmem:$0x1FE60]  }
0x25c: {  	v27 =	vld.idx.msk [tilespmem:v27+s23+$0x0], $0xffff  }
0x25d: {  	v25 =	vadd.f32 v28, v13;
	[tilespmem:s26+$0x3A0] =	vst v5;
	v32 =	vld.idx.msk [tilespmem:v43+s23+$0x0], $0xffff;
	v21 =	vor.u32 v9, v0  }
0x25e: {  	v51 =	vadd.f32 v31, v4;
	v52 =	vld [tilespmem:$0x1FE40]  }
0x25f: {  	[tilespmem:s16+$0x3F0] =	vst v25;
	v50 =	vld.idx.msk [tilespmem:v29+s23+$0x0], $0xffff;
	v49 =	vor.u32 v38, v0  }
0x260: {  	[tilespmem:s16+$0x2F0] =	vst v51;
	v13 =	vld.idx.msk [tilespmem:v14+s23+$0x0], $0xffff  }
0x261: {  	v3 =	vadd.f32 v37, v3;
	v9 =	vld [tilespmem:$0x1FCF0];
	v8 =	vor.u32 v40, v0  }
0x262: {  	v55 =	vadd.f32 v32, v23;
	v25 =	vld.idx.msk [tilespmem:v21+s23+$0x0], $0xffff  }
0x263: {  	[tilespmem:s16+$0x1F0] =	vst v3;
	v54 =	vor.u32 v52, v0;
	v21 =	vld.idx.msk [tilespmem:v39+s23+$0x0], $0xffff  }
0x264: {  	v56 =	vadd.f32 v50, v1;
	[tilespmem:s26+$0xB0] =	vst v55;
	v7 =	vld.idx.msk [tilespmem:v49+s23+$0x0], $0xffff  }
0x265: {  	v4 =	vld [tilespmem:$0x1FD40]  }
0x266: {  	v13 =	vadd.f32 v13, v24;
	[tilespmem:s26+$0x130] =	vst v56;
	v8 =	vld.idx.msk [tilespmem:v8+s23+$0x0], $0xffff  }
0x267: {  	v14 =	vor.u32 v63, v0;
	v27 =	vadd.f32 v27, v30;
	v46 =	vld [tilespmem:$0x1FEE0]  }
0x268: {  	v29 =	vor.u32 v9, v0;
	[tilespmem:s26+$0x330] =	vst v13;
	v5 =	vld.idx.msk [tilespmem:v54+s23+$0x0], $0xffff  }
0x269: {  	v9 =	vld [tilespmem:$0x1FC50];
	[tilespmem:s26+$0x30] =	vst v27  }
0x26a: {  	v32 =	vld [tilespmem:$0x1FE20]  }
0x26b: {  	v61 =	vor.u32 v11, v0;
	v25 =	vadd.f32 v25, v26  }
0x26c: {  	v14 =	vld.idx.msk [tilespmem:v14+s23+$0x0], $0xffff;
	v4 =	vor.u32 v4, v0;
	v7 =	vadd.f32 v7, v2  }
0x26d: {  	v31 =	vld.idx.msk [tilespmem:v29+s23+$0x0], $0xffff;
	v21 =	vadd.f32 v21, v10;
	[tilespmem:s26+$0x3B0] =	vst v25  }
0x26e: {  	v63 =	vor.u32 v46, v0;
	v8 =	vadd.f32 v8, v18;
	v27 =	vld [tilespmem:$0x1FED0];
	[tilespmem:s26+$0x2B0] =	vst v7  }
0x26f: {  	[tilespmem:s26+$0x1B0] =	vst v21;
	v5 =	vadd.f32 v5, v23;
	v28 =	vor.u32 v32, v0  }
0x270: {  	v6 =	vld.idx.msk [tilespmem:v61+s23+$0x0], $0xffff;
	[tilespmem:s26+$0x240] =	vst v8  }
0x271: {  	v13 =	vor.u32 v9, v0;
	v8 =	vadd.f32 v14, v1;
	[tilespmem:s26+$0xC0] =	vst v5;
	v4 =	vld.idx.msk [tilespmem:v4+s23+$0x0], $0xffff  }
0x272: {  	v25 =	vadd.f32 v31, v24;
	v5 =	vld [tilespmem:$0x1FD50]  }
0x273: {  	[tilespmem:s26+$0x140] =	vst v8;
	v3 =	vld.idx.msk [tilespmem:v63+s23+$0x0], $0xffff;
	v12 =	vor.u32 v27, v0  }
0x274: {  	[tilespmem:s26+$0x340] =	vst v25;
	v29 =	vld.idx.msk [tilespmem:v28+s23+$0x0], $0xffff  }
0x275: {  	v28 =	vld [tilespmem:$0x1FDC0]  }
0x276: {  	v13 =	vld.idx.msk [tilespmem:v13+s23+$0x0], $0xffff  }
0x277: {  	v34 =	vor.u32 v62, v0  }
0x278: {  	v21 =	vor.u32 v15, v0;
	v6 =	vadd.f32 v6, v30;
	v12 =	vld.idx.msk [tilespmem:v12+s23+$0x0], $0xffff  }
0x279: {  	v4 =	vadd.f32 v4, v26  }
0x27a: {  	[tilespmem:s26+$0x40] =	vst v6;
	v3 =	vadd.f32 v3, v2;
	v11 =	vor.u32 v28, v0  }
0x27b: {  	v6 =	vld [tilespmem:$0x1FC60];
	v13 =	vadd.f32 v13, v10;
	[tilespmem:s26+$0x3C0] =	vst v4  }
0x27c: {  	v14 =	vor.u32 v19, v0;
	v7 =	vld.idx.msk [tilespmem:v34+s23+$0x0], $0xffff;
	v42 =	vadd.f32 v29, v18;
	[tilespmem:s26+$0x2C0] =	vst v3  }
0x27d: {  	v25 =	vld.idx.msk [tilespmem:v21+s23+$0x0], $0xffff;
	v5 =	vor.u32 v5, v0;
	[tilespmem:s26+$0x1C0] =	vst v13;
	v12 =	vadd.f32 v12, v23  }
0x27e: {  	v8 =	vor.u32 v17, v0;
	v13 =	vld [tilespmem:$0x1FD10];
	[tilespmem:s26+$0x250] =	vst v42  }
0x27f: {  	v45 =	vld.idx.msk [tilespmem:v11+s23+$0x0], $0xffff;
	[tilespmem:s26+$0xD0] =	vst v12  }
0x280: {  	v11 =	vld [tilespmem:$0x1FD60]  }
0x281: {  	v14 =	vld.idx.msk [tilespmem:v14+s23+$0x0], $0xffff;
	v6 =	vor.u32 v6, v0  }
0x282: {  	v37 =	vor.u32 v16, v0;
	v43 =	vld.idx.msk [tilespmem:v5+s23+$0x0], $0xffff  }
0x283: {  	v8 =	vld.idx.msk [tilespmem:v8+s23+$0x0], $0xffff  }
0x284: {  	v7 =	vadd.f32 v7, v1  }
0x285: {  	v44 =	vor.u32 v20, v0;
	v12 =	vor.u32 v11, v0;
	v11 =	vadd.f32 v25, v24  }
0x286: {  	v14 =	vadd.f32 v14, v30;
	v6 =	vld.idx.msk [tilespmem:v6+s23+$0x0], $0xffff;
	v13 =	vor.u32 v13, v0;
	[tilespmem:s26+$0x150] =	vst v7  }
0x287: {  	v4 =	vld.idx.msk [tilespmem:v37+s23+$0x0], $0xffff;
	v3 =	vadd.f32 v43, v26;
	[tilespmem:s26+$0x350] =	vst v11  }
0x288: {  	v8 =	vadd.f32 v8, v2;
	v31 =	vld [tilespmem:$0x1FE00];
	[tilespmem:s26+$0x50] =	vst v14  }
0x289: {  	v25 =	vadd.f32 v45, v10;
	v50 =	vld [tilespmem:$0x1FC70];
	[tilespmem:s26+$0x3D0] =	vst v3  }
0x28a: {  	v5 =	vld.idx.msk [tilespmem:v44+s23+$0x0], $0xffff;
	[tilespmem:s26+$0x2D0] =	vst v8  }
0x28b: {  	v13 =	vld.idx.msk [tilespmem:v13+s23+$0x0], $0xffff;
	[tilespmem:s26+$0x1D0] =	vst v25  }
0x28c: {  	v15 =	vld [tilespmem:$0x1FD20];
	_ =	sdelay $0x1  }
0x28d: {  	v6 =	vadd.f32 v6, v18  }
0x28e: {  	v4 =	vadd.f32 v4, v23;
	v52 =	vld.idx.msk [tilespmem:v22+s23+$0x0], $0xffff  }
0x28f: {  	v49 =	vor.u32 v48, v0;
	v5 =	vadd.f32 v5, v1;
	v12 =	vld.idx.msk [tilespmem:v12+s23+$0x0], $0xffff;
	[tilespmem:s26+$0x260] =	vst v6  }
0x290: {  	v11 =	vor.u32 v31, v0;
	v13 =	vadd.f32 v13, v24;
	v25 =	vor.u32 v15, v0;
	v15 =	vld [tilespmem:$0x1FC10];
	[tilespmem:s26+$0xE0] =	vst v4  }
0x291: {  	v51 =	vor.u32 v53, v0;
	v4 =	vld [tilespmem:$0x1FD70];
	[tilespmem:s26+$0x160] =	vst v5  }
0x292: {  	v8 =	vor.u32 v47, v0;
	v5 =	vld [tilespmem:$0x1FC90];
	[tilespmem:s26+$0x360] =	vst v13  }
0x293: {  	v14 =	vor.u32 v50, v0;
	v22 =	vld [tilespmem:$0x1FDE0]  }
0x294: {  	v7 =	vld.idx.msk [tilespmem:v49+s23+$0x0], $0xffff  }
0x295: {  	v29 =	vld.idx.msk [tilespmem:v11+s23+$0x0], $0xffff;
	v53 =	vor.u32 v15, v0  }
0x296: {  	v3 =	vld.idx.msk [tilespmem:v51+s23+$0x0], $0xffff;
	v4 =	vor.u32 v4, v0  }
0x297: {  	v16 =	vadd.f32 v52, v30;
	v8 =	vld.idx.msk [tilespmem:v8+s23+$0x0], $0xffff;
	v5 =	vor.u32 v5, v0  }
0x298: {  	v12 =	vadd.f32 v12, v26;
	v14 =	vld.idx.msk [tilespmem:v14+s23+$0x0], $0xffff;
	v54 =	vor.u32 v22, v0  }
0x299: {  	v7 =	vadd.f32 v7, v2;
	[tilespmem:s26+$0x60] =	vst v16;
	v11 =	vld.idx.msk [tilespmem:v25+s23+$0x0], $0xffff  }
0x29a: {  	[tilespmem:s26+$0x3E0] =	vst v12;
	v12 =	vadd.f32 v29, v10;
	v6 =	vld.idx.msk [tilespmem:v53+s23+$0x0], $0xffff  }
0x29b: {  	[tilespmem:s26+$0x2E0] =	vst v7;
	v3 =	vadd.f32 v3, v23;
	v4 =	vld.idx.msk [tilespmem:v4+s23+$0x0], $0xffff  }
0x29c: {  	v55 =	vadd.f32 v8, v1;
	[tilespmem:s26+$0x1E0] =	vst v12;
	v5 =	vld.idx.msk [tilespmem:v5+s23+$0x0], $0xffff  }
0x29d: {  	[tilespmem:s26+$0xF0] =	vst v3;
	v13 =	vadd.f32 v14, v18;
	v0 =	vld.idx.msk [tilespmem:v54+s23+$0x0], $0xffff  }
0x29e: {  	[tilespmem:s26+$0x170] =	vst v55;
	v56 =	vadd.f32 v11, v24  }
0x29f: {  	[tilespmem:s26+$0x270] =	vst v13;
	v61 =	vadd.f32 v6, v30  }
0x2a0: {  	[tilespmem:s26+$0x370] =	vst v56;
	v62 =	vadd.f32 v4, v26  }
0x2a1: {  	[tilespmem:s26+$0x70] =	vst v61;
	v63 =	vadd.f32 v5, v2  }
0x2a2: {  	v0 =	vadd.f32 v0, v10;
	[tilespmem:s26+$0x3F0] =	vst v62  }
0x2a3: {  	[tilespmem:s26+$0x2F0] =	vst v63  }
0x2a4: {  	[tilespmem:s26+$0x1F0] =	vst v0  }
0x2a5: {  	v30 =	vld [tilespmem:$0x1FE70]  }
0x2a6: {  	v53 =	vld [tilespmem:$0x1FF50]  }
0x2a7: {  	v44 =	vld [tilespmem:$0x1FEF0]  }
0x2a8: {  	v48 =	vld [tilespmem:$0x1FF10]  }
0x2a9: {  	v56 =	vld [tilespmem:$0x1FFA0]  }
0x2aa: {  	v34 =	vmov v36;
	v36 =	vld [tilespmem:$0x1FE90]  }
0x2ab: {  	v61 =	vld [tilespmem:$0x1FF30]  }
0x2ac: {  	v54 =	vld [tilespmem:$0x1FF90]  }
0x2ad: {  	v62 =	vld [tilespmem:$0x1FF80]  }
0x2ae: {  	v37 =	vld [tilespmem:$0x1FEA0]  }
0x2af: {  	v24 =	vld [tilespmem:$0x1FF00]  }
0x2b0: {  	v33 =	vld [tilespmem:$0x1FE10]  }
0x2b1: {  	v29 =	vld [tilespmem:$0x1FE30]  }
0x2b2: {  	v50 =	vld [tilespmem:$0x1FEC0]  }
0x2b3: {  	s16 =	sshll.u32 s3, $0xA;
	v31 =	vld [tilespmem:$0x1FF20]  }
0x2b4: {  	s18 =	sshll.u32 s10, $0x12;
	s2 =	sand.u32 $0x7C00, s16;
	v51 =	vld [tilespmem:$0x1FE50]  }
.Ltmp6:
0x2b5: {  	s2 =	sor.u32 s2, s18;
	v14 =	vld [tilespmem:$0x1FDA0];
	(pc) =	sbr.rel @p0 .LBB2_8-.Ltmp6, $4  }
.Ltmp7:
0x2b6: {  	s2 =	sshrl.u32 s2, $0x3;
	v26 =	vld [tilespmem:$0x1FDF0];
	(pc) =	sbr.rel @!p0 .LBB2_7-.Ltmp7, $4  }
0x2b7: {  	s30 =	simm.s32 $0x11400;
	s2 =	sadd.s32 s1, s2;
	v49 =	vld [tilespmem:$0x1FD80]  }
0x2b8: {  	v11 =	vmov v40;
	[hbm4b:s2+s24] =	stream.strided.scatter [tilespmem:s30], [sflag:$0xC], $0x2000, s25, s24, $0x38;
	v40 =	vld [tilespmem:$0x1FDD0]  }
0x2b9: {  	v39 =	vmovc v17;
	v28 =	vmov v32;
	v32 =	vmov v38;
	v12 =	vmov v41;
	s2 =	sor.u32 $0x1, s9;
	v20 =	vld [tilespmem:$0x1FD90]  }
0x2ba: {  	_ = 	snop  }
.LBB2_3:
0x2bb: {  	s2 =	sor.u32 $0x1, s9;
	v11 =	vmov v35;
	v35 =	vmov v41  }
.LBB2_7:
0x2bc: {  	_ =	swait.ge [sflag:s6], $0x80;
	p2 =	sgt.u32 s8, $0x30  }
0x2bd: {  	[sflag:s6] =	ssyncset.done $0x0;
	s3 =	sadd.s32 @!p2 s9, s13  }
0x2be: {  	[sflag:s6] =	ssyncadd.s32 $0xFFFFFF80;
	s3 =	sshll.u32 @!p2 s3, $0x4  }
0x2bf: {  	[tilespmem:s0], [sflag:$0x6] =	stream.indirect.gather [hbm4b:s5+s19], $0x40, s19, s19, $0xb8;
	[tilespmem:$0x13400] =	vst v63  }
0x2c0: {  	s3 =	sand.u32 @!p2 $0x1FFFFFD0, s3  }
0x2c1: {  	s7 =	simm.s32 @!p2 $0x0;
	s10 =	simm.s32 @!p2 $0x80;
	s3 =	sadd.s32 @!p2 s4, s3  }
0x2c2: {  	[tilespmem:s10], [sflag:$0x2] =	stream.linear.gather @!p2 [hbm4b:s3+s7], $0x80, $0x38;
	[tilespmem:$0x13400] =	vst v63  }
.LBB2_8:
0x2c3: {  	p2 =	sgt.u32 s2, $0xC8  }
.Ltmp8:
0x2c4: {  	_ = 	snop;
	(pc) =	sbr.rel @p2 .LBB2_12-.Ltmp8, $2  }
0x2c5: {  	_ =	sdelay $0x2  }
0x2c6: {  	v38 =	vmov v53;
	v2 =	vmov v34  }
0x2c7: {  	s7 =	simm.s32 $0x0  }
0x2c8: {  	s3 =	sadd.s32 s2, s12;
	v0 =	vmov s7  }
0x2c9: {  	s10 =	sshrl.u32 s3, $0x5;
	v0 =	vshrl.u32 v0, $0x3  }
0x2ca: {  	s30 =	sshll.u32 s10, $0x6;
	v0 =	vshll.u32 v0, $0x3  }
0x2cb: {  	v41 =	vmov s30;
	v6 =	vbroadcast v0, $0x0  }
0x2cc: {  	_ =	swait.ge [sflag:s28], $0x2000;
	v47 =	vor.u32 $0x3, v41  }
0x2cd: {  	p2 =	seq.s32 s8, $0x0;
	[sflag:s28] =	ssyncset.done $0x0;
	v45 =	vor.u32 $0x4, v41;
	v0 =	vor.u32 v6, v47  }
0x2ce: {  	s2 =	simm.s32 @!p2 $0x9;
	[sflag:s28] =	ssyncadd.s32 $0xFFFFE000;
	v1 =	vor.u32 v6, v45  }
0x2cf: {  	_ =	swait.ge @!p2 [sflag:s2], $0x2000;
	v2 =	vor.u32 v37, v6  }
0x2d0: {  	[sflag:s2] =	ssyncset.done @!p2 $0x0;
	v4 =	vor.u32 v36, v6  }
0x2d1: {  	v9 =	vor.u32 $0x2, v41;
	[sflag:s2] =	ssyncadd.s32 @!p2 $0xFFFFE000;
	v5 =	vor.u32 v30, v6  }
0x2d2: {  	v55 =	vor.u32 $0x6, v41;
	v7 =	vor.u32 v6, v9;
	v3 =	vld.idx.msk [tilespmem:v0+s17+$0x0], $0xffff  }
0x2d3: {  	v42 =	vor.u32 $0x5, v41;
	v10 =	vor.u32 v6, v55;
	v8 =	vld.idx.msk [tilespmem:v1+s17+$0x0], $0xffff  }
0x2d4: {  	v0 =	vor.u32 v6, v42;
	v2 =	vld.idx.msk [tilespmem:v2+s29+$0x0], $0xffff  }
0x2d5: {  	v1 =	vor.u32 v14, v6;
	v13 =	vld.idx.msk [tilespmem:v4+s29+$0x0], $0xffff  }
0x2d6: {  	v17 =	vmov v14;
	v14 =	vor.u32 v50, v6;
	v18 =	vld.idx.msk [tilespmem:v5+s29+$0x0], $0xffff  }
0x2d7: {  	v53 =	vmov v24;
	v21 =	vor.u32 v24, v6;
	v24 =	vor.u32 v40, v6;
	v5 =	vld.idx.msk [tilespmem:v7+s17+$0x0], $0xffff  }
0x2d8: {  	v7 =	vld.idx.msk [tilespmem:v10+s17+$0x0], $0xffff  }
0x2d9: {  	v22 =	vor.u32 v61, v6;
	v4 =	vld.idx.msk [tilespmem:v0+s17+$0x0], $0xffff  }
0x2da: {  	v43 =	vor.u32 $0x1, v41;
	v0 =	vor.u32 v44, v6;
	v2 =	vadd.f32 v2, v8;
	v1 =	vld.idx.msk [tilespmem:v1+s29+$0x0], $0xffff  }
0x2db: {  	s16 =	simm.s32 $0xB600;
	v16 =	vor.u32 $0x7, v41;
	v23 =	vor.u32 v6, v43;
	v13 =	vadd.f32 v13, v3;
	v10 =	vld.idx.msk [tilespmem:v14+s29+$0x0], $0xffff  }
0x2dc: {  	v24 =	vld.idx.msk [tilespmem:v24+s29+$0x0], $0xffff;
	[tilespmem:s16+$0x0] =	vst v2;
	v2 =	vor.u32 v6, v16  }
0x2dd: {  	v25 =	vor.u32 v26, v6;
	[tilespmem:s16+$0xFFFFFF80] =	vst v13;
	v21 =	vld.idx.msk [tilespmem:v21+s29+$0x0], $0xffff  }
0x2de: {  	v22 =	vld.idx.msk [tilespmem:v22+s29+$0x0], $0xffff  }
0x2df: {  	v34 =	vmov v26;
	v26 =	vor.u32 v31, v6;
	v0 =	vld.idx.msk [tilespmem:v0+s29+$0x0], $0xffff;
	v1 =	vadd.f32 v1, v7  }
0x2e0: {  	v27 =	vor.u32 v33, v6;
	v14 =	vld.idx.msk [tilespmem:v23+s17+$0x0], $0xffff;
	v10 =	vadd.f32 v10, v4  }
0x2e1: {  	v23 =	vor.u32 v54, v6;
	[tilespmem:s16+$0x100] =	vst v1;
	v13 =	vld.idx.msk [tilespmem:v2+s17+$0x0], $0xffff  }
0x2e2: {  	[tilespmem:s16+$0x80] =	vst v10;
	v21 =	vadd.f32 v21, v8;
	v2 =	vld.idx.msk [tilespmem:v25+s29+$0x0], $0xffff  }
0x2e3: {  	v10 =	vadd.f32 v22, v3;
	v63 =	vld [tilespmem:$0x1FC20]  }
0x2e4: {  	v1 =	vor.u32 v57, v6;
	v25 =	vld.idx.msk [tilespmem:v26+s29+$0x0], $0xffff;
	[tilespmem:s16+$0x10] =	vst v21;
	v0 =	vadd.f32 v0, v5  }
0x2e5: {  	v54 =	vmov v28;
	v28 =	vor.u32 v48, v6;
	[tilespmem:s16+$0xFFFFFF90] =	vst v10;
	v21 =	vld.idx.msk [tilespmem:v27+s29+$0x0], $0xffff  }
0x2e6: {  	v10 =	vadd.f32 v18, v14;
	v18 =	vld.idx.msk [tilespmem:v23+s29+$0x0], $0xffff;
	[tilespmem:s16+$0xFFFFFF00] =	vst v0;
	v0 =	vor.u32 v49, v6  }
0x2e7: {  	v26 =	vor.u32 v20, v6;
	v24 =	vadd.f32 v24, v13  }
0x2e8: {  	[tilespmem:s16+$0xFFFFFE80] =	vst v10;
	v22 =	vor.u32 v63, v6;
	v2 =	vadd.f32 v2, v7  }
0x2e9: {  	v1 =	vld.idx.msk [tilespmem:v1+s29+$0x0], $0xffff;
	v25 =	vadd.f32 v25, v4;
	[tilespmem:s16+$0x180] =	vst v24  }
0x2ea: {  	v23 =	vor.u32 v51, v6;
	v27 =	vld.idx.msk [tilespmem:v28+s29+$0x0], $0xffff;
	[tilespmem:s16+$0x110] =	vst v2;
	v21 =	vadd.f32 v21, v8  }
0x2eb: {  	s18 =	simm.s32 $0x8;
	v10 =	vor.u32 v29, v6;
	[tilespmem:s16+$0x90] =	vst v25;
	v25 =	vld.idx.msk [tilespmem:v0+s29+$0x0], $0xffff;
	v0 =	vadd.f32 v18, v3  }
0x2ec: {  	v24 =	vor.u32 v62, v6;
	v26 =	vld.idx.msk [tilespmem:v26+s29+$0x0], $0xffff;
	v18 =	vmov s18;
	[tilespmem:s16+$0x20] =	vst v21  }
0x2ed: {  	v2 =	vor.u32 v41, v6;
	v22 =	vld.idx.msk [tilespmem:v22+s29+$0x0], $0xffff;
	v18 =	vshrl.u32 v18, $0x3;
	[tilespmem:s16+$0xFFFFFFA0] =	vst v0  }
0x2ee: {  	v0 =	vshll.u32 v18, $0x3;
	v18 =	vor.u32 v12, v6;
	v12 =	vld [tilespmem:$0x1FCE0]  }
0x2ef: {  	v28 =	vor.u32 v56, v6;
	v23 =	vld.idx.msk [tilespmem:v23+s29+$0x0], $0xffff  }
0x2f0: {  	v29 =	vor.u32 v38, v6;
	v21 =	vadd.f32 v27, v5;
	v10 =	vld.idx.msk [tilespmem:v10+s29+$0x0], $0xffff  }
0x2f1: {  	v24 =	vld.idx.msk [tilespmem:v24+s29+$0x0], $0xffff;
	v26 =	vadd.f32 v26, v13  }
0x2f2: {  	[tilespmem:s16+$0xFFFFFF10] =	vst v21;
	v21 =	vld.idx.msk [tilespmem:v2+s17+$0x0], $0xffff;
	v22 =	vadd.f32 v22, v14  }
0x2f3: {  	v0 =	vbroadcast v0, $0x0;
	v19 =	vld [tilespmem:$0x1FC60];
	[tilespmem:s16+$0x190] =	vst v26;
	v27 =	vor.u32 v12, v6  }
0x2f4: {  	v52 =	vmov v31;
	v31 =	vld.idx.msk [tilespmem:v28+s29+$0x0], $0xffff;
	v28 =	vor.u32 v32, v6;
	v25 =	vadd.f32 v25, v7;
	[tilespmem:s16+$0xFFFFFE90] =	vst v22  }
0x2f5: {  	v22 =	vor.u32 v57, v0;
	v26 =	vld.idx.msk [tilespmem:v29+s29+$0x0], $0xffff;
	[tilespmem:$0x1FAC0] =	vst v9  }
0x2f6: {  	v2 =	vadd.f32 v23, v4;
	v23 =	vor.u32 v30, v0;
	[tilespmem:s16+$0x120] =	vst v25  }
0x2f7: {  	v62 =	vld.idx.msk [tilespmem:v18+s29+$0x0], $0xffff;
	[tilespmem:$0x1FAD0] =	vst v47  }
0x2f8: {  	[tilespmem:s16+$0xA0] =	vst v2;
	v27 =	vld.idx.msk [tilespmem:v27+s29+$0x0], $0xffff  }
0x2f9: {  	v15 =	vmov v33;
	v33 =	vld.idx.msk [tilespmem:v28+s29+$0x0], $0xffff  }
0x2fa: {  	v25 =	vld.idx.msk [tilespmem:v22+s29+$0x0], $0xffff;
	[tilespmem:$0x1FAE0] =	vst v45  }
0x2fb: {  	v30 =	vadd.f32 v1, v21;
	v1 =	vld.idx.msk [tilespmem:v23+s29+$0x0], $0xffff  }
0x2fc: {  	v29 =	vor.u32 v0, v9  }
0x2fd: {  	v18 =	vor.u32 v0, v47  }
0x2fe: {  	v2 =	vor.u32 v58, v6;
	_ =	sdelay $0x1  }
0x2ff: {  	[tilespmem:$0x1FB20] =	vst v1  }
0x300: {  	v23 =	vadd.f32 v10, v8;
	v1 =	vld.idx.msk [tilespmem:v29+s17+$0x0], $0xffff;
	[tilespmem:s16+$0xFFFFFE00] =	vst v30  }
0x301: {  	v10 =	vld.idx.msk [tilespmem:v18+s17+$0x0], $0xffff;
	v18 =	vadd.f32 v26, v14;
	[tilespmem:$0x1FAF0] =	vst v42  }
0x302: {  	v28 =	vor.u32 v11, v6;
	[tilespmem:s16+$0x30] =	vst v23;
	v23 =	vld.idx.msk [tilespmem:v2+s29+$0x0], $0xffff  }
0x303: {  	v47 =	vmov v51;
	v22 =	vor.u32 v0, v45;
	v51 =	vld [tilespmem:$0x1FC00];
	[tilespmem:s16+$0xFFFFFEA0] =	vst v18  }
0x304: {  	v2 =	vld [tilespmem:$0x1FD30]  }
0x305: {  	v35 =	vor.u32 v35, v6;
	_ =	sdelay $0x1  }
0x306: {  	v29 =	vor.u32 v36, v0;
	v36 =	vor.u32 v0, v42;
	v26 =	vor.u32 v37, v0;
	v37 =	vld.idx.msk [tilespmem:v28+s29+$0x0], $0xffff  }
0x307: {  	v18 =	vld.idx.msk [tilespmem:v22+s17+$0x0], $0xffff  }
0x308: {  	[tilespmem:$0x1FB00] =	vst v41;
	v9 =	vld [tilespmem:$0x1FC50];
	v22 =	vor.u32 v2, v6  }
0x309: {  	v35 =	vld.idx.msk [tilespmem:v35+s29+$0x0], $0xffff;
	[tilespmem:$0x1FB10] =	vst v16;
	v2 =	vor.u32 v0, v16  }
0x30a: {  	v32 =	vadd.f32 v62, v13;
	v11 =	vld [tilespmem:$0x1FC90];
	[tilespmem:$0x1FB30] =	vst v2  }
0x30b: {  	v2 =	vld.idx.msk [tilespmem:v36+s17+$0x0], $0xffff  }
0x30c: {  	v24 =	vadd.f32 v24, v3;
	[tilespmem:s16+$0x1A0] =	vst v32;
	v26 =	vld.idx.msk [tilespmem:v26+s29+$0x0], $0xffff  }
0x30d: {  	v36 =	vadd.f32 v31, v5;
	v31 =	vor.u32 v46, v6;
	v46 =	vld.idx.msk [tilespmem:v22+s29+$0x0], $0xffff;
	v22 =	vadd.f32 v33, v4  }
0x30e: {  	[tilespmem:s16+$0xFFFFFFB0] =	vst v24;
	v32 =	vadd.f32 v23, v21  }
0x30f: {  	v12 =	vor.u32 v48, v0;
	v48 =	vor.u32 v17, v0;
	v27 =	vadd.f32 v27, v7;
	[tilespmem:s16+$0xB0] =	vst v22  }
0x310: {  	v30 =	vor.u32 v41, v0;
	v41 =	vor.u32 v50, v0;
	v37 =	vadd.f32 v37, v8;
	v17 =	vld [tilespmem:$0x1FF40];
	[tilespmem:s16+$0xFFFFFE10] =	vst v32  }
0x311: {  	v39 =	vor.u32 v9, v6;
	v26 =	vadd.f32 v26, v18;
	[tilespmem:s16+$0x130] =	vst v27  }
0x312: {  	s2 =	simm.s32 $0xBA00;
	[tilespmem:s16+$0x40] =	vst v37  }
0x313: {  	[tilespmem:s2+$0x0] =	vst v26  }
0x314: {  	v9 =	vld [tilespmem:$0x1FDC0]  }
0x315: {  	v41 =	vld.idx.msk [tilespmem:v41+s29+$0x0], $0xffff  }
0x316: {  	v62 =	vmov v43;
	v43 =	vor.u32 v0, v43;
	v33 =	vld.idx.msk [tilespmem:v39+s29+$0x0], $0xffff  }
0x317: {  	v24 =	vor.u32 v59, v6  }
0x318: {  	v39 =	vor.u32 v0, v55;
	v26 =	vld.idx.msk [tilespmem:v48+s29+$0x0], $0xffff  }
0x319: {  	v35 =	vadd.f32 v35, v14;
	v48 =	vor.u32 v9, v6;
	v9 =	vld [tilespmem:$0x1FE40]  }
0x31a: {  	v42 =	vld.idx.msk [tilespmem:v29+s29+$0x0], $0xffff;
	v41 =	vadd.f32 v41, v2;
	[tilespmem:s16+$0xFFFFFF20] =	vst v36  }
0x31b: {  	v49 =	vor.u32 v53, v0;
	v23 =	vld.idx.msk [tilespmem:v43+s17+$0x0], $0xffff;
	v33 =	vadd.f32 v33, v3;
	[tilespmem:s16+$0xFFFFFEB0] =	vst v35  }
0x31c: {  	v50 =	vor.u32 v61, v0;
	v43 =	vld.idx.msk [tilespmem:v24+s29+$0x0], $0xffff;
	v61 =	vor.u32 v17, v6;
	[tilespmem:s2+$0x80] =	vst v41  }
0x31d: {  	v24 =	vld.idx.msk [tilespmem:v39+s17+$0x0], $0xffff;
	[tilespmem:s16+$0xFFFFFFC0] =	vst v33  }
0x31e: {  	v39 =	vor.u32 v9, v6;
	v9 =	vld [tilespmem:$0x1FD40];
	_ =	sdelay $0x1  }
0x31f: {  	v37 =	vld.idx.msk [tilespmem:v49+s29+$0x0], $0xffff;
	v46 =	vadd.f32 v46, v13  }
0x320: {  	v35 =	vld.idx.msk [tilespmem:v61+s29+$0x0], $0xffff  }
0x321: {  	v61 =	vld [tilespmem:$0x1FC10];
	[tilespmem:s16+$0x1B0] =	vst v46  }
0x322: {  	v42 =	vadd.f32 v42, v10;
	v53 =	vor.u32 v9, v6;
	v9 =	vld [tilespmem:$0x1FF90]  }
0x323: {  	v16 =	vor.u32 v63, v0;
	v63 =	vmov v55;
	v55 =	vadd.f32 v43, v21  }
0x324: {  	v37 =	vadd.f32 v37, v18;
	[tilespmem:s2+$0xFFFFFF80] =	vst v42  }
0x325: {  	[tilespmem:s16+$0xFFFFFE20] =	vst v55  }
0x326: {  	v45 =	vor.u32 v60, v6;
	[tilespmem:s2+$0x10] =	vst v37  }
0x327: {  	v46 =	vor.u32 v9, v0;
	v9 =	vld [tilespmem:$0x1FF70];
	_ =	sdelay $0x1  }
0x328: {  	v35 =	vadd.f32 v35, v5  }
0x329: {  	v28 =	vor.u32 v51, v6;
	v22 =	vor.u32 v51, v0;
	v51 =	vor.u32 v52, v0;
	v52 =	vld.idx.msk [tilespmem:v31+s29+$0x0], $0xffff  }
0x32a: {  	v31 =	vor.u32 v38, v0;
	v38 =	vld.idx.msk [tilespmem:v45+s29+$0x0], $0xffff;
	[tilespmem:s16+$0xFFFFFF30] =	vst v35  }
0x32b: {  	v45 =	vor.u32 v9, v6;
	v9 =	vld [tilespmem:$0x1FB20];
	_ =	sdelay $0x3  }
0x32c: {  	v32 =	vor.u32 v56, v0;
	v56 =	vld.idx.msk [tilespmem:v48+s29+$0x0], $0xffff  }
0x32d: {  	v48 =	vor.u32 v47, v0;
	v47 =	vadd.f32 v9, v23;
	v9 =	vld [tilespmem:$0x1FE00]  }
0x32e: {  	v26 =	vadd.f32 v26, v24;
	_ =	sdelay $0x1  }
0x32f: {  	[tilespmem:s2+$0x100] =	vst v26  }
0x330: {  	v36 =	vor.u32 v54, v6;
	v54 =	vor.u32 v15, v0;
	v15 =	vld [tilespmem:$0x1FCF0];
	[tilespmem:s2+$0xFFFFFE80] =	vst v47  }
0x331: {  	v35 =	vor.u32 v9, v6;
	v9 =	vld [tilespmem:$0x1FB30];
	_ =	sdelay $0x3  }
0x332: {  	v39 =	vld.idx.msk [tilespmem:v39+s29+$0x0], $0xffff  }
0x333: {  	v44 =	vor.u32 v44, v0;
	_ =	sdelay $0x1  }
0x334: {  	v36 =	vld.idx.msk [tilespmem:v36+s29+$0x0], $0xffff  }
0x335: {  	v26 =	vld.idx.msk [tilespmem:v9+s17+$0x0], $0xffff  }
0x336: {  	v39 =	vadd.f32 v39, v14;
	v9 =	vld [tilespmem:$0x1FED0]  }
0x337: {  	v44 =	vld.idx.msk [tilespmem:v44+s29+$0x0], $0xffff;
	v43 =	vadd.f32 v56, v3  }
0x338: {  	v38 =	vadd.f32 v38, v21;
	[tilespmem:s16+$0xFFFFFEC0] =	vst v39  }
0x339: {  	v17 =	vld [tilespmem:$0x1FF60];
	[tilespmem:s16+$0xFFFFFFD0] =	vst v43  }
0x33a: {  	v27 =	vor.u32 v40, v0;
	[tilespmem:s16+$0xFFFFFE30] =	vst v38  }
0x33b: {  	v49 =	vor.u32 v34, v0;
	v36 =	vadd.f32 v36, v8;
	v34 =	vor.u32 v9, v6;
	v9 =	vld [tilespmem:$0x1FD50]  }
0x33c: {  	v43 =	vadd.f32 v44, v1  }
0x33d: {  	v42 =	vadd.f32 v52, v4;
	v52 =	vld.idx.msk [tilespmem:v53+s29+$0x0], $0xffff;
	[tilespmem:s16+$0x50] =	vst v36  }
0x33e: {  	[tilespmem:s2+$0xFFFFFF00] =	vst v43  }
0x33f: {  	v41 =	vld.idx.msk [tilespmem:v27+s29+$0x0], $0xffff;
	[tilespmem:s16+$0xC0] =	vst v42  }
0x340: {  	v38 =	vor.u32 v9, v6;
	v9 =	vld [tilespmem:$0x1FE30];
	_ =	sdelay $0x1  }
0x341: {  	v44 =	vadd.f32 v52, v13;
	_ =	sdelay $0x1  }
0x342: {  	[tilespmem:s16+$0x1C0] =	vst v44  }
0x343: {  	v56 =	vadd.f32 v41, v26;
	v41 =	vor.u32 v9, v0;
	v9 =	vld [tilespmem:$0x1FFE0]  }
0x344: {  	v37 =	vld.idx.msk [tilespmem:v45+s29+$0x0], $0xffff  }
0x345: {  	v53 =	vld.idx.msk [tilespmem:v54+s29+$0x0], $0xffff  }
0x346: {  	v50 =	vld.idx.msk [tilespmem:v50+s29+$0x0], $0xffff  }
0x347: {  	[tilespmem:s2+$0x180] =	vst v56  }
0x348: {  	v40 =	vor.u32 v19, v6;
	v19 =	vmov v9;
	v44 =	vor.u32 v9, v6;
	v9 =	vld [tilespmem:$0x1FD70]  }
0x349: {  	v37 =	vadd.f32 v37, v5  }
0x34a: {  	v45 =	vld.idx.msk [tilespmem:v16+s29+$0x0], $0xffff;
	v36 =	vadd.f32 v53, v18  }
0x34b: {  	v43 =	vadd.f32 v50, v10;
	v50 =	vld.idx.msk [tilespmem:v34+s29+$0x0], $0xffff;
	[tilespmem:s16+$0xFFFFFF40] =	vst v37  }
0x34c: {  	v16 =	vld [tilespmem:$0x1FD00];
	[tilespmem:s2+$0x20] =	vst v36  }
0x34d: {  	v34 =	vor.u32 v9, v6;
	v9 =	vld [tilespmem:$0x1FD20];
	_ =	sdelay $0x1  }
0x34e: {  	v54 =	vor.u32 v15, v6;
	_ =	sdelay $0x1  }
0x34f: {  	v51 =	vld.idx.msk [tilespmem:v51+s29+$0x0], $0xffff;
	[tilespmem:s2+$0xFFFFFF90] =	vst v43  }
0x350: {  	v36 =	vor.u32 v9, v6;
	v9 =	vld [tilespmem:$0x1FD10]  }
0x351: {  	v49 =	vld.idx.msk [tilespmem:v49+s29+$0x0], $0xffff;
	v39 =	vor.u32 v17, v6  }
0x352: {  	v54 =	vld.idx.msk [tilespmem:v54+s29+$0x0], $0xffff  }
0x353: {  	v52 =	vld.idx.msk [tilespmem:v35+s29+$0x0], $0xffff;
	v53 =	vor.u32 v20, v0  }
0x354: {  	v40 =	vld.idx.msk [tilespmem:v40+s29+$0x0], $0xffff  }
0x355: {  	v42 =	vor.u32 v9, v6;
	v9 =	vld.idx.msk [tilespmem:v44+s29+$0x0], $0xffff  }
0x356: {  	v39 =	vld.idx.msk [tilespmem:v39+s29+$0x0], $0xffff  }
0x357: {  	v54 =	vadd.f32 v54, v7;
	v38 =	vld.idx.msk [tilespmem:v38+s29+$0x0], $0xffff  }
0x358: {  	v53 =	vld.idx.msk [tilespmem:v53+s29+$0x0], $0xffff  }
0x359: {  	v51 =	vadd.f32 v51, v2;
	v47 =	vld.idx.msk [tilespmem:v41+s29+$0x0], $0xffff;
	[tilespmem:s16+$0x140] =	vst v54  }
0x35a: {  	v43 =	vld.idx.msk [tilespmem:v12+s29+$0x0], $0xffff;
	[tilespmem:$0x1FB40] =	vst v9  }
0x35b: {  	v20 =	vld [tilespmem:$0x1FFD0];
	[tilespmem:s2+$0x90] =	vst v51  }
0x35c: {  	v9 =	vld [tilespmem:$0x1FDE0];
	_ =	sdelay $0x1  }
0x35d: {  	v39 =	vadd.f32 v39, v21;
	_ =	sdelay $0x1  }
0x35e: {  	[tilespmem:s16+$0xFFFFFE40] =	vst v39  }
0x35f: {  	v51 =	vor.u32 v9, v6;
	v9 =	vld [tilespmem:$0x1FD80];
	_ =	sdelay $0x1  }
0x360: {  	v52 =	vadd.f32 v52, v3  }
0x361: {  	v49 =	vadd.f32 v49, v24;
	v35 =	vor.u32 v61, v6;
	v61 =	vor.u32 v16, v6  }
0x362: {  	v54 =	vld [tilespmem:$0x1FF80];
	[tilespmem:s16+$0xFFFFFFE0] =	vst v52  }
0x363: {  	v39 =	vor.u32 v9, v0;
	v9 =	vld [tilespmem:$0x1FFF0];
	[tilespmem:s2+$0x110] =	vst v49  }
0x364: {  	v33 =	vor.u32 v11, v6;
	v11 =	vld [tilespmem:$0x1FFC0];
	_ =	sdelay $0x1  }
0x365: {  	v50 =	vadd.f32 v50, v14;
	v55 =	vld.idx.msk [tilespmem:v61+s29+$0x0], $0xffff  }
0x366: {  	v53 =	vadd.f32 v53, v26;
	v41 =	vor.u32 v20, v6;
	v56 =	vld.idx.msk [tilespmem:v46+s29+$0x0], $0xffff  }
0x367: {  	v44 =	vadd.f32 v40, v8;
	v40 =	vld.idx.msk [tilespmem:v48+s29+$0x0], $0xffff;
	[tilespmem:s16+$0xFFFFFED0] =	vst v50  }
0x368: {  	v61 =	vmovc v9;
	v52 =	vor.u32 v9, v6;
	v9 =	vmov v11;
	v49 =	vor.u32 v11, v6;
	v11 =	vld [tilespmem:$0x1FD60];
	[tilespmem:s2+$0x190] =	vst v53  }
0x369: {  	v48 =	vadd.f32 v38, v13;
	v46 =	vld [tilespmem:$0x1FFB0]  }
0x36a: {  	v38 =	vadd.f32 v47, v18;
	v47 =	vld [tilespmem:$0x1FB40]  }
0x36b: {  	v41 =	vld.idx.msk [tilespmem:v41+s29+$0x0], $0xffff;
	[tilespmem:s16+$0x1D0] =	vst v48  }
0x36c: {  	v53 =	vld [tilespmem:$0x1FC70]  }
0x36d: {  	v37 =	vld.idx.msk [tilespmem:v51+s29+$0x0], $0xffff  }
0x36e: {  	v29 =	vor.u32 v58, v0;
	v27 =	vor.u32 v60, v0;
	v49 =	vld.idx.msk [tilespmem:v49+s29+$0x0], $0xffff;
	v12 =	vmov v46  }
0x36f: {  	v51 =	vor.u32 v46, v6;
	v46 =	vadd.f32 v45, v23;
	v45 =	vld.idx.msk [tilespmem:v39+s29+$0x0], $0xffff;
	v39 =	vadd.f32 v47, v5  }
0x370: {  	v43 =	vadd.f32 v43, v1;
	v50 =	vor.u32 v11, v6;
	v47 =	vld.idx.msk [tilespmem:v52+s29+$0x0], $0xffff;
	v52 =	vadd.f32 v56, v10  }
0x371: {  	s26 =	simm.s32 $0xBA00;
	v48 =	vor.u32 v53, v6;
	v53 =	vadd.f32 v55, v7;
	[tilespmem:s16+$0xFFFFFF50] =	vst v39;
	v39 =	vor.u32 v54, v0  }
.LBB2_10:
0x372: {  	v54 =	vld [tilespmem:$0x1FC40]  }
0x373: {  	v55 =	vld [tilespmem:$0x1FC80]  }
0x374: {  	v56 =	vld [tilespmem:$0x1FC30]  }
0x375: {  	[tilespmem:s2+$0xFFFFFFA0] =	vst v52;
	v52 =	vadd.f32 v41, v21;
	v41 =	vadd.f32 v37, v3;
	v3 =	vld [tilespmem:$0x1FE80];
	_ =	sdelay $0x3  }
0x376: {  	v54 =	vor.u32 v54, v6;
	v55 =	vor.u32 v55, v6;
	v56 =	vor.u32 v56, v6;
	v6 =	vmovc v0  }
0x377: {  	[tilespmem:s16+$0x60] =	vst v44;
	v44 =	vor.u32 v3, v6;
	v3 =	vld [tilespmem:$0x1FCE0];
	_ =	sdelay $0x2  }
0x378: {  	v50 =	vld.idx.msk [tilespmem:v50+s29+$0x0], $0xffff  }
0x379: {  	v51 =	vld.idx.msk [tilespmem:v51+s29+$0x0], $0xffff;
	[tilespmem:s16+$0x150] =	vst v53  }
0x37a: {  	[tilespmem:s2+$0xFFFFFE90] =	vst v46;
	v46 =	vor.u32 v3, v6;
	v3 =	vld [tilespmem:$0x1FDB0]  }
0x37b: {  	v42 =	vld.idx.msk [tilespmem:v42+s29+$0x0], $0xffff  }
0x37c: {  	v48 =	vld.idx.msk [tilespmem:v48+s29+$0x0], $0xffff;
	[tilespmem:s16+$0xFFFFFE50] =	vst v52  }
0x37d: {  	s18 =	sadd.s32 $0x8, s18;
	v52 =	vld.idx.msk [tilespmem:v28+s29+$0x0], $0xffff  }
0x37e: {  	v53 =	vmov s18;
	v28 =	vadd.f32 v49, v14;
	v49 =	vld [tilespmem:$0x1FB10]  }
0x37f: {  	v45 =	vadd.f32 v45, v24;
	[tilespmem:s2+$0xFFFFFF10] =	vst v43;
	v0 =	vshrl.u32 v53, $0x3;
	v43 =	vor.u32 v3, v6;
	v3 =	vmovc v10;
	v10 =	vld [tilespmem:$0x1FB00]  }
0x380: {  	v39 =	vld.idx.msk [tilespmem:v39+s29+$0x0], $0xffff;
	v47 =	vadd.f32 v47, v4;
	v0 =	vshll.u32 v0, $0x3  }
0x381: {  	v32 =	vld.idx.msk [tilespmem:v32+s29+$0x0], $0xffff;
	[tilespmem:s2+$0x120] =	vst v45;
	v0 =	vbroadcast v0, $0x0  }
0x382: {  	v45 =	vld [tilespmem:$0x1FAE0];
	[tilespmem:s16+$0xD0] =	vst v47  }
0x383: {  	v47 =	vadd.f32 v48, v8;
	v8 =	vmov v18;
	v18 =	vld [tilespmem:$0x1FAC0];
	[tilespmem:s16+$0xFFFFFEE0] =	vst v28;
	v37 =	vor.u32 v0, v49  }
0x384: {  	v49 =	vadd.f32 v50, v13;
	v50 =	vor.u32 v57, v0;
	v57 =	vld.idx.msk [tilespmem:v30+s17+$0x0], $0xffff;
	v10 =	vor.u32 v10, v0  }
0x385: {  	v42 =	vadd.f32 v42, v7;
	v30 =	vmov v10;
	v10 =	vld.idx.msk [tilespmem:v56+s29+$0x0], $0xffff  }
0x386: {  	v51 =	vadd.f32 v51, v5;
	v56 =	vld [tilespmem:$0x1FEB0]  }
0x387: {  	[tilespmem:s16+$0x160] =	vst v42;
	v42 =	vld [tilespmem:$0x1FE90]  }
0x388: {  	[tilespmem:s16+$0xFFFFFF60] =	vst v51;
	v48 =	vld.idx.msk [tilespmem:v55+s29+$0x0], $0xffff  }
0x389: {  	v54 =	vld.idx.msk [tilespmem:v54+s29+$0x0], $0xffff  }
0x38a: {  	v55 =	vld [tilespmem:$0x1FEF0]  }
0x38b: {  	v53 =	vadd.f32 v40, v2;
	v51 =	vor.u32 v56, v6;
	v56 =	vld [tilespmem:$0x1FAD0]  }
0x38c: {  	[tilespmem:s16+$0x70] =	vst v47;
	v31 =	vld.idx.msk [tilespmem:v31+s29+$0x0], $0xffff  }
0x38d: {  	[tilespmem:s2+$0xA0] =	vst v53;
	v53 =	vld [tilespmem:$0x1FAF0];
	v52 =	vadd.f32 v52, v21  }
0x38e: {  	v28 =	vmov v22;
	v22 =	vld [tilespmem:$0x1FE70];
	[tilespmem:s16+$0x1E0] =	vst v49;
	v10 =	vadd.f32 v10, v14  }
0x38f: {  	[tilespmem:s16+$0xFFFFFE60] =	vst v52;
	v52 =	vld.idx.msk [tilespmem:v34+s29+$0x0], $0xffff  }
0x390: {  	v43 =	vld.idx.msk [tilespmem:v43+s29+$0x0], $0xffff;
	[tilespmem:s16+$0xFFFFFEF0] =	vst v10;
	v10 =	vadd.f32 v54, v5;
	v47 =	vor.u32 v0, v56  }
0x391: {  	v5 =	vmovc v1;
	v56 =	vor.u32 v42, v0;
	v42 =	vadd.f32 v32, v1;
	v1 =	vadd.f32 v25, v57;
	v25 =	vld [tilespmem:$0x1FEC0]  }
0x392: {  	v14 =	vmov v23;
	v23 =	vld [tilespmem:$0x1FEA0]  }
0x393: {  	[tilespmem:s16+$0xFFFFFF70] =	vst v10;
	v10 =	vld [tilespmem:$0x1FC20]  }
0x394: {  	v22 =	vor.u32 v22, v0;
	v32 =	vld.idx.msk [tilespmem:v36+s29+$0x0], $0xffff  }
0x395: {  	v36 =	vor.u32 v0, v45;
	v45 =	vld.idx.msk [tilespmem:v46+s29+$0x0], $0xffff  }
0x396: {  	v54 =	vor.u32 v25, v0;
	v25 =	vld [tilespmem:$0x1FE60]  }
0x397: {  	v46 =	vld.idx.msk [tilespmem:v35+s29+$0x0], $0xffff;
	v35 =	vadd.f32 v48, v4  }
0x398: {  	v51 =	vld.idx.msk [tilespmem:v51+s29+$0x0], $0xffff  }
0x399: {  	[tilespmem:s16+$0xE0] =	vst v35;
	v35 =	vld.idx.msk [tilespmem:v22+s29+$0x0], $0xffff  }
0x39a: {  	v22 =	vld [tilespmem:$0x1FDA0]  }
0x39b: {  	v48 =	vor.u32 v0, v53;
	v53 =	vor.u32 v58, v0;
	v58 =	vor.u32 v25, v6;
	v25 =	vld.idx.msk [tilespmem:v50+s29+$0x0], $0xffff  }
0x39c: {  	v18 =	vor.u32 v0, v18;
	v34 =	vor.u32 v10, v0;
	v10 =	vadd.f32 v32, v7;
	[tilespmem:s26+$0xFFFFFE00] =	vst v1;
	v1 =	vld [tilespmem:$0x1FF10]  }
0x39d: {  	v33 =	vld.idx.msk [tilespmem:v33+s29+$0x0], $0xffff  }
0x39e: {  	[tilespmem:s16+$0x170] =	vst v10;
	v10 =	vld.idx.msk [tilespmem:v47+s17+$0x0], $0xffff  }
0x39f: {  	[tilespmem:s26+$0x30] =	vst v38;
	v38 =	vld.idx.msk [tilespmem:v29+s29+$0x0], $0xffff  }
0x3a0: {  	v29 =	vmov v53;
	v53 =	vld [tilespmem:$0x1FDF0]  }
0x3a1: {  	v49 =	vor.u32 v55, v0;
	v55 =	vadd.f32 v39, v3;
	v39 =	vor.u32 v1, v0;
	v1 =	vld.idx.msk [tilespmem:v18+s17+$0x0], $0xffff  }
0x3a2: {  	v18 =	vadd.f32 v31, v14;
	v31 =	vadd.f32 v46, v21;
	v21 =	vld [tilespmem:$0x1FC00]  }
0x3a3: {  	v58 =	vld.idx.msk [tilespmem:v58+s29+$0x0], $0xffff  }
0x3a4: {  	v46 =	vadd.f32 v51, v2;
	v51 =	vor.u32 v59, v6;
	v59 =	vld [tilespmem:$0x1FDD0]  }
0x3a5: {  	v13 =	vadd.f32 v52, v13;
	v23 =	vor.u32 v23, v0;
	[tilespmem:s26+$0xFFFFFEA0] =	vst v18;
	v18 =	vld [tilespmem:$0x1FF00]  }
0x3a6: {  	[tilespmem:s16+$0xFFFFFE70] =	vst v31;
	v31 =	vadd.f32 v33, v4;
	v4 =	vld [tilespmem:$0x1FC50]  }
0x3a7: {  	[tilespmem:s16+$0x1F0] =	vst v13;
	v44 =	vld.idx.msk [tilespmem:v44+s29+$0x0], $0xffff  }
0x3a8: {  	v47 =	vor.u32 v22, v0;
	[tilespmem:s16+$0xF0] =	vst v31;
	v31 =	vld [tilespmem:$0x1FFA0]  }
0x3a9: {  	v13 =	vmovc v26;
	v22 =	vor.u32 v21, v0;
	v21 =	vmov v57;
	v57 =	vadd.f32 v43, v26;
	v26 =	vld.idx.msk [tilespmem:v56+s29+$0x0], $0xffff  }
0x3aa: {  	[tilespmem:s16+$0xFFFFFFF0] =	vst v41;
	v41 =	vld.idx.msk [tilespmem:v23+s29+$0x0], $0xffff  }
0x3ab: {  	v33 =	vor.u32 v4, v6;
	v4 =	vld [tilespmem:$0x1FD30]  }
0x3ac: {  	v23 =	vld [tilespmem:$0x1FEE0]  }
0x3ad: {  	s16 =	smov.u32 s26;
	v56 =	vld [tilespmem:$0x1FF40]  }
0x3ae: {  	v58 =	vadd.f32 v58, v8;
	[tilespmem:s16+$0xFFFFFFB0] =	vst v55;
	v55 =	vld [tilespmem:$0x1FE10]  }
0x3af: {  	v38 =	vadd.f32 v38, v21;
	v50 =	vor.u32 v18, v0;
	v18 =	vld.idx.msk [tilespmem:v36+s17+$0x0], $0xffff  }
0x3b0: {  	[tilespmem:s16+$0x40] =	vst v58;
	v36 =	vor.u32 v4, v6;
	v4 =	vmov v2;
	v2 =	vld [tilespmem:$0x1FF30]  }
0x3b1: {  	v58 =	vld [tilespmem:$0x1FE50];
	[tilespmem:s16+$0xFFFFFE10] =	vst v38  }
0x3b2: {  	v51 =	vld.idx.msk [tilespmem:v51+s29+$0x0], $0xffff  }
0x3b3: {  	v7 =	vmov v24;
	[tilespmem:s16+$0x1A0] =	vst v57;
	v57 =	vld [tilespmem:$0x1FF90]  }
0x3b4: {  	v24 =	vadd.f32 v45, v7;
	v32 =	vor.u32 v31, v0;
	v31 =	vld [tilespmem:$0x1FF50]  }
0x3b5: {  	v41 =	vadd.f32 v41, v18;
	v52 =	vor.u32 v2, v0;
	v2 =	vld [tilespmem:$0x1FF20]  }
0x3b6: {  	s2 =	sadd.s32 $0x400, s2;
	[tilespmem:s16+$0x130] =	vst v24;
	v33 =	vld.idx.msk [tilespmem:v33+s29+$0x0], $0xffff  }
0x3b7: {  	v38 =	vor.u32 v58, v0;
	[tilespmem:s2+$0x0] =	vst v41;
	v41 =	vld.idx.msk [tilespmem:v47+s29+$0x0], $0xffff;
	v58 =	vadd.f32 v51, v21  }
0x3b8: {  	v44 =	vadd.f32 v44, v14;
	v23 =	vor.u32 v23, v6;
	v47 =	vld.idx.msk [tilespmem:v50+s29+$0x0], $0xffff  }
0x3b9: {  	v40 =	vor.u32 v0, v62;
	[tilespmem:s16+$0xFFFFFE20] =	vst v58;
	v58 =	vld [tilespmem:$0x1FF70]  }
0x3ba: {  	[tilespmem:s16+$0xFFFFFEB0] =	vst v44;
	v44 =	vor.u32 v56, v6;
	v43 =	vor.u32 v2, v0;
	v2 =	vld.idx.msk [tilespmem:v48+s17+$0x0], $0xffff  }
0x3bb: {  	[tilespmem:s16+$0xB0] =	vst v46;
	v48 =	vld.idx.msk [tilespmem:v49+s29+$0x0], $0xffff  }
0x3bc: {  	v24 =	vld.idx.msk [tilespmem:v54+s29+$0x0], $0xffff  }
0x3bd: {  	v26 =	vadd.f32 v26, v10;
	v54 =	vld.idx.msk [tilespmem:v23+s29+$0x0], $0xffff  }
0x3be: {  	[tilespmem:s16+$0xFFFFFF20] =	vst v42;
	v23 =	vld.idx.msk [tilespmem:v40+s17+$0x0], $0xffff  }
0x3bf: {  	[tilespmem:s2+$0xFFFFFF80] =	vst v26;
	v26 =	vld.idx.msk [tilespmem:v44+s29+$0x0], $0xffff  }
0x3c0: {  	v40 =	vor.u32 v57, v0;
	v57 =	vld [tilespmem:$0x1FE20]  }
0x3c1: {  	v36 =	vld.idx.msk [tilespmem:v36+s29+$0x0], $0xffff  }
0x3c2: {  	v45 =	vor.u32 v0, v63;
	v49 =	vor.u32 v55, v0;
	v55 =	vor.u32 v59, v0;
	v59 =	vld [tilespmem:$0x1FD40]  }
0x3c3: {  	v46 =	vor.u32 v53, v0;
	v53 =	vor.u32 v60, v0;
	v60 =	vadd.f32 v24, v2;
	v24 =	vld [tilespmem:$0x1FDC0]  }
0x3c4: {  	v50 =	vld.idx.msk [tilespmem:v27+s29+$0x0], $0xffff;
	v26 =	vadd.f32 v26, v5  }
0x3c5: {  	v27 =	vld [tilespmem:$0x1FC90];
	v42 =	vor.u32 v57, v6;
	[tilespmem:s2+$0x80] =	vst v60  }
0x3c6: {  	[tilespmem:s16+$0xFFFFFF30] =	vst v26;
	v26 =	vld [tilespmem:$0x1FE00]  }
0x3c7: {  	v43 =	vld.idx.msk [tilespmem:v43+s29+$0x0], $0xffff  }
0x3c8: {  	v60 =	vor.u32 v59, v6;
	v56 =	vor.u32 v24, v6;
	v24 =	vld.idx.msk [tilespmem:v45+s17+$0x0], $0xffff  }
0x3c9: {  	v47 =	vadd.f32 v47, v18;
	v45 =	vld [tilespmem:$0x1FE40]  }
0x3ca: {  	v36 =	vadd.f32 v36, v13;
	v42 =	vld.idx.msk [tilespmem:v42+s29+$0x0], $0xffff  }
0x3cb: {  	[tilespmem:s2+$0x10] =	vst v47;
	v47 =	vor.u32 v58, v6;
	v58 =	vld [tilespmem:$0x1FC60]  }
0x3cc: {  	v33 =	vadd.f32 v33, v3;
	[tilespmem:s16+$0x1B0] =	vst v36;
	v49 =	vld.idx.msk [tilespmem:v49+s29+$0x0], $0xffff  }
0x3cd: {  	v51 =	vld.idx.msk [tilespmem:v60+s29+$0x0], $0xffff  }
0x3ce: {  	[tilespmem:s16+$0xFFFFFFC0] =	vst v33;
	v33 =	vor.u32 v27, v6;
	v60 =	vld [tilespmem:$0x1FD50]  }
0x3cf: {  	v27 =	vmov v53;
	v53 =	vor.u32 v26, v6;
	v26 =	vadd.f32 v35, v23;
	v35 =	vld.idx.msk [tilespmem:v52+s29+$0x0], $0xffff  }
0x3d0: {  	v36 =	vor.u32 v45, v6;
	v45 =	vld.idx.msk [tilespmem:v55+s29+$0x0], $0xffff  }
0x3d1: {  	v52 =	vor.u32 v15, v6;
	v57 =	vld.idx.msk [tilespmem:v56+s29+$0x0], $0xffff;
	v41 =	vadd.f32 v41, v24  }
0x3d2: {  	v42 =	vadd.f32 v42, v8;
	v56 =	vld [tilespmem:$0x1FD70]  }
0x3d3: {  	v44 =	vadd.f32 v54, v4;
	[tilespmem:s2+$0x100] =	vst v41;
	v54 =	vor.u32 v60, v6;
	v60 =	vld [tilespmem:$0x1FD90]  }
0x3d4: {  	[tilespmem:s16+$0x50] =	vst v42;
	v42 =	vld [tilespmem:$0x1FC10]  }
0x3d5: {  	v41 =	vor.u32 v58, v6;
	v46 =	vld.idx.msk [tilespmem:v46+s29+$0x0], $0xffff  }
0x3d6: {  	v52 =	vld.idx.msk [tilespmem:v52+s29+$0x0], $0xffff  }
0x3d7: {  	v36 =	vld.idx.msk [tilespmem:v36+s29+$0x0], $0xffff  }
0x3d8: {  	v50 =	vadd.f32 v50, v21;
	v59 =	vadd.f32 v57, v3;
	v57 =	vld [tilespmem:$0x1FED0]  }
0x3d9: {  	[tilespmem:s2+$0xFFFFFE80] =	vst v26;
	v26 =	vld.idx.msk [tilespmem:v37+s17+$0x0], $0xffff  }
0x3da: {  	[tilespmem:s16+$0xFFFFFE30] =	vst v50;
	v55 =	vor.u32 v17, v6;
	v41 =	vld.idx.msk [tilespmem:v41+s29+$0x0], $0xffff  }
0x3db: {  	v50 =	vadd.f32 v35, v10;
	[tilespmem:s16+$0xFFFFFFD0] =	vst v59;
	v59 =	vadd.f32 v48, v1;
	v35 =	vor.u32 v42, v6;
	v42 =	vld [tilespmem:$0x1FD20]  }
0x3dc: {  	v48 =	vadd.f32 v49, v18;
	v49 =	vld.idx.msk [tilespmem:v53+s29+$0x0], $0xffff;
	v36 =	vadd.f32 v36, v14  }
0x3dd: {  	v51 =	vadd.f32 v51, v13;
	v53 =	vor.u32 v60, v0;
	v37 =	vor.u32 v57, v6;
	v57 =	vld [tilespmem:$0x1FE30]  }
0x3de: {  	v58 =	vadd.f32 v45, v26;
	[tilespmem:s16+$0xFFFFFEC0] =	vst v36;
	v36 =	vld.idx.msk [tilespmem:v47+s29+$0x0], $0xffff  }
0x3df: {  	[tilespmem:s16+$0x1C0] =	vst v51;
	v45 =	vld.idx.msk [tilespmem:v55+s29+$0x0], $0xffff  }
0x3e0: {  	[tilespmem:s2+$0x180] =	vst v58;
	v47 =	vld.idx.msk [tilespmem:v34+s29+$0x0], $0xffff  }
0x3e1: {  	v60 =	vor.u32 v19, v6;
	v54 =	vld.idx.msk [tilespmem:v54+s29+$0x0], $0xffff  }
0x3e2: {  	[tilespmem:s2+$0xFFFFFF00] =	vst v59;
	v53 =	vld.idx.msk [tilespmem:v53+s29+$0x0], $0xffff  }
0x3e3: {  	v34 =	vor.u32 v56, v6;
	v37 =	vld.idx.msk [tilespmem:v37+s29+$0x0], $0xffff;
	v56 =	vor.u32 v57, v0;
	v59 =	vadd.f32 v36, v5  }
0x3e4: {  	[tilespmem:s16+$0xC0] =	vst v44;
	v51 =	vor.u32 v16, v6;
	v57 =	vld [tilespmem:$0x1FD10]  }
0x3e5: {  	[tilespmem:s16+$0xFFFFFF40] =	vst v59;
	v59 =	vld [tilespmem:$0x1FDE0]  }
0x3e6: {  	[tilespmem:s2+$0xFFFFFF90] =	vst v50;
	v58 =	vadd.f32 v52, v7;
	v52 =	vld.idx.msk [tilespmem:v60+s29+$0x0], $0xffff  }
0x3e7: {  	[tilespmem:s2+$0x20] =	vst v48;
	v60 =	vld [tilespmem:$0x1FD80]  }
0x3e8: {  	v50 =	vor.u32 v20, v6;
	[tilespmem:s16+$0x140] =	vst v58;
	v53 =	vadd.f32 v53, v26;
	v48 =	vld.idx.msk [tilespmem:v56+s29+$0x0], $0xffff  }
0x3e9: {  	v43 =	vadd.f32 v43, v2;
	v36 =	vor.u32 v42, v6;
	v42 =	vor.u32 v57, v6;
	v57 =	vld.idx.msk [tilespmem:v51+s29+$0x0], $0xffff  }
0x3ea: {  	v45 =	vadd.f32 v45, v21;
	[tilespmem:s2+$0x190] =	vst v53;
	v53 =	vld [tilespmem:$0x1FC70]  }
0x3eb: {  	[tilespmem:s2+$0x90] =	vst v43;
	v58 =	vld.idx.msk [tilespmem:v40+s29+$0x0], $0xffff;
	v55 =	vor.u32 v59, v6  }
0x3ec: {  	v49 =	vadd.f32 v49, v3;
	v40 =	vld.idx.msk [tilespmem:v38+s29+$0x0], $0xffff;
	[tilespmem:s16+$0xFFFFFE40] =	vst v45;
	v56 =	vor.u32 v60, v0  }
0x3ed: {  	v46 =	vadd.f32 v46, v24;
	v44 =	vadd.f32 v41, v8;
	v41 =	vld.idx.msk [tilespmem:v50+s29+$0x0], $0xffff  }
0x3ee: {  	[tilespmem:s16+$0xFFFFFFE0] =	vst v49;
	v39 =	vld.idx.msk [tilespmem:v39+s29+$0x0], $0xffff;
	v37 =	vadd.f32 v37, v14;
	v59 =	vor.u32 v61, v6  }
0x3ef: {  	[tilespmem:s2+$0x110] =	vst v46;
	v38 =	vadd.f32 v48, v18;
	v48 =	vor.u32 v53, v6;
	v53 =	vadd.f32 v57, v7;
	v57 =	vld [tilespmem:$0x1FCA0]  }
0x3f0: {  	[tilespmem:s16+$0xFFFFFED0] =	vst v37;
	v37 =	vld.idx.msk [tilespmem:v55+s29+$0x0], $0xffff  }
0x3f1: {  	v60 =	vor.u32 v9, v6;
	v45 =	vld.idx.msk [tilespmem:v56+s29+$0x0], $0xffff  }
0x3f2: {  	p2 =	slt.u32 s18, $0x38;
	v56 =	vld [tilespmem:$0x1FF80]  }
.Ltmp9:
0x3f3: {  	v46 =	vadd.f32 v47, v23;
	v47 =	vld.idx.msk [tilespmem:v59+s29+$0x0], $0xffff;
	(pc) =	sbr.rel @p2 .LBB2_10-.Ltmp9, $4  }
0x3f4: {  	v54 =	vadd.f32 v54, v13;
	v59 =	vld [tilespmem:$0x1FCC0]  }
0x3f5: {  	v55 =	vadd.f32 v52, v5;
	v52 =	vadd.f32 v58, v10;
	v58 =	vld [tilespmem:$0x1FCB0]  }
0x3f6: {  	v31 =	vor.u32 v31, v0;
	v50 =	vor.u32 v11, v6;
	[tilespmem:s16+$0x1D0] =	vst v54;
	v49 =	vld.idx.msk [tilespmem:v60+s29+$0x0], $0xffff  }
0x3f7: {  	s26 =	smov.u32 s2;
	v51 =	vor.u32 v12, v6;
	v43 =	vadd.f32 v39, v1;
	v60 =	vld [tilespmem:$0x1FCD0];
	[tilespmem:s16+$0xFFFFFF50] =	vst v55;
	v39 =	vor.u32 v56, v0  }
0x3f8: {  	_ =	sdelay $0x1  }
0x3f9: {  	[tilespmem:s16+$0x150] =	vst v53  }
0x3fa: {  	[tilespmem:s2+$0xFFFFFFA0] =	vst v52  }
0x3fb: {  	v41 =	vadd.f32 v41, v21;
	v51 =	vld.idx.msk [tilespmem:v51+s29+$0x0], $0xffff;
	[tilespmem:s16+$0x60] =	vst v44  }
0x3fc: {  	v30 =	vld.idx.msk [tilespmem:v30+s17+$0x0], $0xffff;
	[tilespmem:s2+$0xFFFFFE90] =	vst v46  }
0x3fd: {  	v50 =	vld.idx.msk [tilespmem:v50+s29+$0x0], $0xffff;
	[tilespmem:s16+$0xFFFFFE50] =	vst v41;
	v52 =	vadd.f32 v49, v14  }
0x3fe: {  	v47 =	vadd.f32 v47, v4;
	v62 =	vld [tilespmem:$0x1FC30];
	[tilespmem:s2+$0xFFFFFF10] =	vst v43  }
0x3ff: {  	v46 =	vld.idx.msk [tilespmem:v48+s29+$0x0], $0xffff;
	[tilespmem:s16+$0xFFFFFEE0] =	vst v52  }
0x400: {  	v49 =	vld [tilespmem:$0x1FC80];
	[tilespmem:s16+$0xD0] =	vst v47  }
0x401: {  	v48 =	vld [tilespmem:$0x1FC40]  }
0x402: {  	v53 =	vld.idx.msk [tilespmem:v42+s29+$0x0], $0xffff  }
0x403: {  	v55 =	vadd.f32 v51, v5;
	v44 =	vor.u32 v62, v6  }
0x404: {  	v63 =	vld.idx.msk [tilespmem:v28+s29+$0x0], $0xffff;
	v25 =	vadd.f32 v25, v30  }
0x405: {  	v28 =	vadd.f32 v50, v13;
	[tilespmem:s16+$0xFFFFFF60] =	vst v55;
	v54 =	vor.u32 v49, v6  }
0x406: {  	v8 =	vadd.f32 v46, v8;
	[tilespmem:s26+$0xFFFFFE00] =	vst v25;
	v56 =	vor.u32 v48, v6  }
0x407: {  	v46 =	vadd.f32 v53, v7;
	[tilespmem:s16+$0x1E0] =	vst v28  }
0x408: {  	[tilespmem:s16+$0x70] =	vst v8;
	v8 =	vadd.f32 v45, v24;
	v25 =	vld.idx.msk [tilespmem:v44+s29+$0x0], $0xffff  }
0x409: {  	v28 =	vld.idx.msk [tilespmem:v29+s29+$0x0], $0xffff;
	[tilespmem:s16+$0x160] =	vst v46;
	v50 =	vadd.f32 v63, v21  }
0x40a: {  	[tilespmem:s2+$0x120] =	vst v8;
	v29 =	vld.idx.msk [tilespmem:v54+s29+$0x0], $0xffff  }
0x40b: {  	[tilespmem:s16+$0xFFFFFE60] =	vst v50;
	v6 =	vld.idx.msk [tilespmem:v56+s29+$0x0], $0xffff  }
0x40c: {  	v40 =	vadd.f32 v40, v2;
	v8 =	vor.u32 v59, v0;
	v47 =	vld [tilespmem:$0x1FDB0]  }
0x40d: {  	v51 =	vadd.f32 v25, v14;
	v14 =	vld.idx.msk [tilespmem:v36+s29+$0x0], $0xffff  }
0x40e: {  	v31 =	vld.idx.msk [tilespmem:v31+s29+$0x0], $0xffff;
	[tilespmem:s2+$0xA0] =	vst v40;
	v25 =	vadd.f32 v28, v30  }
0x40f: {  	v32 =	vld.idx.msk [tilespmem:v32+s29+$0x0], $0xffff;
	[tilespmem:s16+$0xFFFFFEF0] =	vst v51;
	v28 =	vadd.f32 v29, v4  }
0x410: {  	v54 =	vld.idx.msk [tilespmem:v35+s29+$0x0], $0xffff;
	[tilespmem:s26+$0xFFFFFE10] =	vst v25;
	v53 =	vadd.f32 v6, v5  }
0x411: {  	v8 =	vld.idx.msk [tilespmem:v8+s29+$0x0], $0xffff;
	[tilespmem:s16+$0xE0] =	vst v28  }
0x412: {  	v52 =	vor.u32 v47, v0;
	v56 =	vadd.f32 v14, v7;
	v35 =	vld [tilespmem:$0x1FE80];
	[tilespmem:s16+$0xFFFFFF70] =	vst v53  }
0x413: {  	v28 =	vadd.f32 v31, v23;
	v36 =	vld [tilespmem:$0x1FF40];
	[tilespmem:s26+$0x30] =	vst v38  }
0x414: {  	v14 =	vld [tilespmem:$0x1FCE0];
	[tilespmem:s16+$0x170] =	vst v56  }
0x415: {  	v34 =	vld.idx.msk [tilespmem:v34+s29+$0x0], $0xffff;
	v63 =	vadd.f32 v32, v1;
	[tilespmem:s26+$0xFFFFFEA0] =	vst v28  }
0x416: {  	v6 =	vadd.f32 v54, v21;
	v21 =	vld [tilespmem:$0x1FD30]  }
0x417: {  	v55 =	vld.idx.msk [tilespmem:v52+s29+$0x0], $0xffff;
	v8 =	vadd.f32 v8, v30;
	[tilespmem:s26+$0xFFFFFF20] =	vst v63;
	v25 =	vor.u32 v35, v0  }
0x418: {  	v41 =	vld [tilespmem:$0x1FEB0];
	[tilespmem:s16+$0xFFFFFE70] =	vst v6;
	v29 =	vor.u32 v36, v0  }
0x419: {  	v31 =	vld.idx.msk [tilespmem:v33+s29+$0x0], $0xffff;
	[tilespmem:s26+$0xFFFFFE20] =	vst v8;
	v14 =	vor.u32 v14, v0  }
0x41a: {  	v40 =	vld [tilespmem:$0x1FE60]  }
0x41b: {  	v27 =	vld.idx.msk [tilespmem:v27+s29+$0x0], $0xffff;
	v28 =	vor.u32 v21, v0  }
0x41c: {  	v5 =	vadd.f32 v55, v26;
	v21 =	vld.idx.msk [tilespmem:v25+s29+$0x0], $0xffff  }
0x41d: {  	v32 =	vor.u32 v41, v0;
	v33 =	vld.idx.msk [tilespmem:v29+s29+$0x0], $0xffff  }
0x41e: {  	[tilespmem:s26+$0x1A0] =	vst v5;
	v25 =	vadd.f32 v34, v13;
	v13 =	vld.idx.msk [tilespmem:v14+s29+$0x0], $0xffff  }
0x41f: {  	v34 =	vadd.f32 v31, v4;
	v29 =	vld [tilespmem:$0x1FE40]  }
0x420: {  	v3 =	vadd.f32 v37, v3;
	[tilespmem:s16+$0x1F0] =	vst v25;
	v25 =	vld.idx.msk [tilespmem:v28+s29+$0x0], $0xffff  }
0x421: {  	v63 =	vld [tilespmem:$0x1FF70];
	[tilespmem:s16+$0xF0] =	vst v34;
	v42 =	vadd.f32 v21, v23  }
0x422: {  	v8 =	vor.u32 v40, v0;
	[tilespmem:s16+$0xFFFFFFF0] =	vst v3;
	v7 =	vld.idx.msk [tilespmem:v32+s29+$0x0], $0xffff;
	v3 =	vadd.f32 v33, v1  }
0x423: {  	v21 =	vld.idx.msk [tilespmem:v39+s29+$0x0], $0xffff;
	v13 =	vadd.f32 v13, v24;
	[tilespmem:s26+$0xFFFFFEB0] =	vst v42  }
0x424: {  	v38 =	vor.u32 v29, v0;
	v4 =	vld [tilespmem:$0x1FD40];
	[tilespmem:s26+$0xFFFFFF30] =	vst v3  }
0x425: {  	v15 =	vor.u32 v15, v0;
	v27 =	vadd.f32 v27, v30;
	v46 =	vld [tilespmem:$0x1FEE0];
	[tilespmem:s26+$0x130] =	vst v13  }
0x426: {  	v14 =	vor.u32 v63, v0;
	v13 =	vld [tilespmem:$0x1FC50]  }
0x427: {  	v43 =	vor.u32 v17, v0;
	v8 =	vld.idx.msk [tilespmem:v8+s29+$0x0], $0xffff;
	[tilespmem:s26+$0xFFFFFE30] =	vst v27  }
0x428: {  	v31 =	vld [tilespmem:$0x1FE20]  }
0x429: {  	v5 =	vld.idx.msk [tilespmem:v38+s29+$0x0], $0xffff;
	v4 =	vor.u32 v4, v0  }
0x42a: {  	v28 =	vadd.f32 v25, v26;
	v15 =	vld.idx.msk [tilespmem:v15+s29+$0x0], $0xffff;
	v3 =	vor.u32 v46, v0  }
0x42b: {  	v7 =	vadd.f32 v7, v2;
	v14 =	vld.idx.msk [tilespmem:v14+s29+$0x0], $0xffff;
	v13 =	vor.u32 v13, v0  }
0x42c: {  	v21 =	vadd.f32 v21, v10;
	[tilespmem:s26+$0x1B0] =	vst v28;
	v6 =	vld.idx.msk [tilespmem:v43+s29+$0x0], $0xffff  }
0x42d: {  	v8 =	vadd.f32 v8, v18;
	v27 =	vld [tilespmem:$0x1FED0];
	[tilespmem:s26+$0xB0] =	vst v7;
	v25 =	vor.u32 v31, v0  }
0x42e: {  	[tilespmem:s26+$0xFFFFFFB0] =	vst v21;
	v5 =	vadd.f32 v5, v23;
	v4 =	vld.idx.msk [tilespmem:v4+s29+$0x0], $0xffff  }
0x42f: {  	v51 =	vor.u32 v19, v0;
	[tilespmem:s26+$0x40] =	vst v8;
	v15 =	vadd.f32 v15, v24;
	v3 =	vld.idx.msk [tilespmem:v3+s29+$0x0], $0xffff  }
0x430: {  	v8 =	vadd.f32 v14, v1;
	[tilespmem:s26+$0xFFFFFEC0] =	vst v5;
	v13 =	vld.idx.msk [tilespmem:v13+s29+$0x0], $0xffff  }
0x431: {  	v5 =	vld [tilespmem:$0x1FD50];
	[tilespmem:s26+$0x140] =	vst v15  }
0x432: {  	v6 =	vadd.f32 v6, v30;
	v50 =	vor.u32 v27, v0;
	[tilespmem:s26+$0xFFFFFF40] =	vst v8;
	v21 =	vld.idx.msk [tilespmem:v25+s29+$0x0], $0xffff  }
0x433: {  	v25 =	vld [tilespmem:$0x1FDC0];
	v4 =	vadd.f32 v4, v26  }
0x434: {  	v16 =	vor.u32 v16, v0;
	v7 =	vld.idx.msk [tilespmem:v51+s29+$0x0], $0xffff;
	[tilespmem:s26+$0xFFFFFE40] =	vst v6;
	v3 =	vadd.f32 v3, v2  }
0x435: {  	v14 =	vor.u32 v20, v0;
	v6 =	vld [tilespmem:$0x1FC60];
	v13 =	vadd.f32 v13, v10;
	[tilespmem:s26+$0x1C0] =	vst v4  }
0x436: {  	v8 =	vor.u32 v61, v0;
	[tilespmem:s26+$0xC0] =	vst v3  }
0x437: {  	v19 =	vld.idx.msk [tilespmem:v50+s29+$0x0], $0xffff;
	v5 =	vor.u32 v5, v0;
	[tilespmem:s26+$0xFFFFFFC0] =	vst v13  }
0x438: {  	v52 =	vor.u32 v9, v0;
	v54 =	vor.u32 v12, v0;
	v9 =	vld [tilespmem:$0x1FD10]  }
0x439: {  	v16 =	vld.idx.msk [tilespmem:v16+s29+$0x0], $0xffff;
	v15 =	vor.u32 v25, v0  }
0x43a: {  	v14 =	vld.idx.msk [tilespmem:v14+s29+$0x0], $0xffff;
	v7 =	vadd.f32 v7, v1;
	v6 =	vor.u32 v6, v0  }
0x43b: {  	v8 =	vld.idx.msk [tilespmem:v8+s29+$0x0], $0xffff  }
0x43c: {  	v53 =	vadd.f32 v21, v18;
	[tilespmem:s26+$0xFFFFFF50] =	vst v7;
	v3 =	vld.idx.msk [tilespmem:v5+s29+$0x0], $0xffff  }
0x43d: {  	v12 =	vadd.f32 v19, v23;
	v5 =	vld.idx.msk [tilespmem:v54+s29+$0x0], $0xffff;
	v13 =	vor.u32 v9, v0  }
0x43e: {  	[tilespmem:s26+$0x50] =	vst v53;
	v55 =	vld.idx.msk [tilespmem:v15+s29+$0x0], $0xffff;
	v15 =	vadd.f32 v16, v24  }
0x43f: {  	[tilespmem:s26+$0xFFFFFED0] =	vst v12;
	v6 =	vld.idx.msk [tilespmem:v6+s29+$0x0], $0xffff  }
0x440: {  	v14 =	vadd.f32 v14, v30;
	v12 =	vor.u32 v11, v0;
	v4 =	vld.idx.msk [tilespmem:v52+s29+$0x0], $0xffff;
	[tilespmem:s26+$0x150] =	vst v15  }
0x441: {  	v8 =	vadd.f32 v8, v2;
	v9 =	vld [tilespmem:$0x1FE00]  }
0x442: {  	v3 =	vadd.f32 v3, v26;
	[tilespmem:s26+$0xFFFFFE50] =	vst v14;
	v13 =	vld.idx.msk [tilespmem:v13+s29+$0x0], $0xffff  }
0x443: {  	v20 =	vld [tilespmem:$0x1FC70];
	[tilespmem:s26+$0xD0] =	vst v8;
	v11 =	vadd.f32 v55, v10  }
0x444: {  	v39 =	vmov v61;
	v61 =	vld.idx.msk [tilespmem:v22+s29+$0x0], $0xffff;
	[tilespmem:s26+$0x1D0] =	vst v3;
	v6 =	vadd.f32 v6, v18  }
0x445: {  	v4 =	vadd.f32 v4, v23;
	v12 =	vld.idx.msk [tilespmem:v12+s29+$0x0], $0xffff;
	[tilespmem:s26+$0xFFFFFFD0] =	vst v11  }
0x446: {  	v56 =	vor.u32 v49, v0;
	v5 =	vadd.f32 v5, v1;
	v11 =	vld [tilespmem:$0x1FD20];
	[tilespmem:s26+$0x60] =	vst v6  }
0x447: {  	v3 =	vor.u32 v62, v0;
	v15 =	vor.u32 v9, v0;
	v62 =	vld [tilespmem:$0x1FC10];
	[tilespmem:s26+$0xFFFFFEE0] =	vst v4;
	v13 =	vadd.f32 v13, v24  }
0x448: {  	v4 =	vld [tilespmem:$0x1FD70];
	[tilespmem:s26+$0xFFFFFF60] =	vst v5  }
0x449: {  	v8 =	vor.u32 v48, v0;
	v5 =	vld [tilespmem:$0x1FC90];
	[tilespmem:s26+$0x160] =	vst v13  }
0x44a: {  	v14 =	vor.u32 v20, v0;
	v22 =	vld [tilespmem:$0x1FDE0]  }
0x44b: {  	v7 =	vld.idx.msk [tilespmem:v56+s29+$0x0], $0xffff;
	v11 =	vor.u32 v11, v0  }
0x44c: {  	v15 =	vld.idx.msk [tilespmem:v15+s29+$0x0], $0xffff;
	v63 =	vor.u32 v62, v0  }
0x44d: {  	v3 =	vld.idx.msk [tilespmem:v3+s29+$0x0], $0xffff;
	v4 =	vor.u32 v4, v0  }
0x44e: {  	v16 =	vadd.f32 v61, v30;
	v8 =	vld.idx.msk [tilespmem:v8+s29+$0x0], $0xffff;
	v5 =	vor.u32 v5, v0  }
0x44f: {  	v12 =	vadd.f32 v12, v26;
	v14 =	vld.idx.msk [tilespmem:v14+s29+$0x0], $0xffff;
	v0 =	vor.u32 v22, v0  }
0x450: {  	v7 =	vadd.f32 v7, v2;
	[tilespmem:s26+$0xFFFFFE60] =	vst v16;
	v11 =	vld.idx.msk [tilespmem:v11+s29+$0x0], $0xffff  }
0x451: {  	[tilespmem:s26+$0x1E0] =	vst v12;
	v12 =	vadd.f32 v15, v10;
	v6 =	vld.idx.msk [tilespmem:v63+s29+$0x0], $0xffff  }
0x452: {  	[tilespmem:s26+$0xE0] =	vst v7;
	v3 =	vadd.f32 v3, v23;
	v4 =	vld.idx.msk [tilespmem:v4+s29+$0x0], $0xffff  }
0x453: {  	v1 =	vadd.f32 v8, v1;
	[tilespmem:s26+$0xFFFFFFE0] =	vst v12;
	v5 =	vld.idx.msk [tilespmem:v5+s29+$0x0], $0xffff  }
0x454: {  	[tilespmem:s26+$0xFFFFFEF0] =	vst v3;
	v13 =	vadd.f32 v14, v18;
	v0 =	vld.idx.msk [tilespmem:v0+s29+$0x0], $0xffff  }
0x455: {  	[tilespmem:s26+$0xFFFFFF70] =	vst v1;
	v3 =	vadd.f32 v11, v24  }
0x456: {  	[tilespmem:s26+$0x70] =	vst v13;
	v1 =	vadd.f32 v6, v30  }
0x457: {  	[tilespmem:s26+$0x170] =	vst v3;
	v3 =	vadd.f32 v4, v26  }
0x458: {  	[tilespmem:s26+$0xFFFFFE70] =	vst v1;
	v1 =	vadd.f32 v5, v2  }
0x459: {  	[tilespmem:s26+$0x1F0] =	vst v3;
	v0 =	vadd.f32 v0, v10  }
0x45a: {  	[tilespmem:s26+$0xF0] =	vst v1  }
0x45b: {  	[tilespmem:s26+$0xFFFFFFF0] =	vst v0  }
0x45c: {  	v30 =	vld [tilespmem:$0x1FE70]  }
0x45d: {  	v38 =	vld [tilespmem:$0x1FF50]  }
0x45e: {  	v44 =	vld [tilespmem:$0x1FEF0]  }
0x45f: {  	v48 =	vld [tilespmem:$0x1FF10]  }
0x460: {  	v56 =	vld [tilespmem:$0x1FFA0]  }
0x461: {  	v2 =	vmov v36;
	v36 =	vld [tilespmem:$0x1FE90]  }
0x462: {  	v61 =	vld [tilespmem:$0x1FF30]  }
0x463: {  	v54 =	vld [tilespmem:$0x1FF90]  }
0x464: {  	v62 =	vld [tilespmem:$0x1FF80]  }
0x465: {  	v37 =	vld [tilespmem:$0x1FEA0]  }
0x466: {  	v24 =	vld [tilespmem:$0x1FF00]  }
0x467: {  	v33 =	vld [tilespmem:$0x1FE10]  }
0x468: {  	v29 =	vld [tilespmem:$0x1FE30]  }
0x469: {  	v50 =	vld [tilespmem:$0x1FEC0]  }
0x46a: {  	v28 =	vmov v31;
	v31 =	vld [tilespmem:$0x1FF20]  }
0x46b: {  	s16 =	sshll.u32 s3, $0xA;
	v51 =	vld [tilespmem:$0x1FE50]  }
0x46c: {  	s18 =	sshll.u32 s10, $0x12;
	s2 =	sand.u32 $0x7000, s16;
	v14 =	vld [tilespmem:$0x1FDA0]  }
0x46d: {  	s2 =	sor.u32 s2, s18;
	v26 =	vld [tilespmem:$0x1FDF0]  }
0x46e: {  	s2 =	sshrl.u32 s2, $0x3;
	v49 =	vld [tilespmem:$0x1FD80]  }
0x46f: {  	s30 =	simm.s32 $0xB400;
	s2 =	sadd.s32 s1, s2;
	v11 =	vmov v40;
	v40 =	vld [tilespmem:$0x1FDD0]  }
0x470: {  	v32 =	vmov v41;
	v12 =	vmov v47;
	[hbm4b:s2+s24] =	stream.strided.scatter [tilespmem:s30], [sflag:$0x9], $0x2000, s25, s24, $0x38;
	v20 =	vld [tilespmem:$0x1FD90]  }
.LBB2_12:
0x471: {  	s2 =	simm.s32 @!p0 $0x3  }
0x472: {  	_ =	swait.ge @!p0 [sflag:s2], $0x80  }
0x473: {  	s10 =	simm.s32 @!p0 $0x80;
	[sflag:s2] =	ssyncset.done @!p0 $0x0  }
0x474: {  	s3 =	simm.s32 @!p0 $0x7400;
	[sflag:s2] =	ssyncadd.s32 @!p0 $0xFFFFFF80;
	s2 =	simm.s32 @!p0 $0x100  }
0x475: {  	[tilespmem:s3], [sflag:$0x7] =	stream.indirect.gather @!p0 [hbm4b:s5+s10], $0x40, s2, s10, $0xb8;
	[tilespmem:$0x13400] =	vst v63  }
0x476: {  	s2 =	sadd.s32 @!p1 s9, s14  }
0x477: {  	s3 =	sshll.u32 @!p1 s2, $0x4;
	s2 =	sor.u32 $0x2, s9  }
0x478: {  	p2 =	sgt.u32 s2, $0xC8  }
.Ltmp10:
0x479: {  	_ = 	snop;
	(pc) =	sbr.rel @p2 .LBB2_16-.Ltmp10, $4  }
0x47a: {  	_ = 	snop  }
0x47b: {  	s3 =	sand.u32 @!p1 $0x1FFFFFE0, s3  }
0x47c: {  	s16 =	simm.s32 @!p1 $0x0;
	s7 =	simm.s32 @!p1 $0x100;
	s3 =	sadd.s32 @!p1 s4, s3  }
0x47d: {  	[tilespmem:s7], [sflag:$0x3] =	stream.linear.gather @!p1 [hbm4b:s3+s16], $0x80, $0x38;
	[tilespmem:$0x13400] =	vst v63  }
0x47e: {  	s3 =	simm.s32 $0x0  }
0x47f: {  	s18 =	sadd.s32 s2, s12;
	v0 =	vmov s3  }
0x480: {  	s3 =	sshrl.u32 s18, $0x5;
	v0 =	vshrl.u32 v0, $0x3  }
0x481: {  	s26 =	sshll.u32 s3, $0x6;
	v0 =	vshll.u32 v0, $0x3  }
0x482: {  	v9 =	vmov s26;
	v6 =	vbroadcast v0, $0x0  }
0x483: {  	_ =	swait.ge [sflag:s31], $0x2000;
	v41 =	vor.u32 $0x3, v9  }
0x484: {  	p2 =	seq.s32 s8, $0x0;
	[sflag:s31] =	ssyncset.done $0x0;
	v45 =	vor.u32 $0x4, v9;
	v0 =	vor.u32 v6, v41  }
0x485: {  	s2 =	simm.s32 @!p2 $0xA;
	[sflag:s31] =	ssyncadd.s32 $0xFFFFE000;
	v1 =	vor.u32 v6, v45  }
0x486: {  	_ =	swait.ge @!p2 [sflag:s2], $0x2000;
	v2 =	vor.u32 v37, v6  }
0x487: {  	[sflag:s2] =	ssyncset.done @!p2 $0x0;
	v4 =	vor.u32 v36, v6  }
0x488: {  	v19 =	vor.u32 $0x2, v9;
	[sflag:s2] =	ssyncadd.s32 @!p2 $0xFFFFE000;
	v5 =	vor.u32 v30, v6  }
0x489: {  	v52 =	vor.u32 $0x6, v9;
	v7 =	vor.u32 v6, v19;
	v3 =	vld.idx.msk [tilespmem:v0+s17+$0x0], $0xffff  }
0x48a: {  	v42 =	vor.u32 $0x5, v9;
	v10 =	vor.u32 v6, v52;
	v8 =	vld.idx.msk [tilespmem:v1+s17+$0x0], $0xffff  }
0x48b: {  	v0 =	vor.u32 v6, v42;
	v2 =	vld.idx.msk [tilespmem:v2+s0+$0x0], $0xffff  }
0x48c: {  	v1 =	vor.u32 v14, v6;
	v13 =	vld.idx.msk [tilespmem:v4+s0+$0x0], $0xffff  }
0x48d: {  	v14 =	vor.u32 v50, v6;
	v18 =	vld.idx.msk [tilespmem:v5+s0+$0x0], $0xffff  }
0x48e: {  	v53 =	vmov v24;
	v21 =	vor.u32 v24, v6;
	v24 =	vor.u32 v40, v6;
	v5 =	vld.idx.msk [tilespmem:v7+s17+$0x0], $0xffff  }
0x48f: {  	v7 =	vld.idx.msk [tilespmem:v10+s17+$0x0], $0xffff  }
0x490: {  	v22 =	vor.u32 v61, v6;
	v4 =	vld.idx.msk [tilespmem:v0+s17+$0x0], $0xffff  }
0x491: {  	v15 =	vor.u32 $0x1, v9;
	v0 =	vor.u32 v44, v6;
	v2 =	vadd.f32 v2, v8;
	v1 =	vld.idx.msk [tilespmem:v1+s0+$0x0], $0xffff  }
0x492: {  	s26 =	simm.s32 $0xD7F0;
	v63 =	vor.u32 $0x7, v9;
	v23 =	vor.u32 v6, v15;
	v13 =	vadd.f32 v13, v3;
	v10 =	vld.idx.msk [tilespmem:v14+s0+$0x0], $0xffff  }
0x493: {  	v24 =	vld.idx.msk [tilespmem:v24+s0+$0x0], $0xffff;
	[tilespmem:s26+$0xFFFFFE10] =	vst v2;
	v2 =	vor.u32 v6, v63  }
0x494: {  	v25 =	vor.u32 v26, v6;
	[tilespmem:s26+$0xFFFFFD90] =	vst v13;
	v21 =	vld.idx.msk [tilespmem:v21+s0+$0x0], $0xffff  }
0x495: {  	v22 =	vld.idx.msk [tilespmem:v22+s0+$0x0], $0xffff  }
0x496: {  	v26 =	vor.u32 v31, v6;
	v0 =	vld.idx.msk [tilespmem:v0+s0+$0x0], $0xffff;
	v1 =	vadd.f32 v1, v7  }
0x497: {  	v27 =	vor.u32 v33, v6;
	v14 =	vld.idx.msk [tilespmem:v23+s17+$0x0], $0xffff;
	v10 =	vadd.f32 v10, v4  }
0x498: {  	v23 =	vor.u32 v54, v6;
	[tilespmem:s26+$0xFFFFFF10] =	vst v1;
	v13 =	vld.idx.msk [tilespmem:v2+s17+$0x0], $0xffff  }
0x499: {  	[tilespmem:s26+$0xFFFFFE90] =	vst v10;
	v21 =	vadd.f32 v21, v8;
	v2 =	vld.idx.msk [tilespmem:v25+s0+$0x0], $0xffff  }
0x49a: {  	v10 =	vadd.f32 v22, v3;
	v43 =	vld [tilespmem:$0x1FC20]  }
0x49b: {  	v1 =	vor.u32 v57, v6;
	v25 =	vld.idx.msk [tilespmem:v26+s0+$0x0], $0xffff;
	[tilespmem:s26+$0xFFFFFE20] =	vst v21;
	v0 =	vadd.f32 v0, v5  }
0x49c: {  	v28 =	vor.u32 v48, v6;
	[tilespmem:s26+$0xFFFFFDA0] =	vst v10;
	v21 =	vld.idx.msk [tilespmem:v27+s0+$0x0], $0xffff  }
0x49d: {  	v10 =	vadd.f32 v18, v14;
	v18 =	vld.idx.msk [tilespmem:v23+s0+$0x0], $0xffff;
	[tilespmem:s26+$0xFFFFFD10] =	vst v0;
	v0 =	vor.u32 v49, v6  }
0x49e: {  	v26 =	vor.u32 v20, v6;
	v24 =	vadd.f32 v24, v13  }
0x49f: {  	[tilespmem:s26+$0xFFFFFC90] =	vst v10;
	v22 =	vor.u32 v43, v6;
	v2 =	vadd.f32 v2, v7  }
0x4a0: {  	v55 =	vmov v51;
	v1 =	vld.idx.msk [tilespmem:v1+s0+$0x0], $0xffff;
	v25 =	vadd.f32 v25, v4;
	[tilespmem:s26+$0xFFFFFF90] =	vst v24  }
0x4a1: {  	v23 =	vor.u32 v55, v6;
	v27 =	vld.idx.msk [tilespmem:v28+s0+$0x0], $0xffff;
	[tilespmem:s26+$0xFFFFFF20] =	vst v2;
	v21 =	vadd.f32 v21, v8  }
0x4a2: {  	s30 =	simm.s32 $0x8;
	v10 =	vor.u32 v29, v6;
	[tilespmem:s26+$0xFFFFFEA0] =	vst v25;
	v25 =	vld.idx.msk [tilespmem:v0+s0+$0x0], $0xffff;
	v0 =	vadd.f32 v18, v3  }
0x4a3: {  	v24 =	vor.u32 v62, v6;
	v26 =	vld.idx.msk [tilespmem:v26+s0+$0x0], $0xffff;
	v18 =	vmov s30;
	[tilespmem:s26+$0xFFFFFE30] =	vst v21  }
0x4a4: {  	v2 =	vor.u32 v9, v6;
	v22 =	vld.idx.msk [tilespmem:v22+s0+$0x0], $0xffff;
	v18 =	vshrl.u32 v18, $0x3;
	[tilespmem:s26+$0xFFFFFDB0] =	vst v0  }
0x4a5: {  	v0 =	vshll.u32 v18, $0x3;
	v18 =	vor.u32 v12, v6;
	v12 =	vld [tilespmem:$0x1FCE0]  }
0x4a6: {  	v28 =	vor.u32 v56, v6;
	v23 =	vld.idx.msk [tilespmem:v23+s0+$0x0], $0xffff  }
0x4a7: {  	v29 =	vor.u32 v38, v6;
	v21 =	vadd.f32 v27, v5;
	v10 =	vld.idx.msk [tilespmem:v10+s0+$0x0], $0xffff  }
0x4a8: {  	v24 =	vld.idx.msk [tilespmem:v24+s0+$0x0], $0xffff;
	v26 =	vadd.f32 v26, v13  }
0x4a9: {  	[tilespmem:s26+$0xFFFFFD20] =	vst v21;
	v21 =	vld.idx.msk [tilespmem:v2+s17+$0x0], $0xffff;
	v22 =	vadd.f32 v22, v14  }
0x4aa: {  	v51 =	vmovc v61;
	v34 =	vmov v40;
	v0 =	vbroadcast v0, $0x0;
	v40 =	vld [tilespmem:$0x1FC60];
	[tilespmem:s26+$0xFFFFFFA0] =	vst v26;
	v27 =	vor.u32 v12, v6  }
0x4ab: {  	v61 =	vmov v31;
	v31 =	vld.idx.msk [tilespmem:v28+s0+$0x0], $0xffff;
	v28 =	vor.u32 v32, v6;
	v25 =	vadd.f32 v25, v7;
	[tilespmem:s26+$0xFFFFFCA0] =	vst v22  }
0x4ac: {  	v22 =	vor.u32 v57, v0;
	v26 =	vld.idx.msk [tilespmem:v29+s0+$0x0], $0xffff;
	[tilespmem:$0x1FA30] =	vst v19  }
0x4ad: {  	v2 =	vadd.f32 v23, v4;
	v23 =	vor.u32 v30, v0;
	[tilespmem:s26+$0xFFFFFF30] =	vst v25  }
0x4ae: {  	v32 =	vld.idx.msk [tilespmem:v18+s0+$0x0], $0xffff;
	[tilespmem:$0x1FA40] =	vst v41  }
0x4af: {  	[tilespmem:s26+$0xFFFFFEB0] =	vst v2;
	v27 =	vld.idx.msk [tilespmem:v27+s0+$0x0], $0xffff  }
0x4b0: {  	v47 =	vmov v33;
	v33 =	vld.idx.msk [tilespmem:v28+s0+$0x0], $0xffff  }
0x4b1: {  	v25 =	vld.idx.msk [tilespmem:v22+s0+$0x0], $0xffff;
	[tilespmem:$0x1FA50] =	vst v45  }
0x4b2: {  	v30 =	vadd.f32 v1, v21;
	v1 =	vld.idx.msk [tilespmem:v23+s0+$0x0], $0xffff  }
0x4b3: {  	v29 =	vor.u32 v0, v19  }
0x4b4: {  	v18 =	vor.u32 v0, v41  }
0x4b5: {  	v2 =	vor.u32 v58, v6;
	_ =	sdelay $0x1  }
0x4b6: {  	[tilespmem:$0x1FA90] =	vst v1  }
0x4b7: {  	v28 =	vor.u32 v11, v6;
	v23 =	vadd.f32 v10, v8;
	v1 =	vld.idx.msk [tilespmem:v29+s17+$0x0], $0xffff;
	[tilespmem:s26+$0xFFFFFC10] =	vst v30  }
0x4b8: {  	v22 =	vor.u32 v0, v45;
	v10 =	vld.idx.msk [tilespmem:v18+s17+$0x0], $0xffff;
	v18 =	vadd.f32 v26, v14;
	[tilespmem:$0x1FA60] =	vst v42  }
0x4b9: {  	[tilespmem:s26+$0xFFFFFE40] =	vst v23;
	v23 =	vld.idx.msk [tilespmem:v2+s0+$0x0], $0xffff  }
0x4ba: {  	v12 =	vld [tilespmem:$0x1FC00];
	[tilespmem:s26+$0xFFFFFCB0] =	vst v18  }
0x4bb: {  	v2 =	vld [tilespmem:$0x1FD30]  }
0x4bc: {  	v35 =	vor.u32 v35, v6;
	v26 =	vor.u32 v37, v0;
	v37 =	vld.idx.msk [tilespmem:v28+s0+$0x0], $0xffff  }
0x4bd: {  	v29 =	vor.u32 v36, v0;
	v18 =	vld.idx.msk [tilespmem:v22+s17+$0x0], $0xffff  }
0x4be: {  	v62 =	vld [tilespmem:$0x1FF60]  }
0x4bf: {  	v36 =	vor.u32 v0, v42;
	v19 =	vld [tilespmem:$0x1FC50]  }
0x4c0: {  	v20 =	vmov v55;
	[tilespmem:$0x1FA70] =	vst v9;
	v55 =	vld [tilespmem:$0x1FC90];
	v22 =	vor.u32 v2, v6  }
0x4c1: {  	v32 =	vadd.f32 v32, v13;
	v35 =	vld.idx.msk [tilespmem:v35+s0+$0x0], $0xffff;
	[tilespmem:$0x1FA80] =	vst v63  }
0x4c2: {  	v24 =	vadd.f32 v24, v3;
	v42 =	vld.idx.msk [tilespmem:v29+s0+$0x0], $0xffff  }
0x4c3: {  	[tilespmem:s26+$0xFFFFFFB0] =	vst v32;
	v26 =	vld.idx.msk [tilespmem:v26+s0+$0x0], $0xffff  }
0x4c4: {  	v30 =	vor.u32 v9, v0;
	v9 =	vor.u32 v48, v0;
	[tilespmem:s26+$0xFFFFFDC0] =	vst v24;
	v2 =	vld.idx.msk [tilespmem:v36+s17+$0x0], $0xffff  }
0x4c5: {  	v36 =	vadd.f32 v31, v5;
	v31 =	vor.u32 v46, v6;
	v46 =	vld.idx.msk [tilespmem:v22+s0+$0x0], $0xffff;
	v22 =	vadd.f32 v33, v4  }
0x4c6: {  	v32 =	vadd.f32 v23, v21;
	[tilespmem:$0x1FAA0] =	vst v9;
	v9 =	vld [tilespmem:$0x1FDA0]  }
0x4c7: {  	v17 =	vmov v56;
	v27 =	vadd.f32 v27, v7;
	[tilespmem:s26+$0xFFFFFEC0] =	vst v22  }
0x4c8: {  	v56 =	vmov v54;
	v54 =	vmov v17;
	v26 =	vadd.f32 v26, v18;
	v17 =	vld [tilespmem:$0x1FF40];
	[tilespmem:s26+$0xFFFFFC20] =	vst v32  }
0x4c9: {  	s7 =	simm.s32 $0xDBF0;
	v37 =	vadd.f32 v37, v8;
	[tilespmem:s26+$0xFFFFFF40] =	vst v27  }
0x4ca: {  	v39 =	vor.u32 v19, v6;
	[tilespmem:s7+$0xFFFFFE10] =	vst v26  }
0x4cb: {  	[tilespmem:s26+$0xFFFFFE50] =	vst v37;
	v48 =	vor.u32 v9, v0  }
0x4cc: {  	v9 =	vld [tilespmem:$0x1FDC0];
	_ =	sdelay $0x2  }
0x4cd: {  	v24 =	vor.u32 v59, v6;
	v33 =	vld.idx.msk [tilespmem:v39+s0+$0x0], $0xffff  }
0x4ce: {  	v39 =	vor.u32 v0, v52;
	v26 =	vld.idx.msk [tilespmem:v48+s0+$0x0], $0xffff  }
0x4cf: {  	v48 =	vor.u32 v9, v6;
	v9 =	vld [tilespmem:$0x1FE40]  }
0x4d0: {  	v49 =	vor.u32 v50, v0  }
0x4d1: {  	v35 =	vadd.f32 v35, v14  }
0x4d2: {  	v50 =	vor.u32 v51, v0;
	v51 =	vor.u32 v61, v0;
	v61 =	vld.idx.msk [tilespmem:v24+s0+$0x0], $0xffff;
	[tilespmem:s26+$0xFFFFFD30] =	vst v36  }
0x4d3: {  	v24 =	vld.idx.msk [tilespmem:v39+s17+$0x0], $0xffff;
	[tilespmem:s26+$0xFFFFFCC0] =	vst v35  }
0x4d4: {  	v39 =	vor.u32 v9, v6;
	v9 =	vld [tilespmem:$0x1FE20]  }
0x4d5: {  	v41 =	vld.idx.msk [tilespmem:v49+s0+$0x0], $0xffff  }
0x4d6: {  	v49 =	vor.u32 v53, v0;
	_ =	sdelay $0x2  }
0x4d7: {  	v36 =	vor.u32 v9, v6;
	v9 =	vld [tilespmem:$0x1FDF0]  }
0x4d8: {  	v41 =	vadd.f32 v41, v2  }
0x4d9: {  	v37 =	vld.idx.msk [tilespmem:v49+s0+$0x0], $0xffff;
	v33 =	vadd.f32 v33, v3;
	v53 =	vor.u32 v17, v6  }
0x4da: {  	[tilespmem:s7+$0xFFFFFE90] =	vst v41  }
0x4db: {  	v46 =	vadd.f32 v46, v13;
	[tilespmem:s26+$0xFFFFFDD0] =	vst v33  }
0x4dc: {  	v42 =	vadd.f32 v42, v10;
	v49 =	vor.u32 v9, v0;
	v9 =	vld [tilespmem:$0x1FD40]  }
0x4dd: {  	v61 =	vadd.f32 v61, v21;
	v17 =	vld [tilespmem:$0x1FC10];
	[tilespmem:s26+$0xFFFFFFC0] =	vst v46  }
0x4de: {  	v37 =	vadd.f32 v37, v18;
	v35 =	vld.idx.msk [tilespmem:v53+s0+$0x0], $0xffff;
	[tilespmem:s7+$0xFFFFFD90] =	vst v42  }
0x4df: {  	[tilespmem:s26+$0xFFFFFC30] =	vst v61  }
0x4e0: {  	v19 =	vor.u32 v0, v63;
	v63 =	vmov v43;
	v43 =	vor.u32 v0, v15;
	[tilespmem:s7+$0xFFFFFE20] =	vst v37  }
0x4e1: {  	v53 =	vor.u32 v9, v6;
	v9 =	vld [tilespmem:$0x1FF70];
	_ =	sdelay $0x1  }
0x4e2: {  	v35 =	vadd.f32 v35, v5;
	_ =	sdelay $0x1  }
0x4e3: {  	v23 =	vld.idx.msk [tilespmem:v43+s17+$0x0], $0xffff;
	[tilespmem:s26+$0xFFFFFD40] =	vst v35  }
0x4e4: {  	v61 =	vor.u32 v9, v6;
	v9 =	vld [tilespmem:$0x1FA90];
	_ =	sdelay $0x1  }
0x4e5: {  	v16 =	vor.u32 v60, v6  }
0x4e6: {  	v45 =	vor.u32 v63, v0;
	v63 =	vmov v52;
	v52 =	vld.idx.msk [tilespmem:v31+s0+$0x0], $0xffff  }
0x4e7: {  	v39 =	vld.idx.msk [tilespmem:v39+s0+$0x0], $0xffff  }
0x4e8: {  	v32 =	vor.u32 v54, v0;
	v54 =	vor.u32 v47, v0;
	v47 =	vadd.f32 v9, v23;
	v9 =	vld [tilespmem:$0x1FE00]  }
0x4e9: {  	v26 =	vadd.f32 v26, v24;
	v43 =	vld.idx.msk [tilespmem:v48+s0+$0x0], $0xffff  }
0x4ea: {  	v31 =	vor.u32 v38, v0;
	v38 =	vld.idx.msk [tilespmem:v16+s0+$0x0], $0xffff  }
0x4eb: {  	[tilespmem:s7+$0xFFFFFF10] =	vst v26  }
0x4ec: {  	v11 =	vmov v15;
	v15 =	vld [tilespmem:$0x1FCF0];
	[tilespmem:s7+$0xFFFFFC90] =	vst v47  }
0x4ed: {  	v39 =	vadd.f32 v39, v14;
	v35 =	vor.u32 v9, v6;
	v9 =	vld [tilespmem:$0x1FED0]  }
0x4ee: {  	v44 =	vor.u32 v44, v0;
	v43 =	vadd.f32 v43, v3  }
0x4ef: {  	v36 =	vld.idx.msk [tilespmem:v36+s0+$0x0], $0xffff;
	v38 =	vadd.f32 v38, v21;
	[tilespmem:s26+$0xFFFFFCD0] =	vst v39  }
0x4f0: {  	[tilespmem:s26+$0xFFFFFDE0] =	vst v43  }
0x4f1: {  	[tilespmem:s26+$0xFFFFFC40] =	vst v38  }
0x4f2: {  	v27 =	vor.u32 v34, v0;
	v34 =	vor.u32 v9, v6;
	v9 =	vld [tilespmem:$0x1FD50]  }
0x4f3: {  	v44 =	vld.idx.msk [tilespmem:v44+s0+$0x0], $0xffff  }
0x4f4: {  	v36 =	vadd.f32 v36, v8  }
0x4f5: {  	v42 =	vadd.f32 v52, v4;
	v52 =	vld.idx.msk [tilespmem:v53+s0+$0x0], $0xffff  }
0x4f6: {  	v53 =	vld.idx.msk [tilespmem:v54+s0+$0x0], $0xffff;
	[tilespmem:s26+$0xFFFFFE60] =	vst v36  }
0x4f7: {  	v38 =	vor.u32 v9, v6;
	v9 =	vld [tilespmem:$0x1FD90]  }
0x4f8: {  	v37 =	vld.idx.msk [tilespmem:v61+s0+$0x0], $0xffff;
	v61 =	vadd.f32 v44, v1;
	_ =	sdelay $0x1  }
0x4f9: {  	[tilespmem:s7+$0xFFFFFD10] =	vst v61  }
0x4fa: {  	[tilespmem:s26+$0xFFFFFED0] =	vst v42  }
0x4fb: {  	v36 =	vadd.f32 v53, v18;
	v53 =	vor.u32 v9, v0;
	v9 =	vld [tilespmem:$0x1FE30]  }
0x4fc: {  	v41 =	vld.idx.msk [tilespmem:v27+s0+$0x0], $0xffff  }
0x4fd: {  	v26 =	vld.idx.msk [tilespmem:v19+s17+$0x0], $0xffff;
	v44 =	vadd.f32 v52, v13;
	_ =	sdelay $0x1  }
0x4fe: {  	[tilespmem:s26+$0xFFFFFFD0] =	vst v44  }
0x4ff: {  	v61 =	vor.u32 v9, v0;
	v9 =	vld [tilespmem:$0x1FFE0];
	_ =	sdelay $0x1  }
0x500: {  	v46 =	vor.u32 v56, v0;
	v56 =	vadd.f32 v41, v26  }
0x501: {  	v50 =	vld.idx.msk [tilespmem:v50+s0+$0x0], $0xffff  }
0x502: {  	[tilespmem:s7+$0xFFFFFF90] =	vst v56  }
0x503: {  	v19 =	vmov v9;
	v44 =	vor.u32 v9, v6;
	v9 =	vld [tilespmem:$0x1FD70]  }
0x504: {  	v37 =	vadd.f32 v37, v5;
	_ =	sdelay $0x1  }
0x505: {  	v43 =	vadd.f32 v50, v10;
	v50 =	vld.idx.msk [tilespmem:v34+s0+$0x0], $0xffff;
	[tilespmem:s26+$0xFFFFFD50] =	vst v37  }
0x506: {  	v16 =	vld [tilespmem:$0x1FD00];
	[tilespmem:s7+$0xFFFFFE30] =	vst v36  }
0x507: {  	v34 =	vor.u32 v9, v6;
	v9 =	vld [tilespmem:$0x1FD20];
	_ =	sdelay $0x3  }
0x508: {  	[tilespmem:s7+$0xFFFFFDA0] =	vst v43  }
0x509: {  	v36 =	vor.u32 v9, v6;
	v9 =	vld [tilespmem:$0x1FD10];
	_ =	sdelay $0x4  }
0x50a: {  	v42 =	vor.u32 v9, v6;
	v9 =	vld [tilespmem:$0x1FAA0]  }
0x50b: {  	v54 =	vor.u32 v15, v6  }
0x50c: {  	v51 =	vld.idx.msk [tilespmem:v51+s0+$0x0], $0xffff;
	v39 =	vor.u32 v62, v6  }
0x50d: {  	v49 =	vld.idx.msk [tilespmem:v49+s0+$0x0], $0xffff  }
0x50e: {  	v45 =	vld.idx.msk [tilespmem:v45+s0+$0x0], $0xffff  }
0x50f: {  	v40 =	vor.u32 v40, v6;
	v52 =	vld.idx.msk [tilespmem:v35+s0+$0x0], $0xffff  }
0x510: {  	v54 =	vld.idx.msk [tilespmem:v54+s0+$0x0], $0xffff  }
0x511: {  	v39 =	vld.idx.msk [tilespmem:v39+s0+$0x0], $0xffff  }
0x512: {  	v43 =	vld.idx.msk [tilespmem:v9+s0+$0x0], $0xffff  }
0x513: {  	v9 =	vld.idx.msk [tilespmem:v44+s0+$0x0], $0xffff  }
0x514: {  	v40 =	vld.idx.msk [tilespmem:v40+s0+$0x0], $0xffff  }
0x515: {  	v54 =	vadd.f32 v54, v7;
	v38 =	vld.idx.msk [tilespmem:v38+s0+$0x0], $0xffff  }
0x516: {  	v53 =	vld.idx.msk [tilespmem:v53+s0+$0x0], $0xffff  }
0x517: {  	v51 =	vadd.f32 v51, v2;
	v47 =	vld.idx.msk [tilespmem:v61+s0+$0x0], $0xffff;
	[tilespmem:s26+$0xFFFFFF50] =	vst v54  }
0x518: {  	v48 =	vor.u32 v20, v0;
	v20 =	vld [tilespmem:$0x1FFD0];
	[tilespmem:$0x1FAB0] =	vst v9  }
0x519: {  	[tilespmem:s7+$0xFFFFFEA0] =	vst v51  }
0x51a: {  	v9 =	vld [tilespmem:$0x1FDE0];
	_ =	sdelay $0x1  }
0x51b: {  	v39 =	vadd.f32 v39, v21  }
0x51c: {  	v61 =	vor.u32 v20, v6  }
0x51d: {  	v56 =	vld.idx.msk [tilespmem:v46+s0+$0x0], $0xffff;
	[tilespmem:s26+$0xFFFFFC50] =	vst v39  }
0x51e: {  	v51 =	vor.u32 v9, v6;
	v9 =	vld [tilespmem:$0x1FD80]  }
0x51f: {  	v52 =	vadd.f32 v52, v3;
	v44 =	vadd.f32 v40, v8;
	v40 =	vld.idx.msk [tilespmem:v48+s0+$0x0], $0xffff  }
0x520: {  	v49 =	vadd.f32 v49, v24;
	v54 =	vld [tilespmem:$0x1FF80]  }
0x521: {  	v50 =	vadd.f32 v50, v14;
	v41 =	vld.idx.msk [tilespmem:v61+s0+$0x0], $0xffff;
	[tilespmem:s26+$0xFFFFFDF0] =	vst v52  }
0x522: {  	v35 =	vor.u32 v17, v6;
	v53 =	vadd.f32 v53, v26;
	v17 =	vld [tilespmem:$0x1FFF0];
	[tilespmem:s7+$0xFFFFFF20] =	vst v49  }
0x523: {  	v37 =	vor.u32 v16, v6;
	v39 =	vor.u32 v9, v0;
	v9 =	vmov v62;
	v62 =	vld [tilespmem:$0x1FFC0];
	[tilespmem:s26+$0xFFFFFCE0] =	vst v50  }
0x524: {  	v48 =	vadd.f32 v38, v13;
	v61 =	vld [tilespmem:$0x1FD60];
	[tilespmem:s7+$0xFFFFFFA0] =	vst v53  }
0x525: {  	v46 =	vld [tilespmem:$0x1FFB0]  }
0x526: {  	v38 =	vadd.f32 v47, v18;
	v47 =	vld [tilespmem:$0x1FAB0];
	[tilespmem:s26+$0xFFFFFFE0] =	vst v48  }
0x527: {  	v52 =	vor.u32 v17, v6;
	v53 =	vld [tilespmem:$0x1FC70]  }
0x528: {  	v29 =	vor.u32 v58, v0;
	v33 =	vor.u32 v55, v6;
	v55 =	vld.idx.msk [tilespmem:v37+s0+$0x0], $0xffff;
	v49 =	vor.u32 v62, v6  }
0x529: {  	v28 =	vor.u32 v12, v6;
	v22 =	vor.u32 v12, v0;
	v27 =	vor.u32 v60, v0  }
0x52a: {  	v43 =	vadd.f32 v43, v1;
	v37 =	vld.idx.msk [tilespmem:v51+s0+$0x0], $0xffff;
	v12 =	vmovc v17;
	v17 =	vmov v62;
	v62 =	vmov v46  }
0x52b: {  	v51 =	vor.u32 v46, v6;
	v46 =	vadd.f32 v45, v23;
	v45 =	vld.idx.msk [tilespmem:v39+s0+$0x0], $0xffff;
	v39 =	vadd.f32 v47, v5  }
0x52c: {  	v50 =	vor.u32 v61, v6;
	v47 =	vld.idx.msk [tilespmem:v52+s0+$0x0], $0xffff;
	v52 =	vadd.f32 v56, v10;
	v48 =	vor.u32 v53, v6  }
0x52d: {  	s2 =	simm.s32 $0xDBF0;
	v53 =	vadd.f32 v55, v7;
	[tilespmem:s26+$0xFFFFFD60] =	vst v39;
	v39 =	vor.u32 v54, v0;
	v49 =	vld.idx.msk [tilespmem:v49+s0+$0x0], $0xffff  }
.LBB2_14:
0x52e: {  	v54 =	vld [tilespmem:$0x1FC40]  }
0x52f: {  	v55 =	vld [tilespmem:$0x1FC80]  }
0x530: {  	v56 =	vld [tilespmem:$0x1FC30]  }
0x531: {  	[tilespmem:s7+$0xFFFFFDB0] =	vst v52;
	v52 =	vadd.f32 v41, v21;
	v41 =	vadd.f32 v37, v3;
	v3 =	vld [tilespmem:$0x1FE80];
	_ =	sdelay $0x3  }
0x532: {  	v54 =	vor.u32 v54, v6;
	v55 =	vor.u32 v55, v6;
	v56 =	vor.u32 v56, v6;
	v6 =	vmovc v0  }
0x533: {  	[tilespmem:s26+$0xFFFFFE70] =	vst v44;
	v44 =	vor.u32 v3, v6;
	v3 =	vld [tilespmem:$0x1FCE0];
	_ =	sdelay $0x2  }
0x534: {  	v50 =	vld.idx.msk [tilespmem:v50+s0+$0x0], $0xffff  }
0x535: {  	v51 =	vld.idx.msk [tilespmem:v51+s0+$0x0], $0xffff;
	[tilespmem:s26+$0xFFFFFF60] =	vst v53  }
0x536: {  	[tilespmem:s7+$0xFFFFFCA0] =	vst v46;
	v46 =	vor.u32 v3, v6;
	v3 =	vld [tilespmem:$0x1FDB0]  }
0x537: {  	v42 =	vld.idx.msk [tilespmem:v42+s0+$0x0], $0xffff  }
0x538: {  	v48 =	vld.idx.msk [tilespmem:v48+s0+$0x0], $0xffff;
	[tilespmem:s26+$0xFFFFFC60] =	vst v52  }
0x539: {  	s30 =	sadd.s32 $0x8, s30;
	v52 =	vld.idx.msk [tilespmem:v28+s0+$0x0], $0xffff  }
0x53a: {  	v53 =	vmov s30;
	v28 =	vadd.f32 v49, v14;
	v49 =	vld [tilespmem:$0x1FA80]  }
0x53b: {  	v45 =	vadd.f32 v45, v24;
	[tilespmem:s7+$0xFFFFFD20] =	vst v43;
	v0 =	vshrl.u32 v53, $0x3;
	v43 =	vor.u32 v3, v6;
	v3 =	vmovc v10;
	v10 =	vld [tilespmem:$0x1FA70]  }
0x53c: {  	v39 =	vld.idx.msk [tilespmem:v39+s0+$0x0], $0xffff;
	v47 =	vadd.f32 v47, v4;
	v0 =	vshll.u32 v0, $0x3  }
0x53d: {  	v32 =	vld.idx.msk [tilespmem:v32+s0+$0x0], $0xffff;
	[tilespmem:s7+$0xFFFFFF30] =	vst v45;
	v0 =	vbroadcast v0, $0x0  }
0x53e: {  	v45 =	vld [tilespmem:$0x1FA50];
	[tilespmem:s26+$0xFFFFFEE0] =	vst v47  }
0x53f: {  	v47 =	vadd.f32 v48, v8;
	v8 =	vmov v18;
	v18 =	vld [tilespmem:$0x1FA30];
	[tilespmem:s26+$0xFFFFFCF0] =	vst v28;
	v37 =	vor.u32 v0, v49  }
0x540: {  	v49 =	vadd.f32 v50, v13;
	v50 =	vor.u32 v57, v0;
	v57 =	vld.idx.msk [tilespmem:v30+s17+$0x0], $0xffff;
	v10 =	vor.u32 v10, v0  }
0x541: {  	v42 =	vadd.f32 v42, v7;
	v30 =	vmov v10;
	v10 =	vld.idx.msk [tilespmem:v56+s0+$0x0], $0xffff  }
0x542: {  	v51 =	vadd.f32 v51, v5;
	v56 =	vld [tilespmem:$0x1FEB0]  }
0x543: {  	[tilespmem:s26+$0xFFFFFF70] =	vst v42;
	v42 =	vld [tilespmem:$0x1FE90]  }
0x544: {  	[tilespmem:s26+$0xFFFFFD70] =	vst v51;
	v48 =	vld.idx.msk [tilespmem:v55+s0+$0x0], $0xffff  }
0x545: {  	v54 =	vld.idx.msk [tilespmem:v54+s0+$0x0], $0xffff  }
0x546: {  	v55 =	vld [tilespmem:$0x1FEF0]  }
0x547: {  	v53 =	vadd.f32 v40, v2;
	v51 =	vor.u32 v56, v6;
	v56 =	vld [tilespmem:$0x1FA40]  }
0x548: {  	[tilespmem:s26+$0xFFFFFE80] =	vst v47;
	v31 =	vld.idx.msk [tilespmem:v31+s0+$0x0], $0xffff  }
0x549: {  	[tilespmem:s7+$0xFFFFFEB0] =	vst v53;
	v53 =	vld [tilespmem:$0x1FA60];
	v52 =	vadd.f32 v52, v21  }
0x54a: {  	v28 =	vmov v22;
	v22 =	vld [tilespmem:$0x1FE70];
	[tilespmem:s26+$0xFFFFFFF0] =	vst v49;
	v10 =	vadd.f32 v10, v14  }
0x54b: {  	[tilespmem:s26+$0xFFFFFC70] =	vst v52;
	v52 =	vld.idx.msk [tilespmem:v34+s0+$0x0], $0xffff  }
0x54c: {  	v43 =	vld.idx.msk [tilespmem:v43+s0+$0x0], $0xffff;
	[tilespmem:s26+$0xFFFFFD00] =	vst v10;
	v10 =	vadd.f32 v54, v5;
	v47 =	vor.u32 v0, v56  }
0x54d: {  	v5 =	vmovc v1;
	v56 =	vor.u32 v42, v0;
	v42 =	vadd.f32 v32, v1;
	v1 =	vadd.f32 v25, v57;
	v25 =	vld [tilespmem:$0x1FEC0]  }
0x54e: {  	v14 =	vmov v23;
	v23 =	vld [tilespmem:$0x1FEA0]  }
0x54f: {  	[tilespmem:s26+$0xFFFFFD80] =	vst v10;
	v10 =	vld [tilespmem:$0x1FC20]  }
0x550: {  	v22 =	vor.u32 v22, v0;
	v32 =	vld.idx.msk [tilespmem:v36+s0+$0x0], $0xffff  }
0x551: {  	v36 =	vor.u32 v0, v45;
	v45 =	vld.idx.msk [tilespmem:v46+s0+$0x0], $0xffff  }
0x552: {  	v54 =	vor.u32 v25, v0;
	v25 =	vld [tilespmem:$0x1FE60]  }
0x553: {  	v46 =	vld.idx.msk [tilespmem:v35+s0+$0x0], $0xffff;
	v35 =	vadd.f32 v48, v4  }
0x554: {  	v51 =	vld.idx.msk [tilespmem:v51+s0+$0x0], $0xffff  }
0x555: {  	[tilespmem:s26+$0xFFFFFEF0] =	vst v35;
	v35 =	vld.idx.msk [tilespmem:v22+s0+$0x0], $0xffff  }
0x556: {  	v22 =	vld [tilespmem:$0x1FDA0]  }
0x557: {  	v48 =	vor.u32 v0, v53;
	v53 =	vor.u32 v58, v0;
	v58 =	vor.u32 v25, v6;
	v25 =	vld.idx.msk [tilespmem:v50+s0+$0x0], $0xffff  }
0x558: {  	v18 =	vor.u32 v0, v18;
	v34 =	vor.u32 v10, v0;
	v10 =	vadd.f32 v32, v7;
	[tilespmem:s2+$0xFFFFFC10] =	vst v1;
	v1 =	vld [tilespmem:$0x1FF10]  }
0x559: {  	v33 =	vld.idx.msk [tilespmem:v33+s0+$0x0], $0xffff  }
0x55a: {  	[tilespmem:s26+$0xFFFFFF80] =	vst v10;
	v10 =	vld.idx.msk [tilespmem:v47+s17+$0x0], $0xffff  }
0x55b: {  	[tilespmem:s2+$0xFFFFFE40] =	vst v38;
	v38 =	vld.idx.msk [tilespmem:v29+s0+$0x0], $0xffff  }
0x55c: {  	v29 =	vmov v53;
	v53 =	vld [tilespmem:$0x1FDF0]  }
0x55d: {  	v49 =	vor.u32 v55, v0;
	v55 =	vadd.f32 v39, v3;
	v39 =	vor.u32 v1, v0;
	v1 =	vld.idx.msk [tilespmem:v18+s17+$0x0], $0xffff  }
0x55e: {  	v18 =	vadd.f32 v31, v14;
	v31 =	vadd.f32 v46, v21;
	v21 =	vld [tilespmem:$0x1FC00]  }
0x55f: {  	v58 =	vld.idx.msk [tilespmem:v58+s0+$0x0], $0xffff  }
0x560: {  	v46 =	vadd.f32 v51, v2;
	v51 =	vor.u32 v59, v6;
	v59 =	vld [tilespmem:$0x1FDD0]  }
0x561: {  	v13 =	vadd.f32 v52, v13;
	v23 =	vor.u32 v23, v0;
	[tilespmem:s2+$0xFFFFFCB0] =	vst v18;
	v18 =	vld [tilespmem:$0x1FF00]  }
0x562: {  	[tilespmem:s26+$0xFFFFFC80] =	vst v31;
	v31 =	vadd.f32 v33, v4;
	v4 =	vld [tilespmem:$0x1FC50]  }
0x563: {  	[tilespmem:s26+$0x0] =	vst v13;
	v44 =	vld.idx.msk [tilespmem:v44+s0+$0x0], $0xffff  }
0x564: {  	v47 =	vor.u32 v22, v0;
	[tilespmem:s26+$0xFFFFFF00] =	vst v31;
	v31 =	vld [tilespmem:$0x1FFA0]  }
0x565: {  	v13 =	vmovc v26;
	v22 =	vor.u32 v21, v0;
	v21 =	vmov v57;
	v57 =	vadd.f32 v43, v26;
	v26 =	vld.idx.msk [tilespmem:v56+s0+$0x0], $0xffff  }
0x566: {  	[tilespmem:s26+$0xFFFFFE00] =	vst v41;
	v41 =	vld.idx.msk [tilespmem:v23+s0+$0x0], $0xffff  }
0x567: {  	v33 =	vor.u32 v4, v6;
	v4 =	vld [tilespmem:$0x1FD30]  }
0x568: {  	v23 =	vld [tilespmem:$0x1FEE0]  }
0x569: {  	s26 =	smov.u32 s2;
	v56 =	vld [tilespmem:$0x1FF40]  }
0x56a: {  	v58 =	vadd.f32 v58, v8;
	[tilespmem:s26+$0xFFFFFDC0] =	vst v55;
	v55 =	vld [tilespmem:$0x1FE10]  }
0x56b: {  	v38 =	vadd.f32 v38, v21;
	v50 =	vor.u32 v18, v0;
	v18 =	vld.idx.msk [tilespmem:v36+s17+$0x0], $0xffff  }
0x56c: {  	[tilespmem:s26+$0xFFFFFE50] =	vst v58;
	v36 =	vor.u32 v4, v6;
	v4 =	vmov v2;
	v2 =	vld [tilespmem:$0x1FF30]  }
0x56d: {  	v58 =	vld [tilespmem:$0x1FE50];
	[tilespmem:s26+$0xFFFFFC20] =	vst v38  }
0x56e: {  	v51 =	vld.idx.msk [tilespmem:v51+s0+$0x0], $0xffff  }
0x56f: {  	v7 =	vmov v24;
	[tilespmem:s26+$0xFFFFFFB0] =	vst v57;
	v57 =	vld [tilespmem:$0x1FF90]  }
0x570: {  	v24 =	vadd.f32 v45, v7;
	v32 =	vor.u32 v31, v0;
	v31 =	vld [tilespmem:$0x1FF50]  }
0x571: {  	v41 =	vadd.f32 v41, v18;
	v52 =	vor.u32 v2, v0;
	v2 =	vld [tilespmem:$0x1FF20]  }
0x572: {  	s7 =	sadd.s32 $0x400, s7;
	[tilespmem:s26+$0xFFFFFF40] =	vst v24;
	v33 =	vld.idx.msk [tilespmem:v33+s0+$0x0], $0xffff  }
0x573: {  	v38 =	vor.u32 v58, v0;
	[tilespmem:s7+$0xFFFFFE10] =	vst v41;
	v41 =	vld.idx.msk [tilespmem:v47+s0+$0x0], $0xffff;
	v58 =	vadd.f32 v51, v21  }
0x574: {  	v44 =	vadd.f32 v44, v14;
	v23 =	vor.u32 v23, v6;
	v47 =	vld.idx.msk [tilespmem:v50+s0+$0x0], $0xffff  }
0x575: {  	v40 =	vor.u32 v0, v11;
	[tilespmem:s26+$0xFFFFFC30] =	vst v58;
	v58 =	vld [tilespmem:$0x1FF70]  }
0x576: {  	[tilespmem:s26+$0xFFFFFCC0] =	vst v44;
	v44 =	vor.u32 v56, v6;
	v43 =	vor.u32 v2, v0;
	v2 =	vld.idx.msk [tilespmem:v48+s17+$0x0], $0xffff  }
0x577: {  	[tilespmem:s26+$0xFFFFFEC0] =	vst v46;
	v48 =	vld.idx.msk [tilespmem:v49+s0+$0x0], $0xffff  }
0x578: {  	v24 =	vld.idx.msk [tilespmem:v54+s0+$0x0], $0xffff  }
0x579: {  	v26 =	vadd.f32 v26, v10;
	v54 =	vld.idx.msk [tilespmem:v23+s0+$0x0], $0xffff  }
0x57a: {  	[tilespmem:s26+$0xFFFFFD30] =	vst v42;
	v23 =	vld.idx.msk [tilespmem:v40+s17+$0x0], $0xffff  }
0x57b: {  	[tilespmem:s7+$0xFFFFFD90] =	vst v26;
	v26 =	vld.idx.msk [tilespmem:v44+s0+$0x0], $0xffff  }
0x57c: {  	v40 =	vor.u32 v57, v0;
	v57 =	vld [tilespmem:$0x1FE20]  }
0x57d: {  	v36 =	vld.idx.msk [tilespmem:v36+s0+$0x0], $0xffff  }
0x57e: {  	v45 =	vor.u32 v0, v63;
	v49 =	vor.u32 v55, v0;
	v55 =	vor.u32 v59, v0;
	v59 =	vld [tilespmem:$0x1FD40]  }
0x57f: {  	v46 =	vor.u32 v53, v0;
	v53 =	vor.u32 v60, v0;
	v60 =	vadd.f32 v24, v2;
	v24 =	vld [tilespmem:$0x1FDC0]  }
0x580: {  	v50 =	vld.idx.msk [tilespmem:v27+s0+$0x0], $0xffff;
	v26 =	vadd.f32 v26, v5  }
0x581: {  	v27 =	vld [tilespmem:$0x1FC90];
	v42 =	vor.u32 v57, v6;
	[tilespmem:s7+$0xFFFFFE90] =	vst v60  }
0x582: {  	[tilespmem:s26+$0xFFFFFD40] =	vst v26;
	v26 =	vld [tilespmem:$0x1FE00]  }
0x583: {  	v43 =	vld.idx.msk [tilespmem:v43+s0+$0x0], $0xffff  }
0x584: {  	v60 =	vor.u32 v59, v6;
	v56 =	vor.u32 v24, v6;
	v24 =	vld.idx.msk [tilespmem:v45+s17+$0x0], $0xffff  }
0x585: {  	v47 =	vadd.f32 v47, v18;
	v45 =	vld [tilespmem:$0x1FE40]  }
0x586: {  	v36 =	vadd.f32 v36, v13;
	v42 =	vld.idx.msk [tilespmem:v42+s0+$0x0], $0xffff  }
0x587: {  	[tilespmem:s7+$0xFFFFFE20] =	vst v47;
	v47 =	vor.u32 v58, v6;
	v58 =	vld [tilespmem:$0x1FC60]  }
0x588: {  	v33 =	vadd.f32 v33, v3;
	[tilespmem:s26+$0xFFFFFFC0] =	vst v36;
	v49 =	vld.idx.msk [tilespmem:v49+s0+$0x0], $0xffff  }
0x589: {  	v51 =	vld.idx.msk [tilespmem:v60+s0+$0x0], $0xffff  }
0x58a: {  	[tilespmem:s26+$0xFFFFFDD0] =	vst v33;
	v33 =	vor.u32 v27, v6;
	v60 =	vld [tilespmem:$0x1FD50]  }
0x58b: {  	v27 =	vmov v53;
	v53 =	vor.u32 v26, v6;
	v26 =	vadd.f32 v35, v23;
	v35 =	vld.idx.msk [tilespmem:v52+s0+$0x0], $0xffff  }
0x58c: {  	v36 =	vor.u32 v45, v6;
	v45 =	vld.idx.msk [tilespmem:v55+s0+$0x0], $0xffff  }
0x58d: {  	v52 =	vor.u32 v15, v6;
	v57 =	vld.idx.msk [tilespmem:v56+s0+$0x0], $0xffff;
	v41 =	vadd.f32 v41, v24  }
0x58e: {  	v42 =	vadd.f32 v42, v8;
	v56 =	vld [tilespmem:$0x1FD70]  }
0x58f: {  	v44 =	vadd.f32 v54, v4;
	[tilespmem:s7+$0xFFFFFF10] =	vst v41;
	v54 =	vor.u32 v60, v6;
	v60 =	vld [tilespmem:$0x1FD90]  }
0x590: {  	[tilespmem:s26+$0xFFFFFE60] =	vst v42;
	v42 =	vld [tilespmem:$0x1FC10]  }
0x591: {  	v41 =	vor.u32 v58, v6;
	v46 =	vld.idx.msk [tilespmem:v46+s0+$0x0], $0xffff  }
0x592: {  	v52 =	vld.idx.msk [tilespmem:v52+s0+$0x0], $0xffff  }
0x593: {  	v36 =	vld.idx.msk [tilespmem:v36+s0+$0x0], $0xffff  }
0x594: {  	v50 =	vadd.f32 v50, v21;
	v59 =	vadd.f32 v57, v3;
	v57 =	vld [tilespmem:$0x1FED0]  }
0x595: {  	[tilespmem:s7+$0xFFFFFC90] =	vst v26;
	v26 =	vld.idx.msk [tilespmem:v37+s17+$0x0], $0xffff  }
0x596: {  	[tilespmem:s26+$0xFFFFFC40] =	vst v50;
	v55 =	vor.u32 v9, v6;
	v41 =	vld.idx.msk [tilespmem:v41+s0+$0x0], $0xffff  }
0x597: {  	v50 =	vadd.f32 v35, v10;
	[tilespmem:s26+$0xFFFFFDE0] =	vst v59;
	v59 =	vadd.f32 v48, v1;
	v35 =	vor.u32 v42, v6;
	v42 =	vld [tilespmem:$0x1FD20]  }
0x598: {  	v48 =	vadd.f32 v49, v18;
	v49 =	vld.idx.msk [tilespmem:v53+s0+$0x0], $0xffff;
	v36 =	vadd.f32 v36, v14  }
0x599: {  	v51 =	vadd.f32 v51, v13;
	v53 =	vor.u32 v60, v0;
	v37 =	vor.u32 v57, v6;
	v57 =	vld [tilespmem:$0x1FE30]  }
0x59a: {  	v58 =	vadd.f32 v45, v26;
	[tilespmem:s26+$0xFFFFFCD0] =	vst v36;
	v36 =	vld.idx.msk [tilespmem:v47+s0+$0x0], $0xffff  }
0x59b: {  	[tilespmem:s26+$0xFFFFFFD0] =	vst v51;
	v45 =	vld.idx.msk [tilespmem:v55+s0+$0x0], $0xffff  }
0x59c: {  	[tilespmem:s7+$0xFFFFFF90] =	vst v58;
	v47 =	vld.idx.msk [tilespmem:v34+s0+$0x0], $0xffff  }
0x59d: {  	v60 =	vor.u32 v19, v6;
	v54 =	vld.idx.msk [tilespmem:v54+s0+$0x0], $0xffff  }
0x59e: {  	[tilespmem:s7+$0xFFFFFD10] =	vst v59;
	v53 =	vld.idx.msk [tilespmem:v53+s0+$0x0], $0xffff  }
0x59f: {  	v34 =	vor.u32 v56, v6;
	v37 =	vld.idx.msk [tilespmem:v37+s0+$0x0], $0xffff;
	v56 =	vor.u32 v57, v0;
	v59 =	vadd.f32 v36, v5  }
0x5a0: {  	[tilespmem:s26+$0xFFFFFED0] =	vst v44;
	v51 =	vor.u32 v16, v6;
	v57 =	vld [tilespmem:$0x1FD10]  }
0x5a1: {  	[tilespmem:s26+$0xFFFFFD50] =	vst v59;
	v59 =	vld [tilespmem:$0x1FDE0]  }
0x5a2: {  	[tilespmem:s7+$0xFFFFFDA0] =	vst v50;
	v58 =	vadd.f32 v52, v7;
	v52 =	vld.idx.msk [tilespmem:v60+s0+$0x0], $0xffff  }
0x5a3: {  	[tilespmem:s7+$0xFFFFFE30] =	vst v48;
	v60 =	vld [tilespmem:$0x1FD80]  }
0x5a4: {  	v50 =	vor.u32 v20, v6;
	[tilespmem:s26+$0xFFFFFF50] =	vst v58;
	v53 =	vadd.f32 v53, v26;
	v48 =	vld.idx.msk [tilespmem:v56+s0+$0x0], $0xffff  }
0x5a5: {  	v43 =	vadd.f32 v43, v2;
	v36 =	vor.u32 v42, v6;
	v42 =	vor.u32 v57, v6;
	v57 =	vld.idx.msk [tilespmem:v51+s0+$0x0], $0xffff  }
0x5a6: {  	v45 =	vadd.f32 v45, v21;
	[tilespmem:s7+$0xFFFFFFA0] =	vst v53;
	v53 =	vld [tilespmem:$0x1FC70]  }
0x5a7: {  	[tilespmem:s7+$0xFFFFFEA0] =	vst v43;
	v58 =	vld.idx.msk [tilespmem:v40+s0+$0x0], $0xffff;
	v55 =	vor.u32 v59, v6  }
0x5a8: {  	v49 =	vadd.f32 v49, v3;
	v40 =	vld.idx.msk [tilespmem:v38+s0+$0x0], $0xffff;
	[tilespmem:s26+$0xFFFFFC50] =	vst v45;
	v56 =	vor.u32 v60, v0  }
0x5a9: {  	v46 =	vadd.f32 v46, v24;
	v44 =	vadd.f32 v41, v8;
	v41 =	vld.idx.msk [tilespmem:v50+s0+$0x0], $0xffff  }
0x5aa: {  	[tilespmem:s26+$0xFFFFFDF0] =	vst v49;
	v39 =	vld.idx.msk [tilespmem:v39+s0+$0x0], $0xffff;
	v37 =	vadd.f32 v37, v14;
	v59 =	vor.u32 v12, v6  }
0x5ab: {  	[tilespmem:s7+$0xFFFFFF20] =	vst v46;
	v38 =	vadd.f32 v48, v18;
	v48 =	vor.u32 v53, v6;
	v53 =	vadd.f32 v57, v7;
	v57 =	vld [tilespmem:$0x1FCA0]  }
0x5ac: {  	[tilespmem:s26+$0xFFFFFCE0] =	vst v37;
	v37 =	vld.idx.msk [tilespmem:v55+s0+$0x0], $0xffff  }
0x5ad: {  	v60 =	vor.u32 v17, v6;
	v45 =	vld.idx.msk [tilespmem:v56+s0+$0x0], $0xffff  }
0x5ae: {  	p2 =	slt.u32 s30, $0x38;
	v56 =	vld [tilespmem:$0x1FF80]  }
.Ltmp11:
0x5af: {  	v46 =	vadd.f32 v47, v23;
	v47 =	vld.idx.msk [tilespmem:v59+s0+$0x0], $0xffff;
	(pc) =	sbr.rel @p2 .LBB2_14-.Ltmp11, $4  }
0x5b0: {  	v54 =	vadd.f32 v54, v13;
	v59 =	vld [tilespmem:$0x1FCC0]  }
0x5b1: {  	v55 =	vadd.f32 v52, v5;
	v52 =	vadd.f32 v58, v10;
	v58 =	vld [tilespmem:$0x1FCB0]  }
0x5b2: {  	v31 =	vor.u32 v31, v0;
	v50 =	vor.u32 v61, v6;
	[tilespmem:s26+$0xFFFFFFE0] =	vst v54;
	v49 =	vld.idx.msk [tilespmem:v60+s0+$0x0], $0xffff  }
0x5b3: {  	s2 =	smov.u32 s7;
	v51 =	vor.u32 v62, v6;
	v43 =	vadd.f32 v39, v1;
	v60 =	vld [tilespmem:$0x1FCD0];
	[tilespmem:s26+$0xFFFFFD60] =	vst v55;
	v39 =	vor.u32 v56, v0  }
0x5b4: {  	_ =	sdelay $0x1  }
0x5b5: {  	[tilespmem:s26+$0xFFFFFF60] =	vst v53  }
0x5b6: {  	[tilespmem:s7+$0xFFFFFDB0] =	vst v52  }
0x5b7: {  	v41 =	vadd.f32 v41, v21;
	v51 =	vld.idx.msk [tilespmem:v51+s0+$0x0], $0xffff;
	[tilespmem:s26+$0xFFFFFE70] =	vst v44  }
0x5b8: {  	v30 =	vld.idx.msk [tilespmem:v30+s17+$0x0], $0xffff;
	[tilespmem:s7+$0xFFFFFCA0] =	vst v46  }
0x5b9: {  	v50 =	vld.idx.msk [tilespmem:v50+s0+$0x0], $0xffff;
	[tilespmem:s26+$0xFFFFFC60] =	vst v41;
	v49 =	vadd.f32 v49, v14  }
0x5ba: {  	v47 =	vadd.f32 v47, v4;
	v52 =	vld [tilespmem:$0x1FC30];
	[tilespmem:s7+$0xFFFFFD20] =	vst v43  }
0x5bb: {  	v46 =	vld.idx.msk [tilespmem:v48+s0+$0x0], $0xffff;
	[tilespmem:s26+$0xFFFFFCF0] =	vst v49  }
0x5bc: {  	v49 =	vld [tilespmem:$0x1FC80];
	[tilespmem:s26+$0xFFFFFEE0] =	vst v47  }
0x5bd: {  	v48 =	vld [tilespmem:$0x1FC40];
	_ =	sdelay $0x1  }
0x5be: {  	v53 =	vld.idx.msk [tilespmem:v42+s0+$0x0], $0xffff;
	v44 =	vor.u32 v52, v6  }
0x5bf: {  	v55 =	vadd.f32 v51, v5  }
0x5c0: {  	v63 =	vld.idx.msk [tilespmem:v28+s0+$0x0], $0xffff;
	v25 =	vadd.f32 v25, v30;
	v54 =	vor.u32 v49, v6  }
0x5c1: {  	v28 =	vadd.f32 v50, v13;
	[tilespmem:s26+$0xFFFFFD70] =	vst v55;
	v56 =	vor.u32 v48, v6  }
0x5c2: {  	v8 =	vadd.f32 v46, v8;
	[tilespmem:s2+$0xFFFFFC10] =	vst v25  }
0x5c3: {  	v46 =	vadd.f32 v53, v7;
	[tilespmem:s26+$0xFFFFFFF0] =	vst v28;
	v25 =	vld.idx.msk [tilespmem:v44+s0+$0x0], $0xffff  }
0x5c4: {  	v28 =	vld.idx.msk [tilespmem:v29+s0+$0x0], $0xffff;
	[tilespmem:s26+$0xFFFFFE80] =	vst v8;
	v8 =	vadd.f32 v45, v24  }
0x5c5: {  	[tilespmem:s26+$0xFFFFFF70] =	vst v46;
	v47 =	vadd.f32 v63, v21;
	v29 =	vld.idx.msk [tilespmem:v54+s0+$0x0], $0xffff  }
0x5c6: {  	[tilespmem:s7+$0xFFFFFF30] =	vst v8;
	v6 =	vld.idx.msk [tilespmem:v56+s0+$0x0], $0xffff  }
0x5c7: {  	v40 =	vadd.f32 v40, v2;
	v31 =	vld.idx.msk [tilespmem:v31+s0+$0x0], $0xffff;
	v8 =	vor.u32 v59, v0;
	[tilespmem:s26+$0xFFFFFC70] =	vst v47  }
0x5c8: {  	v47 =	vld [tilespmem:$0x1FDB0];
	v50 =	vadd.f32 v25, v14  }
0x5c9: {  	v32 =	vld.idx.msk [tilespmem:v32+s0+$0x0], $0xffff;
	[tilespmem:s7+$0xFFFFFEB0] =	vst v40;
	v25 =	vadd.f32 v28, v30  }
0x5ca: {  	v54 =	vld.idx.msk [tilespmem:v35+s0+$0x0], $0xffff;
	[tilespmem:s26+$0xFFFFFD00] =	vst v50;
	v28 =	vadd.f32 v29, v4  }
0x5cb: {  	v14 =	vld.idx.msk [tilespmem:v36+s0+$0x0], $0xffff;
	[tilespmem:s2+$0xFFFFFC20] =	vst v25;
	v53 =	vadd.f32 v6, v5  }
0x5cc: {  	v8 =	vld.idx.msk [tilespmem:v8+s0+$0x0], $0xffff;
	[tilespmem:s26+$0xFFFFFEF0] =	vst v28  }
0x5cd: {  	v51 =	vor.u32 v47, v0;
	v35 =	vld [tilespmem:$0x1FE80];
	[tilespmem:s26+$0xFFFFFD80] =	vst v53  }
0x5ce: {  	v36 =	vld [tilespmem:$0x1FF40];
	[tilespmem:s2+$0xFFFFFE40] =	vst v38  }
0x5cf: {  	v11 =	vld [tilespmem:$0x1FCE0]  }
0x5d0: {  	v56 =	vadd.f32 v14, v7  }
0x5d1: {  	v34 =	vld.idx.msk [tilespmem:v34+s0+$0x0], $0xffff;
	v28 =	vadd.f32 v31, v23  }
0x5d2: {  	v63 =	vadd.f32 v32, v1;
	v55 =	vld.idx.msk [tilespmem:v51+s0+$0x0], $0xffff;
	[tilespmem:s26+$0xFFFFFF80] =	vst v56;
	v25 =	vor.u32 v35, v0  }
0x5d3: {  	v31 =	vld.idx.msk [tilespmem:v33+s0+$0x0], $0xffff;
	[tilespmem:s2+$0xFFFFFCB0] =	vst v28;
	v8 =	vadd.f32 v8, v30  }
0x5d4: {  	v29 =	vor.u32 v36, v0;
	v14 =	vor.u32 v11, v0;
	v11 =	vld [tilespmem:$0x1FD30];
	[tilespmem:s2+$0xFFFFFD30] =	vst v63  }
0x5d5: {  	v6 =	vadd.f32 v54, v21;
	v40 =	vld [tilespmem:$0x1FEB0];
	[tilespmem:s2+$0xFFFFFC30] =	vst v8  }
0x5d6: {  	v27 =	vld.idx.msk [tilespmem:v27+s0+$0x0], $0xffff  }
0x5d7: {  	[tilespmem:s26+$0xFFFFFC80] =	vst v6;
	v21 =	vld.idx.msk [tilespmem:v25+s0+$0x0], $0xffff  }
0x5d8: {  	v5 =	vadd.f32 v55, v26;
	v25 =	vadd.f32 v34, v13;
	v34 =	vld [tilespmem:$0x1FE60]  }
0x5d9: {  	v41 =	vld.idx.msk [tilespmem:v29+s0+$0x0], $0xffff;
	v28 =	vor.u32 v11, v0  }
0x5da: {  	[tilespmem:s2+$0xFFFFFFB0] =	vst v5;
	v13 =	vld.idx.msk [tilespmem:v14+s0+$0x0], $0xffff;
	v38 =	vor.u32 v40, v0  }
0x5db: {  	v42 =	vadd.f32 v31, v4;
	v29 =	vld [tilespmem:$0x1FE40];
	[tilespmem:s26+$0x0] =	vst v25  }
0x5dc: {  	v3 =	vadd.f32 v37, v3;
	v63 =	vld [tilespmem:$0x1FF70]  }
0x5dd: {  	[tilespmem:s26+$0xFFFFFF00] =	vst v42;
	v46 =	vadd.f32 v21, v23;
	v21 =	vld.idx.msk [tilespmem:v39+s0+$0x0], $0xffff  }
0x5de: {  	[tilespmem:s26+$0xFFFFFE00] =	vst v3;
	v8 =	vor.u32 v34, v0;
	v3 =	vadd.f32 v41, v1;
	v25 =	vld.idx.msk [tilespmem:v28+s0+$0x0], $0xffff  }
0x5df: {  	v15 =	vor.u32 v15, v0;
	v13 =	vadd.f32 v13, v24;
	[tilespmem:s2+$0xFFFFFCC0] =	vst v46;
	v7 =	vld.idx.msk [tilespmem:v38+s0+$0x0], $0xffff  }
0x5e0: {  	v43 =	vor.u32 v29, v0;
	v4 =	vld [tilespmem:$0x1FD40];
	[tilespmem:s2+$0xFFFFFD40] =	vst v3  }
0x5e1: {  	v46 =	vld [tilespmem:$0x1FEE0];
	[tilespmem:s2+$0xFFFFFF40] =	vst v13  }
0x5e2: {  	v14 =	vor.u32 v63, v0;
	v11 =	vld [tilespmem:$0x1FC50]  }
0x5e3: {  	v50 =	vor.u32 v9, v0;
	v27 =	vadd.f32 v27, v30;
	v8 =	vld.idx.msk [tilespmem:v8+s0+$0x0], $0xffff  }
0x5e4: {  	v15 =	vld.idx.msk [tilespmem:v15+s0+$0x0], $0xffff  }
0x5e5: {  	[tilespmem:s2+$0xFFFFFC40] =	vst v27;
	v5 =	vld.idx.msk [tilespmem:v43+s0+$0x0], $0xffff;
	v4 =	vor.u32 v4, v0  }
0x5e6: {  	v28 =	vld [tilespmem:$0x1FE20];
	v25 =	vadd.f32 v25, v26;
	v3 =	vor.u32 v46, v0  }
0x5e7: {  	v14 =	vld.idx.msk [tilespmem:v14+s0+$0x0], $0xffff;
	v7 =	vadd.f32 v7, v2;
	v13 =	vor.u32 v11, v0  }
0x5e8: {  	v21 =	vadd.f32 v21, v10;
	v6 =	vld.idx.msk [tilespmem:v50+s0+$0x0], $0xffff;
	[tilespmem:s2+$0xFFFFFFC0] =	vst v25  }
0x5e9: {  	v25 =	vld [tilespmem:$0x1FED0];
	v8 =	vadd.f32 v8, v18;
	[tilespmem:s2+$0xFFFFFEC0] =	vst v7  }
0x5ea: {  	[tilespmem:s2+$0xFFFFFDC0] =	vst v21;
	v5 =	vadd.f32 v5, v23;
	v4 =	vld.idx.msk [tilespmem:v4+s0+$0x0], $0xffff  }
0x5eb: {  	v53 =	vor.u32 v19, v0;
	v15 =	vadd.f32 v15, v24;
	[tilespmem:s2+$0xFFFFFE50] =	vst v8;
	v3 =	vld.idx.msk [tilespmem:v3+s0+$0x0], $0xffff  }
0x5ec: {  	v8 =	vadd.f32 v14, v1;
	[tilespmem:s2+$0xFFFFFCD0] =	vst v5;
	v13 =	vld.idx.msk [tilespmem:v13+s0+$0x0], $0xffff  }
0x5ed: {  	v27 =	vor.u32 v28, v0;
	v5 =	vld [tilespmem:$0x1FD50];
	[tilespmem:s2+$0xFFFFFF50] =	vst v15  }
0x5ee: {  	v6 =	vadd.f32 v6, v30;
	v51 =	vor.u32 v25, v0;
	[tilespmem:s2+$0xFFFFFD50] =	vst v8  }
0x5ef: {  	v21 =	vld [tilespmem:$0x1FDC0];
	v4 =	vadd.f32 v4, v26  }
0x5f0: {  	v16 =	vor.u32 v16, v0;
	v7 =	vld.idx.msk [tilespmem:v53+s0+$0x0], $0xffff;
	[tilespmem:s2+$0xFFFFFC50] =	vst v6;
	v3 =	vadd.f32 v3, v2  }
0x5f1: {  	v14 =	vor.u32 v20, v0;
	v6 =	vld [tilespmem:$0x1FC60];
	v13 =	vadd.f32 v13, v10;
	[tilespmem:s2+$0xFFFFFFD0] =	vst v4  }
0x5f2: {  	v8 =	vor.u32 v12, v0;
	v11 =	vld.idx.msk [tilespmem:v27+s0+$0x0], $0xffff;
	[tilespmem:s2+$0xFFFFFED0] =	vst v3  }
0x5f3: {  	v5 =	vor.u32 v5, v0;
	v19 =	vld.idx.msk [tilespmem:v51+s0+$0x0], $0xffff;
	[tilespmem:s2+$0xFFFFFDD0] =	vst v13  }
0x5f4: {  	v55 =	vor.u32 v62, v0;
	v9 =	vld [tilespmem:$0x1FD10]  }
0x5f5: {  	v16 =	vld.idx.msk [tilespmem:v16+s0+$0x0], $0xffff;
	v15 =	vor.u32 v21, v0  }
0x5f6: {  	v14 =	vld.idx.msk [tilespmem:v14+s0+$0x0], $0xffff;
	v7 =	vadd.f32 v7, v1;
	v6 =	vor.u32 v6, v0  }
0x5f7: {  	v54 =	vor.u32 v17, v0;
	v8 =	vld.idx.msk [tilespmem:v8+s0+$0x0], $0xffff  }
0x5f8: {  	v11 =	vadd.f32 v11, v18;
	[tilespmem:s2+$0xFFFFFD60] =	vst v7;
	v3 =	vld.idx.msk [tilespmem:v5+s0+$0x0], $0xffff  }
0x5f9: {  	v39 =	vmov v12;
	v5 =	vld.idx.msk [tilespmem:v55+s0+$0x0], $0xffff;
	v12 =	vadd.f32 v19, v23;
	v13 =	vor.u32 v9, v0  }
0x5fa: {  	[tilespmem:s2+$0xFFFFFE60] =	vst v11;
	v11 =	vld.idx.msk [tilespmem:v15+s0+$0x0], $0xffff;
	v15 =	vadd.f32 v16, v24  }
0x5fb: {  	v6 =	vld.idx.msk [tilespmem:v6+s0+$0x0], $0xffff;
	[tilespmem:s2+$0xFFFFFCE0] =	vst v12  }
0x5fc: {  	v14 =	vadd.f32 v14, v30;
	v12 =	vor.u32 v61, v0;
	v4 =	vld.idx.msk [tilespmem:v54+s0+$0x0], $0xffff;
	[tilespmem:s2+$0xFFFFFF60] =	vst v15  }
0x5fd: {  	v8 =	vadd.f32 v8, v2;
	v9 =	vld [tilespmem:$0x1FE00]  }
0x5fe: {  	v3 =	vadd.f32 v3, v26;
	[tilespmem:s2+$0xFFFFFC60] =	vst v14;
	v13 =	vld.idx.msk [tilespmem:v13+s0+$0x0], $0xffff  }
0x5ff: {  	v20 =	vld [tilespmem:$0x1FC70];
	[tilespmem:s2+$0xFFFFFEE0] =	vst v8;
	v11 =	vadd.f32 v11, v10  }
0x600: {  	v61 =	vld.idx.msk [tilespmem:v22+s0+$0x0], $0xffff;
	[tilespmem:s2+$0xFFFFFFE0] =	vst v3;
	v6 =	vadd.f32 v6, v18  }
0x601: {  	v12 =	vld.idx.msk [tilespmem:v12+s0+$0x0], $0xffff;
	[tilespmem:s2+$0xFFFFFDE0] =	vst v11;
	v4 =	vadd.f32 v4, v23  }
0x602: {  	v56 =	vor.u32 v49, v0;
	v5 =	vadd.f32 v5, v1;
	v11 =	vld [tilespmem:$0x1FD20];
	[tilespmem:s2+$0xFFFFFE70] =	vst v6  }
0x603: {  	v15 =	vor.u32 v9, v0;
	v62 =	vld [tilespmem:$0x1FC10];
	[tilespmem:s2+$0xFFFFFCF0] =	vst v4;
	v13 =	vadd.f32 v13, v24  }
0x604: {  	v3 =	vor.u32 v52, v0;
	v4 =	vld [tilespmem:$0x1FD70];
	[tilespmem:s2+$0xFFFFFD70] =	vst v5  }
0x605: {  	v8 =	vor.u32 v48, v0;
	v5 =	vld [tilespmem:$0x1FC90];
	[tilespmem:s2+$0xFFFFFF70] =	vst v13  }
0x606: {  	v14 =	vor.u32 v20, v0;
	v22 =	vld [tilespmem:$0x1FDE0]  }
0x607: {  	v7 =	vld.idx.msk [tilespmem:v56+s0+$0x0], $0xffff;
	v11 =	vor.u32 v11, v0  }
0x608: {  	v15 =	vld.idx.msk [tilespmem:v15+s0+$0x0], $0xffff;
	v63 =	vor.u32 v62, v0  }
0x609: {  	v3 =	vld.idx.msk [tilespmem:v3+s0+$0x0], $0xffff;
	v4 =	vor.u32 v4, v0  }
0x60a: {  	v16 =	vadd.f32 v61, v30;
	v8 =	vld.idx.msk [tilespmem:v8+s0+$0x0], $0xffff;
	v5 =	vor.u32 v5, v0  }
0x60b: {  	v12 =	vadd.f32 v12, v26;
	v14 =	vld.idx.msk [tilespmem:v14+s0+$0x0], $0xffff;
	v0 =	vor.u32 v22, v0  }
0x60c: {  	v7 =	vadd.f32 v7, v2;
	[tilespmem:s2+$0xFFFFFC70] =	vst v16;
	v11 =	vld.idx.msk [tilespmem:v11+s0+$0x0], $0xffff  }
0x60d: {  	[tilespmem:s2+$0xFFFFFFF0] =	vst v12;
	v12 =	vadd.f32 v15, v10;
	v6 =	vld.idx.msk [tilespmem:v63+s0+$0x0], $0xffff  }
0x60e: {  	[tilespmem:s2+$0xFFFFFEF0] =	vst v7;
	v3 =	vadd.f32 v3, v23;
	v4 =	vld.idx.msk [tilespmem:v4+s0+$0x0], $0xffff  }
0x60f: {  	v1 =	vadd.f32 v8, v1;
	[tilespmem:s2+$0xFFFFFDF0] =	vst v12;
	v5 =	vld.idx.msk [tilespmem:v5+s0+$0x0], $0xffff  }
0x610: {  	[tilespmem:s2+$0xFFFFFD00] =	vst v3;
	v13 =	vadd.f32 v14, v18;
	v0 =	vld.idx.msk [tilespmem:v0+s0+$0x0], $0xffff  }
0x611: {  	[tilespmem:s2+$0xFFFFFD80] =	vst v1;
	v3 =	vadd.f32 v11, v24  }
0x612: {  	[tilespmem:s2+$0xFFFFFE80] =	vst v13;
	v1 =	vadd.f32 v6, v30  }
0x613: {  	[tilespmem:s2+$0xFFFFFF80] =	vst v3;
	v3 =	vadd.f32 v4, v26  }
0x614: {  	[tilespmem:s2+$0xFFFFFC80] =	vst v1;
	v1 =	vadd.f32 v5, v2  }
0x615: {  	[tilespmem:s2+$0x0] =	vst v3;
	v0 =	vadd.f32 v0, v10  }
0x616: {  	[tilespmem:s2+$0xFFFFFF00] =	vst v1  }
0x617: {  	[tilespmem:s2+$0xFFFFFE00] =	vst v0  }
0x618: {  	v30 =	vld [tilespmem:$0x1FE70]  }
0x619: {  	v38 =	vld [tilespmem:$0x1FF50]  }
0x61a: {  	v44 =	vld [tilespmem:$0x1FEF0]  }
0x61b: {  	v48 =	vld [tilespmem:$0x1FF10]  }
0x61c: {  	v56 =	vld [tilespmem:$0x1FFA0]  }
0x61d: {  	v2 =	vmov v36;
	v36 =	vld [tilespmem:$0x1FE90]  }
0x61e: {  	v61 =	vld [tilespmem:$0x1FF30]  }
0x61f: {  	v54 =	vld [tilespmem:$0x1FF90]  }
0x620: {  	v62 =	vld [tilespmem:$0x1FF80]  }
0x621: {  	v37 =	vld [tilespmem:$0x1FEA0]  }
0x622: {  	v24 =	vld [tilespmem:$0x1FF00]  }
0x623: {  	v33 =	vld [tilespmem:$0x1FE10]  }
0x624: {  	v29 =	vld [tilespmem:$0x1FE30]  }
0x625: {  	v50 =	vld [tilespmem:$0x1FEC0]  }
0x626: {  	v31 =	vld [tilespmem:$0x1FF20]  }
0x627: {  	s18 =	sshll.u32 s18, $0xA;
	v51 =	vld [tilespmem:$0x1FE50]  }
0x628: {  	s3 =	sshll.u32 s3, $0x12;
	s7 =	sand.u32 $0x7400, s18;
	v14 =	vld [tilespmem:$0x1FDA0]  }
0x629: {  	s3 =	sor.u32 s7, s3;
	v26 =	vld [tilespmem:$0x1FDF0]  }
0x62a: {  	s3 =	sshrl.u32 s3, $0x3;
	v49 =	vld [tilespmem:$0x1FD80]  }
0x62b: {  	s30 =	simm.s32 $0xD400;
	s26 =	sadd.s32 s1, s3;
	v32 =	vmov v40;
	v40 =	vld [tilespmem:$0x1FDD0]  }
0x62c: {  	v12 =	vmov v47;
	v11 =	vmov v34;
	[hbm4b:s26+s24] =	stream.strided.scatter [tilespmem:s30], [sflag:$0xA], $0x2000, s25, s24, $0x38;
	v20 =	vld [tilespmem:$0x1FD90]  }
.LBB2_16:
0x62d: {  	s2 =	simm.s32 @!p0 $0x4  }
0x62e: {  	_ =	swait.ge @!p0 [sflag:s2], $0x80  }
0x62f: {  	[sflag:s2] =	ssyncset.done @!p0 $0x0  }
0x630: {  	s3 =	simm.s32 @!p0 $0x9400;
	[sflag:s2] =	ssyncadd.s32 @!p0 $0xFFFFFF80;
	s2 =	simm.s32 @!p0 $0x180  }
0x631: {  	[tilespmem:s3], [sflag:$0x8] =	stream.indirect.gather @!p0 [hbm4b:s5+s10], $0x40, s2, s10, $0xb8;
	[tilespmem:$0x13400] =	vst v63  }
0x632: {  	s2 =	sadd.s32 @!p1 s9, s15  }
0x633: {  	s2 =	sshll.u32 @!p1 s2, $0x4  }
0x634: {  	s3 =	sand.u32 @!p1 $0x1FFFFFF0, s2;
	s2 =	sor.u32 $0x3, s9  }
0x635: {  	p0 =	sgt.u32 s2, $0xC8  }
.Ltmp12:
0x636: {  	_ = 	snop;
	(pc) =	sbr.rel @p0 .LBB2_20-.Ltmp12, $3  }
0x637: {  	_ =	sdelay $0x1  }
0x638: {  	s7 =	simm.s32 @!p1 $0x180;
	s3 =	sadd.s32 @!p1 s4, s3  }
0x639: {  	[tilespmem:s7], [sflag:$0x4] =	stream.linear.gather @!p1 [hbm4b:s3+s16], $0x80, $0x38;
	[tilespmem:$0x13400] =	vst v63  }
0x63a: {  	s3 =	simm.s32 $0x0  }
0x63b: {  	s9 =	sadd.s32 s2, s12;
	v0 =	vmov s3  }
0x63c: {  	s3 =	sshrl.u32 s9, $0x5;
	v0 =	vshrl.u32 v0, $0x3  }
0x63d: {  	s7 =	sshll.u32 s3, $0x6;
	v0 =	vshll.u32 v0, $0x3  }
0x63e: {  	v41 =	vmov s7;
	v6 =	vbroadcast v0, $0x0  }
0x63f: {  	_ =	swait.ge [sflag:s20], $0x2000;
	v53 =	vor.u32 $0x3, v41  }
0x640: {  	p0 =	slt.u32 s2, $0x5;
	[sflag:s20] =	ssyncset.done $0x0;
	v45 =	vor.u32 $0x4, v41;
	v0 =	vor.u32 v6, v53  }
0x641: {  	s2 =	simm.s32 @!p0 $0xB;
	[sflag:s20] =	ssyncadd.s32 $0xFFFFE000;
	v1 =	vor.u32 v6, v45  }
0x642: {  	_ =	swait.ge @!p0 [sflag:s2], $0x2000;
	v2 =	vor.u32 v37, v6  }
0x643: {  	[sflag:s2] =	ssyncset.done @!p0 $0x0;
	v4 =	vor.u32 v36, v6  }
0x644: {  	v19 =	vor.u32 $0x2, v41;
	[sflag:s2] =	ssyncadd.s32 @!p0 $0xFFFFE000;
	v5 =	vor.u32 v30, v6  }
0x645: {  	v15 =	vor.u32 $0x6, v41;
	v7 =	vor.u32 v6, v19;
	v3 =	vld.idx.msk [tilespmem:v0+s17+$0x0], $0xffff  }
0x646: {  	v42 =	vor.u32 $0x5, v41;
	v10 =	vor.u32 v6, v15;
	v8 =	vld.idx.msk [tilespmem:v1+s17+$0x0], $0xffff  }
0x647: {  	v0 =	vor.u32 v6, v42;
	v2 =	vld.idx.msk [tilespmem:v2+s21+$0x0], $0xffff  }
0x648: {  	v1 =	vor.u32 v14, v6;
	v13 =	vld.idx.msk [tilespmem:v4+s21+$0x0], $0xffff  }
0x649: {  	v52 =	vmov v14;
	v14 =	vor.u32 v50, v6;
	v18 =	vld.idx.msk [tilespmem:v5+s21+$0x0], $0xffff  }
0x64a: {  	v47 =	vmov v24;
	v21 =	vor.u32 v24, v6;
	v24 =	vor.u32 v40, v6;
	v5 =	vld.idx.msk [tilespmem:v7+s17+$0x0], $0xffff  }
0x64b: {  	v7 =	vld.idx.msk [tilespmem:v10+s17+$0x0], $0xffff  }
0x64c: {  	v22 =	vor.u32 v61, v6;
	v4 =	vld.idx.msk [tilespmem:v0+s17+$0x0], $0xffff  }
0x64d: {  	v63 =	vor.u32 $0x1, v41;
	v0 =	vor.u32 v44, v6;
	v2 =	vadd.f32 v2, v8;
	v1 =	vld.idx.msk [tilespmem:v1+s21+$0x0], $0xffff  }
0x64e: {  	v16 =	vmovc v49;
	s10 =	simm.s32 $0xF400;
	v49 =	vor.u32 $0x7, v41;
	v23 =	vor.u32 v6, v63;
	v13 =	vadd.f32 v13, v3;
	v10 =	vld.idx.msk [tilespmem:v14+s21+$0x0], $0xffff  }
0x64f: {  	v24 =	vld.idx.msk [tilespmem:v24+s21+$0x0], $0xffff;
	[tilespmem:s10+$0x200] =	vst v2;
	v2 =	vor.u32 v6, v49  }
0x650: {  	v25 =	vor.u32 v26, v6;
	[tilespmem:s10+$0x180] =	vst v13;
	v21 =	vld.idx.msk [tilespmem:v21+s21+$0x0], $0xffff  }
0x651: {  	v22 =	vld.idx.msk [tilespmem:v22+s21+$0x0], $0xffff  }
0x652: {  	v26 =	vor.u32 v31, v6;
	v0 =	vld.idx.msk [tilespmem:v0+s21+$0x0], $0xffff;
	v1 =	vadd.f32 v1, v7  }
0x653: {  	v27 =	vor.u32 v33, v6;
	v14 =	vld.idx.msk [tilespmem:v23+s17+$0x0], $0xffff;
	v10 =	vadd.f32 v10, v4  }
0x654: {  	v23 =	vor.u32 v54, v6;
	[tilespmem:s10+$0x300] =	vst v1;
	v13 =	vld.idx.msk [tilespmem:v2+s17+$0x0], $0xffff  }
0x655: {  	[tilespmem:s10+$0x280] =	vst v10;
	v21 =	vadd.f32 v21, v8;
	v2 =	vld.idx.msk [tilespmem:v25+s21+$0x0], $0xffff  }
0x656: {  	v10 =	vadd.f32 v22, v3;
	v43 =	vld [tilespmem:$0x1FC20]  }
0x657: {  	v1 =	vor.u32 v57, v6;
	v25 =	vld.idx.msk [tilespmem:v26+s21+$0x0], $0xffff;
	[tilespmem:s10+$0x210] =	vst v21;
	v0 =	vadd.f32 v0, v5  }
0x658: {  	v54 =	vmov v28;
	v28 =	vor.u32 v48, v6;
	[tilespmem:s10+$0x190] =	vst v10;
	v21 =	vld.idx.msk [tilespmem:v27+s21+$0x0], $0xffff  }
0x659: {  	v10 =	vadd.f32 v18, v14;
	v18 =	vld.idx.msk [tilespmem:v23+s21+$0x0], $0xffff;
	[tilespmem:s10+$0x100] =	vst v0;
	v0 =	vor.u32 v16, v6  }
0x65a: {  	v26 =	vor.u32 v20, v6;
	v24 =	vadd.f32 v24, v13  }
0x65b: {  	[tilespmem:s10+$0x80] =	vst v10;
	v22 =	vor.u32 v43, v6;
	v2 =	vadd.f32 v2, v7  }
0x65c: {  	v1 =	vld.idx.msk [tilespmem:v1+s21+$0x0], $0xffff;
	v25 =	vadd.f32 v25, v4;
	[tilespmem:s10+$0x380] =	vst v24  }
0x65d: {  	v23 =	vor.u32 v51, v6;
	v27 =	vld.idx.msk [tilespmem:v28+s21+$0x0], $0xffff;
	[tilespmem:s10+$0x310] =	vst v2;
	v21 =	vadd.f32 v21, v8  }
0x65e: {  	v10 =	vor.u32 v29, v6;
	[tilespmem:s10+$0x290] =	vst v25;
	v25 =	vld.idx.msk [tilespmem:v0+s21+$0x0], $0xffff;
	v0 =	vadd.f32 v18, v3  }
0x65f: {  	v24 =	vor.u32 v62, v6;
	v26 =	vld.idx.msk [tilespmem:v26+s21+$0x0], $0xffff;
	[tilespmem:s10+$0x220] =	vst v21  }
0x660: {  	v2 =	vor.u32 v41, v6;
	v22 =	vld.idx.msk [tilespmem:v22+s21+$0x0], $0xffff;
	[tilespmem:s10+$0x1A0] =	vst v0  }
0x661: {  	v9 =	vld [tilespmem:$0x1FCE0]  }
0x662: {  	s16 =	simm.s32 $0x8;
	v28 =	vor.u32 v56, v6;
	v23 =	vld.idx.msk [tilespmem:v23+s21+$0x0], $0xffff  }
0x663: {  	v29 =	vor.u32 v38, v6;
	v18 =	vmov s16;
	v21 =	vadd.f32 v27, v5;
	v10 =	vld.idx.msk [tilespmem:v10+s21+$0x0], $0xffff  }
0x664: {  	v18 =	vshrl.u32 v18, $0x3;
	v24 =	vld.idx.msk [tilespmem:v24+s21+$0x0], $0xffff;
	v26 =	vadd.f32 v26, v13  }
0x665: {  	v0 =	vshll.u32 v18, $0x3;
	v18 =	vor.u32 v12, v6;
	[tilespmem:s10+$0x110] =	vst v21;
	v21 =	vld.idx.msk [tilespmem:v2+s17+$0x0], $0xffff;
	v22 =	vadd.f32 v22, v14  }
0x666: {  	v0 =	vbroadcast v0, $0x0;
	v62 =	vld [tilespmem:$0x1FC60];
	[tilespmem:s10+$0x390] =	vst v26;
	v27 =	vor.u32 v9, v6  }
0x667: {  	v17 =	vmov v31;
	v31 =	vld.idx.msk [tilespmem:v28+s21+$0x0], $0xffff;
	v28 =	vor.u32 v32, v6;
	v25 =	vadd.f32 v25, v7;
	[tilespmem:s10+$0x90] =	vst v22  }
0x668: {  	v22 =	vor.u32 v57, v0;
	v26 =	vld.idx.msk [tilespmem:v29+s21+$0x0], $0xffff;
	[tilespmem:$0x1F990] =	vst v19  }
0x669: {  	v2 =	vadd.f32 v23, v4;
	v23 =	vor.u32 v30, v0;
	[tilespmem:s10+$0x320] =	vst v25  }
0x66a: {  	v32 =	vld.idx.msk [tilespmem:v18+s21+$0x0], $0xffff;
	[tilespmem:$0x1F9A0] =	vst v53  }
0x66b: {  	[tilespmem:s10+$0x2A0] =	vst v2;
	v27 =	vld.idx.msk [tilespmem:v27+s21+$0x0], $0xffff  }
0x66c: {  	v34 =	vmov v33;
	v33 =	vld.idx.msk [tilespmem:v28+s21+$0x0], $0xffff  }
0x66d: {  	v25 =	vld.idx.msk [tilespmem:v22+s21+$0x0], $0xffff;
	[tilespmem:$0x1F9B0] =	vst v45  }
0x66e: {  	v30 =	vadd.f32 v1, v21;
	v1 =	vld.idx.msk [tilespmem:v23+s21+$0x0], $0xffff  }
0x66f: {  	v29 =	vor.u32 v0, v19  }
0x670: {  	v18 =	vor.u32 v0, v53  }
0x671: {  	v2 =	vor.u32 v58, v6;
	_ =	sdelay $0x1  }
0x672: {  	[tilespmem:$0x1F9F0] =	vst v1  }
0x673: {  	v23 =	vadd.f32 v10, v8;
	v1 =	vld.idx.msk [tilespmem:v29+s17+$0x0], $0xffff;
	[tilespmem:s10+$0x0] =	vst v30  }
0x674: {  	v10 =	vld.idx.msk [tilespmem:v18+s17+$0x0], $0xffff;
	v18 =	vadd.f32 v26, v14;
	[tilespmem:$0x1F9C0] =	vst v42  }
0x675: {  	v28 =	vor.u32 v11, v6;
	[tilespmem:s10+$0x230] =	vst v23;
	v23 =	vld.idx.msk [tilespmem:v2+s21+$0x0], $0xffff  }
0x676: {  	v55 =	vmov v20;
	v20 =	vmov v51;
	v22 =	vor.u32 v0, v45;
	v51 =	vld [tilespmem:$0x1FC00];
	[tilespmem:s10+$0xA0] =	vst v18  }
0x677: {  	v2 =	vld [tilespmem:$0x1FD30]  }
0x678: {  	v35 =	vor.u32 v35, v6  }
0x679: {  	v19 =	vld [tilespmem:$0x1FC50]  }
0x67a: {  	v29 =	vor.u32 v36, v0;
	v36 =	vor.u32 v0, v42;
	v26 =	vor.u32 v37, v0;
	v37 =	vld.idx.msk [tilespmem:v28+s21+$0x0], $0xffff  }
0x67b: {  	v18 =	vld.idx.msk [tilespmem:v22+s17+$0x0], $0xffff  }
0x67c: {  	v12 =	vld [tilespmem:$0x1FF60];
	[tilespmem:$0x1F9D0] =	vst v41;
	v22 =	vor.u32 v2, v6  }
0x67d: {  	v35 =	vld.idx.msk [tilespmem:v35+s21+$0x0], $0xffff;
	[tilespmem:$0x1F9E0] =	vst v49;
	v2 =	vor.u32 v0, v49  }
0x67e: {  	v32 =	vadd.f32 v32, v13;
	v39 =	vor.u32 v19, v6;
	v19 =	vld [tilespmem:$0x1FC90];
	[tilespmem:$0x1FA00] =	vst v2  }
0x67f: {  	v24 =	vadd.f32 v24, v3;
	v2 =	vld.idx.msk [tilespmem:v36+s17+$0x0], $0xffff  }
0x680: {  	v9 =	vor.u32 v48, v0;
	v36 =	vadd.f32 v31, v5;
	[tilespmem:s10+$0x3A0] =	vst v32;
	v26 =	vld.idx.msk [tilespmem:v26+s21+$0x0], $0xffff  }
0x681: {  	v31 =	vor.u32 v46, v6;
	[tilespmem:s10+$0x1B0] =	vst v24;
	v46 =	vld.idx.msk [tilespmem:v22+s21+$0x0], $0xffff;
	v22 =	vadd.f32 v33, v4  }
0x682: {  	v42 =	vld.idx.msk [tilespmem:v29+s21+$0x0], $0xffff;
	v32 =	vadd.f32 v23, v21;
	[tilespmem:$0x1FA10] =	vst v9  }
0x683: {  	v27 =	vadd.f32 v27, v7;
	v28 =	vor.u32 v51, v6;
	[tilespmem:s10+$0x2B0] =	vst v22  }
0x684: {  	v37 =	vadd.f32 v37, v8;
	v22 =	vor.u32 v51, v0;
	v51 =	vor.u32 v17, v0;
	v17 =	vld [tilespmem:$0x1FF40];
	[tilespmem:s10+$0x10] =	vst v32  }
0x685: {  	v26 =	vadd.f32 v26, v18;
	[tilespmem:s10+$0x330] =	vst v27  }
0x686: {  	s7 =	simm.s32 $0xF800;
	[tilespmem:s10+$0x240] =	vst v37  }
0x687: {  	v48 =	vor.u32 v52, v0;
	[tilespmem:s7+$0x200] =	vst v26  }
0x688: {  	v9 =	vld [tilespmem:$0x1FDC0]  }
0x689: {  	v30 =	vor.u32 v41, v0;
	v41 =	vor.u32 v50, v0;
	_ =	sdelay $0x1  }
0x68a: {  	v24 =	vor.u32 v59, v6;
	v33 =	vld.idx.msk [tilespmem:v39+s21+$0x0], $0xffff  }
0x68b: {  	v39 =	vor.u32 v0, v15;
	v26 =	vld.idx.msk [tilespmem:v48+s21+$0x0], $0xffff  }
0x68c: {  	v48 =	vor.u32 v9, v6;
	v9 =	vld [tilespmem:$0x1FE40]  }
0x68d: {  	v41 =	vld.idx.msk [tilespmem:v41+s21+$0x0], $0xffff  }
0x68e: {  	v35 =	vadd.f32 v35, v14  }
0x68f: {  	v50 =	vor.u32 v61, v0;
	v49 =	vmov v43;
	v61 =	vld.idx.msk [tilespmem:v24+s21+$0x0], $0xffff;
	[tilespmem:s10+$0x120] =	vst v36  }
0x690: {  	v45 =	vor.u32 v49, v0;
	v49 =	vor.u32 v47, v0;
	v24 =	vld.idx.msk [tilespmem:v39+s17+$0x0], $0xffff;
	[tilespmem:s10+$0xB0] =	vst v35  }
0x691: {  	v39 =	vor.u32 v9, v6;
	v9 =	vld [tilespmem:$0x1FDF0]  }
0x692: {  	v41 =	vadd.f32 v41, v2  }
0x693: {  	v33 =	vadd.f32 v33, v3  }
0x694: {  	[tilespmem:s7+$0x280] =	vst v41  }
0x695: {  	v37 =	vld.idx.msk [tilespmem:v49+s21+$0x0], $0xffff;
	[tilespmem:s10+$0x1C0] =	vst v33  }
0x696: {  	v49 =	vor.u32 v9, v0;
	v9 =	vld [tilespmem:$0x1FD40];
	_ =	sdelay $0x1  }
0x697: {  	v46 =	vadd.f32 v46, v13;
	v47 =	vor.u32 v17, v6;
	_ =	sdelay $0x1  }
0x698: {  	v17 =	vld [tilespmem:$0x1FC10];
	[tilespmem:s10+$0x3B0] =	vst v46  }
0x699: {  	v42 =	vadd.f32 v42, v10;
	v53 =	vor.u32 v9, v6;
	v9 =	vld [tilespmem:$0x1FF90]  }
0x69a: {  	v61 =	vadd.f32 v61, v21  }
0x69b: {  	v37 =	vadd.f32 v37, v18;
	v35 =	vld.idx.msk [tilespmem:v47+s21+$0x0], $0xffff;
	[tilespmem:s7+$0x180] =	vst v42  }
0x69c: {  	[tilespmem:s10+$0x20] =	vst v61  }
0x69d: {  	v43 =	vor.u32 v0, v63;
	[tilespmem:s7+$0x210] =	vst v37  }
0x69e: {  	v46 =	vor.u32 v9, v0;
	v9 =	vld [tilespmem:$0x1FF70];
	_ =	sdelay $0x1  }
0x69f: {  	v35 =	vadd.f32 v35, v5;
	_ =	sdelay $0x1  }
0x6a0: {  	v23 =	vld.idx.msk [tilespmem:v43+s17+$0x0], $0xffff;
	[tilespmem:s10+$0x130] =	vst v35  }
0x6a1: {  	v61 =	vor.u32 v9, v6;
	v9 =	vld [tilespmem:$0x1F9F0];
	_ =	sdelay $0x4  }
0x6a2: {  	v47 =	vadd.f32 v9, v23;
	v9 =	vld [tilespmem:$0x1FE00]  }
0x6a3: {  	v26 =	vadd.f32 v26, v24;
	_ =	sdelay $0x1  }
0x6a4: {  	[tilespmem:s7+$0x300] =	vst v26  }
0x6a5: {  	v11 =	vmov v63;
	v63 =	vmov v15;
	v15 =	vld [tilespmem:$0x1FCF0];
	[tilespmem:s7+$0x80] =	vst v47  }
0x6a6: {  	v35 =	vor.u32 v9, v6;
	v9 =	vld [tilespmem:$0x1FA00]  }
0x6a7: {  	v16 =	vor.u32 v60, v6  }
0x6a8: {  	v36 =	vor.u32 v54, v6  }
0x6a9: {  	v52 =	vld.idx.msk [tilespmem:v31+s21+$0x0], $0xffff  }
0x6aa: {  	v39 =	vld.idx.msk [tilespmem:v39+s21+$0x0], $0xffff  }
0x6ab: {  	v44 =	vor.u32 v44, v0;
	v32 =	vor.u32 v56, v0;
	v56 =	vld.idx.msk [tilespmem:v48+s21+$0x0], $0xffff  }
0x6ac: {  	v31 =	vor.u32 v38, v0;
	v38 =	vld.idx.msk [tilespmem:v16+s21+$0x0], $0xffff  }
0x6ad: {  	v36 =	vld.idx.msk [tilespmem:v36+s21+$0x0], $0xffff  }
0x6ae: {  	v26 =	vld.idx.msk [tilespmem:v9+s17+$0x0], $0xffff  }
0x6af: {  	v39 =	vadd.f32 v39, v14;
	v9 =	vld [tilespmem:$0x1FED0]  }
0x6b0: {  	v44 =	vld.idx.msk [tilespmem:v44+s21+$0x0], $0xffff;
	v43 =	vadd.f32 v56, v3  }
0x6b1: {  	v38 =	vadd.f32 v38, v21;
	[tilespmem:s10+$0xC0] =	vst v39  }
0x6b2: {  	[tilespmem:s10+$0x1D0] =	vst v43  }
0x6b3: {  	[tilespmem:s10+$0x30] =	vst v38  }
0x6b4: {  	v54 =	vor.u32 v34, v0;
	v36 =	vadd.f32 v36, v8;
	v34 =	vor.u32 v9, v6;
	v9 =	vld [tilespmem:$0x1FD50]  }
0x6b5: {  	v37 =	vld.idx.msk [tilespmem:v61+s21+$0x0], $0xffff;
	v61 =	vadd.f32 v44, v1  }
0x6b6: {  	v27 =	vor.u32 v40, v0;
	v42 =	vadd.f32 v52, v4;
	v52 =	vld.idx.msk [tilespmem:v53+s21+$0x0], $0xffff;
	[tilespmem:s10+$0x250] =	vst v36  }
0x6b7: {  	[tilespmem:s7+$0x100] =	vst v61  }
0x6b8: {  	[tilespmem:s10+$0x2C0] =	vst v42  }
0x6b9: {  	v38 =	vor.u32 v9, v6;
	v9 =	vld [tilespmem:$0x1FE30];
	_ =	sdelay $0x1  }
0x6ba: {  	v40 =	vor.u32 v62, v6;
	v41 =	vld.idx.msk [tilespmem:v27+s21+$0x0], $0xffff;
	v62 =	vadd.f32 v52, v13;
	_ =	sdelay $0x1  }
0x6bb: {  	[tilespmem:s10+$0x3C0] =	vst v62  }
0x6bc: {  	v61 =	vor.u32 v9, v0;
	v9 =	vld [tilespmem:$0x1FFE0];
	_ =	sdelay $0x1  }
0x6bd: {  	v53 =	vld.idx.msk [tilespmem:v54+s21+$0x0], $0xffff;
	v56 =	vadd.f32 v41, v26  }
0x6be: {  	v50 =	vld.idx.msk [tilespmem:v50+s21+$0x0], $0xffff  }
0x6bf: {  	[tilespmem:s7+$0x380] =	vst v56  }
0x6c0: {  	v33 =	vor.u32 v19, v6;
	v19 =	vmov v9;
	v44 =	vor.u32 v9, v6;
	v9 =	vld [tilespmem:$0x1FD70]  }
0x6c1: {  	v37 =	vadd.f32 v37, v5  }
0x6c2: {  	v36 =	vadd.f32 v53, v18  }
0x6c3: {  	v43 =	vadd.f32 v50, v10;
	v50 =	vld.idx.msk [tilespmem:v34+s21+$0x0], $0xffff;
	[tilespmem:s10+$0x140] =	vst v37  }
0x6c4: {  	v16 =	vld [tilespmem:$0x1FD00];
	[tilespmem:s7+$0x220] =	vst v36  }
0x6c5: {  	v34 =	vor.u32 v9, v6;
	v9 =	vld [tilespmem:$0x1FD20];
	_ =	sdelay $0x3  }
0x6c6: {  	[tilespmem:s7+$0x190] =	vst v43  }
0x6c7: {  	v36 =	vor.u32 v9, v6;
	v9 =	vld [tilespmem:$0x1FD10];
	_ =	sdelay $0x1  }
0x6c8: {  	v54 =	vor.u32 v15, v6;
	_ =	sdelay $0x2  }
0x6c9: {  	v42 =	vor.u32 v9, v6;
	v9 =	vld [tilespmem:$0x1FA10];
	_ =	sdelay $0x1  }
0x6ca: {  	v54 =	vld.idx.msk [tilespmem:v54+s21+$0x0], $0xffff;
	v39 =	vor.u32 v12, v6  }
0x6cb: {  	v51 =	vld.idx.msk [tilespmem:v51+s21+$0x0], $0xffff  }
0x6cc: {  	v49 =	vld.idx.msk [tilespmem:v49+s21+$0x0], $0xffff  }
0x6cd: {  	v45 =	vld.idx.msk [tilespmem:v45+s21+$0x0], $0xffff  }
0x6ce: {  	v52 =	vld.idx.msk [tilespmem:v35+s21+$0x0], $0xffff  }
0x6cf: {  	v54 =	vadd.f32 v54, v7;
	v39 =	vld.idx.msk [tilespmem:v39+s21+$0x0], $0xffff  }
0x6d0: {  	v53 =	vor.u32 v55, v0;
	v43 =	vld.idx.msk [tilespmem:v9+s21+$0x0], $0xffff  }
0x6d1: {  	[tilespmem:s10+$0x340] =	vst v54;
	v9 =	vld.idx.msk [tilespmem:v44+s21+$0x0], $0xffff  }
0x6d2: {  	v48 =	vor.u32 v20, v0;
	v62 =	vor.u32 v16, v6;
	v20 =	vld [tilespmem:$0x1FFD0]  }
0x6d3: {  	v40 =	vld.idx.msk [tilespmem:v40+s21+$0x0], $0xffff  }
0x6d4: {  	v38 =	vld.idx.msk [tilespmem:v38+s21+$0x0], $0xffff  }
0x6d5: {  	v51 =	vadd.f32 v51, v2;
	v53 =	vld.idx.msk [tilespmem:v53+s21+$0x0], $0xffff  }
0x6d6: {  	v47 =	vld.idx.msk [tilespmem:v61+s21+$0x0], $0xffff;
	[tilespmem:$0x1FA20] =	vst v9  }
0x6d7: {  	v61 =	vor.u32 v20, v6;
	[tilespmem:s7+$0x290] =	vst v51;
	v55 =	vld.idx.msk [tilespmem:v62+s21+$0x0], $0xffff  }
0x6d8: {  	v39 =	vadd.f32 v39, v21;
	v9 =	vld [tilespmem:$0x1FDE0]  }
0x6d9: {  	v56 =	vld.idx.msk [tilespmem:v46+s21+$0x0], $0xffff  }
0x6da: {  	v44 =	vadd.f32 v40, v8;
	[tilespmem:s10+$0x40] =	vst v39;
	v40 =	vld.idx.msk [tilespmem:v48+s21+$0x0], $0xffff  }
0x6db: {  	v52 =	vadd.f32 v52, v3;
	v54 =	vld [tilespmem:$0x1FF80]  }
0x6dc: {  	v49 =	vadd.f32 v49, v24;
	v41 =	vld.idx.msk [tilespmem:v61+s21+$0x0], $0xffff  }
0x6dd: {  	v50 =	vadd.f32 v50, v14;
	v51 =	vor.u32 v9, v6;
	v9 =	vld [tilespmem:$0x1FD80];
	[tilespmem:s10+$0x1E0] =	vst v52  }
0x6de: {  	v35 =	vor.u32 v17, v6;
	v53 =	vadd.f32 v53, v26;
	v17 =	vld [tilespmem:$0x1FFF0];
	[tilespmem:s7+$0x310] =	vst v49  }
0x6df: {  	v62 =	vld [tilespmem:$0x1FFC0];
	[tilespmem:s10+$0xD0] =	vst v50  }
0x6e0: {  	v48 =	vadd.f32 v38, v13;
	v61 =	vld [tilespmem:$0x1FD60];
	[tilespmem:s7+$0x390] =	vst v53  }
0x6e1: {  	v46 =	vld [tilespmem:$0x1FFB0]  }
0x6e2: {  	v38 =	vadd.f32 v47, v18;
	v47 =	vld [tilespmem:$0x1FA20];
	[tilespmem:s10+$0x3D0] =	vst v48;
	v39 =	vor.u32 v9, v0  }
0x6e3: {  	v53 =	vld [tilespmem:$0x1FC70];
	v52 =	vor.u32 v17, v6  }
0x6e4: {  	v49 =	vor.u32 v62, v6  }
0x6e5: {  	v29 =	vor.u32 v58, v0;
	v27 =	vor.u32 v60, v0  }
0x6e6: {  	v43 =	vadd.f32 v43, v1;
	v37 =	vld.idx.msk [tilespmem:v51+s21+$0x0], $0xffff;
	v9 =	vmovc v17;
	v17 =	vmov v62;
	v62 =	vmov v46  }
0x6e7: {  	v51 =	vor.u32 v46, v6;
	v46 =	vadd.f32 v45, v23;
	v45 =	vld.idx.msk [tilespmem:v39+s21+$0x0], $0xffff;
	v39 =	vadd.f32 v47, v5  }
0x6e8: {  	v50 =	vor.u32 v61, v6;
	v48 =	vor.u32 v53, v6;
	v53 =	vadd.f32 v55, v7;
	v47 =	vld.idx.msk [tilespmem:v52+s21+$0x0], $0xffff  }
0x6e9: {  	s2 =	simm.s32 $0xF800;
	v52 =	vadd.f32 v56, v10;
	[tilespmem:s10+$0x150] =	vst v39;
	v39 =	vor.u32 v54, v0;
	v49 =	vld.idx.msk [tilespmem:v49+s21+$0x0], $0xffff  }
.LBB2_18:
0x6ea: {  	v54 =	vld [tilespmem:$0x1FC40]  }
0x6eb: {  	v55 =	vld [tilespmem:$0x1FC80]  }
0x6ec: {  	v56 =	vld [tilespmem:$0x1FC30]  }
0x6ed: {  	[tilespmem:s7+$0x1A0] =	vst v52;
	v52 =	vadd.f32 v41, v21;
	v41 =	vadd.f32 v37, v3;
	v3 =	vld [tilespmem:$0x1FE80];
	_ =	sdelay $0x3  }
0x6ee: {  	v54 =	vor.u32 v54, v6;
	v55 =	vor.u32 v55, v6;
	v56 =	vor.u32 v56, v6;
	v6 =	vmovc v0  }
0x6ef: {  	[tilespmem:s10+$0x260] =	vst v44;
	v44 =	vor.u32 v3, v6;
	v3 =	vld [tilespmem:$0x1FCE0];
	_ =	sdelay $0x2  }
0x6f0: {  	v50 =	vld.idx.msk [tilespmem:v50+s21+$0x0], $0xffff  }
0x6f1: {  	[tilespmem:s10+$0x350] =	vst v53;
	v51 =	vld.idx.msk [tilespmem:v51+s21+$0x0], $0xffff  }
0x6f2: {  	[tilespmem:s7+$0x90] =	vst v46;
	v46 =	vor.u32 v3, v6;
	v3 =	vld [tilespmem:$0x1FDB0]  }
0x6f3: {  	v42 =	vld.idx.msk [tilespmem:v42+s21+$0x0], $0xffff  }
0x6f4: {  	v48 =	vld.idx.msk [tilespmem:v48+s21+$0x0], $0xffff;
	[tilespmem:s10+$0x50] =	vst v52  }
0x6f5: {  	s16 =	sadd.s32 $0x8, s16;
	v52 =	vld.idx.msk [tilespmem:v28+s21+$0x0], $0xffff  }
0x6f6: {  	v53 =	vmov s16;
	v28 =	vadd.f32 v49, v14;
	v49 =	vld [tilespmem:$0x1F9E0]  }
0x6f7: {  	v47 =	vadd.f32 v47, v4;
	[tilespmem:s7+$0x110] =	vst v43;
	v0 =	vshrl.u32 v53, $0x3;
	v43 =	vor.u32 v3, v6;
	v3 =	vmovc v10;
	v10 =	vld [tilespmem:$0x1F9D0]  }
0x6f8: {  	v45 =	vadd.f32 v45, v24;
	v39 =	vld.idx.msk [tilespmem:v39+s21+$0x0], $0xffff;
	v0 =	vshll.u32 v0, $0x3  }
0x6f9: {  	v32 =	vld.idx.msk [tilespmem:v32+s21+$0x0], $0xffff;
	[tilespmem:s10+$0x2D0] =	vst v47;
	v0 =	vbroadcast v0, $0x0  }
0x6fa: {  	[tilespmem:s7+$0x320] =	vst v45;
	v45 =	vld [tilespmem:$0x1F9B0]  }
0x6fb: {  	[tilespmem:s10+$0xE0] =	vst v28;
	v47 =	vadd.f32 v48, v8;
	v8 =	vmov v18;
	v18 =	vld [tilespmem:$0x1F990];
	v37 =	vor.u32 v0, v49  }
0x6fc: {  	v49 =	vadd.f32 v50, v13;
	v50 =	vor.u32 v57, v0;
	v57 =	vld.idx.msk [tilespmem:v30+s17+$0x0], $0xffff;
	v10 =	vor.u32 v10, v0  }
0x6fd: {  	v30 =	vmov v10;
	v10 =	vld.idx.msk [tilespmem:v56+s21+$0x0], $0xffff  }
0x6fe: {  	v51 =	vadd.f32 v51, v5;
	v56 =	vld [tilespmem:$0x1FEB0]  }
0x6ff: {  	v42 =	vadd.f32 v42, v7;
	v31 =	vld.idx.msk [tilespmem:v31+s21+$0x0], $0xffff  }
0x700: {  	v28 =	vmov v22;
	v22 =	vld [tilespmem:$0x1FE70];
	[tilespmem:s10+$0x160] =	vst v51  }
0x701: {  	[tilespmem:s10+$0x360] =	vst v42;
	v42 =	vld [tilespmem:$0x1FE90]  }
0x702: {  	v54 =	vld.idx.msk [tilespmem:v54+s21+$0x0], $0xffff  }
0x703: {  	v53 =	vadd.f32 v40, v2;
	v51 =	vor.u32 v56, v6;
	v56 =	vld [tilespmem:$0x1F9A0]  }
0x704: {  	[tilespmem:s10+$0x270] =	vst v47;
	v48 =	vld.idx.msk [tilespmem:v55+s21+$0x0], $0xffff  }
0x705: {  	v52 =	vadd.f32 v52, v21;
	v55 =	vld [tilespmem:$0x1FEF0];
	[tilespmem:s7+$0x2A0] =	vst v53  }
0x706: {  	v53 =	vld [tilespmem:$0x1F9C0];
	[tilespmem:s10+$0x3E0] =	vst v49;
	v10 =	vadd.f32 v10, v14  }
0x707: {  	[tilespmem:s10+$0x60] =	vst v52;
	v52 =	vld.idx.msk [tilespmem:v34+s21+$0x0], $0xffff  }
0x708: {  	v43 =	vld.idx.msk [tilespmem:v43+s21+$0x0], $0xffff;
	[tilespmem:s10+$0xF0] =	vst v10;
	v10 =	vadd.f32 v54, v5;
	v47 =	vor.u32 v0, v56  }
0x709: {  	v5 =	vmovc v1;
	v56 =	vor.u32 v42, v0;
	v42 =	vadd.f32 v32, v1;
	v1 =	vadd.f32 v25, v57;
	v25 =	vld [tilespmem:$0x1FEC0]  }
0x70a: {  	v14 =	vmov v23;
	v23 =	vld [tilespmem:$0x1FEA0]  }
0x70b: {  	[tilespmem:s10+$0x170] =	vst v10;
	v10 =	vld [tilespmem:$0x1FC20]  }
0x70c: {  	v22 =	vor.u32 v22, v0;
	v32 =	vld.idx.msk [tilespmem:v36+s21+$0x0], $0xffff  }
0x70d: {  	v36 =	vor.u32 v0, v45;
	v45 =	vld.idx.msk [tilespmem:v46+s21+$0x0], $0xffff  }
0x70e: {  	v54 =	vor.u32 v25, v0;
	v25 =	vld [tilespmem:$0x1FE60]  }
0x70f: {  	v46 =	vld.idx.msk [tilespmem:v35+s21+$0x0], $0xffff;
	v35 =	vadd.f32 v48, v4  }
0x710: {  	v51 =	vld.idx.msk [tilespmem:v51+s21+$0x0], $0xffff  }
0x711: {  	[tilespmem:s10+$0x2E0] =	vst v35;
	v35 =	vld.idx.msk [tilespmem:v22+s21+$0x0], $0xffff  }
0x712: {  	v22 =	vld [tilespmem:$0x1FDA0]  }
0x713: {  	v48 =	vor.u32 v0, v53;
	v53 =	vor.u32 v58, v0;
	v58 =	vor.u32 v25, v6;
	v25 =	vld.idx.msk [tilespmem:v50+s21+$0x0], $0xffff  }
0x714: {  	v18 =	vor.u32 v0, v18;
	v34 =	vor.u32 v10, v0;
	v10 =	vadd.f32 v32, v7;
	[tilespmem:s2+$0x0] =	vst v1;
	v1 =	vld [tilespmem:$0x1FF10]  }
0x715: {  	v33 =	vld.idx.msk [tilespmem:v33+s21+$0x0], $0xffff  }
0x716: {  	[tilespmem:s10+$0x370] =	vst v10;
	v10 =	vld.idx.msk [tilespmem:v47+s17+$0x0], $0xffff  }
0x717: {  	[tilespmem:s2+$0x230] =	vst v38;
	v38 =	vld.idx.msk [tilespmem:v29+s21+$0x0], $0xffff  }
0x718: {  	v29 =	vmov v53;
	v53 =	vld [tilespmem:$0x1FDF0]  }
0x719: {  	v49 =	vor.u32 v55, v0;
	v55 =	vadd.f32 v39, v3;
	v39 =	vor.u32 v1, v0;
	v1 =	vld.idx.msk [tilespmem:v18+s17+$0x0], $0xffff  }
0x71a: {  	v18 =	vadd.f32 v31, v14;
	v31 =	vadd.f32 v46, v21;
	v21 =	vld [tilespmem:$0x1FC00]  }
0x71b: {  	v58 =	vld.idx.msk [tilespmem:v58+s21+$0x0], $0xffff  }
0x71c: {  	v46 =	vadd.f32 v51, v2;
	v51 =	vor.u32 v59, v6;
	v59 =	vld [tilespmem:$0x1FDD0]  }
0x71d: {  	v13 =	vadd.f32 v52, v13;
	v23 =	vor.u32 v23, v0;
	[tilespmem:s2+$0xA0] =	vst v18;
	v18 =	vld [tilespmem:$0x1FF00]  }
0x71e: {  	[tilespmem:s10+$0x70] =	vst v31;
	v31 =	vadd.f32 v33, v4;
	v4 =	vld [tilespmem:$0x1FC50]  }
0x71f: {  	[tilespmem:s10+$0x3F0] =	vst v13;
	v44 =	vld.idx.msk [tilespmem:v44+s21+$0x0], $0xffff  }
0x720: {  	v47 =	vor.u32 v22, v0;
	[tilespmem:s10+$0x2F0] =	vst v31;
	v31 =	vld [tilespmem:$0x1FFA0]  }
0x721: {  	v13 =	vmovc v26;
	v22 =	vor.u32 v21, v0;
	v21 =	vmov v57;
	v57 =	vadd.f32 v43, v26;
	v26 =	vld.idx.msk [tilespmem:v56+s21+$0x0], $0xffff  }
0x722: {  	[tilespmem:s10+$0x1F0] =	vst v41;
	v41 =	vld.idx.msk [tilespmem:v23+s21+$0x0], $0xffff  }
0x723: {  	v33 =	vor.u32 v4, v6;
	v4 =	vld [tilespmem:$0x1FD30]  }
0x724: {  	v23 =	vld [tilespmem:$0x1FEE0]  }
0x725: {  	s10 =	smov.u32 s2;
	v56 =	vld [tilespmem:$0x1FF40]  }
0x726: {  	v58 =	vadd.f32 v58, v8;
	[tilespmem:s10+$0x1B0] =	vst v55;
	v55 =	vld [tilespmem:$0x1FE10]  }
0x727: {  	v38 =	vadd.f32 v38, v21;
	v50 =	vor.u32 v18, v0;
	v18 =	vld.idx.msk [tilespmem:v36+s17+$0x0], $0xffff  }
0x728: {  	[tilespmem:s10+$0x240] =	vst v58;
	v36 =	vor.u32 v4, v6;
	v4 =	vmov v2;
	v2 =	vld [tilespmem:$0x1FF30]  }
0x729: {  	v58 =	vld [tilespmem:$0x1FE50];
	[tilespmem:s10+$0x10] =	vst v38  }
0x72a: {  	v51 =	vld.idx.msk [tilespmem:v51+s21+$0x0], $0xffff  }
0x72b: {  	v7 =	vmov v24;
	[tilespmem:s10+$0x3A0] =	vst v57;
	v57 =	vld [tilespmem:$0x1FF90]  }
0x72c: {  	v24 =	vadd.f32 v45, v7;
	v32 =	vor.u32 v31, v0;
	v31 =	vld [tilespmem:$0x1FF50]  }
0x72d: {  	v41 =	vadd.f32 v41, v18;
	v52 =	vor.u32 v2, v0;
	v2 =	vld [tilespmem:$0x1FF20]  }
0x72e: {  	s7 =	sadd.s32 $0x400, s7;
	[tilespmem:s10+$0x330] =	vst v24;
	v33 =	vld.idx.msk [tilespmem:v33+s21+$0x0], $0xffff  }
0x72f: {  	v38 =	vor.u32 v58, v0;
	[tilespmem:s7+$0x200] =	vst v41;
	v41 =	vld.idx.msk [tilespmem:v47+s21+$0x0], $0xffff;
	v58 =	vadd.f32 v51, v21  }
0x730: {  	v44 =	vadd.f32 v44, v14;
	v23 =	vor.u32 v23, v6;
	v47 =	vld.idx.msk [tilespmem:v50+s21+$0x0], $0xffff  }
0x731: {  	v40 =	vor.u32 v0, v11;
	[tilespmem:s10+$0x20] =	vst v58;
	v58 =	vld [tilespmem:$0x1FF70]  }
0x732: {  	[tilespmem:s10+$0xB0] =	vst v44;
	v44 =	vor.u32 v56, v6;
	v43 =	vor.u32 v2, v0;
	v2 =	vld.idx.msk [tilespmem:v48+s17+$0x0], $0xffff  }
0x733: {  	[tilespmem:s10+$0x2B0] =	vst v46;
	v48 =	vld.idx.msk [tilespmem:v49+s21+$0x0], $0xffff  }
0x734: {  	v24 =	vld.idx.msk [tilespmem:v54+s21+$0x0], $0xffff  }
0x735: {  	v26 =	vadd.f32 v26, v10;
	v54 =	vld.idx.msk [tilespmem:v23+s21+$0x0], $0xffff  }
0x736: {  	[tilespmem:s10+$0x120] =	vst v42;
	v23 =	vld.idx.msk [tilespmem:v40+s17+$0x0], $0xffff  }
0x737: {  	[tilespmem:s7+$0x180] =	vst v26;
	v26 =	vld.idx.msk [tilespmem:v44+s21+$0x0], $0xffff  }
0x738: {  	v40 =	vor.u32 v57, v0;
	v57 =	vld [tilespmem:$0x1FE20]  }
0x739: {  	v36 =	vld.idx.msk [tilespmem:v36+s21+$0x0], $0xffff  }
0x73a: {  	v45 =	vor.u32 v0, v63;
	v49 =	vor.u32 v55, v0;
	v55 =	vor.u32 v59, v0;
	v59 =	vld [tilespmem:$0x1FD40]  }
0x73b: {  	v46 =	vor.u32 v53, v0;
	v53 =	vor.u32 v60, v0;
	v60 =	vadd.f32 v24, v2;
	v24 =	vld [tilespmem:$0x1FDC0]  }
0x73c: {  	v50 =	vld.idx.msk [tilespmem:v27+s21+$0x0], $0xffff;
	v26 =	vadd.f32 v26, v5  }
0x73d: {  	v27 =	vld [tilespmem:$0x1FC90];
	v42 =	vor.u32 v57, v6;
	[tilespmem:s7+$0x280] =	vst v60  }
0x73e: {  	[tilespmem:s10+$0x130] =	vst v26;
	v26 =	vld [tilespmem:$0x1FE00]  }
0x73f: {  	v43 =	vld.idx.msk [tilespmem:v43+s21+$0x0], $0xffff  }
0x740: {  	v60 =	vor.u32 v59, v6;
	v56 =	vor.u32 v24, v6;
	v24 =	vld.idx.msk [tilespmem:v45+s17+$0x0], $0xffff  }
0x741: {  	v47 =	vadd.f32 v47, v18;
	v45 =	vld [tilespmem:$0x1FE40]  }
0x742: {  	v36 =	vadd.f32 v36, v13;
	v42 =	vld.idx.msk [tilespmem:v42+s21+$0x0], $0xffff  }
0x743: {  	[tilespmem:s7+$0x210] =	vst v47;
	v47 =	vor.u32 v58, v6;
	v58 =	vld [tilespmem:$0x1FC60]  }
0x744: {  	v33 =	vadd.f32 v33, v3;
	[tilespmem:s10+$0x3B0] =	vst v36;
	v49 =	vld.idx.msk [tilespmem:v49+s21+$0x0], $0xffff  }
0x745: {  	v51 =	vld.idx.msk [tilespmem:v60+s21+$0x0], $0xffff  }
0x746: {  	[tilespmem:s10+$0x1C0] =	vst v33;
	v33 =	vor.u32 v27, v6;
	v60 =	vld [tilespmem:$0x1FD50]  }
0x747: {  	v27 =	vmov v53;
	v53 =	vor.u32 v26, v6;
	v26 =	vadd.f32 v35, v23;
	v35 =	vld.idx.msk [tilespmem:v52+s21+$0x0], $0xffff  }
0x748: {  	v36 =	vor.u32 v45, v6;
	v45 =	vld.idx.msk [tilespmem:v55+s21+$0x0], $0xffff  }
0x749: {  	v52 =	vor.u32 v15, v6;
	v57 =	vld.idx.msk [tilespmem:v56+s21+$0x0], $0xffff;
	v41 =	vadd.f32 v41, v24  }
0x74a: {  	v42 =	vadd.f32 v42, v8;
	v56 =	vld [tilespmem:$0x1FD70]  }
0x74b: {  	v44 =	vadd.f32 v54, v4;
	[tilespmem:s7+$0x300] =	vst v41;
	v54 =	vor.u32 v60, v6;
	v60 =	vld [tilespmem:$0x1FD90]  }
0x74c: {  	[tilespmem:s10+$0x250] =	vst v42;
	v42 =	vld [tilespmem:$0x1FC10]  }
0x74d: {  	v41 =	vor.u32 v58, v6;
	v46 =	vld.idx.msk [tilespmem:v46+s21+$0x0], $0xffff  }
0x74e: {  	v52 =	vld.idx.msk [tilespmem:v52+s21+$0x0], $0xffff  }
0x74f: {  	v36 =	vld.idx.msk [tilespmem:v36+s21+$0x0], $0xffff  }
0x750: {  	v50 =	vadd.f32 v50, v21;
	v59 =	vadd.f32 v57, v3;
	v57 =	vld [tilespmem:$0x1FED0]  }
0x751: {  	[tilespmem:s7+$0x80] =	vst v26;
	v26 =	vld.idx.msk [tilespmem:v37+s17+$0x0], $0xffff  }
0x752: {  	[tilespmem:s10+$0x30] =	vst v50;
	v55 =	vor.u32 v12, v6;
	v41 =	vld.idx.msk [tilespmem:v41+s21+$0x0], $0xffff  }
0x753: {  	v50 =	vadd.f32 v35, v10;
	[tilespmem:s10+$0x1D0] =	vst v59;
	v59 =	vadd.f32 v48, v1;
	v35 =	vor.u32 v42, v6;
	v42 =	vld [tilespmem:$0x1FD20]  }
0x754: {  	v48 =	vadd.f32 v49, v18;
	v49 =	vld.idx.msk [tilespmem:v53+s21+$0x0], $0xffff;
	v36 =	vadd.f32 v36, v14  }
0x755: {  	v51 =	vadd.f32 v51, v13;
	v53 =	vor.u32 v60, v0;
	v37 =	vor.u32 v57, v6;
	v57 =	vld [tilespmem:$0x1FE30]  }
0x756: {  	v58 =	vadd.f32 v45, v26;
	[tilespmem:s10+$0xC0] =	vst v36;
	v36 =	vld.idx.msk [tilespmem:v47+s21+$0x0], $0xffff  }
0x757: {  	[tilespmem:s10+$0x3C0] =	vst v51;
	v45 =	vld.idx.msk [tilespmem:v55+s21+$0x0], $0xffff  }
0x758: {  	[tilespmem:s7+$0x380] =	vst v58;
	v47 =	vld.idx.msk [tilespmem:v34+s21+$0x0], $0xffff  }
0x759: {  	v60 =	vor.u32 v19, v6;
	v54 =	vld.idx.msk [tilespmem:v54+s21+$0x0], $0xffff  }
0x75a: {  	[tilespmem:s7+$0x100] =	vst v59;
	v53 =	vld.idx.msk [tilespmem:v53+s21+$0x0], $0xffff  }
0x75b: {  	v34 =	vor.u32 v56, v6;
	v37 =	vld.idx.msk [tilespmem:v37+s21+$0x0], $0xffff;
	v56 =	vor.u32 v57, v0;
	v59 =	vadd.f32 v36, v5  }
0x75c: {  	[tilespmem:s10+$0x2C0] =	vst v44;
	v51 =	vor.u32 v16, v6;
	v57 =	vld [tilespmem:$0x1FD10]  }
0x75d: {  	[tilespmem:s10+$0x140] =	vst v59;
	v59 =	vld [tilespmem:$0x1FDE0]  }
0x75e: {  	[tilespmem:s7+$0x190] =	vst v50;
	v58 =	vadd.f32 v52, v7;
	v52 =	vld.idx.msk [tilespmem:v60+s21+$0x0], $0xffff  }
0x75f: {  	[tilespmem:s7+$0x220] =	vst v48;
	v60 =	vld [tilespmem:$0x1FD80]  }
0x760: {  	v50 =	vor.u32 v20, v6;
	[tilespmem:s10+$0x340] =	vst v58;
	v53 =	vadd.f32 v53, v26;
	v48 =	vld.idx.msk [tilespmem:v56+s21+$0x0], $0xffff  }
0x761: {  	v43 =	vadd.f32 v43, v2;
	v36 =	vor.u32 v42, v6;
	v42 =	vor.u32 v57, v6;
	v57 =	vld.idx.msk [tilespmem:v51+s21+$0x0], $0xffff  }
0x762: {  	v45 =	vadd.f32 v45, v21;
	[tilespmem:s7+$0x390] =	vst v53;
	v53 =	vld [tilespmem:$0x1FC70]  }
0x763: {  	[tilespmem:s7+$0x290] =	vst v43;
	v58 =	vld.idx.msk [tilespmem:v40+s21+$0x0], $0xffff;
	v55 =	vor.u32 v59, v6  }
0x764: {  	v49 =	vadd.f32 v49, v3;
	v40 =	vld.idx.msk [tilespmem:v38+s21+$0x0], $0xffff;
	[tilespmem:s10+$0x40] =	vst v45;
	v56 =	vor.u32 v60, v0  }
0x765: {  	v46 =	vadd.f32 v46, v24;
	v44 =	vadd.f32 v41, v8;
	v41 =	vld.idx.msk [tilespmem:v50+s21+$0x0], $0xffff  }
0x766: {  	[tilespmem:s10+$0x1E0] =	vst v49;
	v39 =	vld.idx.msk [tilespmem:v39+s21+$0x0], $0xffff;
	v37 =	vadd.f32 v37, v14;
	v59 =	vor.u32 v9, v6  }
0x767: {  	[tilespmem:s7+$0x310] =	vst v46;
	v38 =	vadd.f32 v48, v18;
	v48 =	vor.u32 v53, v6;
	v53 =	vadd.f32 v57, v7;
	v57 =	vld [tilespmem:$0x1FCA0]  }
0x768: {  	[tilespmem:s10+$0xD0] =	vst v37;
	v37 =	vld.idx.msk [tilespmem:v55+s21+$0x0], $0xffff  }
0x769: {  	v60 =	vor.u32 v17, v6;
	v45 =	vld.idx.msk [tilespmem:v56+s21+$0x0], $0xffff  }
0x76a: {  	p0 =	slt.u32 s16, $0x38;
	v56 =	vld [tilespmem:$0x1FF80]  }
.Ltmp13:
0x76b: {  	v46 =	vadd.f32 v47, v23;
	v47 =	vld.idx.msk [tilespmem:v59+s21+$0x0], $0xffff;
	(pc) =	sbr.rel @p0 .LBB2_18-.Ltmp13, $4  }
0x76c: {  	v54 =	vadd.f32 v54, v13;
	v59 =	vld [tilespmem:$0x1FCC0]  }
0x76d: {  	v55 =	vadd.f32 v52, v5;
	v52 =	vadd.f32 v58, v10;
	v58 =	vld [tilespmem:$0x1FCB0]  }
0x76e: {  	v31 =	vor.u32 v31, v0;
	v50 =	vor.u32 v61, v6;
	[tilespmem:s10+$0x3D0] =	vst v54;
	v49 =	vld.idx.msk [tilespmem:v60+s21+$0x0], $0xffff  }
0x76f: {  	s2 =	smov.u32 s7;
	v51 =	vor.u32 v62, v6;
	v43 =	vadd.f32 v39, v1;
	v60 =	vld [tilespmem:$0x1FCD0];
	[tilespmem:s10+$0x150] =	vst v55;
	v39 =	vor.u32 v56, v0  }
.Ltmp14:
0x770: {  	_ = 	snop;
	(pc) =	sbr.rel .LBB2_19-.Ltmp14, $1  }
0x771: {  	_ =	sdelay $0x3  }
.LBB2_22:
0x772: {  	_ =	sfence.sel $0x180000  }
0x773: {  	[bflag:$0x0] =	sbarrier.arrive $0xFFFF  }
0x774: {  	_ =	strace $0x90000047  }
0x775: {  	s0 =	stileid.u32;
	[bflag:$0x2] =	sbarrier.arrive $0xFFFF  }
0x776: {  	p0 =	sne.s32 s0, $0x0;
	s0 =	rddreg [dreg:$0x2]  }
0x777: {  	s0 =	sadd.s32 @!p0 $0x100000, s0  }
0x778: {  	[sflag:s0] =	ssyncadd.tile.s32 @!p0 $0x1;
	_ =	shalt  }
.Lfunc_end2:
_tile_overlayer_lowered:
.L_overlay_start_2:
0x779: {  	(tag) =	ssettag $0x2  }
0x77a: {  	s0 =	rddreg [dreg:$0x0];
	s2 =	stileid.u32  }
0x77b: {  	s1 =	rddreg [dreg:$0x1];
	p0 =	sne.s32 s2, $0x0  }
0x77c: {  	s3 =	rddreg [dreg:$0x2];
	[bflag:$0x3] =	sbarrier.arrive $0xFFFF;
	s2 =	simm.s32 @!p0 $0x1C0D  }
0x77d: {  	[timem:s3], [sflag:s2] =	dma.local @!p0 [hbm:s0], s1  }
0x77e: {  	s0 =	simm.s32 @!p0 $0xD  }
0x77f: {  	_ =	swait.ge @!p0 [sflag:s0], s1  }
0x780: {  	s1 =	ssub.s32 @!p0 $0x0, s1;
	[sflag:s0] =	ssyncset.done @!p0 $0x0  }
0x781: {  	[sflag:s0] =	ssyncadd.s32 @!p0 s1  }
0x782: {  	[bflag:$0x3] =	sbarrier.arrive $0xFFFF  }
0x783: {  	_ =	shalt  }

</sc_bundles>
